<compile_context>
chip_gen: v7x
topology: tpu7x:2x2x1
jax: 0.10.2.dev20260603
libtpu: 0.0.44.dev20260713+nightly
codegen_flags: <defaults>
</compile_context>

<pallas_src>
import functools
import jax
import jax.numpy as jnp
from jax import lax
from jax.experimental import pallas as pl
from jax.experimental.pallas import tpu as pltpu
from jax.experimental.pallas import tpu_sc as plsc

_IMG_DIM = 608.0
_NG = 76
_HW = _NG * _NG
_A = 3
_TASK = 5 * _HW
_STRIDE = _IMG_DIM / _NG
_AW = (10.0, 16.0, 33.0)
_AH = (13.0, 30.0, 23.0)
_CROWS = 256
_NPAIR = 12
_LAST_R0 = _HW - _CROWS


def _sc_body(x_hbm, out_hbm, in0, in1, cb0, cb1, si0, si1, sc0, sc1):
    n_tasks = 6
    wid = lax.axis_index("s") * 2 + lax.axis_index("c")
    iota = lax.iota(jnp.int32, 16)
    ins = (in0, in1)
    isems = (si0, si1)
    cbufs = (cb0, cb1)
    csems = (sc0, sc1)
    base_task = wid * n_tasks

    def in_copy(t):
        task = base_task + t
        return pltpu.async_copy(
            x_hbm.at[pl.ds(task * _TASK, _TASK)],
            ins[t % 2], isems[t % 2])

    def drain(par):
        pltpu.make_async_copy(
            cbufs[par], out_hbm.at[pl.ds(0, _CROWS), :], csems[par]).wait()

    in_dmas = {0: in_copy(0)}
    for t in range(n_tasks):
        if t + 1 < n_tasks:
            in_dmas[t + 1] = in_copy(t + 1)
        in_dmas[t].wait()
        ib = ins[t % 2]
        task = base_task + t
        a = task % _A
        aw = jnp.where(a == 0, _AW[0],
                       jnp.where(a == 1, _AW[1], _AW[2])).astype(jnp.float32)
        ah = jnp.where(a == 0, _AH[0],
                       jnp.where(a == 1, _AH[1], _AH[2])).astype(jnp.float32)

        def pair_body(j, carry):
            for par in range(2):
                c = 2 * j + par
                r0 = jnp.minimum(c * _CROWS, _LAST_R0)

                def wait_prev():
                    drain(par)

                if t == 0:
                    pl.when(j > 0)(wait_prev)
                else:
                    wait_prev()
                cb = cbufs[par]

                @plsc.parallel_loop(0, _CROWS // 16, unroll=8)
                def _chunk(i):
                    s = r0 + i * 16
                    p = s + iota
                    gx = lax.rem(p, _NG).astype(jnp.float32)
                    gy = lax.div(p, _NG).astype(jnp.float32)
                    tx = ib[pl.ds(s, 16)]
                    ty = ib[pl.ds(_HW + s, 16)]
                    tw = ib[pl.ds(2 * _HW + s, 16)]
                    th = ib[pl.ds(3 * _HW + s, 16)]
                    tc = ib[pl.ds(4 * _HW + s, 16)]
                    one = jnp.float32(1.0)
                    bx = (one / (one + jnp.exp(-tx)) + gx) * _STRIDE
                    by = (one / (one + jnp.exp(-ty)) + gy) * _STRIDE
                    bw = jnp.exp(tw) * aw
                    bh = jnp.exp(th) * ah
                    cf = one / (one + jnp.exp(-tc))
                    row = i * 16 + iota
                    zero = iota - iota
                    for attr, val in ((0, bx), (1, by), (2, bw), (3, bh),
                                      (4, cf)):
                        plsc.store_scatter(cb, [row, zero + attr], val)

                pltpu.make_async_copy(
                    cb, out_hbm.at[pl.ds(task * _HW + r0, _CROWS), :],
                    csems[par]).start()
            return carry

        lax.fori_loop(0, _NPAIR, pair_body, 0)
    drain(0)
    drain(1)


def kernel(x):
    B, C, nG, _ = x.shape
    xf = x.reshape(-1)
    run = functools.partial(
        pl.kernel,
        out_type=jax.ShapeDtypeStruct((B * _A * _HW, 5), jnp.float32),
        mesh=plsc.VectorSubcoreMesh(core_axis_name="c", subcore_axis_name="s"),
        scratch_types=[
            pltpu.VMEM((_TASK,), jnp.float32),
            pltpu.VMEM((_TASK,), jnp.float32),
            pltpu.VMEM((_CROWS, 5), jnp.float32),
            pltpu.VMEM((_CROWS, 5), jnp.float32),
            pltpu.SemaphoreType.DMA,
            pltpu.SemaphoreType.DMA,
            pltpu.SemaphoreType.DMA,
            pltpu.SemaphoreType.DMA,
        ],
        compiler_params=pltpu.CompilerParams(needs_layout_passes=False),
    )(_sc_body)
    out = run(xf)
    return out.reshape(B, _A * _HW, 5)

# --- scband reference (transcript-rebuilt; emitter-appended) ---
"""Pipeline reference for scband-yololayer-54039278518953 (READ-ONLY COPY).

The authoritative reference and input builder live on the scoring server;
editing this copy changes nothing except your own understanding.
"""

import jax, jax.numpy as jnp
import numpy as np

ANCHORS = [[10.0, 13.0], [16.0, 30.0], [33.0, 23.0]]
IMG_DIM = 608.0


def setup_inputs(seed: int = 0) -> dict:
    key = jax.random.key(seed)
    x = jax.random.normal(key, (64, 15, 76, 76), dtype=jnp.float32)
    return {"x": x}


def reference(x):
    anchors = jnp.array(ANCHORS, dtype=jnp.float32)
    num_anchs = anchors.shape[0]
    bbox_attrs = 5
    bsize = x.shape[0]
    nG = x.shape[2]
    stride = IMG_DIM / nG
    # [B, A, 5, nG, nG] -> [B, A, nG, nG, 5]
    prediction = x.reshape(bsize, num_anchs, bbox_attrs, nG, nG).transpose(0, 1, 3, 4, 2)
    sx = jax.nn.sigmoid(prediction[..., 0])
    sy = jax.nn.sigmoid(prediction[..., 1])
    w = prediction[..., 2]
    h = prediction[..., 3]
    pred_conf = jax.nn.sigmoid(prediction[..., 4])
    grid = jnp.arange(nG, dtype=jnp.float32)
    grid_x = jnp.tile(grid.reshape(1, nG), (nG, 1)).reshape(1, 1, nG, nG)
    grid_y = jnp.tile(grid.reshape(1, nG), (nG, 1)).T.reshape(1, 1, nG, nG)
    scaled_anchors = anchors / stride
    anchor_w = scaled_anchors[:, 0].reshape(1, num_anchs, 1, 1)
    anchor_h = scaled_anchors[:, 1].reshape(1, num_anchs, 1, 1)
    # pred_boxes built from .data in torch -> detached (stop_gradient)
    bx = jax.lax.stop_gradient(sx) + grid_x
    by = jax.lax.stop_gradient(sy) + grid_y
    bw = jnp.exp(jax.lax.stop_gradient(w)) * anchor_w
    bh = jnp.exp(jax.lax.stop_gradient(h)) * anchor_h
    pred_boxes = jnp.stack([bx, by, bw, bh], axis=-1)
    output = jnp.concatenate(
        [pred_boxes.reshape(bsize, -1, 4) * stride, pred_conf.reshape(bsize, -1, 1)],
        axis=-1,
    )
    return output

if __name__ == "__main__":
    import jax
    _d = setup_inputs()
    print(jax.jit(kernel)(*tuple(_d.values())))

</pallas_src>

<mosaic_0001>
#map = affine_map<(d0, d1) -> (0)>
#map1 = affine_map<(d0, d1) -> (0, 0)>
module attributes {stable_mosaic.version = 14 : i64} {
  func.func @_sc_body(%arg0: i32, %arg1: i32, %arg2: memref<5544960xf32, #tpu.memory_space<hbm>>, %arg3: memref<1108992x5xf32, #tpu.memory_space<hbm>>, %arg4: memref<28880xf32, #tpu.memory_space<vmem>>, %arg5: memref<28880xf32, #tpu.memory_space<vmem>>, %arg6: memref<256x5xf32, #tpu.memory_space<vmem>>, %arg7: memref<256x5xf32, #tpu.memory_space<vmem>>, %arg8: memref<!tpu.dma_semaphore, #tpu.memory_space<semaphore_mem>>, %arg9: memref<!tpu.dma_semaphore, #tpu.memory_space<semaphore_mem>>, %arg10: memref<!tpu.dma_semaphore, #tpu.memory_space<semaphore_mem>>, %arg11: memref<!tpu.dma_semaphore, #tpu.memory_space<semaphore_mem>>) attributes {dimension_semantics = [#tpu.dimension_semantics<core_parallel>, #tpu.dimension_semantics<subcore_parallel>], iteration_bounds = array<i64: 2, 16>, scalar_prefetch = 0 : i64, scratch_operands = 8 : i64, tpu.core_type = #tpu.core_type<sc_vector_subcore>, window_params = [{transform_indices = #map}, {transform_indices = #map1}]} {
    %mul3A = arith.constant 2 : i32
    %mul3A_0 = arith.muli %arg1, %mul3A : i32
    %add3A = arith.addi %mul3A_0, %arg0 : i32
    %iota3A = tpu.iota {dimensions = array<i32: 0>} : vector<16xi32>
    %mul3A_1 = arith.constant 6 : i32
    %mul3A_2 = arith.muli %add3A, %mul3A_1 : i32
    %add3A_3 = arith.constant 0 : i32
    %add3A_4 = arith.addi %mul3A_2, %add3A_3 : i32
    %mul3A_5 = arith.constant 28880 : i32
    %mul3A_6 = arith.muli %add3A_4, %mul3A_5 : i32
    %dma_start3A = tpu.memref_slice %arg2[%mul3A_6] : memref<5544960xf32, #tpu.memory_space<hbm>> -> memref<28880xf32, #tpu.memory_space<hbm>>
    %dma_start3A_7 = tpu.memref_slice %arg2[%mul3A_6] : memref<5544960xf32, #tpu.memory_space<hbm>> -> memref<28880xf32, #tpu.memory_space<hbm>>
    tpu.enqueue_dma source(%dma_start3A_7 : memref<28880xf32, #tpu.memory_space<hbm>>) target(%arg4 : memref<28880xf32, #tpu.memory_space<vmem>>) target_semaphore(%arg8 : memref<!tpu.dma_semaphore, #tpu.memory_space<semaphore_mem>>)
    %add3A_8 = arith.constant 1 : i32
    %add3A_9 = arith.addi %mul3A_2, %add3A_8 : i32
    %mul3A_10 = arith.constant 28880 : i32
    %mul3A_11 = arith.muli %add3A_9, %mul3A_10 : i32
    %dma_start3A_12 = tpu.memref_slice %arg2[%mul3A_11] : memref<5544960xf32, #tpu.memory_space<hbm>> -> memref<28880xf32, #tpu.memory_space<hbm>>
    %dma_start3A_13 = tpu.memref_slice %arg2[%mul3A_11] : memref<5544960xf32, #tpu.memory_space<hbm>> -> memref<28880xf32, #tpu.memory_space<hbm>>
    tpu.enqueue_dma source(%dma_start3A_13 : memref<28880xf32, #tpu.memory_space<hbm>>) target(%arg5 : memref<28880xf32, #tpu.memory_space<vmem>>) target_semaphore(%arg9 : memref<!tpu.dma_semaphore, #tpu.memory_space<semaphore_mem>>)
    %dma_wait3A = tpu.memref_slice %arg2[%mul3A_6] : memref<5544960xf32, #tpu.memory_space<hbm>> -> memref<28880xf32, #tpu.memory_space<hbm>>
    %dma_wait3A_14 = tpu.memref_slice %arg2[%mul3A_6] : memref<5544960xf32, #tpu.memory_space<hbm>> -> memref<28880xf32, #tpu.memory_space<hbm>>
    tpu.wait_dma2 semaphore(%arg8 : memref<!tpu.dma_semaphore, #tpu.memory_space<semaphore_mem>>) src(%dma_wait3A_14 : memref<28880xf32, #tpu.memory_space<hbm>>) dst(%arg4 : memref<28880xf32, #tpu.memory_space<vmem>>)
    %add3A_15 = arith.constant 0 : i32
    %add3A_16 = arith.addi %mul3A_2, %add3A_15 : i32
    %jit3A = arith.constant 3 : i32
    %eq3A = arith.constant 0 : i32
    %eq3A_17 = arith.cmpi eq, %jit3A, %eq3A : i32
    %jit3A_18 = arith.constant 1 : i32
    %select_n3A = arith.select %eq3A_17, %jit3A_18, %jit3A : i32
    %rem3A = arith.remsi %add3A_16, %select_n3A : i32
    %ne3A = arith.constant 0 : i32
    %ne3A_19 = arith.cmpi ne, %rem3A, %ne3A : i32
    %lt3A = arith.constant 0 : i32
    %lt3A_20 = arith.cmpi slt, %rem3A, %lt3A : i32
    %lt3A_21 = arith.constant 0 : i32
    %lt3A_22 = arith.cmpi slt, %select_n3A, %lt3A_21 : i32
    %ne3A_23 = arith.xori %lt3A_20, %lt3A_22 : i1
    %and3A = arith.andi %ne3A_23, %ne3A_19 : i1
    %add3A_24 = arith.addi %rem3A, %select_n3A : i32
    %select_n3A_25 = arith.select %and3A, %add3A_24, %rem3A : i32
    %eq3A_26 = arith.constant 0 : i32
    %eq3A_27 = arith.cmpi eq, %select_n3A_25, %eq3A_26 : i32
    %eq3A_28 = arith.constant 1 : i32
    %eq3A_29 = arith.cmpi eq, %select_n3A_25, %eq3A_28 : i32
    %jit3A_30 = arith.constant 1.600000e+01 : f32
    %jit3A_31 = arith.constant 3.300000e+01 : f32
    %select_n3A_32 = arith.select %eq3A_29, %jit3A_30, %jit3A_31 : f32
    %jit3A_33 = arith.constant 1.000000e+01 : f32
    %select_n3A_34 = arith.select %eq3A_27, %jit3A_33, %select_n3A_32 : f32
    %eq3A_35 = arith.constant 0 : i32
    %eq3A_36 = arith.cmpi eq, %select_n3A_25, %eq3A_35 : i32
    %eq3A_37 = arith.constant 1 : i32
    %eq3A_38 = arith.cmpi eq, %select_n3A_25, %eq3A_37 : i32
    %jit3A_39 = arith.constant 3.000000e+01 : f32
    %jit3A_40 = arith.constant 2.300000e+01 : f32
    %select_n3A_41 = arith.select %eq3A_38, %jit3A_39, %jit3A_40 : f32
    %jit3A_42 = arith.constant 1.300000e+01 : f32
    %select_n3A_43 = arith.select %eq3A_36, %jit3A_42, %select_n3A_41 : f32
    %scan3A = arith.constant 0 : i32
    %scan3A_44 = arith.constant 0 : i32
    %scan3A_45 = arith.constant 12 : i32
    %scan3A_46 = arith.addi %scan3A_44, %scan3A_45 : i32
    %scan3A_47 = arith.constant 1 : i32
    scf.for %scan3A_305 = %scan3A_44 to %scan3A_46 step %scan3A_47  : i32 {
      %mul3A_306 = arith.constant 2 : i32
      %mul3A_307 = arith.muli %mul3A_306, %scan3A_305 : i32
      %add3A_308 = arith.constant 0 : i32
      %add3A_309 = arith.addi %mul3A_307, %add3A_308 : i32
      %mul3A_310 = arith.constant 256 : i32
      %mul3A_311 = arith.muli %add3A_309, %mul3A_310 : i32
      %min3A = arith.constant 5520 : i32
      %min3A_312 = arith.minsi %mul3A_311, %min3A : i32
      %gt3A = arith.constant 0 : i32
      %gt3A_313 = arith.cmpi sgt, %scan3A_305, %gt3A : i32
      %convert_element_type3A = arith.extui %gt3A_313 : i1 to i32
      %cond3A = arith.constant 0 : i32
      %cond3A_314 = arith.cmpi ne, %convert_element_type3A, %cond3A : i32
      scf.if %cond3A_314 {
        %dma_wait3A_347 = arith.constant 0 : i32
        %dma_wait3A_348 = arith.constant 0 : i32
        %dma_wait3A_349 = tpu.memref_slice %arg3[%dma_wait3A_347, %dma_wait3A_348] : memref<1108992x5xf32, #tpu.memory_space<hbm>> -> memref<256x5xf32, #tpu.memory_space<hbm>>
        %dma_wait3A_350 = arith.constant 0 : i32
        %dma_wait3A_351 = arith.constant 0 : i32
        %dma_wait3A_352 = tpu.memref_slice %arg3[%dma_wait3A_350, %dma_wait3A_351] : memref<1108992x5xf32, #tpu.memory_space<hbm>> -> memref<256x5xf32, #tpu.memory_space<hbm>>
        tpu.wait_dma2 semaphore(%arg10 : memref<!tpu.dma_semaphore, #tpu.memory_space<semaphore_mem>>) src(%arg6 : memref<256x5xf32, #tpu.memory_space<vmem>>) dst(%dma_wait3A_352 : memref<256x5xf32, #tpu.memory_space<hbm>>)
      } else {
      }
      %parallel_loop3A = arith.constant 0 : i32
      %parallel_loop3A_315 = arith.constant 16 : i32
      %parallel_loop3A_316 = arith.constant 1 : i32
      scf.for %parallel_loop3A_347 = %parallel_loop3A to %parallel_loop3A_315 step %parallel_loop3A_316  : i32 {
        %parallel_loop3A_348 = arith.constant 16 : i32
        %parallel_loop3A_349 = arith.muli %parallel_loop3A_347, %parallel_loop3A_348 : i32
        %parallel_loop3A_350 = arith.addi %min3A_312, %parallel_loop3A_349 : i32
        %parallel_loop3A_351 = vector.broadcast %parallel_loop3A_350 : i32 to vector<16xi32>
        %parallel_loop3A_352 = arith.addi %parallel_loop3A_351, %iota3A : vector<16xi32>
        %parallel_loop3A_353 = arith.constant 76 : i32
        %parallel_loop3A_354 = vector.broadcast %parallel_loop3A_353 : i32 to vector<16xi32>
        %parallel_loop3A_355 = arith.remsi %parallel_loop3A_352, %parallel_loop3A_354 : vector<16xi32>
        %parallel_loop3A_356 = arith.sitofp %parallel_loop3A_355 : vector<16xi32> to vector<16xf32>
        %parallel_loop3A_357 = arith.constant 76 : i32
        %parallel_loop3A_358 = vector.broadcast %parallel_loop3A_357 : i32 to vector<16xi32>
        %parallel_loop3A_359 = arith.divsi %parallel_loop3A_352, %parallel_loop3A_358 : vector<16xi32>
        %parallel_loop3A_360 = arith.sitofp %parallel_loop3A_359 : vector<16xi32> to vector<16xf32>
        %parallel_loop3A_361 = arith.index_cast %parallel_loop3A_350 : i32 to index
        %parallel_loop3A_362 = tpu.vector_load %arg4[%parallel_loop3A_361] {strides = array<i32>} : memref<28880xf32, #tpu.memory_space<vmem>>, vector<16xf32>,
        %parallel_loop3A_363 = arith.constant 5776 : i32
        %parallel_loop3A_364 = arith.addi %parallel_loop3A_363, %parallel_loop3A_350 : i32
        %parallel_loop3A_365 = arith.index_cast %parallel_loop3A_364 : i32 to index
        %parallel_loop3A_366 = tpu.vector_load %arg4[%parallel_loop3A_365] {strides = array<i32>} : memref<28880xf32, #tpu.memory_space<vmem>>, vector<16xf32>,
        %parallel_loop3A_367 = arith.constant 11552 : i32
        %parallel_loop3A_368 = arith.addi %parallel_loop3A_367, %parallel_loop3A_350 : i32
        %parallel_loop3A_369 = arith.index_cast %parallel_loop3A_368 : i32 to index
        %parallel_loop3A_370 = tpu.vector_load %arg4[%parallel_loop3A_369] {strides = array<i32>} : memref<28880xf32, #tpu.memory_space<vmem>>, vector<16xf32>,
        %parallel_loop3A_371 = arith.constant 17328 : i32
        %parallel_loop3A_372 = arith.addi %parallel_loop3A_371, %parallel_loop3A_350 : i32
        %parallel_loop3A_373 = arith.index_cast %parallel_loop3A_372 : i32 to index
        %parallel_loop3A_374 = tpu.vector_load %arg4[%parallel_loop3A_373] {strides = array<i32>} : memref<28880xf32, #tpu.memory_space<vmem>>, vector<16xf32>,
        %parallel_loop3A_375 = arith.constant 23104 : i32
        %parallel_loop3A_376 = arith.addi %parallel_loop3A_375, %parallel_loop3A_350 : i32
        %parallel_loop3A_377 = arith.index_cast %parallel_loop3A_376 : i32 to index
        %parallel_loop3A_378 = tpu.vector_load %arg4[%parallel_loop3A_377] {strides = array<i32>} : memref<28880xf32, #tpu.memory_space<vmem>>, vector<16xf32>,
        %parallel_loop3A_379 = arith.constant 0.000000e+00 : f32
        %parallel_loop3A_380 = vector.broadcast %parallel_loop3A_379 : f32 to vector<16xf32>
        %parallel_loop3A_381 = arith.subf %parallel_loop3A_380, %parallel_loop3A_362 : vector<16xf32>
        %parallel_loop3A_382 = math.exp %parallel_loop3A_381 : vector<16xf32>
        %parallel_loop3A_383 = arith.constant 1.000000e+00 : f32
        %parallel_loop3A_384 = vector.broadcast %parallel_loop3A_383 : f32 to vector<16xf32>
        %parallel_loop3A_385 = arith.addf %parallel_loop3A_384, %parallel_loop3A_382 : vector<16xf32>
        %parallel_loop3A_386 = arith.constant 1.000000e+00 : f32
        %parallel_loop3A_387 = vector.broadcast %parallel_loop3A_386 : f32 to vector<16xf32>
        %parallel_loop3A_388 = arith.divf %parallel_loop3A_387, %parallel_loop3A_385 : vector<16xf32>
        %parallel_loop3A_389 = arith.addf %parallel_loop3A_388, %parallel_loop3A_356 : vector<16xf32>
        %parallel_loop3A_390 = arith.constant 8.000000e+00 : f32
        %parallel_loop3A_391 = vector.broadcast %parallel_loop3A_390 : f32 to vector<16xf32>
        %parallel_loop3A_392 = arith.mulf %parallel_loop3A_389, %parallel_loop3A_391 : vector<16xf32>
        %parallel_loop3A_393 = arith.constant 0.000000e+00 : f32
        %parallel_loop3A_394 = vector.broadcast %parallel_loop3A_393 : f32 to vector<16xf32>
        %parallel_loop3A_395 = arith.subf %parallel_loop3A_394, %parallel_loop3A_366 : vector<16xf32>
        %parallel_loop3A_396 = math.exp %parallel_loop3A_395 : vector<16xf32>
        %parallel_loop3A_397 = arith.constant 1.000000e+00 : f32
        %parallel_loop3A_398 = vector.broadcast %parallel_loop3A_397 : f32 to vector<16xf32>
        %parallel_loop3A_399 = arith.addf %parallel_loop3A_398, %parallel_loop3A_396 : vector<16xf32>
        %parallel_loop3A_400 = arith.constant 1.000000e+00 : f32
        %parallel_loop3A_401 = vector.broadcast %parallel_loop3A_400 : f32 to vector<16xf32>
        %parallel_loop3A_402 = arith.divf %parallel_loop3A_401, %parallel_loop3A_399 : vector<16xf32>
        %parallel_loop3A_403 = arith.addf %parallel_loop3A_402, %parallel_loop3A_360 : vector<16xf32>
        %parallel_loop3A_404 = arith.constant 8.000000e+00 : f32
        %parallel_loop3A_405 = vector.broadcast %parallel_loop3A_404 : f32 to vector<16xf32>
        %parallel_loop3A_406 = arith.mulf %parallel_loop3A_403, %parallel_loop3A_405 : vector<16xf32>
        %parallel_loop3A_407 = math.exp %parallel_loop3A_370 : vector<16xf32>
        %parallel_loop3A_408 = vector.broadcast %select_n3A_34 : f32 to vector<16xf32>
        %parallel_loop3A_409 = arith.mulf %parallel_loop3A_407, %parallel_loop3A_408 : vector<16xf32>
        %parallel_loop3A_410 = math.exp %parallel_loop3A_374 : vector<16xf32>
        %parallel_loop3A_411 = vector.broadcast %select_n3A_43 : f32 to vector<16xf32>
        %parallel_loop3A_412 = arith.mulf %parallel_loop3A_410, %parallel_loop3A_411 : vector<16xf32>
        %parallel_loop3A_413 = arith.constant 0.000000e+00 : f32
        %parallel_loop3A_414 = vector.broadcast %parallel_loop3A_413 : f32 to vector<16xf32>
        %parallel_loop3A_415 = arith.subf %parallel_loop3A_414, %parallel_loop3A_378 : vector<16xf32>
        %parallel_loop3A_416 = math.exp %parallel_loop3A_415 : vector<16xf32>
        %parallel_loop3A_417 = arith.constant 1.000000e+00 : f32
        %parallel_loop3A_418 = vector.broadcast %parallel_loop3A_417 : f32 to vector<16xf32>
        %parallel_loop3A_419 = arith.addf %parallel_loop3A_418, %parallel_loop3A_416 : vector<16xf32>
        %parallel_loop3A_420 = arith.constant 1.000000e+00 : f32
        %parallel_loop3A_421 = vector.broadcast %parallel_loop3A_420 : f32 to vector<16xf32>
        %parallel_loop3A_422 = arith.divf %parallel_loop3A_421, %parallel_loop3A_419 : vector<16xf32>
        %parallel_loop3A_423 = arith.constant 16 : i32
        %parallel_loop3A_424 = arith.muli %parallel_loop3A_347, %parallel_loop3A_423 : i32
        %parallel_loop3A_425 = vector.broadcast %parallel_loop3A_424 : i32 to vector<16xi32>
        %parallel_loop3A_426 = arith.addi %parallel_loop3A_425, %iota3A : vector<16xi32>
        %parallel_loop3A_427 = arith.subi %iota3A, %iota3A : vector<16xi32>
        %parallel_loop3A_428 = arith.constant 0 : i32
        %parallel_loop3A_429 = vector.broadcast %parallel_loop3A_428 : i32 to vector<16xi32>
        %parallel_loop3A_430 = arith.addi %parallel_loop3A_427, %parallel_loop3A_429 : vector<16xi32>
        tpu.vector_store_idx %arg6[%parallel_loop3A_426, %parallel_loop3A_430], %parallel_loop3A_392 : memref<256x5xf32, #tpu.memory_space<vmem>>[vector<16xi32>, vector<16xi32>], vector<16xf32>,
        %parallel_loop3A_431 = arith.constant 1 : i32
        %parallel_loop3A_432 = vector.broadcast %parallel_loop3A_431 : i32 to vector<16xi32>
        %parallel_loop3A_433 = arith.addi %parallel_loop3A_427, %parallel_loop3A_432 : vector<16xi32>
        tpu.vector_store_idx %arg6[%parallel_loop3A_426, %parallel_loop3A_433], %parallel_loop3A_406 : memref<256x5xf32, #tpu.memory_space<vmem>>[vector<16xi32>, vector<16xi32>], vector<16xf32>,
        %parallel_loop3A_434 = arith.constant 2 : i32
        %parallel_loop3A_435 = vector.broadcast %parallel_loop3A_434 : i32 to vector<16xi32>
        %parallel_loop3A_436 = arith.addi %parallel_loop3A_427, %parallel_loop3A_435 : vector<16xi32>
        tpu.vector_store_idx %arg6[%parallel_loop3A_426, %parallel_loop3A_436], %parallel_loop3A_409 : memref<256x5xf32, #tpu.memory_space<vmem>>[vector<16xi32>, vector<16xi32>], vector<16xf32>,
        %parallel_loop3A_437 = arith.constant 3 : i32
        %parallel_loop3A_438 = vector.broadcast %parallel_loop3A_437 : i32 to vector<16xi32>
        %parallel_loop3A_439 = arith.addi %parallel_loop3A_427, %parallel_loop3A_438 : vector<16xi32>
        tpu.vector_store_idx %arg6[%parallel_loop3A_426, %parallel_loop3A_439], %parallel_loop3A_412 : memref<256x5xf32, #tpu.memory_space<vmem>>[vector<16xi32>, vector<16xi32>], vector<16xf32>,
        %parallel_loop3A_440 = arith.constant 4 : i32
        %parallel_loop3A_441 = vector.broadcast %parallel_loop3A_440 : i32 to vector<16xi32>
        %parallel_loop3A_442 = arith.addi %parallel_loop3A_427, %parallel_loop3A_441 : vector<16xi32>
        tpu.vector_store_idx %arg6[%parallel_loop3A_426, %parallel_loop3A_442], %parallel_loop3A_422 : memref<256x5xf32, #tpu.memory_space<vmem>>[vector<16xi32>, vector<16xi32>], vector<16xf32>,
      } {sc.loop_unroll_factor = 8 : i64, sc.parallel_access}
      %mul3A_317 = arith.constant 5776 : i32
      %mul3A_318 = arith.muli %add3A_16, %mul3A_317 : i32
      %add3A_319 = arith.addi %mul3A_318, %min3A_312 : i32
      %dma_start3A_320 = arith.constant 0 : i32
      %dma_start3A_321 = tpu.memref_slice %arg3[%add3A_319, %dma_start3A_320] : memref<1108992x5xf32, #tpu.memory_space<hbm>> -> memref<256x5xf32, #tpu.memory_space<hbm>>
      %dma_start3A_322 = arith.constant 0 : i32
      %dma_start3A_323 = tpu.memref_slice %arg3[%add3A_319, %dma_start3A_322] : memref<1108992x5xf32, #tpu.memory_space<hbm>> -> memref<256x5xf32, #tpu.memory_space<hbm>>
      tpu.enqueue_dma source(%arg6 : memref<256x5xf32, #tpu.memory_space<vmem>>) target(%dma_start3A_323 : memref<256x5xf32, #tpu.memory_space<hbm>>) target_semaphore(%arg10 : memref<!tpu.dma_semaphore, #tpu.memory_space<semaphore_mem>>)
      %mul3A_324 = arith.constant 2 : i32
      %mul3A_325 = arith.muli %mul3A_324, %scan3A_305 : i32
      %add3A_326 = arith.constant 1 : i32
      %add3A_327 = arith.addi %mul3A_325, %add3A_326 : i32
      %mul3A_328 = arith.constant 256 : i32
      %mul3A_329 = arith.muli %add3A_327, %mul3A_328 : i32
      %min3A_330 = arith.constant 5520 : i32
      %min3A_331 = arith.minsi %mul3A_329, %min3A_330 : i32
      %gt3A_332 = arith.constant 0 : i32
      %gt3A_333 = arith.cmpi sgt, %scan3A_305, %gt3A_332 : i32
      %convert_element_type3A_334 = arith.extui %gt3A_333 : i1 to i32
      %cond3A_335 = arith.constant 0 : i32
      %cond3A_336 = arith.cmpi ne, %convert_element_type3A_334, %cond3A_335 : i32
      scf.if %cond3A_336 {
        %dma_wait3A_347 = arith.constant 0 : i32
        %dma_wait3A_348 = arith.constant 0 : i32
        %dma_wait3A_349 = tpu.memref_slice %arg3[%dma_wait3A_347, %dma_wait3A_348] : memref<1108992x5xf32, #tpu.memory_space<hbm>> -> memref<256x5xf32, #tpu.memory_space<hbm>>
        %dma_wait3A_350 = arith.constant 0 : i32
        %dma_wait3A_351 = arith.constant 0 : i32
        %dma_wait3A_352 = tpu.memref_slice %arg3[%dma_wait3A_350, %dma_wait3A_351] : memref<1108992x5xf32, #tpu.memory_space<hbm>> -> memref<256x5xf32, #tpu.memory_space<hbm>>
        tpu.wait_dma2 semaphore(%arg11 : memref<!tpu.dma_semaphore, #tpu.memory_space<semaphore_mem>>) src(%arg7 : memref<256x5xf32, #tpu.memory_space<vmem>>) dst(%dma_wait3A_352 : memref<256x5xf32, #tpu.memory_space<hbm>>)
      } else {
      }
      %parallel_loop3A_337 = arith.constant 0 : i32
      %parallel_loop3A_338 = arith.constant 16 : i32
      %parallel_loop3A_339 = arith.constant 1 : i32
      scf.for %parallel_loop3A_347 = %parallel_loop3A_337 to %parallel_loop3A_338 step %parallel_loop3A_339  : i32 {
        %parallel_loop3A_348 = arith.constant 16 : i32
        %parallel_loop3A_349 = arith.muli %parallel_loop3A_347, %parallel_loop3A_348 : i32
        %parallel_loop3A_350 = arith.addi %min3A_331, %parallel_loop3A_349 : i32
        %parallel_loop3A_351 = vector.broadcast %parallel_loop3A_350 : i32 to vector<16xi32>
        %parallel_loop3A_352 = arith.addi %parallel_loop3A_351, %iota3A : vector<16xi32>
        %parallel_loop3A_353 = arith.constant 76 : i32
        %parallel_loop3A_354 = vector.broadcast %parallel_loop3A_353 : i32 to vector<16xi32>
        %parallel_loop3A_355 = arith.remsi %parallel_loop3A_352, %parallel_loop3A_354 : vector<16xi32>
        %parallel_loop3A_356 = arith.sitofp %parallel_loop3A_355 : vector<16xi32> to vector<16xf32>
        %parallel_loop3A_357 = arith.constant 76 : i32
        %parallel_loop3A_358 = vector.broadcast %parallel_loop3A_357 : i32 to vector<16xi32>
        %parallel_loop3A_359 = arith.divsi %parallel_loop3A_352, %parallel_loop3A_358 : vector<16xi32>
        %parallel_loop3A_360 = arith.sitofp %parallel_loop3A_359 : vector<16xi32> to vector<16xf32>
        %parallel_loop3A_361 = arith.index_cast %parallel_loop3A_350 : i32 to index
        %parallel_loop3A_362 = tpu.vector_load %arg4[%parallel_loop3A_361] {strides = array<i32>} : memref<28880xf32, #tpu.memory_space<vmem>>, vector<16xf32>,
        %parallel_loop3A_363 = arith.constant 5776 : i32
        %parallel_loop3A_364 = arith.addi %parallel_loop3A_363, %parallel_loop3A_350 : i32
        %parallel_loop3A_365 = arith.index_cast %parallel_loop3A_364 : i32 to index
        %parallel_loop3A_366 = tpu.vector_load %arg4[%parallel_loop3A_365] {strides = array<i32>} : memref<28880xf32, #tpu.memory_space<vmem>>, vector<16xf32>,
        %parallel_loop3A_367 = arith.constant 11552 : i32
        %parallel_loop3A_368 = arith.addi %parallel_loop3A_367, %parallel_loop3A_350 : i32
        %parallel_loop3A_369 = arith.index_cast %parallel_loop3A_368 : i32 to index
        %parallel_loop3A_370 = tpu.vector_load %arg4[%parallel_loop3A_369] {strides = array<i32>} : memref<28880xf32, #tpu.memory_space<vmem>>, vector<16xf32>,
        %parallel_loop3A_371 = arith.constant 17328 : i32
        %parallel_loop3A_372 = arith.addi %parallel_loop3A_371, %parallel_loop3A_350 : i32
        %parallel_loop3A_373 = arith.index_cast %parallel_loop3A_372 : i32 to index
        %parallel_loop3A_374 = tpu.vector_load %arg4[%parallel_loop3A_373] {strides = array<i32>} : memref<28880xf32, #tpu.memory_space<vmem>>, vector<16xf32>,
        %parallel_loop3A_375 = arith.constant 23104 : i32
        %parallel_loop3A_376 = arith.addi %parallel_loop3A_375, %parallel_loop3A_350 : i32
        %parallel_loop3A_377 = arith.index_cast %parallel_loop3A_376 : i32 to index
        %parallel_loop3A_378 = tpu.vector_load %arg4[%parallel_loop3A_377] {strides = array<i32>} : memref<28880xf32, #tpu.memory_space<vmem>>, vector<16xf32>,
        %parallel_loop3A_379 = arith.constant 0.000000e+00 : f32
        %parallel_loop3A_380 = vector.broadcast %parallel_loop3A_379 : f32 to vector<16xf32>
        %parallel_loop3A_381 = arith.subf %parallel_loop3A_380, %parallel_loop3A_362 : vector<16xf32>
        %parallel_loop3A_382 = math.exp %parallel_loop3A_381 : vector<16xf32>
        %parallel_loop3A_383 = arith.constant 1.000000e+00 : f32
        %parallel_loop3A_384 = vector.broadcast %parallel_loop3A_383 : f32 to vector<16xf32>
        %parallel_loop3A_385 = arith.addf %parallel_loop3A_384, %parallel_loop3A_382 : vector<16xf32>
        %parallel_loop3A_386 = arith.constant 1.000000e+00 : f32
        %parallel_loop3A_387 = vector.broadcast %parallel_loop3A_386 : f32 to vector<16xf32>
        %parallel_loop3A_388 = arith.divf %parallel_loop3A_387, %parallel_loop3A_385 : vector<16xf32>
        %parallel_loop3A_389 = arith.addf %parallel_loop3A_388, %parallel_loop3A_356 : vector<16xf32>
        %parallel_loop3A_390 = arith.constant 8.000000e+00 : f32
        %parallel_loop3A_391 = vector.broadcast %parallel_loop3A_390 : f32 to vector<16xf32>
        %parallel_loop3A_392 = arith.mulf %parallel_loop3A_389, %parallel_loop3A_391 : vector<16xf32>
        %parallel_loop3A_393 = arith.constant 0.000000e+00 : f32
        %parallel_loop3A_394 = vector.broadcast %parallel_loop3A_393 : f32 to vector<16xf32>
        %parallel_loop3A_395 = arith.subf %parallel_loop3A_394, %parallel_loop3A_366 : vector<16xf32>
        %parallel_loop3A_396 = math.exp %parallel_loop3A_395 : vector<16xf32>
        %parallel_loop3A_397 = arith.constant 1.000000e+00 : f32
        %parallel_loop3A_398 = vector.broadcast %parallel_loop3A_397 : f32 to vector<16xf32>
        %parallel_loop3A_399 = arith.addf %parallel_loop3A_398, %parallel_loop3A_396 : vector<16xf32>
        %parallel_loop3A_400 = arith.constant 1.000000e+00 : f32
        %parallel_loop3A_401 = vector.broadcast %parallel_loop3A_400 : f32 to vector<16xf32>
        %parallel_loop3A_402 = arith.divf %parallel_loop3A_401, %parallel_loop3A_399 : vector<16xf32>
        %parallel_loop3A_403 = arith.addf %parallel_loop3A_402, %parallel_loop3A_360 : vector<16xf32>
        %parallel_loop3A_404 = arith.constant 8.000000e+00 : f32
        %parallel_loop3A_405 = vector.broadcast %parallel_loop3A_404 : f32 to vector<16xf32>
        %parallel_loop3A_406 = arith.mulf %parallel_loop3A_403, %parallel_loop3A_405 : vector<16xf32>
        %parallel_loop3A_407 = math.exp %parallel_loop3A_370 : vector<16xf32>
        %parallel_loop3A_408 = vector.broadcast %select_n3A_34 : f32 to vector<16xf32>
        %parallel_loop3A_409 = arith.mulf %parallel_loop3A_407, %parallel_loop3A_408 : vector<16xf32>
        %parallel_loop3A_410 = math.exp %parallel_loop3A_374 : vector<16xf32>
        %parallel_loop3A_411 = vector.broadcast %select_n3A_43 : f32 to vector<16xf32>
        %parallel_loop3A_412 = arith.mulf %parallel_loop3A_410, %parallel_loop3A_411 : vector<16xf32>
        %parallel_loop3A_413 = arith.constant 0.000000e+00 : f32
        %parallel_loop3A_414 = vector.broadcast %parallel_loop3A_413 : f32 to vector<16xf32>
        %parallel_loop3A_415 = arith.subf %parallel_loop3A_414, %parallel_loop3A_378 : vector<16xf32>
        %parallel_loop3A_416 = math.exp %parallel_loop3A_415 : vector<16xf32>
        %parallel_loop3A_417 = arith.constant 1.000000e+00 : f32
        %parallel_loop3A_418 = vector.broadcast %parallel_loop3A_417 : f32 to vector<16xf32>
        %parallel_loop3A_419 = arith.addf %parallel_loop3A_418, %parallel_loop3A_416 : vector<16xf32>
        %parallel_loop3A_420 = arith.constant 1.000000e+00 : f32
        %parallel_loop3A_421 = vector.broadcast %parallel_loop3A_420 : f32 to vector<16xf32>
        %parallel_loop3A_422 = arith.divf %parallel_loop3A_421, %parallel_loop3A_419 : vector<16xf32>
        %parallel_loop3A_423 = arith.constant 16 : i32
        %parallel_loop3A_424 = arith.muli %parallel_loop3A_347, %parallel_loop3A_423 : i32
        %parallel_loop3A_425 = vector.broadcast %parallel_loop3A_424 : i32 to vector<16xi32>
        %parallel_loop3A_426 = arith.addi %parallel_loop3A_425, %iota3A : vector<16xi32>
        %parallel_loop3A_427 = arith.subi %iota3A, %iota3A : vector<16xi32>
        %parallel_loop3A_428 = arith.constant 0 : i32
        %parallel_loop3A_429 = vector.broadcast %parallel_loop3A_428 : i32 to vector<16xi32>
        %parallel_loop3A_430 = arith.addi %parallel_loop3A_427, %parallel_loop3A_429 : vector<16xi32>
        tpu.vector_store_idx %arg7[%parallel_loop3A_426, %parallel_loop3A_430], %parallel_loop3A_392 : memref<256x5xf32, #tpu.memory_space<vmem>>[vector<16xi32>, vector<16xi32>], vector<16xf32>,
        %parallel_loop3A_431 = arith.constant 1 : i32
        %parallel_loop3A_432 = vector.broadcast %parallel_loop3A_431 : i32 to vector<16xi32>
        %parallel_loop3A_433 = arith.addi %parallel_loop3A_427, %parallel_loop3A_432 : vector<16xi32>
        tpu.vector_store_idx %arg7[%parallel_loop3A_426, %parallel_loop3A_433], %parallel_loop3A_406 : memref<256x5xf32, #tpu.memory_space<vmem>>[vector<16xi32>, vector<16xi32>], vector<16xf32>,
        %parallel_loop3A_434 = arith.constant 2 : i32
        %parallel_loop3A_435 = vector.broadcast %parallel_loop3A_434 : i32 to vector<16xi32>
        %parallel_loop3A_436 = arith.addi %parallel_loop3A_427, %parallel_loop3A_435 : vector<16xi32>
        tpu.vector_store_idx %arg7[%parallel_loop3A_426, %parallel_loop3A_436], %parallel_loop3A_409 : memref<256x5xf32, #tpu.memory_space<vmem>>[vector<16xi32>, vector<16xi32>], vector<16xf32>,
        %parallel_loop3A_437 = arith.constant 3 : i32
        %parallel_loop3A_438 = vector.broadcast %parallel_loop3A_437 : i32 to vector<16xi32>
        %parallel_loop3A_439 = arith.addi %parallel_loop3A_427, %parallel_loop3A_438 : vector<16xi32>
        tpu.vector_store_idx %arg7[%parallel_loop3A_426, %parallel_loop3A_439], %parallel_loop3A_412 : memref<256x5xf32, #tpu.memory_space<vmem>>[vector<16xi32>, vector<16xi32>], vector<16xf32>,
        %parallel_loop3A_440 = arith.constant 4 : i32
        %parallel_loop3A_441 = vector.broadcast %parallel_loop3A_440 : i32 to vector<16xi32>
        %parallel_loop3A_442 = arith.addi %parallel_loop3A_427, %parallel_loop3A_441 : vector<16xi32>
        tpu.vector_store_idx %arg7[%parallel_loop3A_426, %parallel_loop3A_442], %parallel_loop3A_422 : memref<256x5xf32, #tpu.memory_space<vmem>>[vector<16xi32>, vector<16xi32>], vector<16xf32>,
      } {sc.loop_unroll_factor = 8 : i64, sc.parallel_access}
      %mul3A_340 = arith.constant 5776 : i32
      %mul3A_341 = arith.muli %add3A_16, %mul3A_340 : i32
      %add3A_342 = arith.addi %mul3A_341, %min3A_331 : i32
      %dma_start3A_343 = arith.constant 0 : i32
      %dma_start3A_344 = tpu.memref_slice %arg3[%add3A_342, %dma_start3A_343] : memref<1108992x5xf32, #tpu.memory_space<hbm>> -> memref<256x5xf32, #tpu.memory_space<hbm>>
      %dma_start3A_345 = arith.constant 0 : i32
      %dma_start3A_346 = tpu.memref_slice %arg3[%add3A_342, %dma_start3A_345] : memref<1108992x5xf32, #tpu.memory_space<hbm>> -> memref<256x5xf32, #tpu.memory_space<hbm>>
      tpu.enqueue_dma source(%arg7 : memref<256x5xf32, #tpu.memory_space<vmem>>) target(%dma_start3A_346 : memref<256x5xf32, #tpu.memory_space<hbm>>) target_semaphore(%arg11 : memref<!tpu.dma_semaphore, #tpu.memory_space<semaphore_mem>>)
    }
    %scan3A_48 = arith.constant 12 : i32
    %add3A_49 = arith.constant 2 : i32
    %add3A_50 = arith.addi %mul3A_2, %add3A_49 : i32
    %mul3A_51 = arith.constant 28880 : i32
    %mul3A_52 = arith.muli %add3A_50, %mul3A_51 : i32
    %dma_start3A_53 = tpu.memref_slice %arg2[%mul3A_52] : memref<5544960xf32, #tpu.memory_space<hbm>> -> memref<28880xf32, #tpu.memory_space<hbm>>
    %dma_start3A_54 = tpu.memref_slice %arg2[%mul3A_52] : memref<5544960xf32, #tpu.memory_space<hbm>> -> memref<28880xf32, #tpu.memory_space<hbm>>
    tpu.enqueue_dma source(%dma_start3A_54 : memref<28880xf32, #tpu.memory_space<hbm>>) target(%arg4 : memref<28880xf32, #tpu.memory_space<vmem>>) target_semaphore(%arg8 : memref<!tpu.dma_semaphore, #tpu.memory_space<semaphore_mem>>)
    %dma_wait3A_55 = tpu.memref_slice %arg2[%mul3A_11] : memref<5544960xf32, #tpu.memory_space<hbm>> -> memref<28880xf32, #tpu.memory_space<hbm>>
    %dma_wait3A_56 = tpu.memref_slice %arg2[%mul3A_11] : memref<5544960xf32, #tpu.memory_space<hbm>> -> memref<28880xf32, #tpu.memory_space<hbm>>
    tpu.wait_dma2 semaphore(%arg9 : memref<!tpu.dma_semaphore, #tpu.memory_space<semaphore_mem>>) src(%dma_wait3A_56 : memref<28880xf32, #tpu.memory_space<hbm>>) dst(%arg5 : memref<28880xf32, #tpu.memory_space<vmem>>)
    %add3A_57 = arith.constant 1 : i32
    %add3A_58 = arith.addi %mul3A_2, %add3A_57 : i32
    %jit3A_59 = arith.constant 3 : i32
    %eq3A_60 = arith.constant 0 : i32
    %eq3A_61 = arith.cmpi eq, %jit3A_59, %eq3A_60 : i32
    %jit3A_62 = arith.constant 1 : i32
    %select_n3A_63 = arith.select %eq3A_61, %jit3A_62, %jit3A_59 : i32
    %rem3A_64 = arith.remsi %add3A_58, %select_n3A_63 : i32
    %ne3A_65 = arith.constant 0 : i32
    %ne3A_66 = arith.cmpi ne, %rem3A_64, %ne3A_65 : i32
    %lt3A_67 = arith.constant 0 : i32
    %lt3A_68 = arith.cmpi slt, %rem3A_64, %lt3A_67 : i32
    %lt3A_69 = arith.constant 0 : i32
    %lt3A_70 = arith.cmpi slt, %select_n3A_63, %lt3A_69 : i32
    %ne3A_71 = arith.xori %lt3A_68, %lt3A_70 : i1
    %and3A_72 = arith.andi %ne3A_71, %ne3A_66 : i1
    %add3A_73 = arith.addi %rem3A_64, %select_n3A_63 : i32
    %select_n3A_74 = arith.select %and3A_72, %add3A_73, %rem3A_64 : i32
    %eq3A_75 = arith.constant 0 : i32
    %eq3A_76 = arith.cmpi eq, %select_n3A_74, %eq3A_75 : i32
    %eq3A_77 = arith.constant 1 : i32
    %eq3A_78 = arith.cmpi eq, %select_n3A_74, %eq3A_77 : i32
    %jit3A_79 = arith.constant 1.600000e+01 : f32
    %jit3A_80 = arith.constant 3.300000e+01 : f32
    %select_n3A_81 = arith.select %eq3A_78, %jit3A_79, %jit3A_80 : f32
    %jit3A_82 = arith.constant 1.000000e+01 : f32
    %select_n3A_83 = arith.select %eq3A_76, %jit3A_82, %select_n3A_81 : f32
    %eq3A_84 = arith.constant 0 : i32
    %eq3A_85 = arith.cmpi eq, %select_n3A_74, %eq3A_84 : i32
    %eq3A_86 = arith.constant 1 : i32
    %eq3A_87 = arith.cmpi eq, %select_n3A_74, %eq3A_86 : i32
    %jit3A_88 = arith.constant 3.000000e+01 : f32
    %jit3A_89 = arith.constant 2.300000e+01 : f32
    %select_n3A_90 = arith.select %eq3A_87, %jit3A_88, %jit3A_89 : f32
    %jit3A_91 = arith.constant 1.300000e+01 : f32
    %select_n3A_92 = arith.select %eq3A_85, %jit3A_91, %select_n3A_90 : f32
    %scan3A_93 = arith.constant 0 : i32
    %scan3A_94 = arith.constant 0 : i32
    %scan3A_95 = arith.constant 12 : i32
    %scan3A_96 = arith.addi %scan3A_94, %scan3A_95 : i32
    %scan3A_97 = arith.constant 1 : i32
    scf.for %scan3A_305 = %scan3A_94 to %scan3A_96 step %scan3A_97  : i32 {
      %mul3A_306 = arith.constant 2 : i32
      %mul3A_307 = arith.muli %mul3A_306, %scan3A_305 : i32
      %add3A_308 = arith.constant 0 : i32
      %add3A_309 = arith.addi %mul3A_307, %add3A_308 : i32
      %mul3A_310 = arith.constant 256 : i32
      %mul3A_311 = arith.muli %add3A_309, %mul3A_310 : i32
      %min3A = arith.constant 5520 : i32
      %min3A_312 = arith.minsi %mul3A_311, %min3A : i32
      %dma_wait3A_313 = arith.constant 0 : i32
      %dma_wait3A_314 = arith.constant 0 : i32
      %dma_wait3A_315 = tpu.memref_slice %arg3[%dma_wait3A_313, %dma_wait3A_314] : memref<1108992x5xf32, #tpu.memory_space<hbm>> -> memref<256x5xf32, #tpu.memory_space<hbm>>
      %dma_wait3A_316 = arith.constant 0 : i32
      %dma_wait3A_317 = arith.constant 0 : i32
      %dma_wait3A_318 = tpu.memref_slice %arg3[%dma_wait3A_316, %dma_wait3A_317] : memref<1108992x5xf32, #tpu.memory_space<hbm>> -> memref<256x5xf32, #tpu.memory_space<hbm>>
      tpu.wait_dma2 semaphore(%arg10 : memref<!tpu.dma_semaphore, #tpu.memory_space<semaphore_mem>>) src(%arg6 : memref<256x5xf32, #tpu.memory_space<vmem>>) dst(%dma_wait3A_318 : memref<256x5xf32, #tpu.memory_space<hbm>>)
      %parallel_loop3A = arith.constant 0 : i32
      %parallel_loop3A_319 = arith.constant 16 : i32
      %parallel_loop3A_320 = arith.constant 1 : i32
      scf.for %parallel_loop3A_352 = %parallel_loop3A to %parallel_loop3A_319 step %parallel_loop3A_320  : i32 {
        %parallel_loop3A_353 = arith.constant 16 : i32
        %parallel_loop3A_354 = arith.muli %parallel_loop3A_352, %parallel_loop3A_353 : i32
        %parallel_loop3A_355 = arith.addi %min3A_312, %parallel_loop3A_354 : i32
        %parallel_loop3A_356 = vector.broadcast %parallel_loop3A_355 : i32 to vector<16xi32>
        %parallel_loop3A_357 = arith.addi %parallel_loop3A_356, %iota3A : vector<16xi32>
        %parallel_loop3A_358 = arith.constant 76 : i32
        %parallel_loop3A_359 = vector.broadcast %parallel_loop3A_358 : i32 to vector<16xi32>
        %parallel_loop3A_360 = arith.remsi %parallel_loop3A_357, %parallel_loop3A_359 : vector<16xi32>
        %parallel_loop3A_361 = arith.sitofp %parallel_loop3A_360 : vector<16xi32> to vector<16xf32>
        %parallel_loop3A_362 = arith.constant 76 : i32
        %parallel_loop3A_363 = vector.broadcast %parallel_loop3A_362 : i32 to vector<16xi32>
        %parallel_loop3A_364 = arith.divsi %parallel_loop3A_357, %parallel_loop3A_363 : vector<16xi32>
        %parallel_loop3A_365 = arith.sitofp %parallel_loop3A_364 : vector<16xi32> to vector<16xf32>
        %parallel_loop3A_366 = arith.index_cast %parallel_loop3A_355 : i32 to index
        %parallel_loop3A_367 = tpu.vector_load %arg5[%parallel_loop3A_366] {strides = array<i32>} : memref<28880xf32, #tpu.memory_space<vmem>>, vector<16xf32>,
        %parallel_loop3A_368 = arith.constant 5776 : i32
        %parallel_loop3A_369 = arith.addi %parallel_loop3A_368, %parallel_loop3A_355 : i32
        %parallel_loop3A_370 = arith.index_cast %parallel_loop3A_369 : i32 to index
        %parallel_loop3A_371 = tpu.vector_load %arg5[%parallel_loop3A_370] {strides = array<i32>} : memref<28880xf32, #tpu.memory_space<vmem>>, vector<16xf32>,
        %parallel_loop3A_372 = arith.constant 11552 : i32
        %parallel_loop3A_373 = arith.addi %parallel_loop3A_372, %parallel_loop3A_355 : i32
        %parallel_loop3A_374 = arith.index_cast %parallel_loop3A_373 : i32 to index
        %parallel_loop3A_375 = tpu.vector_load %arg5[%parallel_loop3A_374] {strides = array<i32>} : memref<28880xf32, #tpu.memory_space<vmem>>, vector<16xf32>,
        %parallel_loop3A_376 = arith.constant 17328 : i32
        %parallel_loop3A_377 = arith.addi %parallel_loop3A_376, %parallel_loop3A_355 : i32
        %parallel_loop3A_378 = arith.index_cast %parallel_loop3A_377 : i32 to index
        %parallel_loop3A_379 = tpu.vector_load %arg5[%parallel_loop3A_378] {strides = array<i32>} : memref<28880xf32, #tpu.memory_space<vmem>>, vector<16xf32>,
        %parallel_loop3A_380 = arith.constant 23104 : i32
        %parallel_loop3A_381 = arith.addi %parallel_loop3A_380, %parallel_loop3A_355 : i32
        %parallel_loop3A_382 = arith.index_cast %parallel_loop3A_381 : i32 to index
        %parallel_loop3A_383 = tpu.vector_load %arg5[%parallel_loop3A_382] {strides = array<i32>} : memref<28880xf32, #tpu.memory_space<vmem>>, vector<16xf32>,
        %parallel_loop3A_384 = arith.constant 0.000000e+00 : f32
        %parallel_loop3A_385 = vector.broadcast %parallel_loop3A_384 : f32 to vector<16xf32>
        %parallel_loop3A_386 = arith.subf %parallel_loop3A_385, %parallel_loop3A_367 : vector<16xf32>
        %parallel_loop3A_387 = math.exp %parallel_loop3A_386 : vector<16xf32>
        %parallel_loop3A_388 = arith.constant 1.000000e+00 : f32
        %parallel_loop3A_389 = vector.broadcast %parallel_loop3A_388 : f32 to vector<16xf32>
        %parallel_loop3A_390 = arith.addf %parallel_loop3A_389, %parallel_loop3A_387 : vector<16xf32>
        %parallel_loop3A_391 = arith.constant 1.000000e+00 : f32
        %parallel_loop3A_392 = vector.broadcast %parallel_loop3A_391 : f32 to vector<16xf32>
        %parallel_loop3A_393 = arith.divf %parallel_loop3A_392, %parallel_loop3A_390 : vector<16xf32>
        %parallel_loop3A_394 = arith.addf %parallel_loop3A_393, %parallel_loop3A_361 : vector<16xf32>
        %parallel_loop3A_395 = arith.constant 8.000000e+00 : f32
        %parallel_loop3A_396 = vector.broadcast %parallel_loop3A_395 : f32 to vector<16xf32>
        %parallel_loop3A_397 = arith.mulf %parallel_loop3A_394, %parallel_loop3A_396 : vector<16xf32>
        %parallel_loop3A_398 = arith.constant 0.000000e+00 : f32
        %parallel_loop3A_399 = vector.broadcast %parallel_loop3A_398 : f32 to vector<16xf32>
        %parallel_loop3A_400 = arith.subf %parallel_loop3A_399, %parallel_loop3A_371 : vector<16xf32>
        %parallel_loop3A_401 = math.exp %parallel_loop3A_400 : vector<16xf32>
        %parallel_loop3A_402 = arith.constant 1.000000e+00 : f32
        %parallel_loop3A_403 = vector.broadcast %parallel_loop3A_402 : f32 to vector<16xf32>
        %parallel_loop3A_404 = arith.addf %parallel_loop3A_403, %parallel_loop3A_401 : vector<16xf32>
        %parallel_loop3A_405 = arith.constant 1.000000e+00 : f32
        %parallel_loop3A_406 = vector.broadcast %parallel_loop3A_405 : f32 to vector<16xf32>
        %parallel_loop3A_407 = arith.divf %parallel_loop3A_406, %parallel_loop3A_404 : vector<16xf32>
        %parallel_loop3A_408 = arith.addf %parallel_loop3A_407, %parallel_loop3A_365 : vector<16xf32>
        %parallel_loop3A_409 = arith.constant 8.000000e+00 : f32
        %parallel_loop3A_410 = vector.broadcast %parallel_loop3A_409 : f32 to vector<16xf32>
        %parallel_loop3A_411 = arith.mulf %parallel_loop3A_408, %parallel_loop3A_410 : vector<16xf32>
        %parallel_loop3A_412 = math.exp %parallel_loop3A_375 : vector<16xf32>
        %parallel_loop3A_413 = vector.broadcast %select_n3A_83 : f32 to vector<16xf32>
        %parallel_loop3A_414 = arith.mulf %parallel_loop3A_412, %parallel_loop3A_413 : vector<16xf32>
        %parallel_loop3A_415 = math.exp %parallel_loop3A_379 : vector<16xf32>
        %parallel_loop3A_416 = vector.broadcast %select_n3A_92 : f32 to vector<16xf32>
        %parallel_loop3A_417 = arith.mulf %parallel_loop3A_415, %parallel_loop3A_416 : vector<16xf32>
        %parallel_loop3A_418 = arith.constant 0.000000e+00 : f32
        %parallel_loop3A_419 = vector.broadcast %parallel_loop3A_418 : f32 to vector<16xf32>
        %parallel_loop3A_420 = arith.subf %parallel_loop3A_419, %parallel_loop3A_383 : vector<16xf32>
        %parallel_loop3A_421 = math.exp %parallel_loop3A_420 : vector<16xf32>
        %parallel_loop3A_422 = arith.constant 1.000000e+00 : f32
        %parallel_loop3A_423 = vector.broadcast %parallel_loop3A_422 : f32 to vector<16xf32>
        %parallel_loop3A_424 = arith.addf %parallel_loop3A_423, %parallel_loop3A_421 : vector<16xf32>
        %parallel_loop3A_425 = arith.constant 1.000000e+00 : f32
        %parallel_loop3A_426 = vector.broadcast %parallel_loop3A_425 : f32 to vector<16xf32>
        %parallel_loop3A_427 = arith.divf %parallel_loop3A_426, %parallel_loop3A_424 : vector<16xf32>
        %parallel_loop3A_428 = arith.constant 16 : i32
        %parallel_loop3A_429 = arith.muli %parallel_loop3A_352, %parallel_loop3A_428 : i32
        %parallel_loop3A_430 = vector.broadcast %parallel_loop3A_429 : i32 to vector<16xi32>
        %parallel_loop3A_431 = arith.addi %parallel_loop3A_430, %iota3A : vector<16xi32>
        %parallel_loop3A_432 = arith.subi %iota3A, %iota3A : vector<16xi32>
        %parallel_loop3A_433 = arith.constant 0 : i32
        %parallel_loop3A_434 = vector.broadcast %parallel_loop3A_433 : i32 to vector<16xi32>
        %parallel_loop3A_435 = arith.addi %parallel_loop3A_432, %parallel_loop3A_434 : vector<16xi32>
        tpu.vector_store_idx %arg6[%parallel_loop3A_431, %parallel_loop3A_435], %parallel_loop3A_397 : memref<256x5xf32, #tpu.memory_space<vmem>>[vector<16xi32>, vector<16xi32>], vector<16xf32>,
        %parallel_loop3A_436 = arith.constant 1 : i32
        %parallel_loop3A_437 = vector.broadcast %parallel_loop3A_436 : i32 to vector<16xi32>
        %parallel_loop3A_438 = arith.addi %parallel_loop3A_432, %parallel_loop3A_437 : vector<16xi32>
        tpu.vector_store_idx %arg6[%parallel_loop3A_431, %parallel_loop3A_438], %parallel_loop3A_411 : memref<256x5xf32, #tpu.memory_space<vmem>>[vector<16xi32>, vector<16xi32>], vector<16xf32>,
        %parallel_loop3A_439 = arith.constant 2 : i32
        %parallel_loop3A_440 = vector.broadcast %parallel_loop3A_439 : i32 to vector<16xi32>
        %parallel_loop3A_441 = arith.addi %parallel_loop3A_432, %parallel_loop3A_440 : vector<16xi32>
        tpu.vector_store_idx %arg6[%parallel_loop3A_431, %parallel_loop3A_441], %parallel_loop3A_414 : memref<256x5xf32, #tpu.memory_space<vmem>>[vector<16xi32>, vector<16xi32>], vector<16xf32>,
        %parallel_loop3A_442 = arith.constant 3 : i32
        %parallel_loop3A_443 = vector.broadcast %parallel_loop3A_442 : i32 to vector<16xi32>
        %parallel_loop3A_444 = arith.addi %parallel_loop3A_432, %parallel_loop3A_443 : vector<16xi32>
        tpu.vector_store_idx %arg6[%parallel_loop3A_431, %parallel_loop3A_444], %parallel_loop3A_417 : memref<256x5xf32, #tpu.memory_space<vmem>>[vector<16xi32>, vector<16xi32>], vector<16xf32>,
        %parallel_loop3A_445 = arith.constant 4 : i32
        %parallel_loop3A_446 = vector.broadcast %parallel_loop3A_445 : i32 to vector<16xi32>
        %parallel_loop3A_447 = arith.addi %parallel_loop3A_432, %parallel_loop3A_446 : vector<16xi32>
        tpu.vector_store_idx %arg6[%parallel_loop3A_431, %parallel_loop3A_447], %parallel_loop3A_427 : memref<256x5xf32, #tpu.memory_space<vmem>>[vector<16xi32>, vector<16xi32>], vector<16xf32>,
      } {sc.loop_unroll_factor = 8 : i64, sc.parallel_access}
      %mul3A_321 = arith.constant 5776 : i32
      %mul3A_322 = arith.muli %add3A_58, %mul3A_321 : i32
      %add3A_323 = arith.addi %mul3A_322, %min3A_312 : i32
      %dma_start3A_324 = arith.constant 0 : i32
      %dma_start3A_325 = tpu.memref_slice %arg3[%add3A_323, %dma_start3A_324] : memref<1108992x5xf32, #tpu.memory_space<hbm>> -> memref<256x5xf32, #tpu.memory_space<hbm>>
      %dma_start3A_326 = arith.constant 0 : i32
      %dma_start3A_327 = tpu.memref_slice %arg3[%add3A_323, %dma_start3A_326] : memref<1108992x5xf32, #tpu.memory_space<hbm>> -> memref<256x5xf32, #tpu.memory_space<hbm>>
      tpu.enqueue_dma source(%arg6 : memref<256x5xf32, #tpu.memory_space<vmem>>) target(%dma_start3A_327 : memref<256x5xf32, #tpu.memory_space<hbm>>) target_semaphore(%arg10 : memref<!tpu.dma_semaphore, #tpu.memory_space<semaphore_mem>>)
      %mul3A_328 = arith.constant 2 : i32
      %mul3A_329 = arith.muli %mul3A_328, %scan3A_305 : i32
      %add3A_330 = arith.constant 1 : i32
      %add3A_331 = arith.addi %mul3A_329, %add3A_330 : i32
      %mul3A_332 = arith.constant 256 : i32
      %mul3A_333 = arith.muli %add3A_331, %mul3A_332 : i32
      %min3A_334 = arith.constant 5520 : i32
      %min3A_335 = arith.minsi %mul3A_333, %min3A_334 : i32
      %dma_wait3A_336 = arith.constant 0 : i32
      %dma_wait3A_337 = arith.constant 0 : i32
      %dma_wait3A_338 = tpu.memref_slice %arg3[%dma_wait3A_336, %dma_wait3A_337] : memref<1108992x5xf32, #tpu.memory_space<hbm>> -> memref<256x5xf32, #tpu.memory_space<hbm>>
      %dma_wait3A_339 = arith.constant 0 : i32
      %dma_wait3A_340 = arith.constant 0 : i32
      %dma_wait3A_341 = tpu.memref_slice %arg3[%dma_wait3A_339, %dma_wait3A_340] : memref<1108992x5xf32, #tpu.memory_space<hbm>> -> memref<256x5xf32, #tpu.memory_space<hbm>>
      tpu.wait_dma2 semaphore(%arg11 : memref<!tpu.dma_semaphore, #tpu.memory_space<semaphore_mem>>) src(%arg7 : memref<256x5xf32, #tpu.memory_space<vmem>>) dst(%dma_wait3A_341 : memref<256x5xf32, #tpu.memory_space<hbm>>)
      %parallel_loop3A_342 = arith.constant 0 : i32
      %parallel_loop3A_343 = arith.constant 16 : i32
      %parallel_loop3A_344 = arith.constant 1 : i32
      scf.for %parallel_loop3A_352 = %parallel_loop3A_342 to %parallel_loop3A_343 step %parallel_loop3A_344  : i32 {
        %parallel_loop3A_353 = arith.constant 16 : i32
        %parallel_loop3A_354 = arith.muli %parallel_loop3A_352, %parallel_loop3A_353 : i32
        %parallel_loop3A_355 = arith.addi %min3A_335, %parallel_loop3A_354 : i32
        %parallel_loop3A_356 = vector.broadcast %parallel_loop3A_355 : i32 to vector<16xi32>
        %parallel_loop3A_357 = arith.addi %parallel_loop3A_356, %iota3A : vector<16xi32>
        %parallel_loop3A_358 = arith.constant 76 : i32
        %parallel_loop3A_359 = vector.broadcast %parallel_loop3A_358 : i32 to vector<16xi32>
        %parallel_loop3A_360 = arith.remsi %parallel_loop3A_357, %parallel_loop3A_359 : vector<16xi32>
        %parallel_loop3A_361 = arith.sitofp %parallel_loop3A_360 : vector<16xi32> to vector<16xf32>
        %parallel_loop3A_362 = arith.constant 76 : i32
        %parallel_loop3A_363 = vector.broadcast %parallel_loop3A_362 : i32 to vector<16xi32>
        %parallel_loop3A_364 = arith.divsi %parallel_loop3A_357, %parallel_loop3A_363 : vector<16xi32>
        %parallel_loop3A_365 = arith.sitofp %parallel_loop3A_364 : vector<16xi32> to vector<16xf32>
        %parallel_loop3A_366 = arith.index_cast %parallel_loop3A_355 : i32 to index
        %parallel_loop3A_367 = tpu.vector_load %arg5[%parallel_loop3A_366] {strides = array<i32>} : memref<28880xf32, #tpu.memory_space<vmem>>, vector<16xf32>,
        %parallel_loop3A_368 = arith.constant 5776 : i32
        %parallel_loop3A_369 = arith.addi %parallel_loop3A_368, %parallel_loop3A_355 : i32
        %parallel_loop3A_370 = arith.index_cast %parallel_loop3A_369 : i32 to index
        %parallel_loop3A_371 = tpu.vector_load %arg5[%parallel_loop3A_370] {strides = array<i32>} : memref<28880xf32, #tpu.memory_space<vmem>>, vector<16xf32>,
        %parallel_loop3A_372 = arith.constant 11552 : i32
        %parallel_loop3A_373 = arith.addi %parallel_loop3A_372, %parallel_loop3A_355 : i32
        %parallel_loop3A_374 = arith.index_cast %parallel_loop3A_373 : i32 to index
        %parallel_loop3A_375 = tpu.vector_load %arg5[%parallel_loop3A_374] {strides = array<i32>} : memref<28880xf32, #tpu.memory_space<vmem>>, vector<16xf32>,
        %parallel_loop3A_376 = arith.constant 17328 : i32
        %parallel_loop3A_377 = arith.addi %parallel_loop3A_376, %parallel_loop3A_355 : i32
        %parallel_loop3A_378 = arith.index_cast %parallel_loop3A_377 : i32 to index
        %parallel_loop3A_379 = tpu.vector_load %arg5[%parallel_loop3A_378] {strides = array<i32>} : memref<28880xf32, #tpu.memory_space<vmem>>, vector<16xf32>,
        %parallel_loop3A_380 = arith.constant 23104 : i32
        %parallel_loop3A_381 = arith.addi %parallel_loop3A_380, %parallel_loop3A_355 : i32
        %parallel_loop3A_382 = arith.index_cast %parallel_loop3A_381 : i32 to index
        %parallel_loop3A_383 = tpu.vector_load %arg5[%parallel_loop3A_382] {strides = array<i32>} : memref<28880xf32, #tpu.memory_space<vmem>>, vector<16xf32>,
        %parallel_loop3A_384 = arith.constant 0.000000e+00 : f32
        %parallel_loop3A_385 = vector.broadcast %parallel_loop3A_384 : f32 to vector<16xf32>
        %parallel_loop3A_386 = arith.subf %parallel_loop3A_385, %parallel_loop3A_367 : vector<16xf32>
        %parallel_loop3A_387 = math.exp %parallel_loop3A_386 : vector<16xf32>
        %parallel_loop3A_388 = arith.constant 1.000000e+00 : f32
        %parallel_loop3A_389 = vector.broadcast %parallel_loop3A_388 : f32 to vector<16xf32>
        %parallel_loop3A_390 = arith.addf %parallel_loop3A_389, %parallel_loop3A_387 : vector<16xf32>
        %parallel_loop3A_391 = arith.constant 1.000000e+00 : f32
        %parallel_loop3A_392 = vector.broadcast %parallel_loop3A_391 : f32 to vector<16xf32>
        %parallel_loop3A_393 = arith.divf %parallel_loop3A_392, %parallel_loop3A_390 : vector<16xf32>
        %parallel_loop3A_394 = arith.addf %parallel_loop3A_393, %parallel_loop3A_361 : vector<16xf32>
        %parallel_loop3A_395 = arith.constant 8.000000e+00 : f32
        %parallel_loop3A_396 = vector.broadcast %parallel_loop3A_395 : f32 to vector<16xf32>
        %parallel_loop3A_397 = arith.mulf %parallel_loop3A_394, %parallel_loop3A_396 : vector<16xf32>
        %parallel_loop3A_398 = arith.constant 0.000000e+00 : f32
        %parallel_loop3A_399 = vector.broadcast %parallel_loop3A_398 : f32 to vector<16xf32>
        %parallel_loop3A_400 = arith.subf %parallel_loop3A_399, %parallel_loop3A_371 : vector<16xf32>
        %parallel_loop3A_401 = math.exp %parallel_loop3A_400 : vector<16xf32>
        %parallel_loop3A_402 = arith.constant 1.000000e+00 : f32
        %parallel_loop3A_403 = vector.broadcast %parallel_loop3A_402 : f32 to vector<16xf32>
        %parallel_loop3A_404 = arith.addf %parallel_loop3A_403, %parallel_loop3A_401 : vector<16xf32>
        %parallel_loop3A_405 = arith.constant 1.000000e+00 : f32
        %parallel_loop3A_406 = vector.broadcast %parallel_loop3A_405 : f32 to vector<16xf32>
        %parallel_loop3A_407 = arith.divf %parallel_loop3A_406, %parallel_loop3A_404 : vector<16xf32>
        %parallel_loop3A_408 = arith.addf %parallel_loop3A_407, %parallel_loop3A_365 : vector<16xf32>
        %parallel_loop3A_409 = arith.constant 8.000000e+00 : f32
        %parallel_loop3A_410 = vector.broadcast %parallel_loop3A_409 : f32 to vector<16xf32>
        %parallel_loop3A_411 = arith.mulf %parallel_loop3A_408, %parallel_loop3A_410 : vector<16xf32>
        %parallel_loop3A_412 = math.exp %parallel_loop3A_375 : vector<16xf32>
        %parallel_loop3A_413 = vector.broadcast %select_n3A_83 : f32 to vector<16xf32>
        %parallel_loop3A_414 = arith.mulf %parallel_loop3A_412, %parallel_loop3A_413 : vector<16xf32>
        %parallel_loop3A_415 = math.exp %parallel_loop3A_379 : vector<16xf32>
        %parallel_loop3A_416 = vector.broadcast %select_n3A_92 : f32 to vector<16xf32>
        %parallel_loop3A_417 = arith.mulf %parallel_loop3A_415, %parallel_loop3A_416 : vector<16xf32>
        %parallel_loop3A_418 = arith.constant 0.000000e+00 : f32
        %parallel_loop3A_419 = vector.broadcast %parallel_loop3A_418 : f32 to vector<16xf32>
        %parallel_loop3A_420 = arith.subf %parallel_loop3A_419, %parallel_loop3A_383 : vector<16xf32>
        %parallel_loop3A_421 = math.exp %parallel_loop3A_420 : vector<16xf32>
        %parallel_loop3A_422 = arith.constant 1.000000e+00 : f32
        %parallel_loop3A_423 = vector.broadcast %parallel_loop3A_422 : f32 to vector<16xf32>
        %parallel_loop3A_424 = arith.addf %parallel_loop3A_423, %parallel_loop3A_421 : vector<16xf32>
        %parallel_loop3A_425 = arith.constant 1.000000e+00 : f32
        %parallel_loop3A_426 = vector.broadcast %parallel_loop3A_425 : f32 to vector<16xf32>
        %parallel_loop3A_427 = arith.divf %parallel_loop3A_426, %parallel_loop3A_424 : vector<16xf32>
        %parallel_loop3A_428 = arith.constant 16 : i32
        %parallel_loop3A_429 = arith.muli %parallel_loop3A_352, %parallel_loop3A_428 : i32
        %parallel_loop3A_430 = vector.broadcast %parallel_loop3A_429 : i32 to vector<16xi32>
        %parallel_loop3A_431 = arith.addi %parallel_loop3A_430, %iota3A : vector<16xi32>
        %parallel_loop3A_432 = arith.subi %iota3A, %iota3A : vector<16xi32>
        %parallel_loop3A_433 = arith.constant 0 : i32
        %parallel_loop3A_434 = vector.broadcast %parallel_loop3A_433 : i32 to vector<16xi32>
        %parallel_loop3A_435 = arith.addi %parallel_loop3A_432, %parallel_loop3A_434 : vector<16xi32>
        tpu.vector_store_idx %arg7[%parallel_loop3A_431, %parallel_loop3A_435], %parallel_loop3A_397 : memref<256x5xf32, #tpu.memory_space<vmem>>[vector<16xi32>, vector<16xi32>], vector<16xf32>,
        %parallel_loop3A_436 = arith.constant 1 : i32
        %parallel_loop3A_437 = vector.broadcast %parallel_loop3A_436 : i32 to vector<16xi32>
        %parallel_loop3A_438 = arith.addi %parallel_loop3A_432, %parallel_loop3A_437 : vector<16xi32>
        tpu.vector_store_idx %arg7[%parallel_loop3A_431, %parallel_loop3A_438], %parallel_loop3A_411 : memref<256x5xf32, #tpu.memory_space<vmem>>[vector<16xi32>, vector<16xi32>], vector<16xf32>,
        %parallel_loop3A_439 = arith.constant 2 : i32
        %parallel_loop3A_440 = vector.broadcast %parallel_loop3A_439 : i32 to vector<16xi32>
        %parallel_loop3A_441 = arith.addi %parallel_loop3A_432, %parallel_loop3A_440 : vector<16xi32>
        tpu.vector_store_idx %arg7[%parallel_loop3A_431, %parallel_loop3A_441], %parallel_loop3A_414 : memref<256x5xf32, #tpu.memory_space<vmem>>[vector<16xi32>, vector<16xi32>], vector<16xf32>,
        %parallel_loop3A_442 = arith.constant 3 : i32
        %parallel_loop3A_443 = vector.broadcast %parallel_loop3A_442 : i32 to vector<16xi32>
        %parallel_loop3A_444 = arith.addi %parallel_loop3A_432, %parallel_loop3A_443 : vector<16xi32>
        tpu.vector_store_idx %arg7[%parallel_loop3A_431, %parallel_loop3A_444], %parallel_loop3A_417 : memref<256x5xf32, #tpu.memory_space<vmem>>[vector<16xi32>, vector<16xi32>], vector<16xf32>,
        %parallel_loop3A_445 = arith.constant 4 : i32
        %parallel_loop3A_446 = vector.broadcast %parallel_loop3A_445 : i32 to vector<16xi32>
        %parallel_loop3A_447 = arith.addi %parallel_loop3A_432, %parallel_loop3A_446 : vector<16xi32>
        tpu.vector_store_idx %arg7[%parallel_loop3A_431, %parallel_loop3A_447], %parallel_loop3A_427 : memref<256x5xf32, #tpu.memory_space<vmem>>[vector<16xi32>, vector<16xi32>], vector<16xf32>,
      } {sc.loop_unroll_factor = 8 : i64, sc.parallel_access}
      %mul3A_345 = arith.constant 5776 : i32
      %mul3A_346 = arith.muli %add3A_58, %mul3A_345 : i32
      %add3A_347 = arith.addi %mul3A_346, %min3A_335 : i32
      %dma_start3A_348 = arith.constant 0 : i32
      %dma_start3A_349 = tpu.memref_slice %arg3[%add3A_347, %dma_start3A_348] : memref<1108992x5xf32, #tpu.memory_space<hbm>> -> memref<256x5xf32, #tpu.memory_space<hbm>>
      %dma_start3A_350 = arith.constant 0 : i32
      %dma_start3A_351 = tpu.memref_slice %arg3[%add3A_347, %dma_start3A_350] : memref<1108992x5xf32, #tpu.memory_space<hbm>> -> memref<256x5xf32, #tpu.memory_space<hbm>>
      tpu.enqueue_dma source(%arg7 : memref<256x5xf32, #tpu.memory_space<vmem>>) target(%dma_start3A_351 : memref<256x5xf32, #tpu.memory_space<hbm>>) target_semaphore(%arg11 : memref<!tpu.dma_semaphore, #tpu.memory_space<semaphore_mem>>)
    }
    %scan3A_98 = arith.constant 12 : i32
    %add3A_99 = arith.constant 3 : i32
    %add3A_100 = arith.addi %mul3A_2, %add3A_99 : i32
    %mul3A_101 = arith.constant 28880 : i32
    %mul3A_102 = arith.muli %add3A_100, %mul3A_101 : i32
    %dma_start3A_103 = tpu.memref_slice %arg2[%mul3A_102] : memref<5544960xf32, #tpu.memory_space<hbm>> -> memref<28880xf32, #tpu.memory_space<hbm>>
    %dma_start3A_104 = tpu.memref_slice %arg2[%mul3A_102] : memref<5544960xf32, #tpu.memory_space<hbm>> -> memref<28880xf32, #tpu.memory_space<hbm>>
    tpu.enqueue_dma source(%dma_start3A_104 : memref<28880xf32, #tpu.memory_space<hbm>>) target(%arg5 : memref<28880xf32, #tpu.memory_space<vmem>>) target_semaphore(%arg9 : memref<!tpu.dma_semaphore, #tpu.memory_space<semaphore_mem>>)
    %dma_wait3A_105 = tpu.memref_slice %arg2[%mul3A_52] : memref<5544960xf32, #tpu.memory_space<hbm>> -> memref<28880xf32, #tpu.memory_space<hbm>>
    %dma_wait3A_106 = tpu.memref_slice %arg2[%mul3A_52] : memref<5544960xf32, #tpu.memory_space<hbm>> -> memref<28880xf32, #tpu.memory_space<hbm>>
    tpu.wait_dma2 semaphore(%arg8 : memref<!tpu.dma_semaphore, #tpu.memory_space<semaphore_mem>>) src(%dma_wait3A_106 : memref<28880xf32, #tpu.memory_space<hbm>>) dst(%arg4 : memref<28880xf32, #tpu.memory_space<vmem>>)
    %add3A_107 = arith.constant 2 : i32
    %add3A_108 = arith.addi %mul3A_2, %add3A_107 : i32
    %jit3A_109 = arith.constant 3 : i32
    %eq3A_110 = arith.constant 0 : i32
    %eq3A_111 = arith.cmpi eq, %jit3A_109, %eq3A_110 : i32
    %jit3A_112 = arith.constant 1 : i32
    %select_n3A_113 = arith.select %eq3A_111, %jit3A_112, %jit3A_109 : i32
    %rem3A_114 = arith.remsi %add3A_108, %select_n3A_113 : i32
    %ne3A_115 = arith.constant 0 : i32
    %ne3A_116 = arith.cmpi ne, %rem3A_114, %ne3A_115 : i32
    %lt3A_117 = arith.constant 0 : i32
    %lt3A_118 = arith.cmpi slt, %rem3A_114, %lt3A_117 : i32
    %lt3A_119 = arith.constant 0 : i32
    %lt3A_120 = arith.cmpi slt, %select_n3A_113, %lt3A_119 : i32
    %ne3A_121 = arith.xori %lt3A_118, %lt3A_120 : i1
    %and3A_122 = arith.andi %ne3A_121, %ne3A_116 : i1
    %add3A_123 = arith.addi %rem3A_114, %select_n3A_113 : i32
    %select_n3A_124 = arith.select %and3A_122, %add3A_123, %rem3A_114 : i32
    %eq3A_125 = arith.constant 0 : i32
    %eq3A_126 = arith.cmpi eq, %select_n3A_124, %eq3A_125 : i32
    %eq3A_127 = arith.constant 1 : i32
    %eq3A_128 = arith.cmpi eq, %select_n3A_124, %eq3A_127 : i32
    %jit3A_129 = arith.constant 1.600000e+01 : f32
    %jit3A_130 = arith.constant 3.300000e+01 : f32
    %select_n3A_131 = arith.select %eq3A_128, %jit3A_129, %jit3A_130 : f32
    %jit3A_132 = arith.constant 1.000000e+01 : f32
    %select_n3A_133 = arith.select %eq3A_126, %jit3A_132, %select_n3A_131 : f32
    %eq3A_134 = arith.constant 0 : i32
    %eq3A_135 = arith.cmpi eq, %select_n3A_124, %eq3A_134 : i32
    %eq3A_136 = arith.constant 1 : i32
    %eq3A_137 = arith.cmpi eq, %select_n3A_124, %eq3A_136 : i32
    %jit3A_138 = arith.constant 3.000000e+01 : f32
    %jit3A_139 = arith.constant 2.300000e+01 : f32
    %select_n3A_140 = arith.select %eq3A_137, %jit3A_138, %jit3A_139 : f32
    %jit3A_141 = arith.constant 1.300000e+01 : f32
    %select_n3A_142 = arith.select %eq3A_135, %jit3A_141, %select_n3A_140 : f32
    %scan3A_143 = arith.constant 0 : i32
    %scan3A_144 = arith.constant 0 : i32
    %scan3A_145 = arith.constant 12 : i32
    %scan3A_146 = arith.addi %scan3A_144, %scan3A_145 : i32
    %scan3A_147 = arith.constant 1 : i32
    scf.for %scan3A_305 = %scan3A_144 to %scan3A_146 step %scan3A_147  : i32 {
      %mul3A_306 = arith.constant 2 : i32
      %mul3A_307 = arith.muli %mul3A_306, %scan3A_305 : i32
      %add3A_308 = arith.constant 0 : i32
      %add3A_309 = arith.addi %mul3A_307, %add3A_308 : i32
      %mul3A_310 = arith.constant 256 : i32
      %mul3A_311 = arith.muli %add3A_309, %mul3A_310 : i32
      %min3A = arith.constant 5520 : i32
      %min3A_312 = arith.minsi %mul3A_311, %min3A : i32
      %dma_wait3A_313 = arith.constant 0 : i32
      %dma_wait3A_314 = arith.constant 0 : i32
      %dma_wait3A_315 = tpu.memref_slice %arg3[%dma_wait3A_313, %dma_wait3A_314] : memref<1108992x5xf32, #tpu.memory_space<hbm>> -> memref<256x5xf32, #tpu.memory_space<hbm>>
      %dma_wait3A_316 = arith.constant 0 : i32
      %dma_wait3A_317 = arith.constant 0 : i32
      %dma_wait3A_318 = tpu.memref_slice %arg3[%dma_wait3A_316, %dma_wait3A_317] : memref<1108992x5xf32, #tpu.memory_space<hbm>> -> memref<256x5xf32, #tpu.memory_space<hbm>>
      tpu.wait_dma2 semaphore(%arg10 : memref<!tpu.dma_semaphore, #tpu.memory_space<semaphore_mem>>) src(%arg6 : memref<256x5xf32, #tpu.memory_space<vmem>>) dst(%dma_wait3A_318 : memref<256x5xf32, #tpu.memory_space<hbm>>)
      %parallel_loop3A = arith.constant 0 : i32
      %parallel_loop3A_319 = arith.constant 16 : i32
      %parallel_loop3A_320 = arith.constant 1 : i32
      scf.for %parallel_loop3A_352 = %parallel_loop3A to %parallel_loop3A_319 step %parallel_loop3A_320  : i32 {
        %parallel_loop3A_353 = arith.constant 16 : i32
        %parallel_loop3A_354 = arith.muli %parallel_loop3A_352, %parallel_loop3A_353 : i32
        %parallel_loop3A_355 = arith.addi %min3A_312, %parallel_loop3A_354 : i32
        %parallel_loop3A_356 = vector.broadcast %parallel_loop3A_355 : i32 to vector<16xi32>
        %parallel_loop3A_357 = arith.addi %parallel_loop3A_356, %iota3A : vector<16xi32>
        %parallel_loop3A_358 = arith.constant 76 : i32
        %parallel_loop3A_359 = vector.broadcast %parallel_loop3A_358 : i32 to vector<16xi32>
        %parallel_loop3A_360 = arith.remsi %parallel_loop3A_357, %parallel_loop3A_359 : vector<16xi32>
        %parallel_loop3A_361 = arith.sitofp %parallel_loop3A_360 : vector<16xi32> to vector<16xf32>
        %parallel_loop3A_362 = arith.constant 76 : i32
        %parallel_loop3A_363 = vector.broadcast %parallel_loop3A_362 : i32 to vector<16xi32>
        %parallel_loop3A_364 = arith.divsi %parallel_loop3A_357, %parallel_loop3A_363 : vector<16xi32>
        %parallel_loop3A_365 = arith.sitofp %parallel_loop3A_364 : vector<16xi32> to vector<16xf32>
        %parallel_loop3A_366 = arith.index_cast %parallel_loop3A_355 : i32 to index
        %parallel_loop3A_367 = tpu.vector_load %arg4[%parallel_loop3A_366] {strides = array<i32>} : memref<28880xf32, #tpu.memory_space<vmem>>, vector<16xf32>,
        %parallel_loop3A_368 = arith.constant 5776 : i32
        %parallel_loop3A_369 = arith.addi %parallel_loop3A_368, %parallel_loop3A_355 : i32
        %parallel_loop3A_370 = arith.index_cast %parallel_loop3A_369 : i32 to index
        %parallel_loop3A_371 = tpu.vector_load %arg4[%parallel_loop3A_370] {strides = array<i32>} : memref<28880xf32, #tpu.memory_space<vmem>>, vector<16xf32>,
        %parallel_loop3A_372 = arith.constant 11552 : i32
        %parallel_loop3A_373 = arith.addi %parallel_loop3A_372, %parallel_loop3A_355 : i32
        %parallel_loop3A_374 = arith.index_cast %parallel_loop3A_373 : i32 to index
        %parallel_loop3A_375 = tpu.vector_load %arg4[%parallel_loop3A_374] {strides = array<i32>} : memref<28880xf32, #tpu.memory_space<vmem>>, vector<16xf32>,
        %parallel_loop3A_376 = arith.constant 17328 : i32
        %parallel_loop3A_377 = arith.addi %parallel_loop3A_376, %parallel_loop3A_355 : i32
        %parallel_loop3A_378 = arith.index_cast %parallel_loop3A_377 : i32 to index
        %parallel_loop3A_379 = tpu.vector_load %arg4[%parallel_loop3A_378] {strides = array<i32>} : memref<28880xf32, #tpu.memory_space<vmem>>, vector<16xf32>,
        %parallel_loop3A_380 = arith.constant 23104 : i32
        %parallel_loop3A_381 = arith.addi %parallel_loop3A_380, %parallel_loop3A_355 : i32
        %parallel_loop3A_382 = arith.index_cast %parallel_loop3A_381 : i32 to index
        %parallel_loop3A_383 = tpu.vector_load %arg4[%parallel_loop3A_382] {strides = array<i32>} : memref<28880xf32, #tpu.memory_space<vmem>>, vector<16xf32>,
        %parallel_loop3A_384 = arith.constant 0.000000e+00 : f32
        %parallel_loop3A_385 = vector.broadcast %parallel_loop3A_384 : f32 to vector<16xf32>
        %parallel_loop3A_386 = arith.subf %parallel_loop3A_385, %parallel_loop3A_367 : vector<16xf32>
        %parallel_loop3A_387 = math.exp %parallel_loop3A_386 : vector<16xf32>
        %parallel_loop3A_388 = arith.constant 1.000000e+00 : f32
        %parallel_loop3A_389 = vector.broadcast %parallel_loop3A_388 : f32 to vector<16xf32>
        %parallel_loop3A_390 = arith.addf %parallel_loop3A_389, %parallel_loop3A_387 : vector<16xf32>
        %parallel_loop3A_391 = arith.constant 1.000000e+00 : f32
        %parallel_loop3A_392 = vector.broadcast %parallel_loop3A_391 : f32 to vector<16xf32>
        %parallel_loop3A_393 = arith.divf %parallel_loop3A_392, %parallel_loop3A_390 : vector<16xf32>
        %parallel_loop3A_394 = arith.addf %parallel_loop3A_393, %parallel_loop3A_361 : vector<16xf32>
        %parallel_loop3A_395 = arith.constant 8.000000e+00 : f32
        %parallel_loop3A_396 = vector.broadcast %parallel_loop3A_395 : f32 to vector<16xf32>
        %parallel_loop3A_397 = arith.mulf %parallel_loop3A_394, %parallel_loop3A_396 : vector<16xf32>
        %parallel_loop3A_398 = arith.constant 0.000000e+00 : f32
        %parallel_loop3A_399 = vector.broadcast %parallel_loop3A_398 : f32 to vector<16xf32>
        %parallel_loop3A_400 = arith.subf %parallel_loop3A_399, %parallel_loop3A_371 : vector<16xf32>
        %parallel_loop3A_401 = math.exp %parallel_loop3A_400 : vector<16xf32>
        %parallel_loop3A_402 = arith.constant 1.000000e+00 : f32
        %parallel_loop3A_403 = vector.broadcast %parallel_loop3A_402 : f32 to vector<16xf32>
        %parallel_loop3A_404 = arith.addf %parallel_loop3A_403, %parallel_loop3A_401 : vector<16xf32>
        %parallel_loop3A_405 = arith.constant 1.000000e+00 : f32
        %parallel_loop3A_406 = vector.broadcast %parallel_loop3A_405 : f32 to vector<16xf32>
        %parallel_loop3A_407 = arith.divf %parallel_loop3A_406, %parallel_loop3A_404 : vector<16xf32>
        %parallel_loop3A_408 = arith.addf %parallel_loop3A_407, %parallel_loop3A_365 : vector<16xf32>
        %parallel_loop3A_409 = arith.constant 8.000000e+00 : f32
        %parallel_loop3A_410 = vector.broadcast %parallel_loop3A_409 : f32 to vector<16xf32>
        %parallel_loop3A_411 = arith.mulf %parallel_loop3A_408, %parallel_loop3A_410 : vector<16xf32>
        %parallel_loop3A_412 = math.exp %parallel_loop3A_375 : vector<16xf32>
        %parallel_loop3A_413 = vector.broadcast %select_n3A_133 : f32 to vector<16xf32>
        %parallel_loop3A_414 = arith.mulf %parallel_loop3A_412, %parallel_loop3A_413 : vector<16xf32>
        %parallel_loop3A_415 = math.exp %parallel_loop3A_379 : vector<16xf32>
        %parallel_loop3A_416 = vector.broadcast %select_n3A_142 : f32 to vector<16xf32>
        %parallel_loop3A_417 = arith.mulf %parallel_loop3A_415, %parallel_loop3A_416 : vector<16xf32>
        %parallel_loop3A_418 = arith.constant 0.000000e+00 : f32
        %parallel_loop3A_419 = vector.broadcast %parallel_loop3A_418 : f32 to vector<16xf32>
        %parallel_loop3A_420 = arith.subf %parallel_loop3A_419, %parallel_loop3A_383 : vector<16xf32>
        %parallel_loop3A_421 = math.exp %parallel_loop3A_420 : vector<16xf32>
        %parallel_loop3A_422 = arith.constant 1.000000e+00 : f32
        %parallel_loop3A_423 = vector.broadcast %parallel_loop3A_422 : f32 to vector<16xf32>
        %parallel_loop3A_424 = arith.addf %parallel_loop3A_423, %parallel_loop3A_421 : vector<16xf32>
        %parallel_loop3A_425 = arith.constant 1.000000e+00 : f32
        %parallel_loop3A_426 = vector.broadcast %parallel_loop3A_425 : f32 to vector<16xf32>
        %parallel_loop3A_427 = arith.divf %parallel_loop3A_426, %parallel_loop3A_424 : vector<16xf32>
        %parallel_loop3A_428 = arith.constant 16 : i32
        %parallel_loop3A_429 = arith.muli %parallel_loop3A_352, %parallel_loop3A_428 : i32
        %parallel_loop3A_430 = vector.broadcast %parallel_loop3A_429 : i32 to vector<16xi32>
        %parallel_loop3A_431 = arith.addi %parallel_loop3A_430, %iota3A : vector<16xi32>
        %parallel_loop3A_432 = arith.subi %iota3A, %iota3A : vector<16xi32>
        %parallel_loop3A_433 = arith.constant 0 : i32
        %parallel_loop3A_434 = vector.broadcast %parallel_loop3A_433 : i32 to vector<16xi32>
        %parallel_loop3A_435 = arith.addi %parallel_loop3A_432, %parallel_loop3A_434 : vector<16xi32>
        tpu.vector_store_idx %arg6[%parallel_loop3A_431, %parallel_loop3A_435], %parallel_loop3A_397 : memref<256x5xf32, #tpu.memory_space<vmem>>[vector<16xi32>, vector<16xi32>], vector<16xf32>,
        %parallel_loop3A_436 = arith.constant 1 : i32
        %parallel_loop3A_437 = vector.broadcast %parallel_loop3A_436 : i32 to vector<16xi32>
        %parallel_loop3A_438 = arith.addi %parallel_loop3A_432, %parallel_loop3A_437 : vector<16xi32>
        tpu.vector_store_idx %arg6[%parallel_loop3A_431, %parallel_loop3A_438], %parallel_loop3A_411 : memref<256x5xf32, #tpu.memory_space<vmem>>[vector<16xi32>, vector<16xi32>], vector<16xf32>,
        %parallel_loop3A_439 = arith.constant 2 : i32
        %parallel_loop3A_440 = vector.broadcast %parallel_loop3A_439 : i32 to vector<16xi32>
        %parallel_loop3A_441 = arith.addi %parallel_loop3A_432, %parallel_loop3A_440 : vector<16xi32>
        tpu.vector_store_idx %arg6[%parallel_loop3A_431, %parallel_loop3A_441], %parallel_loop3A_414 : memref<256x5xf32, #tpu.memory_space<vmem>>[vector<16xi32>, vector<16xi32>], vector<16xf32>,
        %parallel_loop3A_442 = arith.constant 3 : i32
        %parallel_loop3A_443 = vector.broadcast %parallel_loop3A_442 : i32 to vector<16xi32>
        %parallel_loop3A_444 = arith.addi %parallel_loop3A_432, %parallel_loop3A_443 : vector<16xi32>
        tpu.vector_store_idx %arg6[%parallel_loop3A_431, %parallel_loop3A_444], %parallel_loop3A_417 : memref<256x5xf32, #tpu.memory_space<vmem>>[vector<16xi32>, vector<16xi32>], vector<16xf32>,
        %parallel_loop3A_445 = arith.constant 4 : i32
        %parallel_loop3A_446 = vector.broadcast %parallel_loop3A_445 : i32 to vector<16xi32>
        %parallel_loop3A_447 = arith.addi %parallel_loop3A_432, %parallel_loop3A_446 : vector<16xi32>
        tpu.vector_store_idx %arg6[%parallel_loop3A_431, %parallel_loop3A_447], %parallel_loop3A_427 : memref<256x5xf32, #tpu.memory_space<vmem>>[vector<16xi32>, vector<16xi32>], vector<16xf32>,
      } {sc.loop_unroll_factor = 8 : i64, sc.parallel_access}
      %mul3A_321 = arith.constant 5776 : i32
      %mul3A_322 = arith.muli %add3A_108, %mul3A_321 : i32
      %add3A_323 = arith.addi %mul3A_322, %min3A_312 : i32
      %dma_start3A_324 = arith.constant 0 : i32
      %dma_start3A_325 = tpu.memref_slice %arg3[%add3A_323, %dma_start3A_324] : memref<1108992x5xf32, #tpu.memory_space<hbm>> -> memref<256x5xf32, #tpu.memory_space<hbm>>
      %dma_start3A_326 = arith.constant 0 : i32
      %dma_start3A_327 = tpu.memref_slice %arg3[%add3A_323, %dma_start3A_326] : memref<1108992x5xf32, #tpu.memory_space<hbm>> -> memref<256x5xf32, #tpu.memory_space<hbm>>
      tpu.enqueue_dma source(%arg6 : memref<256x5xf32, #tpu.memory_space<vmem>>) target(%dma_start3A_327 : memref<256x5xf32, #tpu.memory_space<hbm>>) target_semaphore(%arg10 : memref<!tpu.dma_semaphore, #tpu.memory_space<semaphore_mem>>)
      %mul3A_328 = arith.constant 2 : i32
      %mul3A_329 = arith.muli %mul3A_328, %scan3A_305 : i32
      %add3A_330 = arith.constant 1 : i32
      %add3A_331 = arith.addi %mul3A_329, %add3A_330 : i32
      %mul3A_332 = arith.constant 256 : i32
      %mul3A_333 = arith.muli %add3A_331, %mul3A_332 : i32
      %min3A_334 = arith.constant 5520 : i32
      %min3A_335 = arith.minsi %mul3A_333, %min3A_334 : i32
      %dma_wait3A_336 = arith.constant 0 : i32
      %dma_wait3A_337 = arith.constant 0 : i32
      %dma_wait3A_338 = tpu.memref_slice %arg3[%dma_wait3A_336, %dma_wait3A_337] : memref<1108992x5xf32, #tpu.memory_space<hbm>> -> memref<256x5xf32, #tpu.memory_space<hbm>>
      %dma_wait3A_339 = arith.constant 0 : i32
      %dma_wait3A_340 = arith.constant 0 : i32
      %dma_wait3A_341 = tpu.memref_slice %arg3[%dma_wait3A_339, %dma_wait3A_340] : memref<1108992x5xf32, #tpu.memory_space<hbm>> -> memref<256x5xf32, #tpu.memory_space<hbm>>
      tpu.wait_dma2 semaphore(%arg11 : memref<!tpu.dma_semaphore, #tpu.memory_space<semaphore_mem>>) src(%arg7 : memref<256x5xf32, #tpu.memory_space<vmem>>) dst(%dma_wait3A_341 : memref<256x5xf32, #tpu.memory_space<hbm>>)
      %parallel_loop3A_342 = arith.constant 0 : i32
      %parallel_loop3A_343 = arith.constant 16 : i32
      %parallel_loop3A_344 = arith.constant 1 : i32
      scf.for %parallel_loop3A_352 = %parallel_loop3A_342 to %parallel_loop3A_343 step %parallel_loop3A_344  : i32 {
        %parallel_loop3A_353 = arith.constant 16 : i32
        %parallel_loop3A_354 = arith.muli %parallel_loop3A_352, %parallel_loop3A_353 : i32
        %parallel_loop3A_355 = arith.addi %min3A_335, %parallel_loop3A_354 : i32
        %parallel_loop3A_356 = vector.broadcast %parallel_loop3A_355 : i32 to vector<16xi32>
        %parallel_loop3A_357 = arith.addi %parallel_loop3A_356, %iota3A : vector<16xi32>
        %parallel_loop3A_358 = arith.constant 76 : i32
        %parallel_loop3A_359 = vector.broadcast %parallel_loop3A_358 : i32 to vector<16xi32>
        %parallel_loop3A_360 = arith.remsi %parallel_loop3A_357, %parallel_loop3A_359 : vector<16xi32>
        %parallel_loop3A_361 = arith.sitofp %parallel_loop3A_360 : vector<16xi32> to vector<16xf32>
        %parallel_loop3A_362 = arith.constant 76 : i32
        %parallel_loop3A_363 = vector.broadcast %parallel_loop3A_362 : i32 to vector<16xi32>
        %parallel_loop3A_364 = arith.divsi %parallel_loop3A_357, %parallel_loop3A_363 : vector<16xi32>
        %parallel_loop3A_365 = arith.sitofp %parallel_loop3A_364 : vector<16xi32> to vector<16xf32>
        %parallel_loop3A_366 = arith.index_cast %parallel_loop3A_355 : i32 to index
        %parallel_loop3A_367 = tpu.vector_load %arg4[%parallel_loop3A_366] {strides = array<i32>} : memref<28880xf32, #tpu.memory_space<vmem>>, vector<16xf32>,
        %parallel_loop3A_368 = arith.constant 5776 : i32
        %parallel_loop3A_369 = arith.addi %parallel_loop3A_368, %parallel_loop3A_355 : i32
        %parallel_loop3A_370 = arith.index_cast %parallel_loop3A_369 : i32 to index
        %parallel_loop3A_371 = tpu.vector_load %arg4[%parallel_loop3A_370] {strides = array<i32>} : memref<28880xf32, #tpu.memory_space<vmem>>, vector<16xf32>,
        %parallel_loop3A_372 = arith.constant 11552 : i32
        %parallel_loop3A_373 = arith.addi %parallel_loop3A_372, %parallel_loop3A_355 : i32
        %parallel_loop3A_374 = arith.index_cast %parallel_loop3A_373 : i32 to index
        %parallel_loop3A_375 = tpu.vector_load %arg4[%parallel_loop3A_374] {strides = array<i32>} : memref<28880xf32, #tpu.memory_space<vmem>>, vector<16xf32>,
        %parallel_loop3A_376 = arith.constant 17328 : i32
        %parallel_loop3A_377 = arith.addi %parallel_loop3A_376, %parallel_loop3A_355 : i32
        %parallel_loop3A_378 = arith.index_cast %parallel_loop3A_377 : i32 to index
        %parallel_loop3A_379 = tpu.vector_load %arg4[%parallel_loop3A_378] {strides = array<i32>} : memref<28880xf32, #tpu.memory_space<vmem>>, vector<16xf32>,
        %parallel_loop3A_380 = arith.constant 23104 : i32
        %parallel_loop3A_381 = arith.addi %parallel_loop3A_380, %parallel_loop3A_355 : i32
        %parallel_loop3A_382 = arith.index_cast %parallel_loop3A_381 : i32 to index
        %parallel_loop3A_383 = tpu.vector_load %arg4[%parallel_loop3A_382] {strides = array<i32>} : memref<28880xf32, #tpu.memory_space<vmem>>, vector<16xf32>,
        %parallel_loop3A_384 = arith.constant 0.000000e+00 : f32
        %parallel_loop3A_385 = vector.broadcast %parallel_loop3A_384 : f32 to vector<16xf32>
        %parallel_loop3A_386 = arith.subf %parallel_loop3A_385, %parallel_loop3A_367 : vector<16xf32>
        %parallel_loop3A_387 = math.exp %parallel_loop3A_386 : vector<16xf32>
        %parallel_loop3A_388 = arith.constant 1.000000e+00 : f32
        %parallel_loop3A_389 = vector.broadcast %parallel_loop3A_388 : f32 to vector<16xf32>
        %parallel_loop3A_390 = arith.addf %parallel_loop3A_389, %parallel_loop3A_387 : vector<16xf32>
        %parallel_loop3A_391 = arith.constant 1.000000e+00 : f32
        %parallel_loop3A_392 = vector.broadcast %parallel_loop3A_391 : f32 to vector<16xf32>
        %parallel_loop3A_393 = arith.divf %parallel_loop3A_392, %parallel_loop3A_390 : vector<16xf32>
        %parallel_loop3A_394 = arith.addf %parallel_loop3A_393, %parallel_loop3A_361 : vector<16xf32>
        %parallel_loop3A_395 = arith.constant 8.000000e+00 : f32
        %parallel_loop3A_396 = vector.broadcast %parallel_loop3A_395 : f32 to vector<16xf32>
        %parallel_loop3A_397 = arith.mulf %parallel_loop3A_394, %parallel_loop3A_396 : vector<16xf32>
        %parallel_loop3A_398 = arith.constant 0.000000e+00 : f32
        %parallel_loop3A_399 = vector.broadcast %parallel_loop3A_398 : f32 to vector<16xf32>
        %parallel_loop3A_400 = arith.subf %parallel_loop3A_399, %parallel_loop3A_371 : vector<16xf32>
        %parallel_loop3A_401 = math.exp %parallel_loop3A_400 : vector<16xf32>
        %parallel_loop3A_402 = arith.constant 1.000000e+00 : f32
        %parallel_loop3A_403 = vector.broadcast %parallel_loop3A_402 : f32 to vector<16xf32>
        %parallel_loop3A_404 = arith.addf %parallel_loop3A_403, %parallel_loop3A_401 : vector<16xf32>
        %parallel_loop3A_405 = arith.constant 1.000000e+00 : f32
        %parallel_loop3A_406 = vector.broadcast %parallel_loop3A_405 : f32 to vector<16xf32>
        %parallel_loop3A_407 = arith.divf %parallel_loop3A_406, %parallel_loop3A_404 : vector<16xf32>
        %parallel_loop3A_408 = arith.addf %parallel_loop3A_407, %parallel_loop3A_365 : vector<16xf32>
        %parallel_loop3A_409 = arith.constant 8.000000e+00 : f32
        %parallel_loop3A_410 = vector.broadcast %parallel_loop3A_409 : f32 to vector<16xf32>
        %parallel_loop3A_411 = arith.mulf %parallel_loop3A_408, %parallel_loop3A_410 : vector<16xf32>
        %parallel_loop3A_412 = math.exp %parallel_loop3A_375 : vector<16xf32>
        %parallel_loop3A_413 = vector.broadcast %select_n3A_133 : f32 to vector<16xf32>
        %parallel_loop3A_414 = arith.mulf %parallel_loop3A_412, %parallel_loop3A_413 : vector<16xf32>
        %parallel_loop3A_415 = math.exp %parallel_loop3A_379 : vector<16xf32>
        %parallel_loop3A_416 = vector.broadcast %select_n3A_142 : f32 to vector<16xf32>
        %parallel_loop3A_417 = arith.mulf %parallel_loop3A_415, %parallel_loop3A_416 : vector<16xf32>
        %parallel_loop3A_418 = arith.constant 0.000000e+00 : f32
        %parallel_loop3A_419 = vector.broadcast %parallel_loop3A_418 : f32 to vector<16xf32>
        %parallel_loop3A_420 = arith.subf %parallel_loop3A_419, %parallel_loop3A_383 : vector<16xf32>
        %parallel_loop3A_421 = math.exp %parallel_loop3A_420 : vector<16xf32>
        %parallel_loop3A_422 = arith.constant 1.000000e+00 : f32
        %parallel_loop3A_423 = vector.broadcast %parallel_loop3A_422 : f32 to vector<16xf32>
        %parallel_loop3A_424 = arith.addf %parallel_loop3A_423, %parallel_loop3A_421 : vector<16xf32>
        %parallel_loop3A_425 = arith.constant 1.000000e+00 : f32
        %parallel_loop3A_426 = vector.broadcast %parallel_loop3A_425 : f32 to vector<16xf32>
        %parallel_loop3A_427 = arith.divf %parallel_loop3A_426, %parallel_loop3A_424 : vector<16xf32>
        %parallel_loop3A_428 = arith.constant 16 : i32
        %parallel_loop3A_429 = arith.muli %parallel_loop3A_352, %parallel_loop3A_428 : i32
        %parallel_loop3A_430 = vector.broadcast %parallel_loop3A_429 : i32 to vector<16xi32>
        %parallel_loop3A_431 = arith.addi %parallel_loop3A_430, %iota3A : vector<16xi32>
        %parallel_loop3A_432 = arith.subi %iota3A, %iota3A : vector<16xi32>
        %parallel_loop3A_433 = arith.constant 0 : i32
        %parallel_loop3A_434 = vector.broadcast %parallel_loop3A_433 : i32 to vector<16xi32>
        %parallel_loop3A_435 = arith.addi %parallel_loop3A_432, %parallel_loop3A_434 : vector<16xi32>
        tpu.vector_store_idx %arg7[%parallel_loop3A_431, %parallel_loop3A_435], %parallel_loop3A_397 : memref<256x5xf32, #tpu.memory_space<vmem>>[vector<16xi32>, vector<16xi32>], vector<16xf32>,
        %parallel_loop3A_436 = arith.constant 1 : i32
        %parallel_loop3A_437 = vector.broadcast %parallel_loop3A_436 : i32 to vector<16xi32>
        %parallel_loop3A_438 = arith.addi %parallel_loop3A_432, %parallel_loop3A_437 : vector<16xi32>
        tpu.vector_store_idx %arg7[%parallel_loop3A_431, %parallel_loop3A_438], %parallel_loop3A_411 : memref<256x5xf32, #tpu.memory_space<vmem>>[vector<16xi32>, vector<16xi32>], vector<16xf32>,
        %parallel_loop3A_439 = arith.constant 2 : i32
        %parallel_loop3A_440 = vector.broadcast %parallel_loop3A_439 : i32 to vector<16xi32>
        %parallel_loop3A_441 = arith.addi %parallel_loop3A_432, %parallel_loop3A_440 : vector<16xi32>
        tpu.vector_store_idx %arg7[%parallel_loop3A_431, %parallel_loop3A_441], %parallel_loop3A_414 : memref<256x5xf32, #tpu.memory_space<vmem>>[vector<16xi32>, vector<16xi32>], vector<16xf32>,
        %parallel_loop3A_442 = arith.constant 3 : i32
        %parallel_loop3A_443 = vector.broadcast %parallel_loop3A_442 : i32 to vector<16xi32>
        %parallel_loop3A_444 = arith.addi %parallel_loop3A_432, %parallel_loop3A_443 : vector<16xi32>
        tpu.vector_store_idx %arg7[%parallel_loop3A_431, %parallel_loop3A_444], %parallel_loop3A_417 : memref<256x5xf32, #tpu.memory_space<vmem>>[vector<16xi32>, vector<16xi32>], vector<16xf32>,
        %parallel_loop3A_445 = arith.constant 4 : i32
        %parallel_loop3A_446 = vector.broadcast %parallel_loop3A_445 : i32 to vector<16xi32>
        %parallel_loop3A_447 = arith.addi %parallel_loop3A_432, %parallel_loop3A_446 : vector<16xi32>
        tpu.vector_store_idx %arg7[%parallel_loop3A_431, %parallel_loop3A_447], %parallel_loop3A_427 : memref<256x5xf32, #tpu.memory_space<vmem>>[vector<16xi32>, vector<16xi32>], vector<16xf32>,
      } {sc.loop_unroll_factor = 8 : i64, sc.parallel_access}
      %mul3A_345 = arith.constant 5776 : i32
      %mul3A_346 = arith.muli %add3A_108, %mul3A_345 : i32
      %add3A_347 = arith.addi %mul3A_346, %min3A_335 : i32
      %dma_start3A_348 = arith.constant 0 : i32
      %dma_start3A_349 = tpu.memref_slice %arg3[%add3A_347, %dma_start3A_348] : memref<1108992x5xf32, #tpu.memory_space<hbm>> -> memref<256x5xf32, #tpu.memory_space<hbm>>
      %dma_start3A_350 = arith.constant 0 : i32
      %dma_start3A_351 = tpu.memref_slice %arg3[%add3A_347, %dma_start3A_350] : memref<1108992x5xf32, #tpu.memory_space<hbm>> -> memref<256x5xf32, #tpu.memory_space<hbm>>
      tpu.enqueue_dma source(%arg7 : memref<256x5xf32, #tpu.memory_space<vmem>>) target(%dma_start3A_351 : memref<256x5xf32, #tpu.memory_space<hbm>>) target_semaphore(%arg11 : memref<!tpu.dma_semaphore, #tpu.memory_space<semaphore_mem>>)
    }
    %scan3A_148 = arith.constant 12 : i32
    %add3A_149 = arith.constant 4 : i32
    %add3A_150 = arith.addi %mul3A_2, %add3A_149 : i32
    %mul3A_151 = arith.constant 28880 : i32
    %mul3A_152 = arith.muli %add3A_150, %mul3A_151 : i32
    %dma_start3A_153 = tpu.memref_slice %arg2[%mul3A_152] : memref<5544960xf32, #tpu.memory_space<hbm>> -> memref<28880xf32, #tpu.memory_space<hbm>>
    %dma_start3A_154 = tpu.memref_slice %arg2[%mul3A_152] : memref<5544960xf32, #tpu.memory_space<hbm>> -> memref<28880xf32, #tpu.memory_space<hbm>>
    tpu.enqueue_dma source(%dma_start3A_154 : memref<28880xf32, #tpu.memory_space<hbm>>) target(%arg4 : memref<28880xf32, #tpu.memory_space<vmem>>) target_semaphore(%arg8 : memref<!tpu.dma_semaphore, #tpu.memory_space<semaphore_mem>>)
    %dma_wait3A_155 = tpu.memref_slice %arg2[%mul3A_102] : memref<5544960xf32, #tpu.memory_space<hbm>> -> memref<28880xf32, #tpu.memory_space<hbm>>
    %dma_wait3A_156 = tpu.memref_slice %arg2[%mul3A_102] : memref<5544960xf32, #tpu.memory_space<hbm>> -> memref<28880xf32, #tpu.memory_space<hbm>>
    tpu.wait_dma2 semaphore(%arg9 : memref<!tpu.dma_semaphore, #tpu.memory_space<semaphore_mem>>) src(%dma_wait3A_156 : memref<28880xf32, #tpu.memory_space<hbm>>) dst(%arg5 : memref<28880xf32, #tpu.memory_space<vmem>>)
    %add3A_157 = arith.constant 3 : i32
    %add3A_158 = arith.addi %mul3A_2, %add3A_157 : i32
    %jit3A_159 = arith.constant 3 : i32
    %eq3A_160 = arith.constant 0 : i32
    %eq3A_161 = arith.cmpi eq, %jit3A_159, %eq3A_160 : i32
    %jit3A_162 = arith.constant 1 : i32
    %select_n3A_163 = arith.select %eq3A_161, %jit3A_162, %jit3A_159 : i32
    %rem3A_164 = arith.remsi %add3A_158, %select_n3A_163 : i32
    %ne3A_165 = arith.constant 0 : i32
    %ne3A_166 = arith.cmpi ne, %rem3A_164, %ne3A_165 : i32
    %lt3A_167 = arith.constant 0 : i32
    %lt3A_168 = arith.cmpi slt, %rem3A_164, %lt3A_167 : i32
    %lt3A_169 = arith.constant 0 : i32
    %lt3A_170 = arith.cmpi slt, %select_n3A_163, %lt3A_169 : i32
    %ne3A_171 = arith.xori %lt3A_168, %lt3A_170 : i1
    %and3A_172 = arith.andi %ne3A_171, %ne3A_166 : i1
    %add3A_173 = arith.addi %rem3A_164, %select_n3A_163 : i32
    %select_n3A_174 = arith.select %and3A_172, %add3A_173, %rem3A_164 : i32
    %eq3A_175 = arith.constant 0 : i32
    %eq3A_176 = arith.cmpi eq, %select_n3A_174, %eq3A_175 : i32
    %eq3A_177 = arith.constant 1 : i32
    %eq3A_178 = arith.cmpi eq, %select_n3A_174, %eq3A_177 : i32
    %jit3A_179 = arith.constant 1.600000e+01 : f32
    %jit3A_180 = arith.constant 3.300000e+01 : f32
    %select_n3A_181 = arith.select %eq3A_178, %jit3A_179, %jit3A_180 : f32
    %jit3A_182 = arith.constant 1.000000e+01 : f32
    %select_n3A_183 = arith.select %eq3A_176, %jit3A_182, %select_n3A_181 : f32
    %eq3A_184 = arith.constant 0 : i32
    %eq3A_185 = arith.cmpi eq, %select_n3A_174, %eq3A_184 : i32
    %eq3A_186 = arith.constant 1 : i32
    %eq3A_187 = arith.cmpi eq, %select_n3A_174, %eq3A_186 : i32
    %jit3A_188 = arith.constant 3.000000e+01 : f32
    %jit3A_189 = arith.constant 2.300000e+01 : f32
    %select_n3A_190 = arith.select %eq3A_187, %jit3A_188, %jit3A_189 : f32
    %jit3A_191 = arith.constant 1.300000e+01 : f32
    %select_n3A_192 = arith.select %eq3A_185, %jit3A_191, %select_n3A_190 : f32
    %scan3A_193 = arith.constant 0 : i32
    %scan3A_194 = arith.constant 0 : i32
    %scan3A_195 = arith.constant 12 : i32
    %scan3A_196 = arith.addi %scan3A_194, %scan3A_195 : i32
    %scan3A_197 = arith.constant 1 : i32
    scf.for %scan3A_305 = %scan3A_194 to %scan3A_196 step %scan3A_197  : i32 {
      %mul3A_306 = arith.constant 2 : i32
      %mul3A_307 = arith.muli %mul3A_306, %scan3A_305 : i32
      %add3A_308 = arith.constant 0 : i32
      %add3A_309 = arith.addi %mul3A_307, %add3A_308 : i32
      %mul3A_310 = arith.constant 256 : i32
      %mul3A_311 = arith.muli %add3A_309, %mul3A_310 : i32
      %min3A = arith.constant 5520 : i32
      %min3A_312 = arith.minsi %mul3A_311, %min3A : i32
      %dma_wait3A_313 = arith.constant 0 : i32
      %dma_wait3A_314 = arith.constant 0 : i32
      %dma_wait3A_315 = tpu.memref_slice %arg3[%dma_wait3A_313, %dma_wait3A_314] : memref<1108992x5xf32, #tpu.memory_space<hbm>> -> memref<256x5xf32, #tpu.memory_space<hbm>>
      %dma_wait3A_316 = arith.constant 0 : i32
      %dma_wait3A_317 = arith.constant 0 : i32
      %dma_wait3A_318 = tpu.memref_slice %arg3[%dma_wait3A_316, %dma_wait3A_317] : memref<1108992x5xf32, #tpu.memory_space<hbm>> -> memref<256x5xf32, #tpu.memory_space<hbm>>
      tpu.wait_dma2 semaphore(%arg10 : memref<!tpu.dma_semaphore, #tpu.memory_space<semaphore_mem>>) src(%arg6 : memref<256x5xf32, #tpu.memory_space<vmem>>) dst(%dma_wait3A_318 : memref<256x5xf32, #tpu.memory_space<hbm>>)
      %parallel_loop3A = arith.constant 0 : i32
      %parallel_loop3A_319 = arith.constant 16 : i32
      %parallel_loop3A_320 = arith.constant 1 : i32
      scf.for %parallel_loop3A_352 = %parallel_loop3A to %parallel_loop3A_319 step %parallel_loop3A_320  : i32 {
        %parallel_loop3A_353 = arith.constant 16 : i32
        %parallel_loop3A_354 = arith.muli %parallel_loop3A_352, %parallel_loop3A_353 : i32
        %parallel_loop3A_355 = arith.addi %min3A_312, %parallel_loop3A_354 : i32
        %parallel_loop3A_356 = vector.broadcast %parallel_loop3A_355 : i32 to vector<16xi32>
        %parallel_loop3A_357 = arith.addi %parallel_loop3A_356, %iota3A : vector<16xi32>
        %parallel_loop3A_358 = arith.constant 76 : i32
        %parallel_loop3A_359 = vector.broadcast %parallel_loop3A_358 : i32 to vector<16xi32>
        %parallel_loop3A_360 = arith.remsi %parallel_loop3A_357, %parallel_loop3A_359 : vector<16xi32>
        %parallel_loop3A_361 = arith.sitofp %parallel_loop3A_360 : vector<16xi32> to vector<16xf32>
        %parallel_loop3A_362 = arith.constant 76 : i32
        %parallel_loop3A_363 = vector.broadcast %parallel_loop3A_362 : i32 to vector<16xi32>
        %parallel_loop3A_364 = arith.divsi %parallel_loop3A_357, %parallel_loop3A_363 : vector<16xi32>
        %parallel_loop3A_365 = arith.sitofp %parallel_loop3A_364 : vector<16xi32> to vector<16xf32>
        %parallel_loop3A_366 = arith.index_cast %parallel_loop3A_355 : i32 to index
        %parallel_loop3A_367 = tpu.vector_load %arg5[%parallel_loop3A_366] {strides = array<i32>} : memref<28880xf32, #tpu.memory_space<vmem>>, vector<16xf32>,
        %parallel_loop3A_368 = arith.constant 5776 : i32
        %parallel_loop3A_369 = arith.addi %parallel_loop3A_368, %parallel_loop3A_355 : i32
        %parallel_loop3A_370 = arith.index_cast %parallel_loop3A_369 : i32 to index
        %parallel_loop3A_371 = tpu.vector_load %arg5[%parallel_loop3A_370] {strides = array<i32>} : memref<28880xf32, #tpu.memory_space<vmem>>, vector<16xf32>,
        %parallel_loop3A_372 = arith.constant 11552 : i32
        %parallel_loop3A_373 = arith.addi %parallel_loop3A_372, %parallel_loop3A_355 : i32
        %parallel_loop3A_374 = arith.index_cast %parallel_loop3A_373 : i32 to index
        %parallel_loop3A_375 = tpu.vector_load %arg5[%parallel_loop3A_374] {strides = array<i32>} : memref<28880xf32, #tpu.memory_space<vmem>>, vector<16xf32>,
        %parallel_loop3A_376 = arith.constant 17328 : i32
        %parallel_loop3A_377 = arith.addi %parallel_loop3A_376, %parallel_loop3A_355 : i32
        %parallel_loop3A_378 = arith.index_cast %parallel_loop3A_377 : i32 to index
        %parallel_loop3A_379 = tpu.vector_load %arg5[%parallel_loop3A_378] {strides = array<i32>} : memref<28880xf32, #tpu.memory_space<vmem>>, vector<16xf32>,
        %parallel_loop3A_380 = arith.constant 23104 : i32
        %parallel_loop3A_381 = arith.addi %parallel_loop3A_380, %parallel_loop3A_355 : i32
        %parallel_loop3A_382 = arith.index_cast %parallel_loop3A_381 : i32 to index
        %parallel_loop3A_383 = tpu.vector_load %arg5[%parallel_loop3A_382] {strides = array<i32>} : memref<28880xf32, #tpu.memory_space<vmem>>, vector<16xf32>,
        %parallel_loop3A_384 = arith.constant 0.000000e+00 : f32
        %parallel_loop3A_385 = vector.broadcast %parallel_loop3A_384 : f32 to vector<16xf32>
        %parallel_loop3A_386 = arith.subf %parallel_loop3A_385, %parallel_loop3A_367 : vector<16xf32>
        %parallel_loop3A_387 = math.exp %parallel_loop3A_386 : vector<16xf32>
        %parallel_loop3A_388 = arith.constant 1.000000e+00 : f32
        %parallel_loop3A_389 = vector.broadcast %parallel_loop3A_388 : f32 to vector<16xf32>
        %parallel_loop3A_390 = arith.addf %parallel_loop3A_389, %parallel_loop3A_387 : vector<16xf32>
        %parallel_loop3A_391 = arith.constant 1.000000e+00 : f32
        %parallel_loop3A_392 = vector.broadcast %parallel_loop3A_391 : f32 to vector<16xf32>
        %parallel_loop3A_393 = arith.divf %parallel_loop3A_392, %parallel_loop3A_390 : vector<16xf32>
        %parallel_loop3A_394 = arith.addf %parallel_loop3A_393, %parallel_loop3A_361 : vector<16xf32>
        %parallel_loop3A_395 = arith.constant 8.000000e+00 : f32
        %parallel_loop3A_396 = vector.broadcast %parallel_loop3A_395 : f32 to vector<16xf32>
        %parallel_loop3A_397 = arith.mulf %parallel_loop3A_394, %parallel_loop3A_396 : vector<16xf32>
        %parallel_loop3A_398 = arith.constant 0.000000e+00 : f32
        %parallel_loop3A_399 = vector.broadcast %parallel_loop3A_398 : f32 to vector<16xf32>
        %parallel_loop3A_400 = arith.subf %parallel_loop3A_399, %parallel_loop3A_371 : vector<16xf32>
        %parallel_loop3A_401 = math.exp %parallel_loop3A_400 : vector<16xf32>
        %parallel_loop3A_402 = arith.constant 1.000000e+00 : f32
        %parallel_loop3A_403 = vector.broadcast %parallel_loop3A_402 : f32 to vector<16xf32>
        %parallel_loop3A_404 = arith.addf %parallel_loop3A_403, %parallel_loop3A_401 : vector<16xf32>
        %parallel_loop3A_405 = arith.constant 1.000000e+00 : f32
        %parallel_loop3A_406 = vector.broadcast %parallel_loop3A_405 : f32 to vector<16xf32>
        %parallel_loop3A_407 = arith.divf %parallel_loop3A_406, %parallel_loop3A_404 : vector<16xf32>
        %parallel_loop3A_408 = arith.addf %parallel_loop3A_407, %parallel_loop3A_365 : vector<16xf32>
        %parallel_loop3A_409 = arith.constant 8.000000e+00 : f32
        %parallel_loop3A_410 = vector.broadcast %parallel_loop3A_409 : f32 to vector<16xf32>
        %parallel_loop3A_411 = arith.mulf %parallel_loop3A_408, %parallel_loop3A_410 : vector<16xf32>
        %parallel_loop3A_412 = math.exp %parallel_loop3A_375 : vector<16xf32>
        %parallel_loop3A_413 = vector.broadcast %select_n3A_183 : f32 to vector<16xf32>
        %parallel_loop3A_414 = arith.mulf %parallel_loop3A_412, %parallel_loop3A_413 : vector<16xf32>
        %parallel_loop3A_415 = math.exp %parallel_loop3A_379 : vector<16xf32>
        %parallel_loop3A_416 = vector.broadcast %select_n3A_192 : f32 to vector<16xf32>
        %parallel_loop3A_417 = arith.mulf %parallel_loop3A_415, %parallel_loop3A_416 : vector<16xf32>
        %parallel_loop3A_418 = arith.constant 0.000000e+00 : f32
        %parallel_loop3A_419 = vector.broadcast %parallel_loop3A_418 : f32 to vector<16xf32>
        %parallel_loop3A_420 = arith.subf %parallel_loop3A_419, %parallel_loop3A_383 : vector<16xf32>
        %parallel_loop3A_421 = math.exp %parallel_loop3A_420 : vector<16xf32>
        %parallel_loop3A_422 = arith.constant 1.000000e+00 : f32
        %parallel_loop3A_423 = vector.broadcast %parallel_loop3A_422 : f32 to vector<16xf32>
        %parallel_loop3A_424 = arith.addf %parallel_loop3A_423, %parallel_loop3A_421 : vector<16xf32>
        %parallel_loop3A_425 = arith.constant 1.000000e+00 : f32
        %parallel_loop3A_426 = vector.broadcast %parallel_loop3A_425 : f32 to vector<16xf32>
        %parallel_loop3A_427 = arith.divf %parallel_loop3A_426, %parallel_loop3A_424 : vector<16xf32>
        %parallel_loop3A_428 = arith.constant 16 : i32
        %parallel_loop3A_429 = arith.muli %parallel_loop3A_352, %parallel_loop3A_428 : i32
        %parallel_loop3A_430 = vector.broadcast %parallel_loop3A_429 : i32 to vector<16xi32>
        %parallel_loop3A_431 = arith.addi %parallel_loop3A_430, %iota3A : vector<16xi32>
        %parallel_loop3A_432 = arith.subi %iota3A, %iota3A : vector<16xi32>
        %parallel_loop3A_433 = arith.constant 0 : i32
        %parallel_loop3A_434 = vector.broadcast %parallel_loop3A_433 : i32 to vector<16xi32>
        %parallel_loop3A_435 = arith.addi %parallel_loop3A_432, %parallel_loop3A_434 : vector<16xi32>
        tpu.vector_store_idx %arg6[%parallel_loop3A_431, %parallel_loop3A_435], %parallel_loop3A_397 : memref<256x5xf32, #tpu.memory_space<vmem>>[vector<16xi32>, vector<16xi32>], vector<16xf32>,
        %parallel_loop3A_436 = arith.constant 1 : i32
        %parallel_loop3A_437 = vector.broadcast %parallel_loop3A_436 : i32 to vector<16xi32>
        %parallel_loop3A_438 = arith.addi %parallel_loop3A_432, %parallel_loop3A_437 : vector<16xi32>
        tpu.vector_store_idx %arg6[%parallel_loop3A_431, %parallel_loop3A_438], %parallel_loop3A_411 : memref<256x5xf32, #tpu.memory_space<vmem>>[vector<16xi32>, vector<16xi32>], vector<16xf32>,
        %parallel_loop3A_439 = arith.constant 2 : i32
        %parallel_loop3A_440 = vector.broadcast %parallel_loop3A_439 : i32 to vector<16xi32>
        %parallel_loop3A_441 = arith.addi %parallel_loop3A_432, %parallel_loop3A_440 : vector<16xi32>
        tpu.vector_store_idx %arg6[%parallel_loop3A_431, %parallel_loop3A_441], %parallel_loop3A_414 : memref<256x5xf32, #tpu.memory_space<vmem>>[vector<16xi32>, vector<16xi32>], vector<16xf32>,
        %parallel_loop3A_442 = arith.constant 3 : i32
        %parallel_loop3A_443 = vector.broadcast %parallel_loop3A_442 : i32 to vector<16xi32>
        %parallel_loop3A_444 = arith.addi %parallel_loop3A_432, %parallel_loop3A_443 : vector<16xi32>
        tpu.vector_store_idx %arg6[%parallel_loop3A_431, %parallel_loop3A_444], %parallel_loop3A_417 : memref<256x5xf32, #tpu.memory_space<vmem>>[vector<16xi32>, vector<16xi32>], vector<16xf32>,
        %parallel_loop3A_445 = arith.constant 4 : i32
        %parallel_loop3A_446 = vector.broadcast %parallel_loop3A_445 : i32 to vector<16xi32>
        %parallel_loop3A_447 = arith.addi %parallel_loop3A_432, %parallel_loop3A_446 : vector<16xi32>
        tpu.vector_store_idx %arg6[%parallel_loop3A_431, %parallel_loop3A_447], %parallel_loop3A_427 : memref<256x5xf32, #tpu.memory_space<vmem>>[vector<16xi32>, vector<16xi32>], vector<16xf32>,
      } {sc.loop_unroll_factor = 8 : i64, sc.parallel_access}
      %mul3A_321 = arith.constant 5776 : i32
      %mul3A_322 = arith.muli %add3A_158, %mul3A_321 : i32
      %add3A_323 = arith.addi %mul3A_322, %min3A_312 : i32
      %dma_start3A_324 = arith.constant 0 : i32
      %dma_start3A_325 = tpu.memref_slice %arg3[%add3A_323, %dma_start3A_324] : memref<1108992x5xf32, #tpu.memory_space<hbm>> -> memref<256x5xf32, #tpu.memory_space<hbm>>
      %dma_start3A_326 = arith.constant 0 : i32
      %dma_start3A_327 = tpu.memref_slice %arg3[%add3A_323, %dma_start3A_326] : memref<1108992x5xf32, #tpu.memory_space<hbm>> -> memref<256x5xf32, #tpu.memory_space<hbm>>
      tpu.enqueue_dma source(%arg6 : memref<256x5xf32, #tpu.memory_space<vmem>>) target(%dma_start3A_327 : memref<256x5xf32, #tpu.memory_space<hbm>>) target_semaphore(%arg10 : memref<!tpu.dma_semaphore, #tpu.memory_space<semaphore_mem>>)
      %mul3A_328 = arith.constant 2 : i32
      %mul3A_329 = arith.muli %mul3A_328, %scan3A_305 : i32
      %add3A_330 = arith.constant 1 : i32
      %add3A_331 = arith.addi %mul3A_329, %add3A_330 : i32
      %mul3A_332 = arith.constant 256 : i32
      %mul3A_333 = arith.muli %add3A_331, %mul3A_332 : i32
      %min3A_334 = arith.constant 5520 : i32
      %min3A_335 = arith.minsi %mul3A_333, %min3A_334 : i32
      %dma_wait3A_336 = arith.constant 0 : i32
      %dma_wait3A_337 = arith.constant 0 : i32
      %dma_wait3A_338 = tpu.memref_slice %arg3[%dma_wait3A_336, %dma_wait3A_337] : memref<1108992x5xf32, #tpu.memory_space<hbm>> -> memref<256x5xf32, #tpu.memory_space<hbm>>
      %dma_wait3A_339 = arith.constant 0 : i32
      %dma_wait3A_340 = arith.constant 0 : i32
      %dma_wait3A_341 = tpu.memref_slice %arg3[%dma_wait3A_339, %dma_wait3A_340] : memref<1108992x5xf32, #tpu.memory_space<hbm>> -> memref<256x5xf32, #tpu.memory_space<hbm>>
      tpu.wait_dma2 semaphore(%arg11 : memref<!tpu.dma_semaphore, #tpu.memory_space<semaphore_mem>>) src(%arg7 : memref<256x5xf32, #tpu.memory_space<vmem>>) dst(%dma_wait3A_341 : memref<256x5xf32, #tpu.memory_space<hbm>>)
      %parallel_loop3A_342 = arith.constant 0 : i32
      %parallel_loop3A_343 = arith.constant 16 : i32
      %parallel_loop3A_344 = arith.constant 1 : i32
      scf.for %parallel_loop3A_352 = %parallel_loop3A_342 to %parallel_loop3A_343 step %parallel_loop3A_344  : i32 {
        %parallel_loop3A_353 = arith.constant 16 : i32
        %parallel_loop3A_354 = arith.muli %parallel_loop3A_352, %parallel_loop3A_353 : i32
        %parallel_loop3A_355 = arith.addi %min3A_335, %parallel_loop3A_354 : i32
        %parallel_loop3A_356 = vector.broadcast %parallel_loop3A_355 : i32 to vector<16xi32>
        %parallel_loop3A_357 = arith.addi %parallel_loop3A_356, %iota3A : vector<16xi32>
        %parallel_loop3A_358 = arith.constant 76 : i32
        %parallel_loop3A_359 = vector.broadcast %parallel_loop3A_358 : i32 to vector<16xi32>
        %parallel_loop3A_360 = arith.remsi %parallel_loop3A_357, %parallel_loop3A_359 : vector<16xi32>
        %parallel_loop3A_361 = arith.sitofp %parallel_loop3A_360 : vector<16xi32> to vector<16xf32>
        %parallel_loop3A_362 = arith.constant 76 : i32
        %parallel_loop3A_363 = vector.broadcast %parallel_loop3A_362 : i32 to vector<16xi32>
        %parallel_loop3A_364 = arith.divsi %parallel_loop3A_357, %parallel_loop3A_363 : vector<16xi32>
        %parallel_loop3A_365 = arith.sitofp %parallel_loop3A_364 : vector<16xi32> to vector<16xf32>
        %parallel_loop3A_366 = arith.index_cast %parallel_loop3A_355 : i32 to index
        %parallel_loop3A_367 = tpu.vector_load %arg5[%parallel_loop3A_366] {strides = array<i32>} : memref<28880xf32, #tpu.memory_space<vmem>>, vector<16xf32>,
        %parallel_loop3A_368 = arith.constant 5776 : i32
        %parallel_loop3A_369 = arith.addi %parallel_loop3A_368, %parallel_loop3A_355 : i32
        %parallel_loop3A_370 = arith.index_cast %parallel_loop3A_369 : i32 to index
        %parallel_loop3A_371 = tpu.vector_load %arg5[%parallel_loop3A_370] {strides = array<i32>} : memref<28880xf32, #tpu.memory_space<vmem>>, vector<16xf32>,
        %parallel_loop3A_372 = arith.constant 11552 : i32
        %parallel_loop3A_373 = arith.addi %parallel_loop3A_372, %parallel_loop3A_355 : i32
        %parallel_loop3A_374 = arith.index_cast %parallel_loop3A_373 : i32 to index
        %parallel_loop3A_375 = tpu.vector_load %arg5[%parallel_loop3A_374] {strides = array<i32>} : memref<28880xf32, #tpu.memory_space<vmem>>, vector<16xf32>,
        %parallel_loop3A_376 = arith.constant 17328 : i32
        %parallel_loop3A_377 = arith.addi %parallel_loop3A_376, %parallel_loop3A_355 : i32
        %parallel_loop3A_378 = arith.index_cast %parallel_loop3A_377 : i32 to index
        %parallel_loop3A_379 = tpu.vector_load %arg5[%parallel_loop3A_378] {strides = array<i32>} : memref<28880xf32, #tpu.memory_space<vmem>>, vector<16xf32>,
        %parallel_loop3A_380 = arith.constant 23104 : i32
        %parallel_loop3A_381 = arith.addi %parallel_loop3A_380, %parallel_loop3A_355 : i32
        %parallel_loop3A_382 = arith.index_cast %parallel_loop3A_381 : i32 to index
        %parallel_loop3A_383 = tpu.vector_load %arg5[%parallel_loop3A_382] {strides = array<i32>} : memref<28880xf32, #tpu.memory_space<vmem>>, vector<16xf32>,
        %parallel_loop3A_384 = arith.constant 0.000000e+00 : f32
        %parallel_loop3A_385 = vector.broadcast %parallel_loop3A_384 : f32 to vector<16xf32>
        %parallel_loop3A_386 = arith.subf %parallel_loop3A_385, %parallel_loop3A_367 : vector<16xf32>
        %parallel_loop3A_387 = math.exp %parallel_loop3A_386 : vector<16xf32>
        %parallel_loop3A_388 = arith.constant 1.000000e+00 : f32
        %parallel_loop3A_389 = vector.broadcast %parallel_loop3A_388 : f32 to vector<16xf32>
        %parallel_loop3A_390 = arith.addf %parallel_loop3A_389, %parallel_loop3A_387 : vector<16xf32>
        %parallel_loop3A_391 = arith.constant 1.000000e+00 : f32
        %parallel_loop3A_392 = vector.broadcast %parallel_loop3A_391 : f32 to vector<16xf32>
        %parallel_loop3A_393 = arith.divf %parallel_loop3A_392, %parallel_loop3A_390 : vector<16xf32>
        %parallel_loop3A_394 = arith.addf %parallel_loop3A_393, %parallel_loop3A_361 : vector<16xf32>
        %parallel_loop3A_395 = arith.constant 8.000000e+00 : f32
        %parallel_loop3A_396 = vector.broadcast %parallel_loop3A_395 : f32 to vector<16xf32>
        %parallel_loop3A_397 = arith.mulf %parallel_loop3A_394, %parallel_loop3A_396 : vector<16xf32>
        %parallel_loop3A_398 = arith.constant 0.000000e+00 : f32
        %parallel_loop3A_399 = vector.broadcast %parallel_loop3A_398 : f32 to vector<16xf32>
        %parallel_loop3A_400 = arith.subf %parallel_loop3A_399, %parallel_loop3A_371 : vector<16xf32>
        %parallel_loop3A_401 = math.exp %parallel_loop3A_400 : vector<16xf32>
        %parallel_loop3A_402 = arith.constant 1.000000e+00 : f32
        %parallel_loop3A_403 = vector.broadcast %parallel_loop3A_402 : f32 to vector<16xf32>
        %parallel_loop3A_404 = arith.addf %parallel_loop3A_403, %parallel_loop3A_401 : vector<16xf32>
        %parallel_loop3A_405 = arith.constant 1.000000e+00 : f32
        %parallel_loop3A_406 = vector.broadcast %parallel_loop3A_405 : f32 to vector<16xf32>
        %parallel_loop3A_407 = arith.divf %parallel_loop3A_406, %parallel_loop3A_404 : vector<16xf32>
        %parallel_loop3A_408 = arith.addf %parallel_loop3A_407, %parallel_loop3A_365 : vector<16xf32>
        %parallel_loop3A_409 = arith.constant 8.000000e+00 : f32
        %parallel_loop3A_410 = vector.broadcast %parallel_loop3A_409 : f32 to vector<16xf32>
        %parallel_loop3A_411 = arith.mulf %parallel_loop3A_408, %parallel_loop3A_410 : vector<16xf32>
        %parallel_loop3A_412 = math.exp %parallel_loop3A_375 : vector<16xf32>
        %parallel_loop3A_413 = vector.broadcast %select_n3A_183 : f32 to vector<16xf32>
        %parallel_loop3A_414 = arith.mulf %parallel_loop3A_412, %parallel_loop3A_413 : vector<16xf32>
        %parallel_loop3A_415 = math.exp %parallel_loop3A_379 : vector<16xf32>
        %parallel_loop3A_416 = vector.broadcast %select_n3A_192 : f32 to vector<16xf32>
        %parallel_loop3A_417 = arith.mulf %parallel_loop3A_415, %parallel_loop3A_416 : vector<16xf32>
        %parallel_loop3A_418 = arith.constant 0.000000e+00 : f32
        %parallel_loop3A_419 = vector.broadcast %parallel_loop3A_418 : f32 to vector<16xf32>
        %parallel_loop3A_420 = arith.subf %parallel_loop3A_419, %parallel_loop3A_383 : vector<16xf32>
        %parallel_loop3A_421 = math.exp %parallel_loop3A_420 : vector<16xf32>
        %parallel_loop3A_422 = arith.constant 1.000000e+00 : f32
        %parallel_loop3A_423 = vector.broadcast %parallel_loop3A_422 : f32 to vector<16xf32>
        %parallel_loop3A_424 = arith.addf %parallel_loop3A_423, %parallel_loop3A_421 : vector<16xf32>
        %parallel_loop3A_425 = arith.constant 1.000000e+00 : f32
        %parallel_loop3A_426 = vector.broadcast %parallel_loop3A_425 : f32 to vector<16xf32>
        %parallel_loop3A_427 = arith.divf %parallel_loop3A_426, %parallel_loop3A_424 : vector<16xf32>
        %parallel_loop3A_428 = arith.constant 16 : i32
        %parallel_loop3A_429 = arith.muli %parallel_loop3A_352, %parallel_loop3A_428 : i32
        %parallel_loop3A_430 = vector.broadcast %parallel_loop3A_429 : i32 to vector<16xi32>
        %parallel_loop3A_431 = arith.addi %parallel_loop3A_430, %iota3A : vector<16xi32>
        %parallel_loop3A_432 = arith.subi %iota3A, %iota3A : vector<16xi32>
        %parallel_loop3A_433 = arith.constant 0 : i32
        %parallel_loop3A_434 = vector.broadcast %parallel_loop3A_433 : i32 to vector<16xi32>
        %parallel_loop3A_435 = arith.addi %parallel_loop3A_432, %parallel_loop3A_434 : vector<16xi32>
        tpu.vector_store_idx %arg7[%parallel_loop3A_431, %parallel_loop3A_435], %parallel_loop3A_397 : memref<256x5xf32, #tpu.memory_space<vmem>>[vector<16xi32>, vector<16xi32>], vector<16xf32>,
        %parallel_loop3A_436 = arith.constant 1 : i32
        %parallel_loop3A_437 = vector.broadcast %parallel_loop3A_436 : i32 to vector<16xi32>
        %parallel_loop3A_438 = arith.addi %parallel_loop3A_432, %parallel_loop3A_437 : vector<16xi32>
        tpu.vector_store_idx %arg7[%parallel_loop3A_431, %parallel_loop3A_438], %parallel_loop3A_411 : memref<256x5xf32, #tpu.memory_space<vmem>>[vector<16xi32>, vector<16xi32>], vector<16xf32>,
        %parallel_loop3A_439 = arith.constant 2 : i32
        %parallel_loop3A_440 = vector.broadcast %parallel_loop3A_439 : i32 to vector<16xi32>
        %parallel_loop3A_441 = arith.addi %parallel_loop3A_432, %parallel_loop3A_440 : vector<16xi32>
        tpu.vector_store_idx %arg7[%parallel_loop3A_431, %parallel_loop3A_441], %parallel_loop3A_414 : memref<256x5xf32, #tpu.memory_space<vmem>>[vector<16xi32>, vector<16xi32>], vector<16xf32>,
        %parallel_loop3A_442 = arith.constant 3 : i32
        %parallel_loop3A_443 = vector.broadcast %parallel_loop3A_442 : i32 to vector<16xi32>
        %parallel_loop3A_444 = arith.addi %parallel_loop3A_432, %parallel_loop3A_443 : vector<16xi32>
        tpu.vector_store_idx %arg7[%parallel_loop3A_431, %parallel_loop3A_444], %parallel_loop3A_417 : memref<256x5xf32, #tpu.memory_space<vmem>>[vector<16xi32>, vector<16xi32>], vector<16xf32>,
        %parallel_loop3A_445 = arith.constant 4 : i32
        %parallel_loop3A_446 = vector.broadcast %parallel_loop3A_445 : i32 to vector<16xi32>
        %parallel_loop3A_447 = arith.addi %parallel_loop3A_432, %parallel_loop3A_446 : vector<16xi32>
        tpu.vector_store_idx %arg7[%parallel_loop3A_431, %parallel_loop3A_447], %parallel_loop3A_427 : memref<256x5xf32, #tpu.memory_space<vmem>>[vector<16xi32>, vector<16xi32>], vector<16xf32>,
      } {sc.loop_unroll_factor = 8 : i64, sc.parallel_access}
      %mul3A_345 = arith.constant 5776 : i32
      %mul3A_346 = arith.muli %add3A_158, %mul3A_345 : i32
      %add3A_347 = arith.addi %mul3A_346, %min3A_335 : i32
      %dma_start3A_348 = arith.constant 0 : i32
      %dma_start3A_349 = tpu.memref_slice %arg3[%add3A_347, %dma_start3A_348] : memref<1108992x5xf32, #tpu.memory_space<hbm>> -> memref<256x5xf32, #tpu.memory_space<hbm>>
      %dma_start3A_350 = arith.constant 0 : i32
      %dma_start3A_351 = tpu.memref_slice %arg3[%add3A_347, %dma_start3A_350] : memref<1108992x5xf32, #tpu.memory_space<hbm>> -> memref<256x5xf32, #tpu.memory_space<hbm>>
      tpu.enqueue_dma source(%arg7 : memref<256x5xf32, #tpu.memory_space<vmem>>) target(%dma_start3A_351 : memref<256x5xf32, #tpu.memory_space<hbm>>) target_semaphore(%arg11 : memref<!tpu.dma_semaphore, #tpu.memory_space<semaphore_mem>>)
    }
    %scan3A_198 = arith.constant 12 : i32
    %add3A_199 = arith.constant 5 : i32
    %add3A_200 = arith.addi %mul3A_2, %add3A_199 : i32
    %mul3A_201 = arith.constant 28880 : i32
    %mul3A_202 = arith.muli %add3A_200, %mul3A_201 : i32
    %dma_start3A_203 = tpu.memref_slice %arg2[%mul3A_202] : memref<5544960xf32, #tpu.memory_space<hbm>> -> memref<28880xf32, #tpu.memory_space<hbm>>
    %dma_start3A_204 = tpu.memref_slice %arg2[%mul3A_202] : memref<5544960xf32, #tpu.memory_space<hbm>> -> memref<28880xf32, #tpu.memory_space<hbm>>
    tpu.enqueue_dma source(%dma_start3A_204 : memref<28880xf32, #tpu.memory_space<hbm>>) target(%arg5 : memref<28880xf32, #tpu.memory_space<vmem>>) target_semaphore(%arg9 : memref<!tpu.dma_semaphore, #tpu.memory_space<semaphore_mem>>)
    %dma_wait3A_205 = tpu.memref_slice %arg2[%mul3A_152] : memref<5544960xf32, #tpu.memory_space<hbm>> -> memref<28880xf32, #tpu.memory_space<hbm>>
    %dma_wait3A_206 = tpu.memref_slice %arg2[%mul3A_152] : memref<5544960xf32, #tpu.memory_space<hbm>> -> memref<28880xf32, #tpu.memory_space<hbm>>
    tpu.wait_dma2 semaphore(%arg8 : memref<!tpu.dma_semaphore, #tpu.memory_space<semaphore_mem>>) src(%dma_wait3A_206 : memref<28880xf32, #tpu.memory_space<hbm>>) dst(%arg4 : memref<28880xf32, #tpu.memory_space<vmem>>)
    %add3A_207 = arith.constant 4 : i32
    %add3A_208 = arith.addi %mul3A_2, %add3A_207 : i32
    %jit3A_209 = arith.constant 3 : i32
    %eq3A_210 = arith.constant 0 : i32
    %eq3A_211 = arith.cmpi eq, %jit3A_209, %eq3A_210 : i32
    %jit3A_212 = arith.constant 1 : i32
    %select_n3A_213 = arith.select %eq3A_211, %jit3A_212, %jit3A_209 : i32
    %rem3A_214 = arith.remsi %add3A_208, %select_n3A_213 : i32
    %ne3A_215 = arith.constant 0 : i32
    %ne3A_216 = arith.cmpi ne, %rem3A_214, %ne3A_215 : i32
    %lt3A_217 = arith.constant 0 : i32
    %lt3A_218 = arith.cmpi slt, %rem3A_214, %lt3A_217 : i32
    %lt3A_219 = arith.constant 0 : i32
    %lt3A_220 = arith.cmpi slt, %select_n3A_213, %lt3A_219 : i32
    %ne3A_221 = arith.xori %lt3A_218, %lt3A_220 : i1
    %and3A_222 = arith.andi %ne3A_221, %ne3A_216 : i1
    %add3A_223 = arith.addi %rem3A_214, %select_n3A_213 : i32
    %select_n3A_224 = arith.select %and3A_222, %add3A_223, %rem3A_214 : i32
    %eq3A_225 = arith.constant 0 : i32
    %eq3A_226 = arith.cmpi eq, %select_n3A_224, %eq3A_225 : i32
    %eq3A_227 = arith.constant 1 : i32
    %eq3A_228 = arith.cmpi eq, %select_n3A_224, %eq3A_227 : i32
    %jit3A_229 = arith.constant 1.600000e+01 : f32
    %jit3A_230 = arith.constant 3.300000e+01 : f32
    %select_n3A_231 = arith.select %eq3A_228, %jit3A_229, %jit3A_230 : f32
    %jit3A_232 = arith.constant 1.000000e+01 : f32
    %select_n3A_233 = arith.select %eq3A_226, %jit3A_232, %select_n3A_231 : f32
    %eq3A_234 = arith.constant 0 : i32
    %eq3A_235 = arith.cmpi eq, %select_n3A_224, %eq3A_234 : i32
    %eq3A_236 = arith.constant 1 : i32
    %eq3A_237 = arith.cmpi eq, %select_n3A_224, %eq3A_236 : i32
    %jit3A_238 = arith.constant 3.000000e+01 : f32
    %jit3A_239 = arith.constant 2.300000e+01 : f32
    %select_n3A_240 = arith.select %eq3A_237, %jit3A_238, %jit3A_239 : f32
    %jit3A_241 = arith.constant 1.300000e+01 : f32
    %select_n3A_242 = arith.select %eq3A_235, %jit3A_241, %select_n3A_240 : f32
    %scan3A_243 = arith.constant 0 : i32
    %scan3A_244 = arith.constant 0 : i32
    %scan3A_245 = arith.constant 12 : i32
    %scan3A_246 = arith.addi %scan3A_244, %scan3A_245 : i32
    %scan3A_247 = arith.constant 1 : i32
    scf.for %scan3A_305 = %scan3A_244 to %scan3A_246 step %scan3A_247  : i32 {
      %mul3A_306 = arith.constant 2 : i32
      %mul3A_307 = arith.muli %mul3A_306, %scan3A_305 : i32
      %add3A_308 = arith.constant 0 : i32
      %add3A_309 = arith.addi %mul3A_307, %add3A_308 : i32
      %mul3A_310 = arith.constant 256 : i32
      %mul3A_311 = arith.muli %add3A_309, %mul3A_310 : i32
      %min3A = arith.constant 5520 : i32
      %min3A_312 = arith.minsi %mul3A_311, %min3A : i32
      %dma_wait3A_313 = arith.constant 0 : i32
      %dma_wait3A_314 = arith.constant 0 : i32
      %dma_wait3A_315 = tpu.memref_slice %arg3[%dma_wait3A_313, %dma_wait3A_314] : memref<1108992x5xf32, #tpu.memory_space<hbm>> -> memref<256x5xf32, #tpu.memory_space<hbm>>
      %dma_wait3A_316 = arith.constant 0 : i32
      %dma_wait3A_317 = arith.constant 0 : i32
      %dma_wait3A_318 = tpu.memref_slice %arg3[%dma_wait3A_316, %dma_wait3A_317] : memref<1108992x5xf32, #tpu.memory_space<hbm>> -> memref<256x5xf32, #tpu.memory_space<hbm>>
      tpu.wait_dma2 semaphore(%arg10 : memref<!tpu.dma_semaphore, #tpu.memory_space<semaphore_mem>>) src(%arg6 : memref<256x5xf32, #tpu.memory_space<vmem>>) dst(%dma_wait3A_318 : memref<256x5xf32, #tpu.memory_space<hbm>>)
      %parallel_loop3A = arith.constant 0 : i32
      %parallel_loop3A_319 = arith.constant 16 : i32
      %parallel_loop3A_320 = arith.constant 1 : i32
      scf.for %parallel_loop3A_352 = %parallel_loop3A to %parallel_loop3A_319 step %parallel_loop3A_320  : i32 {
        %parallel_loop3A_353 = arith.constant 16 : i32
        %parallel_loop3A_354 = arith.muli %parallel_loop3A_352, %parallel_loop3A_353 : i32
        %parallel_loop3A_355 = arith.addi %min3A_312, %parallel_loop3A_354 : i32
        %parallel_loop3A_356 = vector.broadcast %parallel_loop3A_355 : i32 to vector<16xi32>
        %parallel_loop3A_357 = arith.addi %parallel_loop3A_356, %iota3A : vector<16xi32>
        %parallel_loop3A_358 = arith.constant 76 : i32
        %parallel_loop3A_359 = vector.broadcast %parallel_loop3A_358 : i32 to vector<16xi32>
        %parallel_loop3A_360 = arith.remsi %parallel_loop3A_357, %parallel_loop3A_359 : vector<16xi32>
        %parallel_loop3A_361 = arith.sitofp %parallel_loop3A_360 : vector<16xi32> to vector<16xf32>
        %parallel_loop3A_362 = arith.constant 76 : i32
        %parallel_loop3A_363 = vector.broadcast %parallel_loop3A_362 : i32 to vector<16xi32>
        %parallel_loop3A_364 = arith.divsi %parallel_loop3A_357, %parallel_loop3A_363 : vector<16xi32>
        %parallel_loop3A_365 = arith.sitofp %parallel_loop3A_364 : vector<16xi32> to vector<16xf32>
        %parallel_loop3A_366 = arith.index_cast %parallel_loop3A_355 : i32 to index
        %parallel_loop3A_367 = tpu.vector_load %arg4[%parallel_loop3A_366] {strides = array<i32>} : memref<28880xf32, #tpu.memory_space<vmem>>, vector<16xf32>,
        %parallel_loop3A_368 = arith.constant 5776 : i32
        %parallel_loop3A_369 = arith.addi %parallel_loop3A_368, %parallel_loop3A_355 : i32
        %parallel_loop3A_370 = arith.index_cast %parallel_loop3A_369 : i32 to index
        %parallel_loop3A_371 = tpu.vector_load %arg4[%parallel_loop3A_370] {strides = array<i32>} : memref<28880xf32, #tpu.memory_space<vmem>>, vector<16xf32>,
        %parallel_loop3A_372 = arith.constant 11552 : i32
        %parallel_loop3A_373 = arith.addi %parallel_loop3A_372, %parallel_loop3A_355 : i32
        %parallel_loop3A_374 = arith.index_cast %parallel_loop3A_373 : i32 to index
        %parallel_loop3A_375 = tpu.vector_load %arg4[%parallel_loop3A_374] {strides = array<i32>} : memref<28880xf32, #tpu.memory_space<vmem>>, vector<16xf32>,
        %parallel_loop3A_376 = arith.constant 17328 : i32
        %parallel_loop3A_377 = arith.addi %parallel_loop3A_376, %parallel_loop3A_355 : i32
        %parallel_loop3A_378 = arith.index_cast %parallel_loop3A_377 : i32 to index
        %parallel_loop3A_379 = tpu.vector_load %arg4[%parallel_loop3A_378] {strides = array<i32>} : memref<28880xf32, #tpu.memory_space<vmem>>, vector<16xf32>,
        %parallel_loop3A_380 = arith.constant 23104 : i32
        %parallel_loop3A_381 = arith.addi %parallel_loop3A_380, %parallel_loop3A_355 : i32
        %parallel_loop3A_382 = arith.index_cast %parallel_loop3A_381 : i32 to index
        %parallel_loop3A_383 = tpu.vector_load %arg4[%parallel_loop3A_382] {strides = array<i32>} : memref<28880xf32, #tpu.memory_space<vmem>>, vector<16xf32>,
        %parallel_loop3A_384 = arith.constant 0.000000e+00 : f32
        %parallel_loop3A_385 = vector.broadcast %parallel_loop3A_384 : f32 to vector<16xf32>
        %parallel_loop3A_386 = arith.subf %parallel_loop3A_385, %parallel_loop3A_367 : vector<16xf32>
        %parallel_loop3A_387 = math.exp %parallel_loop3A_386 : vector<16xf32>
        %parallel_loop3A_388 = arith.constant 1.000000e+00 : f32
        %parallel_loop3A_389 = vector.broadcast %parallel_loop3A_388 : f32 to vector<16xf32>
        %parallel_loop3A_390 = arith.addf %parallel_loop3A_389, %parallel_loop3A_387 : vector<16xf32>
        %parallel_loop3A_391 = arith.constant 1.000000e+00 : f32
        %parallel_loop3A_392 = vector.broadcast %parallel_loop3A_391 : f32 to vector<16xf32>
        %parallel_loop3A_393 = arith.divf %parallel_loop3A_392, %parallel_loop3A_390 : vector<16xf32>
        %parallel_loop3A_394 = arith.addf %parallel_loop3A_393, %parallel_loop3A_361 : vector<16xf32>
        %parallel_loop3A_395 = arith.constant 8.000000e+00 : f32
        %parallel_loop3A_396 = vector.broadcast %parallel_loop3A_395 : f32 to vector<16xf32>
        %parallel_loop3A_397 = arith.mulf %parallel_loop3A_394, %parallel_loop3A_396 : vector<16xf32>
        %parallel_loop3A_398 = arith.constant 0.000000e+00 : f32
        %parallel_loop3A_399 = vector.broadcast %parallel_loop3A_398 : f32 to vector<16xf32>
        %parallel_loop3A_400 = arith.subf %parallel_loop3A_399, %parallel_loop3A_371 : vector<16xf32>
        %parallel_loop3A_401 = math.exp %parallel_loop3A_400 : vector<16xf32>
        %parallel_loop3A_402 = arith.constant 1.000000e+00 : f32
        %parallel_loop3A_403 = vector.broadcast %parallel_loop3A_402 : f32 to vector<16xf32>
        %parallel_loop3A_404 = arith.addf %parallel_loop3A_403, %parallel_loop3A_401 : vector<16xf32>
        %parallel_loop3A_405 = arith.constant 1.000000e+00 : f32
        %parallel_loop3A_406 = vector.broadcast %parallel_loop3A_405 : f32 to vector<16xf32>
        %parallel_loop3A_407 = arith.divf %parallel_loop3A_406, %parallel_loop3A_404 : vector<16xf32>
        %parallel_loop3A_408 = arith.addf %parallel_loop3A_407, %parallel_loop3A_365 : vector<16xf32>
        %parallel_loop3A_409 = arith.constant 8.000000e+00 : f32
        %parallel_loop3A_410 = vector.broadcast %parallel_loop3A_409 : f32 to vector<16xf32>
        %parallel_loop3A_411 = arith.mulf %parallel_loop3A_408, %parallel_loop3A_410 : vector<16xf32>
        %parallel_loop3A_412 = math.exp %parallel_loop3A_375 : vector<16xf32>
        %parallel_loop3A_413 = vector.broadcast %select_n3A_233 : f32 to vector<16xf32>
        %parallel_loop3A_414 = arith.mulf %parallel_loop3A_412, %parallel_loop3A_413 : vector<16xf32>
        %parallel_loop3A_415 = math.exp %parallel_loop3A_379 : vector<16xf32>
        %parallel_loop3A_416 = vector.broadcast %select_n3A_242 : f32 to vector<16xf32>
        %parallel_loop3A_417 = arith.mulf %parallel_loop3A_415, %parallel_loop3A_416 : vector<16xf32>
        %parallel_loop3A_418 = arith.constant 0.000000e+00 : f32
        %parallel_loop3A_419 = vector.broadcast %parallel_loop3A_418 : f32 to vector<16xf32>
        %parallel_loop3A_420 = arith.subf %parallel_loop3A_419, %parallel_loop3A_383 : vector<16xf32>
        %parallel_loop3A_421 = math.exp %parallel_loop3A_420 : vector<16xf32>
        %parallel_loop3A_422 = arith.constant 1.000000e+00 : f32
        %parallel_loop3A_423 = vector.broadcast %parallel_loop3A_422 : f32 to vector<16xf32>
        %parallel_loop3A_424 = arith.addf %parallel_loop3A_423, %parallel_loop3A_421 : vector<16xf32>
        %parallel_loop3A_425 = arith.constant 1.000000e+00 : f32
        %parallel_loop3A_426 = vector.broadcast %parallel_loop3A_425 : f32 to vector<16xf32>
        %parallel_loop3A_427 = arith.divf %parallel_loop3A_426, %parallel_loop3A_424 : vector<16xf32>
        %parallel_loop3A_428 = arith.constant 16 : i32
        %parallel_loop3A_429 = arith.muli %parallel_loop3A_352, %parallel_loop3A_428 : i32
        %parallel_loop3A_430 = vector.broadcast %parallel_loop3A_429 : i32 to vector<16xi32>
        %parallel_loop3A_431 = arith.addi %parallel_loop3A_430, %iota3A : vector<16xi32>
        %parallel_loop3A_432 = arith.subi %iota3A, %iota3A : vector<16xi32>
        %parallel_loop3A_433 = arith.constant 0 : i32
        %parallel_loop3A_434 = vector.broadcast %parallel_loop3A_433 : i32 to vector<16xi32>
        %parallel_loop3A_435 = arith.addi %parallel_loop3A_432, %parallel_loop3A_434 : vector<16xi32>
        tpu.vector_store_idx %arg6[%parallel_loop3A_431, %parallel_loop3A_435], %parallel_loop3A_397 : memref<256x5xf32, #tpu.memory_space<vmem>>[vector<16xi32>, vector<16xi32>], vector<16xf32>,
        %parallel_loop3A_436 = arith.constant 1 : i32
        %parallel_loop3A_437 = vector.broadcast %parallel_loop3A_436 : i32 to vector<16xi32>
        %parallel_loop3A_438 = arith.addi %parallel_loop3A_432, %parallel_loop3A_437 : vector<16xi32>
        tpu.vector_store_idx %arg6[%parallel_loop3A_431, %parallel_loop3A_438], %parallel_loop3A_411 : memref<256x5xf32, #tpu.memory_space<vmem>>[vector<16xi32>, vector<16xi32>], vector<16xf32>,
        %parallel_loop3A_439 = arith.constant 2 : i32
        %parallel_loop3A_440 = vector.broadcast %parallel_loop3A_439 : i32 to vector<16xi32>
        %parallel_loop3A_441 = arith.addi %parallel_loop3A_432, %parallel_loop3A_440 : vector<16xi32>
        tpu.vector_store_idx %arg6[%parallel_loop3A_431, %parallel_loop3A_441], %parallel_loop3A_414 : memref<256x5xf32, #tpu.memory_space<vmem>>[vector<16xi32>, vector<16xi32>], vector<16xf32>,
        %parallel_loop3A_442 = arith.constant 3 : i32
        %parallel_loop3A_443 = vector.broadcast %parallel_loop3A_442 : i32 to vector<16xi32>
        %parallel_loop3A_444 = arith.addi %parallel_loop3A_432, %parallel_loop3A_443 : vector<16xi32>
        tpu.vector_store_idx %arg6[%parallel_loop3A_431, %parallel_loop3A_444], %parallel_loop3A_417 : memref<256x5xf32, #tpu.memory_space<vmem>>[vector<16xi32>, vector<16xi32>], vector<16xf32>,
        %parallel_loop3A_445 = arith.constant 4 : i32
        %parallel_loop3A_446 = vector.broadcast %parallel_loop3A_445 : i32 to vector<16xi32>
        %parallel_loop3A_447 = arith.addi %parallel_loop3A_432, %parallel_loop3A_446 : vector<16xi32>
        tpu.vector_store_idx %arg6[%parallel_loop3A_431, %parallel_loop3A_447], %parallel_loop3A_427 : memref<256x5xf32, #tpu.memory_space<vmem>>[vector<16xi32>, vector<16xi32>], vector<16xf32>,
      } {sc.loop_unroll_factor = 8 : i64, sc.parallel_access}
      %mul3A_321 = arith.constant 5776 : i32
      %mul3A_322 = arith.muli %add3A_208, %mul3A_321 : i32
      %add3A_323 = arith.addi %mul3A_322, %min3A_312 : i32
      %dma_start3A_324 = arith.constant 0 : i32
      %dma_start3A_325 = tpu.memref_slice %arg3[%add3A_323, %dma_start3A_324] : memref<1108992x5xf32, #tpu.memory_space<hbm>> -> memref<256x5xf32, #tpu.memory_space<hbm>>
      %dma_start3A_326 = arith.constant 0 : i32
      %dma_start3A_327 = tpu.memref_slice %arg3[%add3A_323, %dma_start3A_326] : memref<1108992x5xf32, #tpu.memory_space<hbm>> -> memref<256x5xf32, #tpu.memory_space<hbm>>
      tpu.enqueue_dma source(%arg6 : memref<256x5xf32, #tpu.memory_space<vmem>>) target(%dma_start3A_327 : memref<256x5xf32, #tpu.memory_space<hbm>>) target_semaphore(%arg10 : memref<!tpu.dma_semaphore, #tpu.memory_space<semaphore_mem>>)
      %mul3A_328 = arith.constant 2 : i32
      %mul3A_329 = arith.muli %mul3A_328, %scan3A_305 : i32
      %add3A_330 = arith.constant 1 : i32
      %add3A_331 = arith.addi %mul3A_329, %add3A_330 : i32
      %mul3A_332 = arith.constant 256 : i32
      %mul3A_333 = arith.muli %add3A_331, %mul3A_332 : i32
      %min3A_334 = arith.constant 5520 : i32
      %min3A_335 = arith.minsi %mul3A_333, %min3A_334 : i32
      %dma_wait3A_336 = arith.constant 0 : i32
      %dma_wait3A_337 = arith.constant 0 : i32
      %dma_wait3A_338 = tpu.memref_slice %arg3[%dma_wait3A_336, %dma_wait3A_337] : memref<1108992x5xf32, #tpu.memory_space<hbm>> -> memref<256x5xf32, #tpu.memory_space<hbm>>
      %dma_wait3A_339 = arith.constant 0 : i32
      %dma_wait3A_340 = arith.constant 0 : i32
      %dma_wait3A_341 = tpu.memref_slice %arg3[%dma_wait3A_339, %dma_wait3A_340] : memref<1108992x5xf32, #tpu.memory_space<hbm>> -> memref<256x5xf32, #tpu.memory_space<hbm>>
      tpu.wait_dma2 semaphore(%arg11 : memref<!tpu.dma_semaphore, #tpu.memory_space<semaphore_mem>>) src(%arg7 : memref<256x5xf32, #tpu.memory_space<vmem>>) dst(%dma_wait3A_341 : memref<256x5xf32, #tpu.memory_space<hbm>>)
      %parallel_loop3A_342 = arith.constant 0 : i32
      %parallel_loop3A_343 = arith.constant 16 : i32
      %parallel_loop3A_344 = arith.constant 1 : i32
      scf.for %parallel_loop3A_352 = %parallel_loop3A_342 to %parallel_loop3A_343 step %parallel_loop3A_344  : i32 {
        %parallel_loop3A_353 = arith.constant 16 : i32
        %parallel_loop3A_354 = arith.muli %parallel_loop3A_352, %parallel_loop3A_353 : i32
        %parallel_loop3A_355 = arith.addi %min3A_335, %parallel_loop3A_354 : i32
        %parallel_loop3A_356 = vector.broadcast %parallel_loop3A_355 : i32 to vector<16xi32>
        %parallel_loop3A_357 = arith.addi %parallel_loop3A_356, %iota3A : vector<16xi32>
        %parallel_loop3A_358 = arith.constant 76 : i32
        %parallel_loop3A_359 = vector.broadcast %parallel_loop3A_358 : i32 to vector<16xi32>
        %parallel_loop3A_360 = arith.remsi %parallel_loop3A_357, %parallel_loop3A_359 : vector<16xi32>
        %parallel_loop3A_361 = arith.sitofp %parallel_loop3A_360 : vector<16xi32> to vector<16xf32>
        %parallel_loop3A_362 = arith.constant 76 : i32
        %parallel_loop3A_363 = vector.broadcast %parallel_loop3A_362 : i32 to vector<16xi32>
        %parallel_loop3A_364 = arith.divsi %parallel_loop3A_357, %parallel_loop3A_363 : vector<16xi32>
        %parallel_loop3A_365 = arith.sitofp %parallel_loop3A_364 : vector<16xi32> to vector<16xf32>
        %parallel_loop3A_366 = arith.index_cast %parallel_loop3A_355 : i32 to index
        %parallel_loop3A_367 = tpu.vector_load %arg4[%parallel_loop3A_366] {strides = array<i32>} : memref<28880xf32, #tpu.memory_space<vmem>>, vector<16xf32>,
        %parallel_loop3A_368 = arith.constant 5776 : i32
        %parallel_loop3A_369 = arith.addi %parallel_loop3A_368, %parallel_loop3A_355 : i32
        %parallel_loop3A_370 = arith.index_cast %parallel_loop3A_369 : i32 to index
        %parallel_loop3A_371 = tpu.vector_load %arg4[%parallel_loop3A_370] {strides = array<i32>} : memref<28880xf32, #tpu.memory_space<vmem>>, vector<16xf32>,
        %parallel_loop3A_372 = arith.constant 11552 : i32
        %parallel_loop3A_373 = arith.addi %parallel_loop3A_372, %parallel_loop3A_355 : i32
        %parallel_loop3A_374 = arith.index_cast %parallel_loop3A_373 : i32 to index
        %parallel_loop3A_375 = tpu.vector_load %arg4[%parallel_loop3A_374] {strides = array<i32>} : memref<28880xf32, #tpu.memory_space<vmem>>, vector<16xf32>,
        %parallel_loop3A_376 = arith.constant 17328 : i32
        %parallel_loop3A_377 = arith.addi %parallel_loop3A_376, %parallel_loop3A_355 : i32
        %parallel_loop3A_378 = arith.index_cast %parallel_loop3A_377 : i32 to index
        %parallel_loop3A_379 = tpu.vector_load %arg4[%parallel_loop3A_378] {strides = array<i32>} : memref<28880xf32, #tpu.memory_space<vmem>>, vector<16xf32>,
        %parallel_loop3A_380 = arith.constant 23104 : i32
        %parallel_loop3A_381 = arith.addi %parallel_loop3A_380, %parallel_loop3A_355 : i32
        %parallel_loop3A_382 = arith.index_cast %parallel_loop3A_381 : i32 to index
        %parallel_loop3A_383 = tpu.vector_load %arg4[%parallel_loop3A_382] {strides = array<i32>} : memref<28880xf32, #tpu.memory_space<vmem>>, vector<16xf32>,
        %parallel_loop3A_384 = arith.constant 0.000000e+00 : f32
        %parallel_loop3A_385 = vector.broadcast %parallel_loop3A_384 : f32 to vector<16xf32>
        %parallel_loop3A_386 = arith.subf %parallel_loop3A_385, %parallel_loop3A_367 : vector<16xf32>
        %parallel_loop3A_387 = math.exp %parallel_loop3A_386 : vector<16xf32>
        %parallel_loop3A_388 = arith.constant 1.000000e+00 : f32
        %parallel_loop3A_389 = vector.broadcast %parallel_loop3A_388 : f32 to vector<16xf32>
        %parallel_loop3A_390 = arith.addf %parallel_loop3A_389, %parallel_loop3A_387 : vector<16xf32>
        %parallel_loop3A_391 = arith.constant 1.000000e+00 : f32
        %parallel_loop3A_392 = vector.broadcast %parallel_loop3A_391 : f32 to vector<16xf32>
        %parallel_loop3A_393 = arith.divf %parallel_loop3A_392, %parallel_loop3A_390 : vector<16xf32>
        %parallel_loop3A_394 = arith.addf %parallel_loop3A_393, %parallel_loop3A_361 : vector<16xf32>
        %parallel_loop3A_395 = arith.constant 8.000000e+00 : f32
        %parallel_loop3A_396 = vector.broadcast %parallel_loop3A_395 : f32 to vector<16xf32>
        %parallel_loop3A_397 = arith.mulf %parallel_loop3A_394, %parallel_loop3A_396 : vector<16xf32>
        %parallel_loop3A_398 = arith.constant 0.000000e+00 : f32
        %parallel_loop3A_399 = vector.broadcast %parallel_loop3A_398 : f32 to vector<16xf32>
        %parallel_loop3A_400 = arith.subf %parallel_loop3A_399, %parallel_loop3A_371 : vector<16xf32>
        %parallel_loop3A_401 = math.exp %parallel_loop3A_400 : vector<16xf32>
        %parallel_loop3A_402 = arith.constant 1.000000e+00 : f32
        %parallel_loop3A_403 = vector.broadcast %parallel_loop3A_402 : f32 to vector<16xf32>
        %parallel_loop3A_404 = arith.addf %parallel_loop3A_403, %parallel_loop3A_401 : vector<16xf32>
        %parallel_loop3A_405 = arith.constant 1.000000e+00 : f32
        %parallel_loop3A_406 = vector.broadcast %parallel_loop3A_405 : f32 to vector<16xf32>
        %parallel_loop3A_407 = arith.divf %parallel_loop3A_406, %parallel_loop3A_404 : vector<16xf32>
        %parallel_loop3A_408 = arith.addf %parallel_loop3A_407, %parallel_loop3A_365 : vector<16xf32>
        %parallel_loop3A_409 = arith.constant 8.000000e+00 : f32
        %parallel_loop3A_410 = vector.broadcast %parallel_loop3A_409 : f32 to vector<16xf32>
        %parallel_loop3A_411 = arith.mulf %parallel_loop3A_408, %parallel_loop3A_410 : vector<16xf32>
        %parallel_loop3A_412 = math.exp %parallel_loop3A_375 : vector<16xf32>
        %parallel_loop3A_413 = vector.broadcast %select_n3A_233 : f32 to vector<16xf32>
        %parallel_loop3A_414 = arith.mulf %parallel_loop3A_412, %parallel_loop3A_413 : vector<16xf32>
        %parallel_loop3A_415 = math.exp %parallel_loop3A_379 : vector<16xf32>
        %parallel_loop3A_416 = vector.broadcast %select_n3A_242 : f32 to vector<16xf32>
        %parallel_loop3A_417 = arith.mulf %parallel_loop3A_415, %parallel_loop3A_416 : vector<16xf32>
        %parallel_loop3A_418 = arith.constant 0.000000e+00 : f32
        %parallel_loop3A_419 = vector.broadcast %parallel_loop3A_418 : f32 to vector<16xf32>
        %parallel_loop3A_420 = arith.subf %parallel_loop3A_419, %parallel_loop3A_383 : vector<16xf32>
        %parallel_loop3A_421 = math.exp %parallel_loop3A_420 : vector<16xf32>
        %parallel_loop3A_422 = arith.constant 1.000000e+00 : f32
        %parallel_loop3A_423 = vector.broadcast %parallel_loop3A_422 : f32 to vector<16xf32>
        %parallel_loop3A_424 = arith.addf %parallel_loop3A_423, %parallel_loop3A_421 : vector<16xf32>
        %parallel_loop3A_425 = arith.constant 1.000000e+00 : f32
        %parallel_loop3A_426 = vector.broadcast %parallel_loop3A_425 : f32 to vector<16xf32>
        %parallel_loop3A_427 = arith.divf %parallel_loop3A_426, %parallel_loop3A_424 : vector<16xf32>
        %parallel_loop3A_428 = arith.constant 16 : i32
        %parallel_loop3A_429 = arith.muli %parallel_loop3A_352, %parallel_loop3A_428 : i32
        %parallel_loop3A_430 = vector.broadcast %parallel_loop3A_429 : i32 to vector<16xi32>
        %parallel_loop3A_431 = arith.addi %parallel_loop3A_430, %iota3A : vector<16xi32>
        %parallel_loop3A_432 = arith.subi %iota3A, %iota3A : vector<16xi32>
        %parallel_loop3A_433 = arith.constant 0 : i32
        %parallel_loop3A_434 = vector.broadcast %parallel_loop3A_433 : i32 to vector<16xi32>
        %parallel_loop3A_435 = arith.addi %parallel_loop3A_432, %parallel_loop3A_434 : vector<16xi32>
        tpu.vector_store_idx %arg7[%parallel_loop3A_431, %parallel_loop3A_435], %parallel_loop3A_397 : memref<256x5xf32, #tpu.memory_space<vmem>>[vector<16xi32>, vector<16xi32>], vector<16xf32>,
        %parallel_loop3A_436 = arith.constant 1 : i32
        %parallel_loop3A_437 = vector.broadcast %parallel_loop3A_436 : i32 to vector<16xi32>
        %parallel_loop3A_438 = arith.addi %parallel_loop3A_432, %parallel_loop3A_437 : vector<16xi32>
        tpu.vector_store_idx %arg7[%parallel_loop3A_431, %parallel_loop3A_438], %parallel_loop3A_411 : memref<256x5xf32, #tpu.memory_space<vmem>>[vector<16xi32>, vector<16xi32>], vector<16xf32>,
        %parallel_loop3A_439 = arith.constant 2 : i32
        %parallel_loop3A_440 = vector.broadcast %parallel_loop3A_439 : i32 to vector<16xi32>
        %parallel_loop3A_441 = arith.addi %parallel_loop3A_432, %parallel_loop3A_440 : vector<16xi32>
        tpu.vector_store_idx %arg7[%parallel_loop3A_431, %parallel_loop3A_441], %parallel_loop3A_414 : memref<256x5xf32, #tpu.memory_space<vmem>>[vector<16xi32>, vector<16xi32>], vector<16xf32>,
        %parallel_loop3A_442 = arith.constant 3 : i32
        %parallel_loop3A_443 = vector.broadcast %parallel_loop3A_442 : i32 to vector<16xi32>
        %parallel_loop3A_444 = arith.addi %parallel_loop3A_432, %parallel_loop3A_443 : vector<16xi32>
        tpu.vector_store_idx %arg7[%parallel_loop3A_431, %parallel_loop3A_444], %parallel_loop3A_417 : memref<256x5xf32, #tpu.memory_space<vmem>>[vector<16xi32>, vector<16xi32>], vector<16xf32>,
        %parallel_loop3A_445 = arith.constant 4 : i32
        %parallel_loop3A_446 = vector.broadcast %parallel_loop3A_445 : i32 to vector<16xi32>
        %parallel_loop3A_447 = arith.addi %parallel_loop3A_432, %parallel_loop3A_446 : vector<16xi32>
        tpu.vector_store_idx %arg7[%parallel_loop3A_431, %parallel_loop3A_447], %parallel_loop3A_427 : memref<256x5xf32, #tpu.memory_space<vmem>>[vector<16xi32>, vector<16xi32>], vector<16xf32>,
      } {sc.loop_unroll_factor = 8 : i64, sc.parallel_access}
      %mul3A_345 = arith.constant 5776 : i32
      %mul3A_346 = arith.muli %add3A_208, %mul3A_345 : i32
      %add3A_347 = arith.addi %mul3A_346, %min3A_335 : i32
      %dma_start3A_348 = arith.constant 0 : i32
      %dma_start3A_349 = tpu.memref_slice %arg3[%add3A_347, %dma_start3A_348] : memref<1108992x5xf32, #tpu.memory_space<hbm>> -> memref<256x5xf32, #tpu.memory_space<hbm>>
      %dma_start3A_350 = arith.constant 0 : i32
      %dma_start3A_351 = tpu.memref_slice %arg3[%add3A_347, %dma_start3A_350] : memref<1108992x5xf32, #tpu.memory_space<hbm>> -> memref<256x5xf32, #tpu.memory_space<hbm>>
      tpu.enqueue_dma source(%arg7 : memref<256x5xf32, #tpu.memory_space<vmem>>) target(%dma_start3A_351 : memref<256x5xf32, #tpu.memory_space<hbm>>) target_semaphore(%arg11 : memref<!tpu.dma_semaphore, #tpu.memory_space<semaphore_mem>>)
    }
    %scan3A_248 = arith.constant 12 : i32
    %dma_wait3A_249 = tpu.memref_slice %arg2[%mul3A_202] : memref<5544960xf32, #tpu.memory_space<hbm>> -> memref<28880xf32, #tpu.memory_space<hbm>>
    %dma_wait3A_250 = tpu.memref_slice %arg2[%mul3A_202] : memref<5544960xf32, #tpu.memory_space<hbm>> -> memref<28880xf32, #tpu.memory_space<hbm>>
    tpu.wait_dma2 semaphore(%arg9 : memref<!tpu.dma_semaphore, #tpu.memory_space<semaphore_mem>>) src(%dma_wait3A_250 : memref<28880xf32, #tpu.memory_space<hbm>>) dst(%arg5 : memref<28880xf32, #tpu.memory_space<vmem>>)
    %add3A_251 = arith.constant 5 : i32
    %add3A_252 = arith.addi %mul3A_2, %add3A_251 : i32
    %jit3A_253 = arith.constant 3 : i32
    %eq3A_254 = arith.constant 0 : i32
    %eq3A_255 = arith.cmpi eq, %jit3A_253, %eq3A_254 : i32
    %jit3A_256 = arith.constant 1 : i32
    %select_n3A_257 = arith.select %eq3A_255, %jit3A_256, %jit3A_253 : i32
    %rem3A_258 = arith.remsi %add3A_252, %select_n3A_257 : i32
    %ne3A_259 = arith.constant 0 : i32
    %ne3A_260 = arith.cmpi ne, %rem3A_258, %ne3A_259 : i32
    %lt3A_261 = arith.constant 0 : i32
    %lt3A_262 = arith.cmpi slt, %rem3A_258, %lt3A_261 : i32
    %lt3A_263 = arith.constant 0 : i32
    %lt3A_264 = arith.cmpi slt, %select_n3A_257, %lt3A_263 : i32
    %ne3A_265 = arith.xori %lt3A_262, %lt3A_264 : i1
    %and3A_266 = arith.andi %ne3A_265, %ne3A_260 : i1
    %add3A_267 = arith.addi %rem3A_258, %select_n3A_257 : i32
    %select_n3A_268 = arith.select %and3A_266, %add3A_267, %rem3A_258 : i32
    %eq3A_269 = arith.constant 0 : i32
    %eq3A_270 = arith.cmpi eq, %select_n3A_268, %eq3A_269 : i32
    %eq3A_271 = arith.constant 1 : i32
    %eq3A_272 = arith.cmpi eq, %select_n3A_268, %eq3A_271 : i32
    %jit3A_273 = arith.constant 1.600000e+01 : f32
    %jit3A_274 = arith.constant 3.300000e+01 : f32
    %select_n3A_275 = arith.select %eq3A_272, %jit3A_273, %jit3A_274 : f32
    %jit3A_276 = arith.constant 1.000000e+01 : f32
    %select_n3A_277 = arith.select %eq3A_270, %jit3A_276, %select_n3A_275 : f32
    %eq3A_278 = arith.constant 0 : i32
    %eq3A_279 = arith.cmpi eq, %select_n3A_268, %eq3A_278 : i32
    %eq3A_280 = arith.constant 1 : i32
    %eq3A_281 = arith.cmpi eq, %select_n3A_268, %eq3A_280 : i32
    %jit3A_282 = arith.constant 3.000000e+01 : f32
    %jit3A_283 = arith.constant 2.300000e+01 : f32
    %select_n3A_284 = arith.select %eq3A_281, %jit3A_282, %jit3A_283 : f32
    %jit3A_285 = arith.constant 1.300000e+01 : f32
    %select_n3A_286 = arith.select %eq3A_279, %jit3A_285, %select_n3A_284 : f32
    %scan3A_287 = arith.constant 0 : i32
    %scan3A_288 = arith.constant 0 : i32
    %scan3A_289 = arith.constant 12 : i32
    %scan3A_290 = arith.addi %scan3A_288, %scan3A_289 : i32
    %scan3A_291 = arith.constant 1 : i32
    scf.for %scan3A_305 = %scan3A_288 to %scan3A_290 step %scan3A_291  : i32 {
      %mul3A_306 = arith.constant 2 : i32
      %mul3A_307 = arith.muli %mul3A_306, %scan3A_305 : i32
      %add3A_308 = arith.constant 0 : i32
      %add3A_309 = arith.addi %mul3A_307, %add3A_308 : i32
      %mul3A_310 = arith.constant 256 : i32
      %mul3A_311 = arith.muli %add3A_309, %mul3A_310 : i32
      %min3A = arith.constant 5520 : i32
      %min3A_312 = arith.minsi %mul3A_311, %min3A : i32
      %dma_wait3A_313 = arith.constant 0 : i32
      %dma_wait3A_314 = arith.constant 0 : i32
      %dma_wait3A_315 = tpu.memref_slice %arg3[%dma_wait3A_313, %dma_wait3A_314] : memref<1108992x5xf32, #tpu.memory_space<hbm>> -> memref<256x5xf32, #tpu.memory_space<hbm>>
      %dma_wait3A_316 = arith.constant 0 : i32
      %dma_wait3A_317 = arith.constant 0 : i32
      %dma_wait3A_318 = tpu.memref_slice %arg3[%dma_wait3A_316, %dma_wait3A_317] : memref<1108992x5xf32, #tpu.memory_space<hbm>> -> memref<256x5xf32, #tpu.memory_space<hbm>>
      tpu.wait_dma2 semaphore(%arg10 : memref<!tpu.dma_semaphore, #tpu.memory_space<semaphore_mem>>) src(%arg6 : memref<256x5xf32, #tpu.memory_space<vmem>>) dst(%dma_wait3A_318 : memref<256x5xf32, #tpu.memory_space<hbm>>)
      %parallel_loop3A = arith.constant 0 : i32
      %parallel_loop3A_319 = arith.constant 16 : i32
      %parallel_loop3A_320 = arith.constant 1 : i32
      scf.for %parallel_loop3A_352 = %parallel_loop3A to %parallel_loop3A_319 step %parallel_loop3A_320  : i32 {
        %parallel_loop3A_353 = arith.constant 16 : i32
        %parallel_loop3A_354 = arith.muli %parallel_loop3A_352, %parallel_loop3A_353 : i32
        %parallel_loop3A_355 = arith.addi %min3A_312, %parallel_loop3A_354 : i32
        %parallel_loop3A_356 = vector.broadcast %parallel_loop3A_355 : i32 to vector<16xi32>
        %parallel_loop3A_357 = arith.addi %parallel_loop3A_356, %iota3A : vector<16xi32>
        %parallel_loop3A_358 = arith.constant 76 : i32
        %parallel_loop3A_359 = vector.broadcast %parallel_loop3A_358 : i32 to vector<16xi32>
        %parallel_loop3A_360 = arith.remsi %parallel_loop3A_357, %parallel_loop3A_359 : vector<16xi32>
        %parallel_loop3A_361 = arith.sitofp %parallel_loop3A_360 : vector<16xi32> to vector<16xf32>
        %parallel_loop3A_362 = arith.constant 76 : i32
        %parallel_loop3A_363 = vector.broadcast %parallel_loop3A_362 : i32 to vector<16xi32>
        %parallel_loop3A_364 = arith.divsi %parallel_loop3A_357, %parallel_loop3A_363 : vector<16xi32>
        %parallel_loop3A_365 = arith.sitofp %parallel_loop3A_364 : vector<16xi32> to vector<16xf32>
        %parallel_loop3A_366 = arith.index_cast %parallel_loop3A_355 : i32 to index
        %parallel_loop3A_367 = tpu.vector_load %arg5[%parallel_loop3A_366] {strides = array<i32>} : memref<28880xf32, #tpu.memory_space<vmem>>, vector<16xf32>,
        %parallel_loop3A_368 = arith.constant 5776 : i32
        %parallel_loop3A_369 = arith.addi %parallel_loop3A_368, %parallel_loop3A_355 : i32
        %parallel_loop3A_370 = arith.index_cast %parallel_loop3A_369 : i32 to index
        %parallel_loop3A_371 = tpu.vector_load %arg5[%parallel_loop3A_370] {strides = array<i32>} : memref<28880xf32, #tpu.memory_space<vmem>>, vector<16xf32>,
        %parallel_loop3A_372 = arith.constant 11552 : i32
        %parallel_loop3A_373 = arith.addi %parallel_loop3A_372, %parallel_loop3A_355 : i32
        %parallel_loop3A_374 = arith.index_cast %parallel_loop3A_373 : i32 to index
        %parallel_loop3A_375 = tpu.vector_load %arg5[%parallel_loop3A_374] {strides = array<i32>} : memref<28880xf32, #tpu.memory_space<vmem>>, vector<16xf32>,
        %parallel_loop3A_376 = arith.constant 17328 : i32
        %parallel_loop3A_377 = arith.addi %parallel_loop3A_376, %parallel_loop3A_355 : i32
        %parallel_loop3A_378 = arith.index_cast %parallel_loop3A_377 : i32 to index
        %parallel_loop3A_379 = tpu.vector_load %arg5[%parallel_loop3A_378] {strides = array<i32>} : memref<28880xf32, #tpu.memory_space<vmem>>, vector<16xf32>,
        %parallel_loop3A_380 = arith.constant 23104 : i32
        %parallel_loop3A_381 = arith.addi %parallel_loop3A_380, %parallel_loop3A_355 : i32
        %parallel_loop3A_382 = arith.index_cast %parallel_loop3A_381 : i32 to index
        %parallel_loop3A_383 = tpu.vector_load %arg5[%parallel_loop3A_382] {strides = array<i32>} : memref<28880xf32, #tpu.memory_space<vmem>>, vector<16xf32>,
        %parallel_loop3A_384 = arith.constant 0.000000e+00 : f32
        %parallel_loop3A_385 = vector.broadcast %parallel_loop3A_384 : f32 to vector<16xf32>
        %parallel_loop3A_386 = arith.subf %parallel_loop3A_385, %parallel_loop3A_367 : vector<16xf32>
        %parallel_loop3A_387 = math.exp %parallel_loop3A_386 : vector<16xf32>
        %parallel_loop3A_388 = arith.constant 1.000000e+00 : f32
        %parallel_loop3A_389 = vector.broadcast %parallel_loop3A_388 : f32 to vector<16xf32>
        %parallel_loop3A_390 = arith.addf %parallel_loop3A_389, %parallel_loop3A_387 : vector<16xf32>
        %parallel_loop3A_391 = arith.constant 1.000000e+00 : f32
        %parallel_loop3A_392 = vector.broadcast %parallel_loop3A_391 : f32 to vector<16xf32>
        %parallel_loop3A_393 = arith.divf %parallel_loop3A_392, %parallel_loop3A_390 : vector<16xf32>
        %parallel_loop3A_394 = arith.addf %parallel_loop3A_393, %parallel_loop3A_361 : vector<16xf32>
        %parallel_loop3A_395 = arith.constant 8.000000e+00 : f32
        %parallel_loop3A_396 = vector.broadcast %parallel_loop3A_395 : f32 to vector<16xf32>
        %parallel_loop3A_397 = arith.mulf %parallel_loop3A_394, %parallel_loop3A_396 : vector<16xf32>
        %parallel_loop3A_398 = arith.constant 0.000000e+00 : f32
        %parallel_loop3A_399 = vector.broadcast %parallel_loop3A_398 : f32 to vector<16xf32>
        %parallel_loop3A_400 = arith.subf %parallel_loop3A_399, %parallel_loop3A_371 : vector<16xf32>
        %parallel_loop3A_401 = math.exp %parallel_loop3A_400 : vector<16xf32>
        %parallel_loop3A_402 = arith.constant 1.000000e+00 : f32
        %parallel_loop3A_403 = vector.broadcast %parallel_loop3A_402 : f32 to vector<16xf32>
        %parallel_loop3A_404 = arith.addf %parallel_loop3A_403, %parallel_loop3A_401 : vector<16xf32>
        %parallel_loop3A_405 = arith.constant 1.000000e+00 : f32
        %parallel_loop3A_406 = vector.broadcast %parallel_loop3A_405 : f32 to vector<16xf32>
        %parallel_loop3A_407 = arith.divf %parallel_loop3A_406, %parallel_loop3A_404 : vector<16xf32>
        %parallel_loop3A_408 = arith.addf %parallel_loop3A_407, %parallel_loop3A_365 : vector<16xf32>
        %parallel_loop3A_409 = arith.constant 8.000000e+00 : f32
        %parallel_loop3A_410 = vector.broadcast %parallel_loop3A_409 : f32 to vector<16xf32>
        %parallel_loop3A_411 = arith.mulf %parallel_loop3A_408, %parallel_loop3A_410 : vector<16xf32>
        %parallel_loop3A_412 = math.exp %parallel_loop3A_375 : vector<16xf32>
        %parallel_loop3A_413 = vector.broadcast %select_n3A_277 : f32 to vector<16xf32>
        %parallel_loop3A_414 = arith.mulf %parallel_loop3A_412, %parallel_loop3A_413 : vector<16xf32>
        %parallel_loop3A_415 = math.exp %parallel_loop3A_379 : vector<16xf32>
        %parallel_loop3A_416 = vector.broadcast %select_n3A_286 : f32 to vector<16xf32>
        %parallel_loop3A_417 = arith.mulf %parallel_loop3A_415, %parallel_loop3A_416 : vector<16xf32>
        %parallel_loop3A_418 = arith.constant 0.000000e+00 : f32
        %parallel_loop3A_419 = vector.broadcast %parallel_loop3A_418 : f32 to vector<16xf32>
        %parallel_loop3A_420 = arith.subf %parallel_loop3A_419, %parallel_loop3A_383 : vector<16xf32>
        %parallel_loop3A_421 = math.exp %parallel_loop3A_420 : vector<16xf32>
        %parallel_loop3A_422 = arith.constant 1.000000e+00 : f32
        %parallel_loop3A_423 = vector.broadcast %parallel_loop3A_422 : f32 to vector<16xf32>
        %parallel_loop3A_424 = arith.addf %parallel_loop3A_423, %parallel_loop3A_421 : vector<16xf32>
        %parallel_loop3A_425 = arith.constant 1.000000e+00 : f32
        %parallel_loop3A_426 = vector.broadcast %parallel_loop3A_425 : f32 to vector<16xf32>
        %parallel_loop3A_427 = arith.divf %parallel_loop3A_426, %parallel_loop3A_424 : vector<16xf32>
        %parallel_loop3A_428 = arith.constant 16 : i32
        %parallel_loop3A_429 = arith.muli %parallel_loop3A_352, %parallel_loop3A_428 : i32
        %parallel_loop3A_430 = vector.broadcast %parallel_loop3A_429 : i32 to vector<16xi32>
        %parallel_loop3A_431 = arith.addi %parallel_loop3A_430, %iota3A : vector<16xi32>
        %parallel_loop3A_432 = arith.subi %iota3A, %iota3A : vector<16xi32>
        %parallel_loop3A_433 = arith.constant 0 : i32
        %parallel_loop3A_434 = vector.broadcast %parallel_loop3A_433 : i32 to vector<16xi32>
        %parallel_loop3A_435 = arith.addi %parallel_loop3A_432, %parallel_loop3A_434 : vector<16xi32>
        tpu.vector_store_idx %arg6[%parallel_loop3A_431, %parallel_loop3A_435], %parallel_loop3A_397 : memref<256x5xf32, #tpu.memory_space<vmem>>[vector<16xi32>, vector<16xi32>], vector<16xf32>,
        %parallel_loop3A_436 = arith.constant 1 : i32
        %parallel_loop3A_437 = vector.broadcast %parallel_loop3A_436 : i32 to vector<16xi32>
        %parallel_loop3A_438 = arith.addi %parallel_loop3A_432, %parallel_loop3A_437 : vector<16xi32>
        tpu.vector_store_idx %arg6[%parallel_loop3A_431, %parallel_loop3A_438], %parallel_loop3A_411 : memref<256x5xf32, #tpu.memory_space<vmem>>[vector<16xi32>, vector<16xi32>], vector<16xf32>,
        %parallel_loop3A_439 = arith.constant 2 : i32
        %parallel_loop3A_440 = vector.broadcast %parallel_loop3A_439 : i32 to vector<16xi32>
        %parallel_loop3A_441 = arith.addi %parallel_loop3A_432, %parallel_loop3A_440 : vector<16xi32>
        tpu.vector_store_idx %arg6[%parallel_loop3A_431, %parallel_loop3A_441], %parallel_loop3A_414 : memref<256x5xf32, #tpu.memory_space<vmem>>[vector<16xi32>, vector<16xi32>], vector<16xf32>,
        %parallel_loop3A_442 = arith.constant 3 : i32
        %parallel_loop3A_443 = vector.broadcast %parallel_loop3A_442 : i32 to vector<16xi32>
        %parallel_loop3A_444 = arith.addi %parallel_loop3A_432, %parallel_loop3A_443 : vector<16xi32>
        tpu.vector_store_idx %arg6[%parallel_loop3A_431, %parallel_loop3A_444], %parallel_loop3A_417 : memref<256x5xf32, #tpu.memory_space<vmem>>[vector<16xi32>, vector<16xi32>], vector<16xf32>,
        %parallel_loop3A_445 = arith.constant 4 : i32
        %parallel_loop3A_446 = vector.broadcast %parallel_loop3A_445 : i32 to vector<16xi32>
        %parallel_loop3A_447 = arith.addi %parallel_loop3A_432, %parallel_loop3A_446 : vector<16xi32>
        tpu.vector_store_idx %arg6[%parallel_loop3A_431, %parallel_loop3A_447], %parallel_loop3A_427 : memref<256x5xf32, #tpu.memory_space<vmem>>[vector<16xi32>, vector<16xi32>], vector<16xf32>,
      } {sc.loop_unroll_factor = 8 : i64, sc.parallel_access}
      %mul3A_321 = arith.constant 5776 : i32
      %mul3A_322 = arith.muli %add3A_252, %mul3A_321 : i32
      %add3A_323 = arith.addi %mul3A_322, %min3A_312 : i32
      %dma_start3A_324 = arith.constant 0 : i32
      %dma_start3A_325 = tpu.memref_slice %arg3[%add3A_323, %dma_start3A_324] : memref<1108992x5xf32, #tpu.memory_space<hbm>> -> memref<256x5xf32, #tpu.memory_space<hbm>>
      %dma_start3A_326 = arith.constant 0 : i32
      %dma_start3A_327 = tpu.memref_slice %arg3[%add3A_323, %dma_start3A_326] : memref<1108992x5xf32, #tpu.memory_space<hbm>> -> memref<256x5xf32, #tpu.memory_space<hbm>>
      tpu.enqueue_dma source(%arg6 : memref<256x5xf32, #tpu.memory_space<vmem>>) target(%dma_start3A_327 : memref<256x5xf32, #tpu.memory_space<hbm>>) target_semaphore(%arg10 : memref<!tpu.dma_semaphore, #tpu.memory_space<semaphore_mem>>)
      %mul3A_328 = arith.constant 2 : i32
      %mul3A_329 = arith.muli %mul3A_328, %scan3A_305 : i32
      %add3A_330 = arith.constant 1 : i32
      %add3A_331 = arith.addi %mul3A_329, %add3A_330 : i32
      %mul3A_332 = arith.constant 256 : i32
      %mul3A_333 = arith.muli %add3A_331, %mul3A_332 : i32
      %min3A_334 = arith.constant 5520 : i32
      %min3A_335 = arith.minsi %mul3A_333, %min3A_334 : i32
      %dma_wait3A_336 = arith.constant 0 : i32
      %dma_wait3A_337 = arith.constant 0 : i32
      %dma_wait3A_338 = tpu.memref_slice %arg3[%dma_wait3A_336, %dma_wait3A_337] : memref<1108992x5xf32, #tpu.memory_space<hbm>> -> memref<256x5xf32, #tpu.memory_space<hbm>>
      %dma_wait3A_339 = arith.constant 0 : i32
      %dma_wait3A_340 = arith.constant 0 : i32
      %dma_wait3A_341 = tpu.memref_slice %arg3[%dma_wait3A_339, %dma_wait3A_340] : memref<1108992x5xf32, #tpu.memory_space<hbm>> -> memref<256x5xf32, #tpu.memory_space<hbm>>
      tpu.wait_dma2 semaphore(%arg11 : memref<!tpu.dma_semaphore, #tpu.memory_space<semaphore_mem>>) src(%arg7 : memref<256x5xf32, #tpu.memory_space<vmem>>) dst(%dma_wait3A_341 : memref<256x5xf32, #tpu.memory_space<hbm>>)
      %parallel_loop3A_342 = arith.constant 0 : i32
      %parallel_loop3A_343 = arith.constant 16 : i32
      %parallel_loop3A_344 = arith.constant 1 : i32
      scf.for %parallel_loop3A_352 = %parallel_loop3A_342 to %parallel_loop3A_343 step %parallel_loop3A_344  : i32 {
        %parallel_loop3A_353 = arith.constant 16 : i32
        %parallel_loop3A_354 = arith.muli %parallel_loop3A_352, %parallel_loop3A_353 : i32
        %parallel_loop3A_355 = arith.addi %min3A_335, %parallel_loop3A_354 : i32
        %parallel_loop3A_356 = vector.broadcast %parallel_loop3A_355 : i32 to vector<16xi32>
        %parallel_loop3A_357 = arith.addi %parallel_loop3A_356, %iota3A : vector<16xi32>
        %parallel_loop3A_358 = arith.constant 76 : i32
        %parallel_loop3A_359 = vector.broadcast %parallel_loop3A_358 : i32 to vector<16xi32>
        %parallel_loop3A_360 = arith.remsi %parallel_loop3A_357, %parallel_loop3A_359 : vector<16xi32>
        %parallel_loop3A_361 = arith.sitofp %parallel_loop3A_360 : vector<16xi32> to vector<16xf32>
        %parallel_loop3A_362 = arith.constant 76 : i32
        %parallel_loop3A_363 = vector.broadcast %parallel_loop3A_362 : i32 to vector<16xi32>
        %parallel_loop3A_364 = arith.divsi %parallel_loop3A_357, %parallel_loop3A_363 : vector<16xi32>
        %parallel_loop3A_365 = arith.sitofp %parallel_loop3A_364 : vector<16xi32> to vector<16xf32>
        %parallel_loop3A_366 = arith.index_cast %parallel_loop3A_355 : i32 to index
        %parallel_loop3A_367 = tpu.vector_load %arg5[%parallel_loop3A_366] {strides = array<i32>} : memref<28880xf32, #tpu.memory_space<vmem>>, vector<16xf32>,
        %parallel_loop3A_368 = arith.constant 5776 : i32
        %parallel_loop3A_369 = arith.addi %parallel_loop3A_368, %parallel_loop3A_355 : i32
        %parallel_loop3A_370 = arith.index_cast %parallel_loop3A_369 : i32 to index
        %parallel_loop3A_371 = tpu.vector_load %arg5[%parallel_loop3A_370] {strides = array<i32>} : memref<28880xf32, #tpu.memory_space<vmem>>, vector<16xf32>,
        %parallel_loop3A_372 = arith.constant 11552 : i32
        %parallel_loop3A_373 = arith.addi %parallel_loop3A_372, %parallel_loop3A_355 : i32
        %parallel_loop3A_374 = arith.index_cast %parallel_loop3A_373 : i32 to index
        %parallel_loop3A_375 = tpu.vector_load %arg5[%parallel_loop3A_374] {strides = array<i32>} : memref<28880xf32, #tpu.memory_space<vmem>>, vector<16xf32>,
        %parallel_loop3A_376 = arith.constant 17328 : i32
        %parallel_loop3A_377 = arith.addi %parallel_loop3A_376, %parallel_loop3A_355 : i32
        %parallel_loop3A_378 = arith.index_cast %parallel_loop3A_377 : i32 to index
        %parallel_loop3A_379 = tpu.vector_load %arg5[%parallel_loop3A_378] {strides = array<i32>} : memref<28880xf32, #tpu.memory_space<vmem>>, vector<16xf32>,
        %parallel_loop3A_380 = arith.constant 23104 : i32
        %parallel_loop3A_381 = arith.addi %parallel_loop3A_380, %parallel_loop3A_355 : i32
        %parallel_loop3A_382 = arith.index_cast %parallel_loop3A_381 : i32 to index
        %parallel_loop3A_383 = tpu.vector_load %arg5[%parallel_loop3A_382] {strides = array<i32>} : memref<28880xf32, #tpu.memory_space<vmem>>, vector<16xf32>,
        %parallel_loop3A_384 = arith.constant 0.000000e+00 : f32
        %parallel_loop3A_385 = vector.broadcast %parallel_loop3A_384 : f32 to vector<16xf32>
        %parallel_loop3A_386 = arith.subf %parallel_loop3A_385, %parallel_loop3A_367 : vector<16xf32>
        %parallel_loop3A_387 = math.exp %parallel_loop3A_386 : vector<16xf32>
        %parallel_loop3A_388 = arith.constant 1.000000e+00 : f32
        %parallel_loop3A_389 = vector.broadcast %parallel_loop3A_388 : f32 to vector<16xf32>
        %parallel_loop3A_390 = arith.addf %parallel_loop3A_389, %parallel_loop3A_387 : vector<16xf32>
        %parallel_loop3A_391 = arith.constant 1.000000e+00 : f32
        %parallel_loop3A_392 = vector.broadcast %parallel_loop3A_391 : f32 to vector<16xf32>
        %parallel_loop3A_393 = arith.divf %parallel_loop3A_392, %parallel_loop3A_390 : vector<16xf32>
        %parallel_loop3A_394 = arith.addf %parallel_loop3A_393, %parallel_loop3A_361 : vector<16xf32>
        %parallel_loop3A_395 = arith.constant 8.000000e+00 : f32
        %parallel_loop3A_396 = vector.broadcast %parallel_loop3A_395 : f32 to vector<16xf32>
        %parallel_loop3A_397 = arith.mulf %parallel_loop3A_394, %parallel_loop3A_396 : vector<16xf32>
        %parallel_loop3A_398 = arith.constant 0.000000e+00 : f32
        %parallel_loop3A_399 = vector.broadcast %parallel_loop3A_398 : f32 to vector<16xf32>
        %parallel_loop3A_400 = arith.subf %parallel_loop3A_399, %parallel_loop3A_371 : vector<16xf32>
        %parallel_loop3A_401 = math.exp %parallel_loop3A_400 : vector<16xf32>
        %parallel_loop3A_402 = arith.constant 1.000000e+00 : f32
        %parallel_loop3A_403 = vector.broadcast %parallel_loop3A_402 : f32 to vector<16xf32>
        %parallel_loop3A_404 = arith.addf %parallel_loop3A_403, %parallel_loop3A_401 : vector<16xf32>
        %parallel_loop3A_405 = arith.constant 1.000000e+00 : f32
        %parallel_loop3A_406 = vector.broadcast %parallel_loop3A_405 : f32 to vector<16xf32>
        %parallel_loop3A_407 = arith.divf %parallel_loop3A_406, %parallel_loop3A_404 : vector<16xf32>
        %parallel_loop3A_408 = arith.addf %parallel_loop3A_407, %parallel_loop3A_365 : vector<16xf32>
        %parallel_loop3A_409 = arith.constant 8.000000e+00 : f32
        %parallel_loop3A_410 = vector.broadcast %parallel_loop3A_409 : f32 to vector<16xf32>
        %parallel_loop3A_411 = arith.mulf %parallel_loop3A_408, %parallel_loop3A_410 : vector<16xf32>
        %parallel_loop3A_412 = math.exp %parallel_loop3A_375 : vector<16xf32>
        %parallel_loop3A_413 = vector.broadcast %select_n3A_277 : f32 to vector<16xf32>
        %parallel_loop3A_414 = arith.mulf %parallel_loop3A_412, %parallel_loop3A_413 : vector<16xf32>
        %parallel_loop3A_415 = math.exp %parallel_loop3A_379 : vector<16xf32>
        %parallel_loop3A_416 = vector.broadcast %select_n3A_286 : f32 to vector<16xf32>
        %parallel_loop3A_417 = arith.mulf %parallel_loop3A_415, %parallel_loop3A_416 : vector<16xf32>
        %parallel_loop3A_418 = arith.constant 0.000000e+00 : f32
        %parallel_loop3A_419 = vector.broadcast %parallel_loop3A_418 : f32 to vector<16xf32>
        %parallel_loop3A_420 = arith.subf %parallel_loop3A_419, %parallel_loop3A_383 : vector<16xf32>
        %parallel_loop3A_421 = math.exp %parallel_loop3A_420 : vector<16xf32>
        %parallel_loop3A_422 = arith.constant 1.000000e+00 : f32
        %parallel_loop3A_423 = vector.broadcast %parallel_loop3A_422 : f32 to vector<16xf32>
        %parallel_loop3A_424 = arith.addf %parallel_loop3A_423, %parallel_loop3A_421 : vector<16xf32>
        %parallel_loop3A_425 = arith.constant 1.000000e+00 : f32
        %parallel_loop3A_426 = vector.broadcast %parallel_loop3A_425 : f32 to vector<16xf32>
        %parallel_loop3A_427 = arith.divf %parallel_loop3A_426, %parallel_loop3A_424 : vector<16xf32>
        %parallel_loop3A_428 = arith.constant 16 : i32
        %parallel_loop3A_429 = arith.muli %parallel_loop3A_352, %parallel_loop3A_428 : i32
        %parallel_loop3A_430 = vector.broadcast %parallel_loop3A_429 : i32 to vector<16xi32>
        %parallel_loop3A_431 = arith.addi %parallel_loop3A_430, %iota3A : vector<16xi32>
        %parallel_loop3A_432 = arith.subi %iota3A, %iota3A : vector<16xi32>
        %parallel_loop3A_433 = arith.constant 0 : i32
        %parallel_loop3A_434 = vector.broadcast %parallel_loop3A_433 : i32 to vector<16xi32>
        %parallel_loop3A_435 = arith.addi %parallel_loop3A_432, %parallel_loop3A_434 : vector<16xi32>
        tpu.vector_store_idx %arg7[%parallel_loop3A_431, %parallel_loop3A_435], %parallel_loop3A_397 : memref<256x5xf32, #tpu.memory_space<vmem>>[vector<16xi32>, vector<16xi32>], vector<16xf32>,
        %parallel_loop3A_436 = arith.constant 1 : i32
        %parallel_loop3A_437 = vector.broadcast %parallel_loop3A_436 : i32 to vector<16xi32>
        %parallel_loop3A_438 = arith.addi %parallel_loop3A_432, %parallel_loop3A_437 : vector<16xi32>
        tpu.vector_store_idx %arg7[%parallel_loop3A_431, %parallel_loop3A_438], %parallel_loop3A_411 : memref<256x5xf32, #tpu.memory_space<vmem>>[vector<16xi32>, vector<16xi32>], vector<16xf32>,
        %parallel_loop3A_439 = arith.constant 2 : i32
        %parallel_loop3A_440 = vector.broadcast %parallel_loop3A_439 : i32 to vector<16xi32>
        %parallel_loop3A_441 = arith.addi %parallel_loop3A_432, %parallel_loop3A_440 : vector<16xi32>
        tpu.vector_store_idx %arg7[%parallel_loop3A_431, %parallel_loop3A_441], %parallel_loop3A_414 : memref<256x5xf32, #tpu.memory_space<vmem>>[vector<16xi32>, vector<16xi32>], vector<16xf32>,
        %parallel_loop3A_442 = arith.constant 3 : i32
        %parallel_loop3A_443 = vector.broadcast %parallel_loop3A_442 : i32 to vector<16xi32>
        %parallel_loop3A_444 = arith.addi %parallel_loop3A_432, %parallel_loop3A_443 : vector<16xi32>
        tpu.vector_store_idx %arg7[%parallel_loop3A_431, %parallel_loop3A_444], %parallel_loop3A_417 : memref<256x5xf32, #tpu.memory_space<vmem>>[vector<16xi32>, vector<16xi32>], vector<16xf32>,
        %parallel_loop3A_445 = arith.constant 4 : i32
        %parallel_loop3A_446 = vector.broadcast %parallel_loop3A_445 : i32 to vector<16xi32>
        %parallel_loop3A_447 = arith.addi %parallel_loop3A_432, %parallel_loop3A_446 : vector<16xi32>
        tpu.vector_store_idx %arg7[%parallel_loop3A_431, %parallel_loop3A_447], %parallel_loop3A_427 : memref<256x5xf32, #tpu.memory_space<vmem>>[vector<16xi32>, vector<16xi32>], vector<16xf32>,
      } {sc.loop_unroll_factor = 8 : i64, sc.parallel_access}
      %mul3A_345 = arith.constant 5776 : i32
      %mul3A_346 = arith.muli %add3A_252, %mul3A_345 : i32
      %add3A_347 = arith.addi %mul3A_346, %min3A_335 : i32
      %dma_start3A_348 = arith.constant 0 : i32
      %dma_start3A_349 = tpu.memref_slice %arg3[%add3A_347, %dma_start3A_348] : memref<1108992x5xf32, #tpu.memory_space<hbm>> -> memref<256x5xf32, #tpu.memory_space<hbm>>
      %dma_start3A_350 = arith.constant 0 : i32
      %dma_start3A_351 = tpu.memref_slice %arg3[%add3A_347, %dma_start3A_350] : memref<1108992x5xf32, #tpu.memory_space<hbm>> -> memref<256x5xf32, #tpu.memory_space<hbm>>
      tpu.enqueue_dma source(%arg7 : memref<256x5xf32, #tpu.memory_space<vmem>>) target(%dma_start3A_351 : memref<256x5xf32, #tpu.memory_space<hbm>>) target_semaphore(%arg11 : memref<!tpu.dma_semaphore, #tpu.memory_space<semaphore_mem>>)
    }
    %scan3A_292 = arith.constant 12 : i32
    %dma_wait3A_293 = arith.constant 0 : i32
    %dma_wait3A_294 = arith.constant 0 : i32
    %dma_wait3A_295 = tpu.memref_slice %arg3[%dma_wait3A_293, %dma_wait3A_294] : memref<1108992x5xf32, #tpu.memory_space<hbm>> -> memref<256x5xf32, #tpu.memory_space<hbm>>
    %dma_wait3A_296 = arith.constant 0 : i32
    %dma_wait3A_297 = arith.constant 0 : i32
    %dma_wait3A_298 = tpu.memref_slice %arg3[%dma_wait3A_296, %dma_wait3A_297] : memref<1108992x5xf32, #tpu.memory_space<hbm>> -> memref<256x5xf32, #tpu.memory_space<hbm>>
    tpu.wait_dma2 semaphore(%arg10 : memref<!tpu.dma_semaphore, #tpu.memory_space<semaphore_mem>>) src(%arg6 : memref<256x5xf32, #tpu.memory_space<vmem>>) dst(%dma_wait3A_298 : memref<256x5xf32, #tpu.memory_space<hbm>>)
    %dma_wait3A_299 = arith.constant 0 : i32
    %dma_wait3A_300 = arith.constant 0 : i32
    %dma_wait3A_301 = tpu.memref_slice %arg3[%dma_wait3A_299, %dma_wait3A_300] : memref<1108992x5xf32, #tpu.memory_space<hbm>> -> memref<256x5xf32, #tpu.memory_space<hbm>>
    %dma_wait3A_302 = arith.constant 0 : i32
    %dma_wait3A_303 = arith.constant 0 : i32
    %dma_wait3A_304 = tpu.memref_slice %arg3[%dma_wait3A_302, %dma_wait3A_303] : memref<1108992x5xf32, #tpu.memory_space<hbm>> -> memref<256x5xf32, #tpu.memory_space<hbm>>
    tpu.wait_dma2 semaphore(%arg11 : memref<!tpu.dma_semaphore, #tpu.memory_space<semaphore_mem>>) src(%arg7 : memref<256x5xf32, #tpu.memory_space<vmem>>) dst(%dma_wait3A_304 : memref<256x5xf32, #tpu.memory_space<hbm>>)
    return
  }
}

</mosaic_0001>

<sc_bundles>
// kernel: kernel.3.cloned.1.call-start
scs
__scs_entry_jumppad:
0x0: {  	(pc) =	sbr.rel $0x88, $3  }
0x1: {  	(tag) =	ssettag $0x0;
	lr =	simm.s32 $0x1  }
0x2: {  	[smem:$0x3FA0] =	sst lr;
	_ =	strace $0xD0000000  }
0x3: {  	_ = 	snop  }
0x4: {  	_ = 	snop  }
0x5: {  	_ = 	snop  }
0x6: {  	_ = 	snop  }
0x7: {  	_ = 	snop  }
__scs_overlays_trampoline_lowered:
0x8: {  	[smem:$0x3FAF] =	sst s0  }
0x9: {  	[smem:$0x3FB0] =	sst s1  }
0xa: {  	[smem:$0x3FB1] =	sst s2  }
0xb: {  	[smem:$0x3FB2] =	sst s3  }
0xc: {  	[smem:$0x3FB3] =	sst s4  }
0xd: {  	[smem:$0x3FB4] =	sst s5  }
0xe: {  	[smem:$0x3FB5] =	sst s6  }
0xf: {  	[smem:$0x3FB6] =	sst s7  }
0x10: {  	[smem:$0x3FB7] =	sst s8  }
0x11: {  	[smem:$0x3FB8] =	sst s9;
	s0 =	simm.s32 @!p0 $0x0  }
0x12: {  	s1 =	sld [smem:$0x3F9E];
	s0 =	simm.s32 @p0 $0x1  }
0x13: {  	[smem:$0x3FB9] =	sst s0;
	s0 =	simm.s32 @!p1 $0x0  }
0x14: {  	s2 =	sld [smem:$0x3F9D];
	s0 =	simm.s32 @p1 $0x1  }
0x15: {  	[smem:$0x3FBA] =	sst s0;
	s0 =	simm.s32 @!p2 $0x0  }
0x16: {  	s3 =	sld [smem:$0x3FDB];
	s0 =	simm.s32 @p2 $0x1  }
0x17: {  	s4 =	simm.s32 $0x1BF5;
	[smem:$0x3FBC] =	sst s0  }
0x18: {  	s0 =	sld [smem:$0x3F9F];
	_ =	swait.ge [sflag:s4], $0x0  }
0x19: {  	s7 =	sld [smem:$0x3FA0]  }
0x1a: {  	s8 =	sadd.s32 $0xFFFFE003, lr  }
0x1b: {  	s9 =	sadd.s32 $0xFFFFFEF7, lr;
	s5 =	simm.s32 $0xFFFFFFFF;
	p2 =	slt.u32 s8, $0xFFFFF086  }
0x1c: {  	p1 =	slt.u32 s9, $0xF7A;
	s5 =	simm.s32 @!p2 $0x0  }
0x1d: {  	s5 =	simm.s32 @p1 $0x1;
	p0 =	seq.s32 s7, s2  }
0x1e: {  	s7 =	smul.u32 @!p0 $0xF7A, s2;
	p2 =	seq.s32 @!p0 s5, $0x0  }
0x1f: {  	s9 =	smul.u32 $0xF7A, s1;
	s8 =	simm.s32 @!p0 $0x1BF5;
	p2 =	por !p2, p0  }
0x20: {  	[sflag:s8] =	ssyncset.s32 @!p0 $0xFFFFF086;
	s6 =	sadd.s32 @!p0 s3, s7;
	s7 =	simm.s32 @!p0 $0x108  }
0x21: {  	s3 =	sadd.s32 s3, s9;
	s6 =	sadd.s32 @!p0 $0x88, s6;
	s7 =	simm.s32 @p2 $0x1082  }
0x22: {  	[simem:s7], [sflag:s8] =	dma.local @!p0 [hbm:s6], $0xF7A  }
0x23: {  	s9 =	sor.u32 $0xD0000000, s2;
	s6 =	simm.s32 $0x108;
	_ =	swait.ge @!p0 [sflag:s8], $0x0  }
0x24: {  	s3 =	sadd.s32 $0x88, s3;
	s6 =	simm.s32 @!p1 $0x1082;
	[sflag:s4] =	ssyncset.s32 $0xFFFFF086  }
0x25: {  	[simem:s6], [sflag:s4] =	dma.local [hbm:s3], $0xF7A  }
0x26: {  	[smem:$0x3FA0] =	sst s1;
	(tag) =	ssettag s2;
	_ =	strace s9  }
0x27: {  	s1 =	sld [smem:$0x3FB0]  }
0x28: {  	s2 =	sld [smem:$0x3FB1]  }
0x29: {  	s4 =	sld [smem:$0x3FB3]  }
0x2a: {  	p0 =	seq.s32 s5, $0x0;
	s5 =	sld [smem:$0x3FB4]  }
0x2b: {  	s6 =	sld [smem:$0x3FB5]  }
0x2c: {  	s7 =	sld [smem:$0x3FB6]  }
0x2d: {  	s3 =	simm.s32 $0x108;
	s8 =	sld [smem:$0x3FB7]  }
0x2e: {  	s3 =	simm.s32 @!p0 $0x1082;
	s9 =	sld [smem:$0x3FB8]  }
0x2f: {  	lr =	sadd.s32 s0, s3;
	s0 =	sld [smem:$0x3FAF]  }
0x30: {  	s3 =	sld [smem:$0x3FB2]  }
0x31: {  	[smem:$0x3FBB] =	sst s10  }
0x32: {  	s10 =	sld [smem:$0x3FB9];
	_ =	sdelay $0x3  }
0x33: {  	p0 =	seq.s32 s10, $0x1;
	s10 =	sld [smem:$0x3FBB];
	_ =	sdelay $0x3  }
0x34: {  	[smem:$0x3FBB] =	sst s10  }
0x35: {  	s10 =	sld [smem:$0x3FBA];
	_ =	sdelay $0x3  }
0x36: {  	p1 =	seq.s32 s10, $0x1;
	s10 =	sld [smem:$0x3FBB];
	_ =	sdelay $0x3  }
0x37: {  	[smem:$0x3FBB] =	sst s10  }
0x38: {  	s10 =	sld [smem:$0x3FBC]  }
0x39: {  	_ = 	snop;
	(pc) =	sbr.ind lr, $3  }
0x3a: {  	_ = 	snop  }
0x3b: {  	_ = 	snop  }
0x3c: {  	p2 =	seq.s32 s10, $0x1;
	s10 =	sld [smem:$0x3FBB]  }
0x3d: {  	_ =	shalt  }
0x3e: {  	_ =	shalt  }
0x3f: {  	_ =	shalt  }
0x40: {  	_ =	shalt  }
0x41: {  	_ =	shalt  }
0x42: {  	_ =	shalt  }
0x43: {  	_ =	shalt  }
0x44: {  	_ =	shalt  }
0x45: {  	_ =	shalt  }
0x46: {  	_ =	shalt  }
0x47: {  	_ =	shalt  }
0x48: {  	_ =	shalt  }
0x49: {  	_ =	shalt  }
0x4a: {  	_ =	shalt  }
0x4b: {  	_ =	shalt  }
0x4c: {  	_ =	shalt  }
0x4d: {  	_ =	shalt  }
0x4e: {  	_ =	shalt  }
0x4f: {  	_ =	shalt  }
0x50: {  	_ =	shalt  }
0x51: {  	_ =	shalt  }
0x52: {  	_ =	shalt  }
0x53: {  	_ =	shalt  }
0x54: {  	_ =	shalt  }
0x55: {  	_ =	shalt  }
0x56: {  	_ =	shalt  }
0x57: {  	_ =	shalt  }
0x58: {  	_ =	shalt  }
0x59: {  	_ =	shalt  }
0x5a: {  	_ =	shalt  }
0x5b: {  	_ =	shalt  }
0x5c: {  	_ =	shalt  }
0x5d: {  	_ =	shalt  }
0x5e: {  	_ =	shalt  }
0x5f: {  	_ =	shalt  }
0x60: {  	_ =	shalt  }
0x61: {  	_ =	shalt  }
0x62: {  	_ =	shalt  }
0x63: {  	_ =	shalt  }
0x64: {  	_ =	shalt  }
0x65: {  	_ =	shalt  }
0x66: {  	_ =	shalt  }
0x67: {  	_ =	shalt  }
0x68: {  	_ =	shalt  }
0x69: {  	_ =	shalt  }
0x6a: {  	_ =	shalt  }
0x6b: {  	_ =	shalt  }
0x6c: {  	_ =	shalt  }
0x6d: {  	_ =	shalt  }
0x6e: {  	_ =	shalt  }
0x6f: {  	_ =	shalt  }
0x70: {  	_ =	shalt  }
0x71: {  	_ =	shalt  }
0x72: {  	_ =	shalt  }
0x73: {  	_ =	shalt  }
0x74: {  	_ =	shalt  }
0x75: {  	_ =	shalt  }
0x76: {  	_ =	shalt  }
0x77: {  	_ =	shalt  }
0x78: {  	_ =	shalt  }
0x79: {  	_ =	shalt  }
0x7a: {  	_ =	shalt  }
0x7b: {  	_ =	shalt  }
0x7c: {  	_ =	shalt  }
0x7d: {  	_ =	shalt  }
0x7e: {  	_ =	shalt  }
0x7f: {  	_ =	shalt  }
0x80: {  	_ =	shalt  }
0x81: {  	_ =	shalt  }
0x82: {  	_ =	shalt  }
0x83: {  	_ =	shalt  }
0x84: {  	_ =	shalt  }
0x85: {  	_ =	shalt  }
0x86: {  	_ =	shalt  }
0x87: {  	_ =	shalt  }
.Lfunc_end0:
.L_simem_size_0:
called_computation_lowered:
.L_overlay_start_0:
0x88: {  	s2 =	sld [smem:$0x3FD9]  }
0x89: {  	s3 =	sld [smem:$0x3FFE];
	_ =	sdelay $0x1  }
0x8a: {  	s1 =	srdreg.scid  }
0x8b: {  	s0 =	sand.u32 $0x1, s1  }
0x8c: {  	s17 =	sshll.u32 s0, $0xA;
	s2 =	sadd.s32 s3, s2  }
0x8d: {  	s2 =	sadd.s32 s2, s17  }
0x8e: {  	[smem:$0x3FC7] =	sst s2  }
0x8f: {  	_ = 	snop  }
0x90: {  	s2 =	sld [smem:$0x3FD0];
	(tm) =	ssettm $0x1  }
0x91: {  	s18 =	sld [smem:$0x3FFB];
	_ =	sdelay $0x3  }
0x92: {  	_ =	strace s18  }
0x93: {  	s3 =	sld [smem:$0x3FFC];
	_ =	sdelay $0x3  }
0x94: {  	_ =	strace s3  }
0x95: {  	s3 =	sld [smem:$0x3FFD];
	_ =	sdelay $0x3  }
0x96: {  	_ =	strace s3  }
0x97: {  	_ =	strace $0x8FFFFFFF  }
0x98: {  	s19 =	sld [smem:$0x3FDB];
	_ =	sdelay $0x1  }
0x99: {  	s4 =	simm.s32 $_scs_section_size  }
0x9a: {  	s5 =	simm.s32 $_size__tile_overlayer_lowered;
	s6 =	simm.s32 $_tile_overlayer_lowered  }
0x9b: {  	s22 =	simm.s32 $0x1BFF;
	s21 =	sshll.u32 s6, $0x1;
	s3 =	sadd.s32 s4, s19  }
0x9c: {  	s7 =	simm.s32 $0x0;
	s20 =	sshll.u32 s5, $0x1;
	s5 =	sadd.s32 s21, s3  }
0x9d: {  	[timem:s7], [sflag:s22] =	dma.local [hbm:s5], s20  }
0x9e: {  	_ =	swait.ge [sflag:s22], s20  }
0x9f: {  	s4 =	ssub.s32 $0x0, s20;
	[sflag:s22] =	ssyncset.done $0x0  }
0xa0: {  	[sflag:s22] =	ssyncadd.s32 s4;
	_ =	sdelay $0x1  }
0xa1: {  	s23 =	simm.s32 $0x1B8B  }
0xa2: {  	_ =	swait.ge [sflag:s23], $0x1  }
0xa3: {  	[sflag:s23] =	ssyncset.done $0x0  }
0xa4: {  	s25 =	simm.s32 $0x1B8E;
	s24 =	sld [smem:$0x3FFE];
	[sflag:s23] =	ssyncadd.s32 $0xFFFFFFFF  }
0xa5: {  	s26 =	simm.s32 $execute0_lowered;
	[smem:$0x3FD2] =	sst s25  }
0xa6: {  	s5 =	sshll.u32 s26, $0x1;
	_ =	strace $0x80000046;
	[dreg:$0x1] =	wrdreg $0xFFFFFFFF  }
0xa7: {  	s28 =	simm.s32 $_size_execute0_lowered;
	s3 =	sadd.s32 s3, s5;
	[dreg:$0x0] =	wrdreg $0x0  }
0xa8: {  	s5 =	sshll.u32 s28, $0x1;
	[dreg:$0x2] =	wrdreg s3  }
0xa9: {  	[dreg:$0x3] =	wrdreg s5  }
0xaa: {  	[dreg:$0x4] =	wrdreg $0xC0  }
0xab: {  	_ =	task [dreg:s7], $0x5FFFF  }
0xac: {  	[dreg:$0x1] =	wrdreg $0xFFFFFFFF  }
0xad: {  	[dreg:$0x0] =	wrdreg $0x60  }
0xae: {  	[dreg:$0x2] =	wrdreg s2  }
0xaf: {  	[dreg:$0x3] =	wrdreg s24  }
0xb0: {  	[dreg:$0x4] =	wrdreg $0x9  }
0xb1: {  	_ =	task.clear_ibuf [dreg:s7], $0x5FFFF;
	_ =	strace $0x90000046  }
0xb2: {  	s29 =	simm.s32 $0x9;
	_ =	strace $0x80000048  }
0xb3: {  	_ =	swait.ge [sflag:s29], $0x1  }
0xb4: {  	[sflag:s29] =	ssyncadd.s32 $0xFFFFFFFF  }
0xb5: {  	_ =	strace $0x90000048  }
0xb6: {  	_ =	sfence  }
0xb7: {  	s30 =	sld [smem:$0x0];
	_ =	sdelay $0x2  }
0xb8: {  	s31 =	sshll.u32 s1, $0xD;
	s1 =	sshrl.u32 s1, $0x2  }
0xb9: {  	s3 =	sand.u32 $0x4000, s31;
	s1 =	sadd.s32 s1, s30  }
0xba: {  	s0 =	sor.u32 s3, s0;
	s1 =	sshll.u32 s1, $0x11  }
0xbb: {  	s0 =	sor.u32 s1, s0  }
0xbc: {  	s0 =	sadd.s32 $0x8F2B, s0  }
0xbd: {  	[sflag:s0] =	ssyncadd.remote.s32 $0x1  }
0xbe: {  	_ =	sfence.sel $0xFFFF  }
0xbf: {  	[dreg:$0x0] =	wrdreg $0xFFFFFFFF;
	(pc) =	sbr.abs _section_cstart, $3  }
0xc0: {  	[dreg:$0x1] =	wrdreg $0xFFFFFFFF  }
0xc1: {  	_ =	task.clear_ibuf [dreg:s7], $0x2FFFF;
	_ =	strace $0x9FFFFFFF  }
0xc2: {  	(tm) =	ssettm $0x7FFFFFFF  }
0xc3: {  	_ =	shalt  }
tec
execute0_lowered:
.L_overlay_start_1:
0x0: {  	(tag) =	ssettag $0x1  }
0x1: {  	s0 =	srdreg.scid;
	s1 =	stileid.u32  }
0x2: {  	s4 =	rddreg [dreg:$0x0];
	s0 =	sand.u32 $0x1, s0;
	s1 =	sshll.u32 s1, $0x1  }
0x3: {  	s3 =	rddreg [dreg:$0x1];
	s2 =	simm.s32 $0x0;
	s1 =	sor.u32 s0, s1  }
0x4: {  	s15 =	simm.f32 $1.600000000e+01;
	s16 =	simm.f32 $1.600000000e+01;
	s7 =	smul.u32 $0x6, s1  }
0x5: {  	[smem:$0x7FF] =	sst s2;
	s0 =	ssub.s32 $0x2, s0;
	s6 =	smul.u32 $0x549C, s1  }
0x6: {  	s3 =	sadd.s32 $0x400, s3;
	_ =	strace $0x80000047;
	s10 =	sshrl.u32 s0, $0x1  }
0x7: {  	s8 =	sor.u32 $0x1, s7;
	s19 =	sadd.s32 s4, s6;
	s6 =	smul.u32 $0x8760, s1  }
0x8: {  	s0 =	ssub.s32 s0, s10;
	s18 =	sadd.s32 $0x2, s7;
	s5 =	smul.u32 $0xAB, s8  }
0x9: {  	s23 =	sadd.s32 $0x3, s7;
	s25 =	sadd.s32 $0x4, s7;
	s9 =	smul.u32 $0xE1A, s8  }
0xa: {  	s7 =	sadd.s32 $0x5, s7;
	s0 =	smax.u32 s0, $0x1;
	s21 =	smul.u32 $0xE1A, s18  }
0xb: {  	s11 =	sand.u32 $0xFE, s18;
	s13 =	sand.u32 $0xFF, s23;
	s14 =	sadd.s32 $0x2A4E, s19  }
0xc: {  	s26 =	sand.u32 $0xFE, s25;
	s10 =	smul.u32 $0x1690, s18;
	[dreg:$0x3] =	wrdreg s19  }
0xd: {  	s28 =	sand.u32 $0xFF, s7;
	s30 =	sadd.s32 $0x3868, s19;
	[dreg:$0x9] =	wrdreg s0  }
0xe: {  	s31 =	sadd.s32 $0x4682, s19;
	s11 =	smul.u32 $0xAB, s11;
	[dreg:$0x6] =	wrdreg s14  }
0xf: {  	s19 =	simm.f32 $1.600000000e+01;
	s13 =	smul.u32 $0xAB, s13;
	[dreg:$0x7] =	wrdreg s30  }
0x10: {  	s29 =	smul.u32 $0xAB, s28;
	[dreg:$0x8] =	wrdreg s31;
	s5 =	sshrl.u32 s5, $0x9  }
0x11: {  	s17 =	sadd.s32 s4, s9;
	s4 =	sadd.s32 s4, s21;
	s9 =	simm.f32 $3.000000000e+01  }
0x12: {  	s21 =	simm.s32 $0x2;
	s5 =	sand.u32 $0x7F, s5;
	[dreg:$0x4] =	wrdreg s17  }
0x13: {  	[dreg:$0x5] =	wrdreg s4;
	s22 =	sshrl.u32 s11, $0x9;
	s5 =	smul.u32 $0x3, s5  }
0x14: {  	s4 =	simm.f32 $3.000000000e+01;
	s13 =	sshrl.u32 s13, $0x9;
	s12 =	smul.u32 $0x3, s22  }
0x15: {  	s17 =	simm.f32 $3.000000000e+01;
	s24 =	smul.u32 $0x3, s13;
	s13 =	simm.f32 $3.000000000e+01  }
0x16: {  	s22 =	simm.s32 $0x3;
	s20 =	ssub.s32 s8, s5;
	s5 =	simm.f32 $1.600000000e+01  }
0x17: {  	s12 =	ssub.s32 s18, s12;
	s8 =	smul.u32 $0x1690, s8;
	s11 =	ssub.s32 s23, s24  }
0x18: {  	s23 =	simm.s32 $0x4;
	s24 =	simm.s32 $0x0;
	s1 =	sand.u32 $0xFF, s20  }
0x19: {  	s12 =	sand.u32 $0xFF, s12;
	s11 =	sand.u32 $0xFF, s11;
	p0 =	seq.s32 s1, $0x1  }
0x1a: {  	s20 =	simm.s32 $0x16200;
	p1 =	seq.s32 s1, $0x0;
	s5 =	simm.s32 @!p0 $0x42040000  }
0x1b: {  	s9 =	simm.s32 @!p0 $0x41B80000;
	p0 =	seq.s32 s12, $0x1;
	s5 =	simm.s32 @p1 $0x41200000  }
0x1c: {  	s9 =	simm.s32 @p1 $0x41500000;
	p1 =	seq.s32 s12, $0x0;
	s12 =	smul.u32 $0xAB, s26  }
0x1d: {  	s15 =	simm.s32 @!p0 $0x42040000;
	s13 =	simm.s32 @!p0 $0x41B80000;
	p0 =	seq.s32 s11, $0x1  }
0x1e: {  	s15 =	simm.s32 @p1 $0x41200000;
	s13 =	simm.s32 @p1 $0x41500000;
	s12 =	sshrl.u32 s12, $0x9  }
0x1f: {  	p1 =	seq.s32 s11, $0x0;
	s11 =	sshrl.u32 s29, $0x9;
	s18 =	smul.u32 $0x3, s12  }
0x20: {  	s1 =	simm.f32 $1.600000000e+01;
	s16 =	simm.s32 @!p0 $0x42040000;
	s11 =	smul.u32 $0x3, s11  }
0x21: {  	s17 =	simm.s32 @!p0 $0x41B80000;
	v0 =	vmov s5;
	s16 =	simm.s32 @p1 $0x41200000;
	s14 =	ssub.s32 s25, s18  }
0x22: {  	s17 =	simm.s32 @p1 $0x41500000;
	[tilespmem:$0x1FF90] =	vst v0;
	v62 =	vmov s13;
	s7 =	ssub.s32 s7, s11;
	s14 =	sand.u32 $0xFF, s14  }
0x23: {  	v5 =	vmov s15;
	[tilespmem:$0x1FFA0] =	vst v62;
	s11 =	simm.f32 $3.000000000e+01;
	s7 =	sand.u32 $0xFF, s7;
	p1 =	seq.s32 s14, $0x1  }
0x24: {  	v3 =	vmov s16;
	[tilespmem:$0x1FFC0] =	vst v5;
	p0 =	seq.s32 s14, $0x0;
	s19 =	simm.s32 @!p1 $0x42040000;
	s11 =	simm.s32 @!p1 $0x41B80000  }
0x25: {  	v6 =	vmov s17;
	[tilespmem:$0x1FFD0] =	vst v3;
	p1 =	seq.s32 s7, $0x1;
	s19 =	simm.s32 @p0 $0x41200000;
	s11 =	simm.s32 @p0 $0x41500000  }
0x26: {  	v8 =	vlaneseq.u32;
	[tilespmem:$0x1FFE0] =	vst v6;
	p0 =	seq.s32 s7, $0x0;
	s1 =	simm.s32 @!p1 $0x42040000;
	s4 =	simm.s32 @!p1 $0x41B80000;
	v63 =	vmov s11  }
0x27: {  	v11 =	vmul.u32 $0x80, v8;
	s15 =	sadd.s32 $0x70D0, s6;
	s1 =	simm.s32 @p0 $0x41200000;
	s4 =	simm.s32 @p0 $0x41500000;
	v7 =	vmov s19;
	[tilespmem:$0x1FFB0] =	vst v63  }
0x28: {  	v4 =	vmov s9;
	s12 =	sadd.s32 $0x43B0, s6;
	s14 =	sadd.s32 $0x5A40, s6;
	s19 =	simm.s32 $0xE200;
	v9 =	vmov s1;
	v10 =	vmov s4;
	[tilespmem:$0x1FFF0] =	vst v7  }
.LBB2_1:
0x29: {  	s0 =	rddreg [dreg:$0x3]  }
0x2a: {  	[tilespmem:s2], [sflag:$0x1] =	stream.linear.gather [hbm4b:s0+s2], $0x70D0, $0x38;
	[tilespmem:$0x1E200] =	vst v63  }
0x2b: {  	s30 =	rddreg [dreg:$0x4];
	s1 =	simm.s32 $0x7100;
	s31 =	simm.s32 $0x1  }
0x2c: {  	[tilespmem:s1], [sflag:$0x2] =	stream.linear.gather [hbm4b:s30+s2], $0x70D0, $0x38;
	[tilespmem:$0x1E200] =	vst v63  }
0x2d: {  	_ =	swait.ge [sflag:s31], $0x70D0  }
0x2e: {  	[sflag:s31] =	ssyncset.done $0x0  }
0x2f: {  	s25 =	simm.s32 $0x0;
	[sflag:s31] =	ssyncadd.s32 $0xFFFF8F30  }
.LBB2_2:
0x30: {  	p0 =	seq.s32 s25, $0x0  }
0x31: {  	s0 =	simm.s32 @!p0 $0x3  }
0x32: {  	s26 =	sshll.u32 s25, $0x9;
	_ =	swait.ge @!p0 [sflag:s0], $0x8000  }
0x33: {  	s30 =	simm.s32 $0x0;
	s28 =	smin.u32 s26, $0x1590;
	[sflag:s0] =	ssyncset.done @!p0 $0x0  }
0x34: {  	p1 =	por $0x1, $0x1;
	s29 =	sand.u32 $0x10, s28;
	v12 =	vmov s28;
	[sflag:s0] =	ssyncadd.s32 @!p0 $0xFFFF8000  }
.LBB2_3:
0x35: {  	s0 =	sadd.s32 s28, s30  }
0x36: {  	s1 =	sand.u32 $0x3F80, s0  }
0x37: {  	s1 =	sor.u32 s1, s29  }
0x38: {  	v13 =	vld [tilespmem:s1+$0x0];
	_ =	sdelay $0x4  }
0x39: {  	v13 =	vsub.f32 $0.0e+00, v13;
	_ =	sdelay $0x1  }
0x3a: {  	v13 =	vmul.f32 $1.442695020e+00, v13;
	_ =	sdelay $0x1  }
0x3b: {  	(erf) = vpow2.f32 v13;
	_ =	sdelay $0x3  }
0x3c: {  	v13 =	vld.idx.msk [tilespmem:v12+s30+$0x1690 ss:$0x1], $0xffff;
	_ =	sdelay $0x4  }
0x3d: {  	v13 =	vsub.f32 $0.0e+00, v13;
	v14 =	vpop (erf)  }
0x3e: {  	v14 =	vadd.f32 $1.000000000e+00, v14  }
0x3f: {  	v13 =	vmul.f32 $1.442695020e+00, v13  }
0x40: {  	(erf) = vrcp.f32 v14  }
0x41: {  	(erf) = vpow2.f32 v13;
	_ =	sdelay $0x4  }
0x42: {  	v14 =	vld.idx.msk [tilespmem:v12+s30+$0x5A40 ss:$0x1], $0xffff  }
0x43: {  	v13 =	vld.idx.msk [tilespmem:v12+s30+$0x2D20 ss:$0x1], $0xffff  }
0x44: {  	v15 =	vld.idx.msk [tilespmem:v12+s30+$0x43B0 ss:$0x1], $0xffff  }
0x45: {  	v23 =	vpop (erf)  }
0x46: {  	v16 =	vpop (erf)  }
0x47: {  	v16 =	vadd.f32 $1.000000000e+00, v16  }
0x48: {  	v14 =	vsub.f32 $0.0e+00, v14;
	v13 =	vmul.f32 $1.442695020e+00, v13  }
0x49: {  	v15 =	vmul.f32 $1.442695020e+00, v15;
	(erf) = vrcp.f32 v16  }
0x4a: {  	(erf) = vpow2.f32 v13;
	v13 =	vmul.f32 $1.442695020e+00, v14  }
0x4b: {  	(erf) = vpow2.f32 v15  }
0x4c: {  	(erf) = vpow2.f32 v13;
	_ =	sdelay $0x2  }
0x4d: {  	s5 =	sor.u32 $0x10, s30  }
0x4e: {  	v13 =	vld.idx.msk [tilespmem:v12+s5+$0x0 ss:$0x1], $0xffff;
	_ =	sdelay $0x1  }
0x4f: {  	v32 =	vpop (erf)  }
0x50: {  	v21 =	vpop (erf)  }
0x51: {  	v22 =	vpop (erf)  }
0x52: {  	v13 =	vsub.f32 $0.0e+00, v13;
	v14 =	vpop (erf)  }
0x53: {  	v14 =	vadd.f32 $1.000000000e+00, v14  }
0x54: {  	v13 =	vmul.f32 $1.442695020e+00, v13  }
0x55: {  	(erf) = vrcp.f32 v14  }
0x56: {  	(erf) = vpow2.f32 v13;
	_ =	sdelay $0x3  }
0x57: {  	v14 =	vld.idx.msk [tilespmem:v12+s5+$0x1690 ss:$0x1], $0xffff;
	_ =	sdelay $0x3  }
0x58: {  	v13 =	vpop (erf)  }
0x59: {  	v14 =	vsub.f32 $0.0e+00, v14;
	v15 =	vpop (erf)  }
0x5a: {  	v15 =	vadd.f32 $1.000000000e+00, v15  }
0x5b: {  	v14 =	vmul.f32 $1.442695020e+00, v14  }
0x5c: {  	(erf) = vrcp.f32 v15  }
0x5d: {  	(erf) = vpow2.f32 v14;
	_ =	sdelay $0x4  }
0x5e: {  	v15 =	vld.idx.msk [tilespmem:v12+s5+$0x5A40 ss:$0x1], $0xffff  }
0x5f: {  	v14 =	vld.idx.msk [tilespmem:v12+s5+$0x2D20 ss:$0x1], $0xffff  }
0x60: {  	v20 =	vld.idx.msk [tilespmem:v12+s5+$0x43B0 ss:$0x1], $0xffff  }
0x61: {  	v24 =	vpop (erf)  }
0x62: {  	v17 =	vpop (erf)  }
0x63: {  	v17 =	vadd.f32 $1.000000000e+00, v17  }
0x64: {  	v15 =	vsub.f32 $0.0e+00, v15;
	v14 =	vmul.f32 $1.442695020e+00, v14  }
0x65: {  	v16 =	vmul.f32 $1.442695020e+00, v20;
	(erf) = vrcp.f32 v17  }
0x66: {  	(erf) = vpow2.f32 v14;
	v14 =	vmul.f32 $1.442695020e+00, v15  }
0x67: {  	(erf) = vpow2.f32 v16  }
0x68: {  	(erf) = vpow2.f32 v14;
	_ =	sdelay $0x2  }
0x69: {  	s7 =	sor.u32 $0x20, s30  }
0x6a: {  	v14 =	vld.idx.msk [tilespmem:v12+s7+$0x0 ss:$0x1], $0xffff;
	_ =	sdelay $0x1  }
0x6b: {  	v33 =	vpop (erf)  }
0x6c: {  	v19 =	vpop (erf)  }
0x6d: {  	v20 =	vpop (erf)  }
0x6e: {  	v14 =	vsub.f32 $0.0e+00, v14;
	v15 =	vpop (erf)  }
0x6f: {  	v15 =	vadd.f32 $1.000000000e+00, v15  }
0x70: {  	v14 =	vmul.f32 $1.442695020e+00, v14  }
0x71: {  	(erf) = vrcp.f32 v15  }
0x72: {  	(erf) = vpow2.f32 v14;
	_ =	sdelay $0x3  }
0x73: {  	v15 =	vld.idx.msk [tilespmem:v12+s7+$0x1690 ss:$0x1], $0xffff;
	_ =	sdelay $0x3  }
0x74: {  	v14 =	vpop (erf)  }
0x75: {  	v15 =	vsub.f32 $0.0e+00, v15;
	v25 =	vpop (erf)  }
0x76: {  	v16 =	vadd.f32 $1.000000000e+00, v25  }
0x77: {  	v15 =	vmul.f32 $1.442695020e+00, v15  }
0x78: {  	(erf) = vrcp.f32 v16  }
0x79: {  	(erf) = vpow2.f32 v15;
	_ =	sdelay $0x4  }
0x7a: {  	v26 =	vld.idx.msk [tilespmem:v12+s7+$0x5A40 ss:$0x1], $0xffff  }
0x7b: {  	v15 =	vld.idx.msk [tilespmem:v12+s7+$0x2D20 ss:$0x1], $0xffff  }
0x7c: {  	v27 =	vld.idx.msk [tilespmem:v12+s7+$0x43B0 ss:$0x1], $0xffff  }
0x7d: {  	v30 =	vpop (erf)  }
0x7e: {  	v18 =	vpop (erf)  }
0x7f: {  	v18 =	vadd.f32 $1.000000000e+00, v18  }
0x80: {  	v16 =	vsub.f32 $0.0e+00, v26;
	v15 =	vmul.f32 $1.442695020e+00, v15  }
0x81: {  	v17 =	vmul.f32 $1.442695020e+00, v27;
	(erf) = vrcp.f32 v18  }
0x82: {  	(erf) = vpow2.f32 v15;
	v15 =	vmul.f32 $1.442695020e+00, v16  }
0x83: {  	(erf) = vpow2.f32 v17  }
0x84: {  	(erf) = vpow2.f32 v15;
	_ =	sdelay $0x2  }
0x85: {  	s11 =	sor.u32 $0x30, s30  }
0x86: {  	v15 =	vld.idx.msk [tilespmem:v12+s11+$0x0 ss:$0x1], $0xffff;
	_ =	sdelay $0x1  }
0x87: {  	v39 =	vpop (erf)  }
0x88: {  	v31 =	vpop (erf)  }
0x89: {  	v27 =	vpop (erf)  }
0x8a: {  	v15 =	vsub.f32 $0.0e+00, v15;
	v34 =	vpop (erf)  }
0x8b: {  	v16 =	vadd.f32 $1.000000000e+00, v34  }
0x8c: {  	v15 =	vmul.f32 $1.442695020e+00, v15  }
0x8d: {  	(erf) = vrcp.f32 v16  }
0x8e: {  	(erf) = vpow2.f32 v15;
	_ =	sdelay $0x3  }
0x8f: {  	v35 =	vld.idx.msk [tilespmem:v12+s11+$0x1690 ss:$0x1], $0xffff;
	_ =	sdelay $0x3  }
0x90: {  	v15 =	vpop (erf)  }
0x91: {  	v16 =	vsub.f32 $0.0e+00, v35;
	v36 =	vpop (erf)  }
0x92: {  	v17 =	vadd.f32 $1.000000000e+00, v36  }
0x93: {  	v16 =	vmul.f32 $1.442695020e+00, v16  }
0x94: {  	(erf) = vrcp.f32 v17  }
0x95: {  	(erf) = vpow2.f32 v16;
	_ =	sdelay $0x4  }
0x96: {  	v37 =	vld.idx.msk [tilespmem:v12+s11+$0x2D20 ss:$0x1], $0xffff  }
0x97: {  	v38 =	vld.idx.msk [tilespmem:v12+s11+$0x5A40 ss:$0x1], $0xffff  }
0x98: {  	v40 =	vld.idx.msk [tilespmem:v12+s11+$0x43B0 ss:$0x1], $0xffff  }
0x99: {  	v28 =	vpop (erf)  }
0x9a: {  	v25 =	vpop (erf)  }
0x9b: {  	v25 =	vadd.f32 $1.000000000e+00, v25  }
0x9c: {  	v17 =	vsub.f32 $0.0e+00, v38;
	v16 =	vmul.f32 $1.442695020e+00, v37  }
0x9d: {  	v18 =	vmul.f32 $1.442695020e+00, v40;
	(erf) = vrcp.f32 v25  }
0x9e: {  	v41 =	vmul.f32 $1.442695020e+00, v17;
	(erf) = vpow2.f32 v16  }
0x9f: {  	(erf) = vpow2.f32 v18  }
0xa0: {  	(erf) = vpow2.f32 v41;
	_ =	sdelay $0x2  }
0xa1: {  	s13 =	sor.u32 $0x40, s30  }
0xa2: {  	v42 =	vld.idx.msk [tilespmem:v12+s13+$0x0 ss:$0x1], $0xffff;
	_ =	sdelay $0x1  }
0xa3: {  	v37 =	vpop (erf)  }
0xa4: {  	v26 =	vpop (erf)  }
0xa5: {  	v25 =	vpop (erf)  }
0xa6: {  	v16 =	vsub.f32 $0.0e+00, v42;
	v43 =	vpop (erf)  }
0xa7: {  	v17 =	vadd.f32 $1.000000000e+00, v43  }
0xa8: {  	v16 =	vmul.f32 $1.442695020e+00, v16  }
0xa9: {  	(erf) = vrcp.f32 v17  }
0xaa: {  	(erf) = vpow2.f32 v16;
	_ =	sdelay $0x3  }
0xab: {  	v44 =	vld.idx.msk [tilespmem:v12+s13+$0x1690 ss:$0x1], $0xffff;
	_ =	sdelay $0x3  }
0xac: {  	v16 =	vpop (erf)  }
0xad: {  	v17 =	vsub.f32 $0.0e+00, v44;
	v45 =	vpop (erf)  }
0xae: {  	v18 =	vadd.f32 $1.000000000e+00, v45  }
0xaf: {  	v17 =	vmul.f32 $1.442695020e+00, v17  }
0xb0: {  	(erf) = vrcp.f32 v18  }
0xb1: {  	(erf) = vpow2.f32 v17;
	_ =	sdelay $0x1  }
0xb2: {  	s16 =	sadd.s32 s28, s13  }
0xb3: {  	s4 =	sadd.s32 $0x5A40, s16  }
0xb4: {  	s1 =	sand.u32 $0xFF80, s4  }
0xb5: {  	v46 =	vld.idx.msk [tilespmem:v12+s13+$0x2D20 ss:$0x1], $0xffff;
	s1 =	sor.u32 s1, s29  }
0xb6: {  	v47 =	vld [tilespmem:s1+$0x0]  }
0xb7: {  	v29 =	vld.idx.msk [tilespmem:v12+s13+$0x43B0 ss:$0x1], $0xffff  }
0xb8: {  	v38 =	vpop (erf)  }
0xb9: {  	v34 =	vpop (erf)  }
0xba: {  	v34 =	vadd.f32 $1.000000000e+00, v34  }
0xbb: {  	v18 =	vsub.f32 $0.0e+00, v47;
	v17 =	vmul.f32 $1.442695020e+00, v46  }
0xbc: {  	v29 =	vmul.f32 $1.442695020e+00, v29;
	(erf) = vrcp.f32 v34  }
0xbd: {  	v48 =	vmul.f32 $1.442695020e+00, v18;
	(erf) = vpow2.f32 v17  }
0xbe: {  	(erf) = vpow2.f32 v29  }
0xbf: {  	(erf) = vpow2.f32 v48;
	_ =	sdelay $0x2  }
0xc0: {  	s31 =	sor.u32 $0x50, s30  }
0xc1: {  	v49 =	vld.idx.msk [tilespmem:v12+s31+$0x0 ss:$0x1], $0xffff;
	_ =	sdelay $0x1  }
0xc2: {  	v40 =	vpop (erf)  }
0xc3: {  	v36 =	vpop (erf)  }
0xc4: {  	v29 =	vpop (erf)  }
0xc5: {  	v17 =	vsub.f32 $0.0e+00, v49;
	v50 =	vpop (erf)  }
0xc6: {  	v18 =	vadd.f32 $1.000000000e+00, v50  }
0xc7: {  	v17 =	vmul.f32 $1.442695020e+00, v17  }
0xc8: {  	(erf) = vrcp.f32 v18  }
0xc9: {  	(erf) = vpow2.f32 v17;
	_ =	sdelay $0x3  }
0xca: {  	v51 =	vld.idx.msk [tilespmem:v12+s31+$0x1690 ss:$0x1], $0xffff;
	_ =	sdelay $0x3  }
0xcb: {  	v17 =	vpop (erf)  }
0xcc: {  	v18 =	vsub.f32 $0.0e+00, v51;
	v52 =	vpop (erf)  }
0xcd: {  	v34 =	vadd.f32 $1.000000000e+00, v52  }
0xce: {  	v18 =	vmul.f32 $1.442695020e+00, v18  }
0xcf: {  	(erf) = vrcp.f32 v34  }
0xd0: {  	(erf) = vpow2.f32 v18;
	_ =	sdelay $0x1  }
0xd1: {  	s4 =	sadd.s32 s28, s31  }
0xd2: {  	s9 =	sadd.s32 $0x5A40, s4  }
0xd3: {  	s1 =	sand.u32 $0xFF80, s9;
	s9 =	sand.u32 $0x30, s4  }
0xd4: {  	v53 =	vld.idx.msk [tilespmem:v12+s31+$0x2D20 ss:$0x1], $0xffff;
	s1 =	sor.u32 s9, s1  }
0xd5: {  	v54 =	vld [tilespmem:s1+$0x0]  }
0xd6: {  	v35 =	vld.idx.msk [tilespmem:v12+s31+$0x43B0 ss:$0x1], $0xffff  }
0xd7: {  	v42 =	vpop (erf)  }
0xd8: {  	v41 =	vpop (erf)  }
0xd9: {  	v41 =	vadd.f32 $1.000000000e+00, v41  }
0xda: {  	v34 =	vsub.f32 $0.0e+00, v54;
	v18 =	vmul.f32 $1.442695020e+00, v53  }
0xdb: {  	v35 =	vmul.f32 $1.442695020e+00, v35;
	(erf) = vrcp.f32 v41  }
0xdc: {  	v55 =	vmul.f32 $1.442695020e+00, v34;
	(erf) = vpow2.f32 v18  }
0xdd: {  	(erf) = vpow2.f32 v35  }
0xde: {  	(erf) = vpow2.f32 v55;
	_ =	sdelay $0x2  }
0xdf: {  	s1 =	sor.u32 $0x60, s30  }
0xe0: {  	v56 =	vld.idx.msk [tilespmem:v12+s1+$0x0 ss:$0x1], $0xffff;
	_ =	sdelay $0x1  }
0xe1: {  	v43 =	vpop (erf)  }
0xe2: {  	v34 =	vpop (erf)  }
0xe3: {  	v35 =	vpop (erf)  }
0xe4: {  	v18 =	vsub.f32 $0.0e+00, v56;
	v57 =	vpop (erf)  }
0xe5: {  	v41 =	vadd.f32 $1.000000000e+00, v57  }
0xe6: {  	v18 =	vmul.f32 $1.442695020e+00, v18  }
0xe7: {  	(erf) = vrcp.f32 v41  }
0xe8: {  	(erf) = vpow2.f32 v18;
	_ =	sdelay $0x3  }
0xe9: {  	v58 =	vld.idx.msk [tilespmem:v12+s1+$0x1690 ss:$0x1], $0xffff;
	_ =	sdelay $0x2  }
0xea: {  	s9 =	sadd.s32 s28, s1  }
0xeb: {  	s17 =	sadd.s32 $0x2D20, s9;
	v18 =	vpop (erf)  }
0xec: {  	s18 =	sadd.s32 $0x5A40, s9;
	s17 =	sand.u32 $0x7F80, s17;
	v41 =	vsub.f32 $0.0e+00, v58;
	v44 =	vpop (erf)  }
0xed: {  	v59 =	vmov s0;
	s0 =	sor.u32 s17, s29;
	s17 =	sand.u32 $0xFF80, s18;
	s18 =	sand.u32 $0x30, s9;
	v44 =	vadd.f32 $1.000000000e+00, v44  }
0xee: {  	s17 =	sor.u32 s18, s17;
	v41 =	vmul.f32 $1.442695020e+00, v41  }
0xef: {  	v46 =	vld [tilespmem:s17+$0x0];
	(erf) = vrcp.f32 v44  }
0xf0: {  	(erf) = vpow2.f32 v41  }
0xf1: {  	v47 =	vld.idx.msk [tilespmem:v12+s1+$0x43B0 ss:$0x1], $0xffff  }
0xf2: {  	v41 =	vbroadcast v59, $0x0  }
0xf3: {  	v20 =	vmul.f32 $1.300000000e+01, v20  }
0xf4: {  	v31 =	vmul.f32 $1.000000000e+01, v31;
	v46 =	vsub.f32 $0.0e+00, v46;
	v45 =	vor.u32 v8, v41  }
0xf5: {  	s18 =	sadd.s32 s28, s5;
	v27 =	vmul.f32 $1.300000000e+01, v27;
	v26 =	vmul.f32 $1.000000000e+01, v26;
	v41 =	vshrl.u32 v45, $0x2  }
0xf6: {  	v60 =	vld [tilespmem:s0+$0x0];
	v47 =	vmul.f32 $1.442695020e+00, v47;
	v62 =	vmul.f32 $1.442695020e+00, v46;
	v50 =	vmov s18  }
0xf7: {  	v1 =	vmov s30;
	v36 =	vmul.f32 $1.000000000e+01, v36;
	v63 =	vbroadcast v50, $0x0  }
0xf8: {  	s17 =	sor.u32 $0x70, s30;
	v29 =	vmul.f32 $1.300000000e+01, v29;
	v50 =	vmov s11;
	v48 =	vmulhi.u32 $0x1AF286BD, v41;
	v41 =	vpop (erf)  }
0xf9: {  	v50 =	vshll.u32 v50, $0x7;
	v46 =	vor.u32 v8, v63;
	v52 =	vmov s5;
	s5 =	sadd.s32 s28, s7;
	v55 =	vld.idx.msk [tilespmem:v12+s17+$0x0 ss:$0x1], $0xffff;
	v49 =	vpop (erf)  }
0xfa: {  	v0 =	vshrl.u32 v46, $0x2;
	v61 =	vmov s5;
	v49 =	vadd.f32 $1.000000000e+00, v49  }
0xfb: {  	v52 =	vshll.u32 v52, $0x7;
	v44 =	vmul.f32 $1.442695020e+00, v60;
	v48 =	vshrl.u32 v48, $0x1  }
0xfc: {  	v54 =	vmov s4;
	v51 =	vmul.u32 $0xFFFFFFB4, v48;
	(erf) = vrcp.f32 v49  }
0xfd: {  	v52 =	vor.u32 v11, v52;
	v54 =	vbroadcast v54, $0x0;
	(erf) = vpow2.f32 v44  }
0xfe: {  	v55 =	vsub.f32 $0.0e+00, v55;
	v45 =	vadd.s32 v45, v51;
	(erf) = vpow2.f32 v47  }
0xff: {  	v53 =	vmov s16;
	v45 =	vcvt.s32.f32 v45;
	(erf) = vpow2.f32 v62  }
0x100: {  	v53 =	vbroadcast v53, $0x0;
	v54 =	vor.u32 v8, v54;
	v63 =	vmul.f32 $1.442695020e+00, v55  }
0x101: {  	v58 =	vmul.f32 $1.000000000e+01, v21;
	v48 =	vcvt.s32.f32 v48;
	v23 =	vadd.f32 v45, v23  }
0x102: {  	v53 =	vor.u32 v8, v53;
	v59 =	vmul.f32 $1.300000000e+01, v22;
	v45 =	vmulhi.u32 $0x1AF286BD, v0  }
0x103: {  	v48 =	vadd.f32 v48, v32;
	v51 =	vshll.u32 v1, $0x7;
	v49 =	vbroadcast v61, $0x0  }
0x104: {  	v32 =	vmov s13;
	v51 =	vor.u32 v11, v51;
	v45 =	vshrl.u32 v45, $0x1  }
0x105: {  	v56 =	vmul.f32 $8.000000000e+00, v23;
	v49 =	vor.u32 v8, v49;
	v57 =	vmul.u32 $0xFFFFFFB4, v45;
	v23 =	vpop (erf)  }
0x106: {  	v48 =	vmul.f32 $8.000000000e+00, v48;
	v47 =	vmov s7;
	s7 =	sadd.s32 s28, s11;
	v2 =	vshrl.u32 v49, $0x2;
	v21 =	vpop (erf)  }
0x107: {  	v44 =	vmov s7;
	v46 =	vadd.s32 v46, v57;
	v57 =	vmulhi.u32 $0x1AF286BD, v2;
	v22 =	vpop (erf)  }
0x108: {  	v60 =	vor.u32 $0x1, v51;
	v45 =	vcvt.s32.f32 v45;
	v44 =	vbroadcast v44, $0x0;
	v61 =	vpop (erf)  }
0x109: {  	v62 =	vor.u32 $0x2, v51;
	v0 =	vshrl.u32 v57, $0x1;
	v61 =	vadd.f32 $1.000000000e+00, v61  }
0x10a: {  	v33 =	vadd.f32 v45, v33;
	v44 =	vor.u32 v8, v44;
	v1 =	vmul.u32 $0xFFFFFFB4, v0  }
0x10b: {  	v46 =	vcvt.s32.f32 v46;
	v2 =	vshrl.u32 v44, $0x2;
	(erf) = vrcp.f32 v61  }
0x10c: {  	v45 =	vcvt.s32.f32 v0;
	v49 =	vadd.s32 v49, v1;
	(erf) = vpow2.f32 v63  }
0x10d: {  	v47 =	vshll.u32 v47, $0x7;
	v55 =	vmulhi.u32 $0x1AF286BD, v2;
	v49 =	vcvt.s32.f32 v49  }
0x10e: {  	v24 =	vadd.f32 v46, v24;
	v0 =	vor.u32 $0x1, v52;
	v63 =	vmul.f32 $1.000000000e+01, v19  }
0x10f: {  	v61 =	vld.idx.msk [tilespmem:v12+s17+$0x1690 ss:$0x1], $0xffff;
	v19 =	vadd.f32 v49, v30;
	v30 =	vadd.f32 v45, v39;
	v39 =	vshrl.u32 v55, $0x1  }
0x110: {  	[tilespmem:v51+s19+$0x0] =	vst.idx.msk $0xffff, v56;
	v24 =	vmul.f32 $8.000000000e+00, v24;
	v45 =	vor.u32 $0x2, v52;
	v55 =	vmul.u32 $0xFFFFFFB4, v39  }
0x111: {  	[tilespmem:v60+s19+$0x0] =	vst.idx.msk $0xffff, v48;
	v33 =	vmul.f32 $8.000000000e+00, v33;
	v49 =	vor.u32 $0x3, v52;
	v39 =	vcvt.s32.f32 v39  }
0x112: {  	v57 =	vor.u32 $0x4, v51;
	v46 =	vor.u32 $0x3, v51;
	[tilespmem:v52+s19+$0x0] =	vst.idx.msk $0xffff, v24;
	v44 =	vadd.s32 v44, v55  }
0x113: {  	[tilespmem:v0+s19+$0x0] =	vst.idx.msk $0xffff, v33;
	v0 =	vmul.f32 $1.300000000e+01, v25;
	v37 =	vadd.f32 v39, v37;
	v44 =	vcvt.s32.f32 v44  }
0x114: {  	[tilespmem:v62+s19+$0x0] =	vst.idx.msk $0xffff, v58;
	v25 =	vor.u32 v11, v50;
	v2 =	vmul.f32 $8.000000000e+00, v19;
	v61 =	vsub.f32 $0.0e+00, v61;
	v19 =	vpop (erf)  }
0x115: {  	v24 =	vmul.f32 $8.000000000e+00, v37;
	[tilespmem:v45+s19+$0x0] =	vst.idx.msk $0xffff, v63;
	v37 =	vor.u32 $0x1, v25;
	v28 =	vadd.f32 v44, v28;
	v55 =	vpop (erf)  }
0x116: {  	v47 =	vor.u32 v11, v47;
	[tilespmem:v49+s19+$0x0] =	vst.idx.msk $0xffff, v20;
	v20 =	vor.u32 $0x2, v25;
	v55 =	vadd.f32 $1.000000000e+00, v55  }
0x117: {  	[tilespmem:v46+s19+$0x0] =	vst.idx.msk $0xffff, v59;
	v58 =	vor.u32 $0x3, v25;
	v61 =	vmul.f32 $1.442695020e+00, v61;
	v28 =	vmul.f32 $8.000000000e+00, v28  }
0x118: {  	[tilespmem:v57+s19+$0x0] =	vst.idx.msk $0xffff, v13;
	v63 =	vor.u32 $0x4, v25;
	(erf) = vrcp.f32 v55;
	v55 =	vshrl.u32 v53, $0x2  }
0x119: {  	[tilespmem:v25+s19+$0x0] =	vst.idx.msk $0xffff, v28;
	v55 =	vmulhi.u32 $0x1AF286BD, v55;
	(erf) = vpow2.f32 v61;
	v61 =	vshrl.u32 v54, $0x2  }
0x11a: {  	v1 =	vor.u32 $0x4, v52;
	v46 =	vor.u32 $0x2, v47;
	[tilespmem:v37+s19+$0x0] =	vst.idx.msk $0xffff, v24;
	v61 =	vmulhi.u32 $0x1AF286BD, v61  }
0x11b: {  	v30 =	vmul.f32 $8.000000000e+00, v30;
	v39 =	vor.u32 $0x4, v47;
	[tilespmem:v20+s19+$0x0] =	vst.idx.msk $0xffff, v26;
	v51 =	vshrl.u32 v55, $0x1  }
0x11c: {  	[tilespmem:v58+s19+$0x0] =	vst.idx.msk $0xffff, v0;
	v55 =	vor.u32 $0x1, v47;
	v60 =	vmul.u32 $0xFFFFFFB4, v51;
	v61 =	vshrl.u32 v61, $0x1  }
0x11d: {  	v57 =	vld.idx.msk [tilespmem:v12+s17+$0x2D20 ss:$0x1], $0xffff;
	[tilespmem:v63+s19+$0x0] =	vst.idx.msk $0xffff, v16;
	v63 =	vmul.f32 $1.300000000e+01, v35;
	v62 =	vmul.u32 $0xFFFFFFB4, v61;
	v56 =	vcvt.s32.f32 v61  }
0x11e: {  	[tilespmem:v47+s19+$0x0] =	vst.idx.msk $0xffff, v2;
	v44 =	vadd.s32 v53, v60;
	v53 =	vor.u32 $0x3, v47;
	v47 =	vmov s9  }
0x11f: {  	v59 =	vld.idx.msk [tilespmem:v12+s17+$0x5A40 ss:$0x1], $0xffff;
	v13 =	vadd.s32 v54, v62;
	v52 =	vcvt.s32.f32 v44;
	v54 =	vcvt.s32.f32 v51  }
0x120: {  	[tilespmem:v1+s19+$0x0] =	vst.idx.msk $0xffff, v14;
	v61 =	vld.idx.msk [tilespmem:v12+s17+$0x43B0 ss:$0x1], $0xffff;
	v14 =	vadd.f32 v56, v43;
	v44 =	vshll.u32 v32, $0x7;
	v50 =	vbroadcast v47, $0x0  }
0x121: {  	v13 =	vcvt.s32.f32 v13;
	[tilespmem:v55+s19+$0x0] =	vst.idx.msk $0xffff, v30;
	v30 =	vor.u32 v11, v44;
	v33 =	vadd.f32 v52, v38  }
0x122: {  	v48 =	vpop (erf);
	v40 =	vadd.f32 v54, v40;
	v51 =	vor.u32 $0x1, v30;
	v52 =	vmul.f32 $1.442695020e+00, v57  }
0x123: {  	[tilespmem:v46+s19+$0x0] =	vst.idx.msk $0xffff, v31;
	v31 =	vor.u32 v8, v50;
	v56 =	vor.u32 $0x3, v30;
	v58 =	vmul.f32 $8.000000000e+00, v14;
	v60 =	vpop (erf)  }
0x124: {  	v54 =	vshrl.u32 v31, $0x2;
	v1 =	vmul.f32 $8.000000000e+00, v33;
	v62 =	vadd.f32 $1.000000000e+00, v60  }
0x125: {  	v40 =	vmul.f32 $8.000000000e+00, v40;
	[tilespmem:v53+s19+$0x0] =	vst.idx.msk $0xffff, v27;
	v53 =	vsub.f32 $0.0e+00, v59;
	v33 =	vmul.f32 $1.442695020e+00, v61  }
0x126: {  	v57 =	vor.u32 $0x4, v30;
	v25 =	vmulhi.u32 $0x1AF286BD, v54;
	(erf) = vrcp.f32 v62  }
0x127: {  	s18 =	sadd.s32 s28, s17;
	v13 =	vadd.f32 v13, v42;
	v55 =	vmul.f32 $1.442695020e+00, v53;
	(erf) = vpow2.f32 v52  }
0x128: {  	v59 =	vmov s18;
	v60 =	vmov s31;
	(erf) = vpow2.f32 v33  }
0x129: {  	[tilespmem:v39+s19+$0x0] =	vst.idx.msk $0xffff, v15;
	v15 =	vor.u32 $0x2, v30;
	v14 =	vshrl.u32 v25, $0x1;
	(erf) = vpow2.f32 v55  }
0x12a: {  	v2 =	vshll.u32 v60, $0x7;
	v25 =	vbroadcast v59, $0x0;
	v61 =	vmul.u32 $0xFFFFFFB4, v14  }
0x12b: {  	v13 =	vmul.f32 $8.000000000e+00, v13;
	v62 =	vmul.f32 $1.000000000e+01, v34;
	v2 =	vor.u32 v11, v2  }
0x12c: {  	[tilespmem:v30+s19+$0x0] =	vst.idx.msk $0xffff, v1;
	v37 =	vor.u32 $0x1, v2;
	v25 =	vor.u32 v8, v25;
	v16 =	vadd.s32 v31, v61  }
0x12d: {  	[tilespmem:v51+s19+$0x0] =	vst.idx.msk $0xffff, v40;
	v40 =	vor.u32 $0x3, v2;
	v38 =	vshrl.u32 v25, $0x2;
	v16 =	vcvt.s32.f32 v16  }
0x12e: {  	v14 =	vcvt.s32.f32 v14;
	[tilespmem:v15+s19+$0x0] =	vst.idx.msk $0xffff, v36;
	v15 =	vor.u32 $0x2, v2;
	v28 =	vmulhi.u32 $0x1AF286BD, v38  }
0x12f: {  	v43 =	vor.u32 $0x4, v2;
	[tilespmem:v56+s19+$0x0] =	vst.idx.msk $0xffff, v29;
	v16 =	vadd.f32 v16, v41;
	v41 =	vmov s1;
	v39 =	vpop (erf)  }
0x130: {  	v46 =	vadd.f32 v14, v23;
	[tilespmem:v2+s19+$0x0] =	vst.idx.msk $0xffff, v13;
	v45 =	vshrl.u32 v28, $0x1;
	v44 =	vshll.u32 v41, $0x7;
	v32 =	vpop (erf)  }
0x131: {  	v53 =	vmov s17;
	[tilespmem:v57+s19+$0x0] =	vst.idx.msk $0xffff, v17;
	v14 =	vmul.u32 $0xFFFFFFB4, v45;
	v13 =	vor.u32 v11, v44;
	v42 =	vpop (erf)  }
0x132: {  	v55 =	vshll.u32 v53, $0x7;
	v51 =	vmul.f32 $8.000000000e+00, v46;
	[tilespmem:v37+s19+$0x0] =	vst.idx.msk $0xffff, v58;
	v50 =	vor.u32 $0x1, v13;
	v47 =	vpop (erf)  }
0x133: {  	[tilespmem:v15+s19+$0x0] =	vst.idx.msk $0xffff, v62;
	v52 =	vadd.s32 v25, v14;
	v14 =	vor.u32 $0x2, v13;
	v20 =	vadd.f32 $1.000000000e+00, v47  }
0x134: {  	v49 =	vmul.f32 $8.000000000e+00, v16;
	v15 =	vor.u32 $0x3, v13;
	[tilespmem:v40+s19+$0x0] =	vst.idx.msk $0xffff, v63;
	v2 =	vcvt.s32.f32 v52  }
0x135: {  	v56 =	vmul.f32 $1.000000000e+01, v21;
	[tilespmem:v43+s19+$0x0] =	vst.idx.msk $0xffff, v18;
	v18 =	vor.u32 v11, v55;
	(erf) = vrcp.f32 v20  }
0x136: {  	v54 =	vor.u32 $0x4, v13;
	v2 =	vadd.f32 v2, v48;
	[tilespmem:v13+s19+$0x0] =	vst.idx.msk $0xffff, v49;
	v13 =	vcvt.s32.f32 v45  }
0x137: {  	v57 =	vmul.f32 $1.300000000e+01, v22;
	v58 =	vor.u32 $0x1, v18;
	[tilespmem:v50+s19+$0x0] =	vst.idx.msk $0xffff, v51  }
0x138: {  	v60 =	vmul.f32 $8.000000000e+00, v2;
	[tilespmem:v14+s19+$0x0] =	vst.idx.msk $0xffff, v56;
	v59 =	vadd.f32 v13, v39;
	v13 =	vor.u32 $0x2, v18  }
0x139: {  	v61 =	vor.u32 $0x3, v18;
	[tilespmem:v15+s19+$0x0] =	vst.idx.msk $0xffff, v57  }
0x13a: {  	p2 =	por p1, p1;
	v14 =	vor.u32 $0x4, v18;
	[tilespmem:v18+s19+$0x0] =	vst.idx.msk $0xffff, v60;
	v0 =	vmul.f32 $8.000000000e+00, v59  }
.Ltmp0:
0x13b: {  	v62 =	vmul.f32 $1.000000000e+01, v32;
	[tilespmem:v54+s19+$0x0] =	vst.idx.msk $0xffff, v19;
	(pc) =	sbr.rel @p2 .LBB2_3-.Ltmp0, $4  }
0x13c: {  	v15 =	vmul.f32 $1.300000000e+01, v42;
	[tilespmem:v58+s19+$0x0] =	vst.idx.msk $0xffff, v0  }
0x13d: {  	[tilespmem:v13+s19+$0x0] =	vst.idx.msk $0xffff, v62  }
0x13e: {  	[tilespmem:v61+s19+$0x0] =	vst.idx.msk $0xffff, v15;
	v63 =	vpop (erf)  }
0x13f: {  	p1 =	por $0x0, $0x0;
	s30 =	simm.s32 $0x80;
	[tilespmem:v14+s19+$0x0] =	vst.idx.msk $0xffff, v63  }
0x140: {  	s0 =	sadd.s32 s6, s28  }
0x141: {  	s0 =	sshll.u32 s0, $0x4  }
0x142: {  	s0 =	sadd.s32 s3, s0  }
0x143: {  	[hbm4b:s0+s2] =	stream.linear.scatter [tilespmem:s19], [sflag:$0x3], $0x8000, $0x38;
	[tilespmem:$0x1E200] =	vst v63  }
0x144: {  	s0 =	simm.s32 @!p0 $0x4  }
0x145: {  	s1 =	sor.u32 $0x100, s26;
	_ =	swait.ge @!p0 [sflag:s0], $0x8000  }
0x146: {  	s29 =	simm.s32 $0x0;
	s26 =	smin.u32 s1, $0x1590;
	[sflag:s0] =	ssyncset.done @!p0 $0x0  }
0x147: {  	s28 =	sand.u32 $0x10, s26;
	v12 =	vmov s26;
	[sflag:s0] =	ssyncadd.s32 @!p0 $0xFFFF8000;
	p0 =	por $0x1, $0x1  }
.LBB2_5:
0x148: {  	s0 =	sadd.s32 s26, s29  }
0x149: {  	s1 =	sand.u32 $0x3F80, s0  }
0x14a: {  	s1 =	sor.u32 s1, s28  }
0x14b: {  	v0 =	vld [tilespmem:s1+$0x0];
	_ =	sdelay $0x4  }
0x14c: {  	v0 =	vsub.f32 $0.0e+00, v0;
	_ =	sdelay $0x1  }
0x14d: {  	v0 =	vmul.f32 $1.442695020e+00, v0;
	_ =	sdelay $0x1  }
0x14e: {  	(erf) = vpow2.f32 v0;
	_ =	sdelay $0x3  }
0x14f: {  	v25 =	vld.idx.msk [tilespmem:v12+s29+$0x1690 ss:$0x1], $0xffff;
	_ =	sdelay $0x4  }
0x150: {  	v0 =	vsub.f32 $0.0e+00, v25;
	v1 =	vpop (erf)  }
0x151: {  	v1 =	vadd.f32 $1.000000000e+00, v1  }
0x152: {  	v0 =	vmul.f32 $1.442695020e+00, v0  }
0x153: {  	(erf) = vrcp.f32 v1  }
0x154: {  	(erf) = vpow2.f32 v0;
	_ =	sdelay $0x4  }
0x155: {  	v26 =	vld.idx.msk [tilespmem:v12+s29+$0x2D20 ss:$0x1], $0xffff  }
0x156: {  	v27 =	vld.idx.msk [tilespmem:v12+s29+$0x5A40 ss:$0x1], $0xffff  }
0x157: {  	v2 =	vld.idx.msk [tilespmem:v12+s29+$0x43B0 ss:$0x1], $0xffff  }
0x158: {  	v23 =	vpop (erf)  }
0x159: {  	v13 =	vpop (erf)  }
0x15a: {  	v13 =	vadd.f32 $1.000000000e+00, v13  }
0x15b: {  	v1 =	vsub.f32 $0.0e+00, v27;
	v0 =	vmul.f32 $1.442695020e+00, v26  }
0x15c: {  	v2 =	vmul.f32 $1.442695020e+00, v2;
	(erf) = vrcp.f32 v13  }
0x15d: {  	v28 =	vmul.f32 $1.442695020e+00, v1;
	(erf) = vpow2.f32 v0  }
0x15e: {  	(erf) = vpow2.f32 v2  }
0x15f: {  	(erf) = vpow2.f32 v28;
	_ =	sdelay $0x2  }
0x160: {  	s5 =	sor.u32 $0x10, s29  }
0x161: {  	v29 =	vld.idx.msk [tilespmem:v12+s5+$0x0 ss:$0x1], $0xffff;
	_ =	sdelay $0x1  }
0x162: {  	v32 =	vpop (erf)  }
0x163: {  	v21 =	vpop (erf)  }
0x164: {  	v22 =	vpop (erf)  }
0x165: {  	v0 =	vsub.f32 $0.0e+00, v29;
	v35 =	vpop (erf)  }
0x166: {  	v1 =	vadd.f32 $1.000000000e+00, v35  }
0x167: {  	v0 =	vmul.f32 $1.442695020e+00, v0  }
0x168: {  	(erf) = vrcp.f32 v1  }
0x169: {  	(erf) = vpow2.f32 v0;
	_ =	sdelay $0x3  }
0x16a: {  	v36 =	vld.idx.msk [tilespmem:v12+s5+$0x1690 ss:$0x1], $0xffff;
	_ =	sdelay $0x3  }
0x16b: {  	v13 =	vpop (erf)  }
0x16c: {  	v0 =	vsub.f32 $0.0e+00, v36;
	v37 =	vpop (erf)  }
0x16d: {  	v1 =	vadd.f32 $1.000000000e+00, v37  }
0x16e: {  	v0 =	vmul.f32 $1.442695020e+00, v0  }
0x16f: {  	(erf) = vrcp.f32 v1  }
0x170: {  	(erf) = vpow2.f32 v0;
	_ =	sdelay $0x4  }
0x171: {  	v38 =	vld.idx.msk [tilespmem:v12+s5+$0x2D20 ss:$0x1], $0xffff  }
0x172: {  	v39 =	vld.idx.msk [tilespmem:v12+s5+$0x5A40 ss:$0x1], $0xffff  }
0x173: {  	v40 =	vld.idx.msk [tilespmem:v12+s5+$0x43B0 ss:$0x1], $0xffff  }
0x174: {  	v24 =	vpop (erf)  }
0x175: {  	v14 =	vpop (erf)  }
0x176: {  	v14 =	vadd.f32 $1.000000000e+00, v14  }
0x177: {  	v1 =	vsub.f32 $0.0e+00, v39;
	v0 =	vmul.f32 $1.442695020e+00, v38  }
0x178: {  	v2 =	vmul.f32 $1.442695020e+00, v40;
	(erf) = vrcp.f32 v14  }
0x179: {  	v41 =	vmul.f32 $1.442695020e+00, v1;
	(erf) = vpow2.f32 v0  }
0x17a: {  	(erf) = vpow2.f32 v2  }
0x17b: {  	(erf) = vpow2.f32 v41;
	_ =	sdelay $0x2  }
0x17c: {  	s7 =	sor.u32 $0x20, s29  }
0x17d: {  	v42 =	vld.idx.msk [tilespmem:v12+s7+$0x0 ss:$0x1], $0xffff;
	_ =	sdelay $0x1  }
0x17e: {  	v33 =	vpop (erf)  }
0x17f: {  	v19 =	vpop (erf)  }
0x180: {  	v20 =	vpop (erf)  }
0x181: {  	v0 =	vsub.f32 $0.0e+00, v42;
	v43 =	vpop (erf)  }
0x182: {  	v1 =	vadd.f32 $1.000000000e+00, v43  }
0x183: {  	v0 =	vmul.f32 $1.442695020e+00, v0  }
0x184: {  	(erf) = vrcp.f32 v1  }
0x185: {  	(erf) = vpow2.f32 v0;
	_ =	sdelay $0x3  }
0x186: {  	v44 =	vld.idx.msk [tilespmem:v12+s7+$0x1690 ss:$0x1], $0xffff;
	_ =	sdelay $0x3  }
0x187: {  	v14 =	vpop (erf)  }
0x188: {  	v0 =	vsub.f32 $0.0e+00, v44;
	v45 =	vpop (erf)  }
0x189: {  	v1 =	vadd.f32 $1.000000000e+00, v45  }
0x18a: {  	v0 =	vmul.f32 $1.442695020e+00, v0  }
0x18b: {  	(erf) = vrcp.f32 v1  }
0x18c: {  	(erf) = vpow2.f32 v0;
	_ =	sdelay $0x4  }
0x18d: {  	v46 =	vld.idx.msk [tilespmem:v12+s7+$0x2D20 ss:$0x1], $0xffff  }
0x18e: {  	v47 =	vld.idx.msk [tilespmem:v12+s7+$0x5A40 ss:$0x1], $0xffff  }
0x18f: {  	v48 =	vld.idx.msk [tilespmem:v12+s7+$0x43B0 ss:$0x1], $0xffff  }
0x190: {  	v30 =	vpop (erf)  }
0x191: {  	v15 =	vpop (erf)  }
0x192: {  	v15 =	vadd.f32 $1.000000000e+00, v15  }
0x193: {  	v1 =	vsub.f32 $0.0e+00, v47;
	v0 =	vmul.f32 $1.442695020e+00, v46  }
0x194: {  	v2 =	vmul.f32 $1.442695020e+00, v48;
	(erf) = vrcp.f32 v15  }
0x195: {  	v49 =	vmul.f32 $1.442695020e+00, v1;
	(erf) = vpow2.f32 v0  }
0x196: {  	(erf) = vpow2.f32 v2  }
0x197: {  	(erf) = vpow2.f32 v49;
	_ =	sdelay $0x2  }
0x198: {  	s11 =	sor.u32 $0x30, s29  }
0x199: {  	v50 =	vld.idx.msk [tilespmem:v12+s11+$0x0 ss:$0x1], $0xffff;
	_ =	sdelay $0x1  }
0x19a: {  	v39 =	vpop (erf)  }
0x19b: {  	v31 =	vpop (erf)  }
0x19c: {  	v27 =	vpop (erf)  }
0x19d: {  	v0 =	vsub.f32 $0.0e+00, v50;
	v51 =	vpop (erf)  }
0x19e: {  	v1 =	vadd.f32 $1.000000000e+00, v51  }
0x19f: {  	v0 =	vmul.f32 $1.442695020e+00, v0  }
0x1a0: {  	(erf) = vrcp.f32 v1  }
0x1a1: {  	(erf) = vpow2.f32 v0;
	_ =	sdelay $0x3  }
0x1a2: {  	v52 =	vld.idx.msk [tilespmem:v12+s11+$0x1690 ss:$0x1], $0xffff;
	_ =	sdelay $0x3  }
0x1a3: {  	v15 =	vpop (erf)  }
0x1a4: {  	v0 =	vsub.f32 $0.0e+00, v52;
	v53 =	vpop (erf)  }
0x1a5: {  	v1 =	vadd.f32 $1.000000000e+00, v53  }
0x1a6: {  	v0 =	vmul.f32 $1.442695020e+00, v0  }
0x1a7: {  	(erf) = vrcp.f32 v1  }
0x1a8: {  	(erf) = vpow2.f32 v0;
	_ =	sdelay $0x4  }
0x1a9: {  	v54 =	vld.idx.msk [tilespmem:v12+s11+$0x2D20 ss:$0x1], $0xffff  }
0x1aa: {  	v55 =	vld.idx.msk [tilespmem:v12+s11+$0x5A40 ss:$0x1], $0xffff  }
0x1ab: {  	v56 =	vld.idx.msk [tilespmem:v12+s11+$0x43B0 ss:$0x1], $0xffff  }
0x1ac: {  	v28 =	vpop (erf)  }
0x1ad: {  	v16 =	vpop (erf)  }
0x1ae: {  	v16 =	vadd.f32 $1.000000000e+00, v16  }
0x1af: {  	v1 =	vsub.f32 $0.0e+00, v55;
	v0 =	vmul.f32 $1.442695020e+00, v54  }
0x1b0: {  	v2 =	vmul.f32 $1.442695020e+00, v56;
	(erf) = vrcp.f32 v16  }
0x1b1: {  	v57 =	vmul.f32 $1.442695020e+00, v1;
	(erf) = vpow2.f32 v0  }
0x1b2: {  	(erf) = vpow2.f32 v2  }
0x1b3: {  	(erf) = vpow2.f32 v57;
	_ =	sdelay $0x2  }
0x1b4: {  	s13 =	sor.u32 $0x40, s29  }
0x1b5: {  	v58 =	vld.idx.msk [tilespmem:v12+s13+$0x0 ss:$0x1], $0xffff;
	_ =	sdelay $0x1  }
0x1b6: {  	v37 =	vpop (erf)  }
0x1b7: {  	v26 =	vpop (erf)  }
0x1b8: {  	v25 =	vpop (erf)  }
0x1b9: {  	v0 =	vsub.f32 $0.0e+00, v58;
	v59 =	vpop (erf)  }
0x1ba: {  	v1 =	vadd.f32 $1.000000000e+00, v59  }
0x1bb: {  	v0 =	vmul.f32 $1.442695020e+00, v0  }
0x1bc: {  	(erf) = vrcp.f32 v1  }
0x1bd: {  	(erf) = vpow2.f32 v0;
	_ =	sdelay $0x3  }
0x1be: {  	v60 =	vld.idx.msk [tilespmem:v12+s13+$0x1690 ss:$0x1], $0xffff;
	_ =	sdelay $0x3  }
0x1bf: {  	v16 =	vpop (erf)  }
0x1c0: {  	v0 =	vsub.f32 $0.0e+00, v60;
	v61 =	vpop (erf)  }
0x1c1: {  	v1 =	vadd.f32 $1.000000000e+00, v61  }
0x1c2: {  	v0 =	vmul.f32 $1.442695020e+00, v0  }
0x1c3: {  	(erf) = vrcp.f32 v1  }
0x1c4: {  	(erf) = vpow2.f32 v0;
	_ =	sdelay $0x1  }
0x1c5: {  	s16 =	sadd.s32 s26, s13  }
0x1c6: {  	s9 =	sadd.s32 $0x5A40, s16  }
0x1c7: {  	s1 =	sand.u32 $0xFF80, s9  }
0x1c8: {  	v62 =	vld.idx.msk [tilespmem:v12+s13+$0x2D20 ss:$0x1], $0xffff;
	s1 =	sor.u32 s1, s28  }
0x1c9: {  	v63 =	vld [tilespmem:s1+$0x0]  }
0x1ca: {  	v29 =	vld.idx.msk [tilespmem:v12+s13+$0x43B0 ss:$0x1], $0xffff  }
0x1cb: {  	v38 =	vpop (erf)  }
0x1cc: {  	v17 =	vpop (erf)  }
0x1cd: {  	v17 =	vadd.f32 $1.000000000e+00, v17  }
0x1ce: {  	v1 =	vsub.f32 $0.0e+00, v63;
	v0 =	vmul.f32 $1.442695020e+00, v62  }
0x1cf: {  	v2 =	vmul.f32 $1.442695020e+00, v29;
	(erf) = vrcp.f32 v17  }
0x1d0: {  	v34 =	vmul.f32 $1.442695020e+00, v1;
	(erf) = vpow2.f32 v0  }
0x1d1: {  	(erf) = vpow2.f32 v2  }
0x1d2: {  	(erf) = vpow2.f32 v34;
	_ =	sdelay $0x2  }
0x1d3: {  	s30 =	sor.u32 $0x50, s29  }
0x1d4: {  	v35 =	vld.idx.msk [tilespmem:v12+s30+$0x0 ss:$0x1], $0xffff;
	_ =	sdelay $0x1  }
0x1d5: {  	v40 =	vpop (erf)  }
0x1d6: {  	v36 =	vpop (erf)  }
0x1d7: {  	v29 =	vpop (erf)  }
0x1d8: {  	v0 =	vsub.f32 $0.0e+00, v35;
	v44 =	vpop (erf)  }
0x1d9: {  	v1 =	vadd.f32 $1.000000000e+00, v44  }
0x1da: {  	v0 =	vmul.f32 $1.442695020e+00, v0  }
0x1db: {  	(erf) = vrcp.f32 v1  }
0x1dc: {  	(erf) = vpow2.f32 v0;
	_ =	sdelay $0x3  }
0x1dd: {  	v45 =	vld.idx.msk [tilespmem:v12+s30+$0x1690 ss:$0x1], $0xffff;
	_ =	sdelay $0x3  }
0x1de: {  	v17 =	vpop (erf)  }
0x1df: {  	v0 =	vsub.f32 $0.0e+00, v45;
	v46 =	vpop (erf)  }
0x1e0: {  	v1 =	vadd.f32 $1.000000000e+00, v46  }
0x1e1: {  	v0 =	vmul.f32 $1.442695020e+00, v0  }
0x1e2: {  	(erf) = vrcp.f32 v1  }
0x1e3: {  	(erf) = vpow2.f32 v0  }
0x1e4: {  	s4 =	sadd.s32 s26, s30  }
0x1e5: {  	s17 =	sadd.s32 $0x5A40, s4  }
0x1e6: {  	s9 =	sand.u32 $0x30, s4;
	s1 =	sand.u32 $0xFF80, s17  }
0x1e7: {  	s1 =	sor.u32 s9, s1  }
0x1e8: {  	v48 =	vld [tilespmem:s1+$0x0]  }
0x1e9: {  	v47 =	vld.idx.msk [tilespmem:v12+s30+$0x2D20 ss:$0x1], $0xffff  }
0x1ea: {  	v49 =	vld.idx.msk [tilespmem:v12+s30+$0x43B0 ss:$0x1], $0xffff  }
0x1eb: {  	v42 =	vpop (erf)  }
0x1ec: {  	v18 =	vpop (erf)  }
0x1ed: {  	v18 =	vadd.f32 $1.000000000e+00, v18  }
0x1ee: {  	v1 =	vsub.f32 $0.0e+00, v48;
	v0 =	vmul.f32 $1.442695020e+00, v47  }
0x1ef: {  	v2 =	vmul.f32 $1.442695020e+00, v49;
	(erf) = vrcp.f32 v18  }
0x1f0: {  	v50 =	vmul.f32 $1.442695020e+00, v1;
	(erf) = vpow2.f32 v0  }
0x1f1: {  	(erf) = vpow2.f32 v2  }
0x1f2: {  	(erf) = vpow2.f32 v50;
	_ =	sdelay $0x2  }
0x1f3: {  	s1 =	sor.u32 $0x60, s29  }
0x1f4: {  	v51 =	vld.idx.msk [tilespmem:v12+s1+$0x0 ss:$0x1], $0xffff;
	_ =	sdelay $0x1  }
0x1f5: {  	v43 =	vpop (erf)  }
0x1f6: {  	v34 =	vpop (erf)  }
0x1f7: {  	v35 =	vpop (erf)  }
0x1f8: {  	v0 =	vsub.f32 $0.0e+00, v51;
	v52 =	vpop (erf)  }
0x1f9: {  	v1 =	vadd.f32 $1.000000000e+00, v52  }
0x1fa: {  	v0 =	vmul.f32 $1.442695020e+00, v0  }
0x1fb: {  	(erf) = vrcp.f32 v1  }
0x1fc: {  	(erf) = vpow2.f32 v0;
	_ =	sdelay $0x3  }
0x1fd: {  	v53 =	vld.idx.msk [tilespmem:v12+s1+$0x1690 ss:$0x1], $0xffff;
	_ =	sdelay $0x3  }
0x1fe: {  	v18 =	vpop (erf)  }
0x1ff: {  	v0 =	vsub.f32 $0.0e+00, v53;
	v54 =	vpop (erf)  }
0x200: {  	v1 =	vadd.f32 $1.000000000e+00, v54  }
0x201: {  	s9 =	sadd.s32 s26, s1;
	v0 =	vmul.f32 $1.442695020e+00, v0  }
0x202: {  	s17 =	sadd.s32 $0x2D20, s9;
	(erf) = vrcp.f32 v1  }
0x203: {  	s31 =	sadd.s32 $0x5A40, s9;
	s18 =	sand.u32 $0x7F80, s17;
	(erf) = vpow2.f32 v0  }
0x204: {  	s17 =	sand.u32 $0xFF80, s31;
	v55 =	vmov s0;
	s0 =	sor.u32 s18, s28;
	s18 =	sand.u32 $0x30, s9  }
0x205: {  	v20 =	vmul.f32 $1.300000000e+01, v20;
	s18 =	sor.u32 s18, s17;
	v44 =	vld.idx.msk [tilespmem:v12+s1+$0x43B0 ss:$0x1], $0xffff;
	v0 =	vbroadcast v55, $0x0  }
0x206: {  	v31 =	vmul.f32 $1.000000000e+01, v31;
	v27 =	vmul.f32 $1.300000000e+01, v27;
	v57 =	vld [tilespmem:s18+$0x0]  }
0x207: {  	v26 =	vmul.f32 $1.000000000e+01, v26;
	v49 =	vmov s5;
	v0 =	vor.u32 v8, v0  }
0x208: {  	s31 =	sadd.s32 s26, s5;
	v25 =	vmul.f32 $1.300000000e+01, v25;
	s5 =	sadd.s32 s26, s7;
	v49 =	vshll.u32 v49, $0x7;
	v41 =	vshrl.u32 v0, $0x2  }
0x209: {  	v56 =	vld [tilespmem:s0+$0x0];
	v62 =	vmov s29;
	v58 =	vmov s5;
	v49 =	vor.u32 v11, v49  }
0x20a: {  	s18 =	sor.u32 $0x70, s29;
	v36 =	vmul.f32 $1.000000000e+01, v36;
	v44 =	vmul.f32 $1.442695020e+00, v44;
	v47 =	vmov s31  }
0x20b: {  	v51 =	vmov s4;
	v2 =	vsub.f32 $0.0e+00, v57;
	v52 =	vld.idx.msk [tilespmem:v12+s18+$0x0 ss:$0x1], $0xffff;
	v45 =	vmulhi.u32 $0x1AF286BD, v41;
	v41 =	vpop (erf)  }
0x20c: {  	v60 =	vbroadcast v47, $0x0;
	v47 =	vmov s11;
	v51 =	vbroadcast v51, $0x0;
	v46 =	vpop (erf)  }
0x20d: {  	v50 =	vmov s16;
	v59 =	vmul.f32 $1.442695020e+00, v2;
	v46 =	vadd.f32 $1.000000000e+00, v46  }
0x20e: {  	v2 =	vor.u32 v8, v60;
	v1 =	vmul.f32 $1.442695020e+00, v56;
	v45 =	vshrl.u32 v45, $0x1  }
0x20f: {  	v50 =	vbroadcast v50, $0x0;
	v48 =	vmul.u32 $0xFFFFFFB4, v45;
	(erf) = vrcp.f32 v46  }
0x210: {  	v51 =	vor.u32 v8, v51;
	v52 =	vsub.f32 $0.0e+00, v52;
	(erf) = vpow2.f32 v1  }
0x211: {  	v45 =	vcvt.s32.f32 v45;
	v0 =	vadd.s32 v0, v48;
	(erf) = vpow2.f32 v44  }
0x212: {  	v61 =	vshrl.u32 v2, $0x2;
	v0 =	vcvt.s32.f32 v0;
	(erf) = vpow2.f32 v59  }
0x213: {  	v50 =	vor.u32 v8, v50;
	v60 =	vmul.f32 $1.442695020e+00, v52;
	v56 =	vmul.f32 $1.300000000e+01, v22  }
0x214: {  	v45 =	vadd.f32 v45, v32;
	v0 =	vadd.f32 v0, v23;
	v23 =	vmulhi.u32 $0x1AF286BD, v61  }
0x215: {  	v55 =	vmul.f32 $1.000000000e+01, v21;
	v32 =	vmov s13;
	v48 =	vshll.u32 v62, $0x7  }
0x216: {  	s17 =	sadd.s32 s26, s11;
	v48 =	vor.u32 v11, v48;
	v45 =	vmul.f32 $8.000000000e+00, v45;
	v46 =	vbroadcast v58, $0x0  }
0x217: {  	v57 =	vor.u32 $0x1, v48;
	v1 =	vmov s17;
	v53 =	vshrl.u32 v23, $0x1  }
0x218: {  	v44 =	vmov s7;
	v46 =	vor.u32 v8, v46;
	v54 =	vmul.u32 $0xFFFFFFB4, v53;
	v23 =	vpop (erf)  }
0x219: {  	v0 =	vmul.f32 $8.000000000e+00, v0;
	v1 =	vbroadcast v1, $0x0;
	v63 =	vshrl.u32 v46, $0x2;
	v21 =	vpop (erf)  }
0x21a: {  	v53 =	vcvt.s32.f32 v53;
	v59 =	vor.u32 $0x2, v48;
	v2 =	vadd.s32 v2, v54;
	v22 =	vpop (erf)  }
0x21b: {  	v44 =	vshll.u32 v44, $0x7;
	v54 =	vmulhi.u32 $0x1AF286BD, v63;
	v2 =	vcvt.s32.f32 v2;
	v58 =	vpop (erf)  }
0x21c: {  	v1 =	vor.u32 v8, v1;
	v33 =	vadd.f32 v53, v33;
	v58 =	vadd.f32 $1.000000000e+00, v58  }
0x21d: {  	v61 =	vshrl.u32 v54, $0x1;
	v2 =	vadd.f32 v2, v24;
	v24 =	vor.u32 $0x3, v48  }
0x21e: {  	[tilespmem:v48+s20+$0x0] =	vst.idx.msk $0xffff, v0;
	v63 =	vshrl.u32 v1, $0x2;
	v62 =	vmul.u32 $0xFFFFFFB4, v61;
	(erf) = vrcp.f32 v58  }
0x21f: {  	[tilespmem:v57+s20+$0x0] =	vst.idx.msk $0xffff, v45;
	v54 =	vor.u32 $0x4, v48;
	v2 =	vmul.f32 $8.000000000e+00, v2;
	(erf) = vpow2.f32 v60  }
0x220: {  	v52 =	vcvt.s32.f32 v61;
	v61 =	vor.u32 $0x1, v49;
	[tilespmem:v59+s20+$0x0] =	vst.idx.msk $0xffff, v55;
	v46 =	vadd.s32 v46, v62  }
0x221: {  	v0 =	vor.u32 v11, v44;
	v53 =	vmulhi.u32 $0x1AF286BD, v63;
	v46 =	vcvt.s32.f32 v46;
	[tilespmem:v49+s20+$0x0] =	vst.idx.msk $0xffff, v2  }
0x222: {  	v33 =	vmul.f32 $8.000000000e+00, v33;
	v48 =	vor.u32 $0x1, v0;
	[tilespmem:v24+s20+$0x0] =	vst.idx.msk $0xffff, v56;
	v60 =	vmul.f32 $1.000000000e+01, v19  }
0x223: {  	v58 =	vld.idx.msk [tilespmem:v12+s18+$0x1690 ss:$0x1], $0xffff;
	v19 =	vadd.f32 v46, v30;
	v30 =	vadd.f32 v52, v39;
	v39 =	vshrl.u32 v53, $0x1  }
0x224: {  	v62 =	vor.u32 $0x4, v49;
	[tilespmem:v54+s20+$0x0] =	vst.idx.msk $0xffff, v13;
	v54 =	vshll.u32 v47, $0x7;
	v53 =	vmul.u32 $0xFFFFFFB4, v39  }
0x225: {  	v24 =	vor.u32 $0x2, v0;
	[tilespmem:v61+s20+$0x0] =	vst.idx.msk $0xffff, v33;
	v33 =	vor.u32 v11, v54;
	v46 =	vor.u32 $0x2, v49  }
0x226: {  	v52 =	vor.u32 $0x3, v49;
	v47 =	vor.u32 $0x3, v33;
	v39 =	vcvt.s32.f32 v39  }
0x227: {  	v63 =	vmul.f32 $8.000000000e+00, v19;
	v30 =	vmul.f32 $8.000000000e+00, v30;
	v1 =	vadd.s32 v1, v53;
	v19 =	vpop (erf)  }
0x228: {  	v37 =	vadd.f32 v39, v37;
	v39 =	vor.u32 $0x4, v0;
	v58 =	vsub.f32 $0.0e+00, v58;
	v53 =	vpop (erf)  }
0x229: {  	v1 =	vcvt.s32.f32 v1;
	[tilespmem:v0+s20+$0x0] =	vst.idx.msk $0xffff, v63;
	v63 =	vshll.u32 v32, $0x7;
	v53 =	vadd.f32 $1.000000000e+00, v53  }
0x22a: {  	v2 =	vmul.f32 $8.000000000e+00, v37;
	v37 =	vor.u32 $0x1, v33;
	v58 =	vmul.f32 $1.442695020e+00, v58  }
0x22b: {  	[tilespmem:v48+s20+$0x0] =	vst.idx.msk $0xffff, v30;
	v48 =	vmul.f32 $1.300000000e+01, v29;
	v49 =	vor.u32 v11, v63;
	(erf) = vrcp.f32 v53  }
0x22c: {  	v63 =	vmul.f32 $1.300000000e+01, v35;
	v53 =	vshrl.u32 v50, $0x2;
	(erf) = vpow2.f32 v58  }
0x22d: {  	[tilespmem:v46+s20+$0x0] =	vst.idx.msk $0xffff, v60;
	v1 =	vadd.f32 v1, v28;
	v53 =	vmulhi.u32 $0x1AF286BD, v53;
	v58 =	vshrl.u32 v51, $0x2  }
0x22e: {  	[tilespmem:v52+s20+$0x0] =	vst.idx.msk $0xffff, v20;
	v20 =	vor.u32 $0x2, v33;
	v52 =	vor.u32 $0x1, v49;
	v58 =	vmulhi.u32 $0x1AF286BD, v58  }
0x22f: {  	[tilespmem:v62+s20+$0x0] =	vst.idx.msk $0xffff, v14;
	v62 =	vor.u32 $0x4, v33;
	v44 =	vshrl.u32 v53, $0x1;
	v53 =	vor.u32 $0x3, v0  }
0x230: {  	v56 =	vld.idx.msk [tilespmem:v12+s18+$0x2D20 ss:$0x1], $0xffff;
	v57 =	vmul.u32 $0xFFFFFFB4, v44;
	v58 =	vshrl.u32 v58, $0x1;
	v44 =	vcvt.s32.f32 v44  }
0x231: {  	v60 =	vld.idx.msk [tilespmem:v12+s18+$0x43B0 ss:$0x1], $0xffff;
	v1 =	vmul.f32 $8.000000000e+00, v1;
	v59 =	vmul.u32 $0xFFFFFFB4, v58;
	v55 =	vcvt.s32.f32 v58  }
0x232: {  	v28 =	vadd.s32 v50, v57;
	v40 =	vadd.f32 v44, v40;
	v57 =	vld.idx.msk [tilespmem:v12+s18+$0x5A40 ss:$0x1], $0xffff;
	v44 =	vmov s9  }
0x233: {  	[tilespmem:v24+s20+$0x0] =	vst.idx.msk $0xffff, v31;
	v13 =	vadd.s32 v51, v59;
	v28 =	vcvt.s32.f32 v28;
	v59 =	vadd.f32 v55, v43  }
0x234: {  	[tilespmem:v33+s20+$0x0] =	vst.idx.msk $0xffff, v1;
	v51 =	vbroadcast v44, $0x0;
	v44 =	vmov s1;
	v13 =	vcvt.s32.f32 v13;
	v46 =	vpop (erf)  }
0x235: {  	v40 =	vmul.f32 $8.000000000e+00, v40;
	[tilespmem:v53+s20+$0x0] =	vst.idx.msk $0xffff, v27;
	v53 =	vmul.f32 $1.442695020e+00, v56;
	v28 =	vadd.f32 v28, v38;
	v58 =	vpop (erf)  }
0x236: {  	s31 =	sadd.s32 s26, s18;
	[tilespmem:v39+s20+$0x0] =	vst.idx.msk $0xffff, v15;
	v15 =	vor.u32 $0x2, v49;
	v38 =	vmul.f32 $1.442695020e+00, v60;
	v61 =	vadd.f32 $1.000000000e+00, v58  }
0x237: {  	[tilespmem:v37+s20+$0x0] =	vst.idx.msk $0xffff, v2;
	v59 =	vmul.f32 $8.000000000e+00, v59;
	v60 =	vmov s31;
	v54 =	vsub.f32 $0.0e+00, v57  }
0x238: {  	[tilespmem:v20+s20+$0x0] =	vst.idx.msk $0xffff, v26;
	v30 =	vor.u32 v8, v51;
	v26 =	vbroadcast v60, $0x0;
	(erf) = vrcp.f32 v61  }
0x239: {  	v55 =	vshrl.u32 v30, $0x2;
	v56 =	vmul.f32 $1.442695020e+00, v54;
	(erf) = vpow2.f32 v53  }
0x23a: {  	v13 =	vadd.f32 v13, v42;
	v1 =	vmulhi.u32 $0x1AF286BD, v55;
	(erf) = vpow2.f32 v38  }
0x23b: {  	v14 =	vmul.f32 $8.000000000e+00, v28;
	v57 =	vor.u32 $0x3, v49;
	(erf) = vpow2.f32 v56  }
0x23c: {  	[tilespmem:v47+s20+$0x0] =	vst.idx.msk $0xffff, v25;
	v58 =	vor.u32 $0x4, v49;
	v1 =	vshrl.u32 v1, $0x1;
	v61 =	vmov s30  }
0x23d: {  	[tilespmem:v62+s20+$0x0] =	vst.idx.msk $0xffff, v16;
	v13 =	vmul.f32 $8.000000000e+00, v13;
	v62 =	vmul.u32 $0xFFFFFFB4, v1;
	v0 =	vshll.u32 v61, $0x7  }
0x23e: {  	v26 =	vor.u32 v8, v26;
	[tilespmem:v49+s20+$0x0] =	vst.idx.msk $0xffff, v14;
	v14 =	vmul.f32 $1.000000000e+01, v34;
	v0 =	vor.u32 v11, v0  }
0x23f: {  	[tilespmem:v52+s20+$0x0] =	vst.idx.msk $0xffff, v40;
	v1 =	vcvt.s32.f32 v1;
	v16 =	vadd.s32 v30, v62;
	v37 =	vor.u32 $0x1, v0  }
0x240: {  	v38 =	vshrl.u32 v26, $0x2;
	[tilespmem:v15+s20+$0x0] =	vst.idx.msk $0xffff, v36;
	v15 =	vor.u32 $0x2, v0;
	v16 =	vcvt.s32.f32 v16  }
0x241: {  	v40 =	vor.u32 $0x3, v0;
	v29 =	vmulhi.u32 $0x1AF286BD, v38;
	[tilespmem:v57+s20+$0x0] =	vst.idx.msk $0xffff, v48;
	v47 =	vor.u32 $0x4, v0;
	v39 =	vpop (erf)  }
0x242: {  	v49 =	vadd.f32 v1, v23;
	[tilespmem:v58+s20+$0x0] =	vst.idx.msk $0xffff, v17;
	v43 =	vadd.f32 v16, v41;
	v16 =	vshll.u32 v44, $0x7;
	v42 =	vpop (erf)  }
0x243: {  	v53 =	vmov s18;
	v48 =	vshrl.u32 v29, $0x1;
	[tilespmem:v0+s20+$0x0] =	vst.idx.msk $0xffff, v13;
	v50 =	vor.u32 v11, v16;
	v45 =	vpop (erf)  }
0x244: {  	v13 =	vmul.u32 $0xFFFFFFB4, v48;
	v0 =	vmul.f32 $8.000000000e+00, v49;
	[tilespmem:v37+s20+$0x0] =	vst.idx.msk $0xffff, v59;
	v52 =	vor.u32 $0x1, v50;
	v51 =	vpop (erf)  }
0x245: {  	v2 =	vmul.f32 $8.000000000e+00, v43;
	[tilespmem:v15+s20+$0x0] =	vst.idx.msk $0xffff, v14;
	v14 =	vor.u32 $0x2, v50;
	v16 =	vadd.f32 $1.000000000e+00, v51  }
0x246: {  	v54 =	vor.u32 $0x4, v50;
	v13 =	vadd.s32 v26, v13;
	v15 =	vor.u32 $0x3, v50;
	[tilespmem:v40+s20+$0x0] =	vst.idx.msk $0xffff, v63  }
0x247: {  	v13 =	vcvt.s32.f32 v13;
	[tilespmem:v47+s20+$0x0] =	vst.idx.msk $0xffff, v18;
	(erf) = vrcp.f32 v16;
	v16 =	vshll.u32 v53, $0x7  }
0x248: {  	v55 =	vmul.f32 $1.000000000e+01, v21;
	v56 =	vcvt.s32.f32 v48;
	[tilespmem:v50+s20+$0x0] =	vst.idx.msk $0xffff, v2;
	v16 =	vor.u32 v11, v16  }
0x249: {  	v57 =	vmul.f32 $1.300000000e+01, v22;
	v13 =	vadd.f32 v13, v46;
	[tilespmem:v52+s20+$0x0] =	vst.idx.msk $0xffff, v0;
	v58 =	vor.u32 $0x1, v16  }
0x24a: {  	v59 =	vadd.f32 v56, v39;
	[tilespmem:v14+s20+$0x0] =	vst.idx.msk $0xffff, v55;
	v60 =	vor.u32 $0x2, v16  }
0x24b: {  	v61 =	vmul.f32 $8.000000000e+00, v13;
	[tilespmem:v15+s20+$0x0] =	vst.idx.msk $0xffff, v57;
	v13 =	vor.u32 $0x3, v16  }
0x24c: {  	p1 =	por p0, p0;
	v1 =	vmul.f32 $8.000000000e+00, v59;
	[tilespmem:v54+s20+$0x0] =	vst.idx.msk $0xffff, v19;
	v14 =	vor.u32 $0x4, v16  }
.Ltmp1:
0x24d: {  	v62 =	vmul.f32 $1.000000000e+01, v42;
	[tilespmem:v16+s20+$0x0] =	vst.idx.msk $0xffff, v61;
	(pc) =	sbr.rel @p1 .LBB2_5-.Ltmp1, $4  }
0x24e: {  	v15 =	vmul.f32 $1.300000000e+01, v45;
	[tilespmem:v58+s20+$0x0] =	vst.idx.msk $0xffff, v1  }
0x24f: {  	[tilespmem:v60+s20+$0x0] =	vst.idx.msk $0xffff, v62  }
0x250: {  	v63 =	vpop (erf);
	[tilespmem:v13+s20+$0x0] =	vst.idx.msk $0xffff, v15  }
0x251: {  	p0 =	por $0x0, $0x0;
	s29 =	simm.s32 $0x80;
	[tilespmem:v14+s20+$0x0] =	vst.idx.msk $0xffff, v63  }
0x252: {  	s25 =	sadd.s32 $0x1, s25  }
0x253: {  	p0 =	sne.s32 s25, $0xC  }
.Ltmp2:
0x254: {  	_ = 	snop;
	(pc) =	sbr.rel @p0 .LBB2_2-.Ltmp2, $4  }
0x255: {  	s0 =	sadd.s32 s6, s26  }
0x256: {  	s0 =	sshll.u32 s0, $0x4  }
0x257: {  	s0 =	sadd.s32 s3, s0  }
0x258: {  	[hbm4b:s0+s2] =	stream.linear.scatter [tilespmem:s20], [sflag:$0x4], $0x8000, $0x38;
	[tilespmem:$0x1E200] =	vst v63  }
0x259: {  	s25 =	simm.s32 $0x0;
	s0 =	rddreg [dreg:$0x5]  }
0x25a: {  	[tilespmem:s25], [sflag:$0x1] =	stream.linear.gather [hbm4b:s0+s25], $0x70D0, $0x38;
	[tilespmem:$0x1E200] =	vst v63  }
0x25b: {  	_ =	swait.ge [sflag:s21], $0x70D0  }
0x25c: {  	[sflag:s21] =	ssyncset.done $0x0  }
0x25d: {  	[sflag:s21] =	ssyncadd.s32 $0xFFFF8F30  }
.LBB2_8:
0x25e: {  	s26 =	sshll.u32 s25, $0x9  }
0x25f: {  	s28 =	smin.u32 s26, $0x1590  }
0x260: {  	s0 =	sand.u32 $0x10, s28  }
0x261: {  	s0 =	sor.u32 $0x7100, s0  }
0x262: {  	_ =	swait.ge [sflag:s22], $0x8000;
	v12 =	vmov s0  }
0x263: {  	[sflag:s22] =	ssyncset.done $0x0  }
0x264: {  	p0 =	por $0x1, $0x1;
	s29 =	simm.s32 $0x0;
	[sflag:s22] =	ssyncadd.s32 $0xFFFF8000;
	v13 =	vmov s28  }
.LBB2_9:
0x265: {  	s0 =	sadd.s32 s28, s29  }
0x266: {  	s1 =	sand.u32 $0x3F80, s0  }
0x267: {  	v0 =	vld.idx.msk [tilespmem:v12+s1+$0x0 ss:$0x1], $0xffff;
	_ =	sdelay $0x4  }
0x268: {  	v0 =	vsub.f32 $0.0e+00, v0;
	_ =	sdelay $0x1  }
0x269: {  	v0 =	vmul.f32 $1.442695020e+00, v0;
	_ =	sdelay $0x1  }
0x26a: {  	(erf) = vpow2.f32 v0;
	_ =	sdelay $0x3  }
0x26b: {  	v39 =	vld.idx.msk [tilespmem:v13+s29+$0x8790 ss:$0x1], $0xffff;
	_ =	sdelay $0x4  }
0x26c: {  	v0 =	vsub.f32 $0.0e+00, v39;
	v1 =	vpop (erf)  }
0x26d: {  	v1 =	vadd.f32 $1.000000000e+00, v1  }
0x26e: {  	v0 =	vmul.f32 $1.442695020e+00, v0  }
0x26f: {  	(erf) = vrcp.f32 v1  }
0x270: {  	(erf) = vpow2.f32 v0;
	_ =	sdelay $0x4  }
0x271: {  	v40 =	vld.idx.msk [tilespmem:v13+s29+$0x9E20 ss:$0x1], $0xffff  }
0x272: {  	v41 =	vld.idx.msk [tilespmem:v13+s29+$0xCB40 ss:$0x1], $0xffff  }
0x273: {  	v2 =	vld.idx.msk [tilespmem:v13+s29+$0xB4B0 ss:$0x1], $0xffff  }
0x274: {  	v24 =	vpop (erf)  }
0x275: {  	v14 =	vpop (erf)  }
0x276: {  	v14 =	vadd.f32 $1.000000000e+00, v14  }
0x277: {  	v1 =	vsub.f32 $0.0e+00, v41;
	v0 =	vmul.f32 $1.442695020e+00, v40  }
0x278: {  	v2 =	vmul.f32 $1.442695020e+00, v2;
	(erf) = vrcp.f32 v14  }
0x279: {  	v42 =	vmul.f32 $1.442695020e+00, v1;
	(erf) = vpow2.f32 v0  }
0x27a: {  	(erf) = vpow2.f32 v2  }
0x27b: {  	(erf) = vpow2.f32 v42;
	_ =	sdelay $0x2  }
0x27c: {  	s5 =	sor.u32 $0x10, s29  }
0x27d: {  	v43 =	vld.idx.msk [tilespmem:v13+s5+$0x7100 ss:$0x1], $0xffff;
	_ =	sdelay $0x1  }
0x27e: {  	v33 =	vpop (erf)  }
0x27f: {  	v22 =	vpop (erf)  }
0x280: {  	v23 =	vpop (erf)  }
0x281: {  	v0 =	vsub.f32 $0.0e+00, v43;
	v44 =	vpop (erf)  }
0x282: {  	v1 =	vadd.f32 $1.000000000e+00, v44  }
0x283: {  	v0 =	vmul.f32 $1.442695020e+00, v0  }
0x284: {  	(erf) = vrcp.f32 v1  }
0x285: {  	(erf) = vpow2.f32 v0;
	_ =	sdelay $0x3  }
0x286: {  	v45 =	vld.idx.msk [tilespmem:v13+s5+$0x8790 ss:$0x1], $0xffff;
	_ =	sdelay $0x3  }
0x287: {  	v14 =	vpop (erf)  }
0x288: {  	v0 =	vsub.f32 $0.0e+00, v45;
	v46 =	vpop (erf)  }
0x289: {  	v1 =	vadd.f32 $1.000000000e+00, v46  }
0x28a: {  	v0 =	vmul.f32 $1.442695020e+00, v0  }
0x28b: {  	(erf) = vrcp.f32 v1  }
0x28c: {  	(erf) = vpow2.f32 v0;
	_ =	sdelay $0x4  }
0x28d: {  	v47 =	vld.idx.msk [tilespmem:v13+s5+$0x9E20 ss:$0x1], $0xffff  }
0x28e: {  	v48 =	vld.idx.msk [tilespmem:v13+s5+$0xCB40 ss:$0x1], $0xffff  }
0x28f: {  	v49 =	vld.idx.msk [tilespmem:v13+s5+$0xB4B0 ss:$0x1], $0xffff  }
0x290: {  	v25 =	vpop (erf)  }
0x291: {  	v15 =	vpop (erf)  }
0x292: {  	v15 =	vadd.f32 $1.000000000e+00, v15  }
0x293: {  	v1 =	vsub.f32 $0.0e+00, v48;
	v0 =	vmul.f32 $1.442695020e+00, v47  }
0x294: {  	v2 =	vmul.f32 $1.442695020e+00, v49;
	(erf) = vrcp.f32 v15  }
0x295: {  	v50 =	vmul.f32 $1.442695020e+00, v1;
	(erf) = vpow2.f32 v0  }
0x296: {  	(erf) = vpow2.f32 v2  }
0x297: {  	(erf) = vpow2.f32 v50;
	_ =	sdelay $0x2  }
0x298: {  	s7 =	sor.u32 $0x20, s29  }
0x299: {  	v51 =	vld.idx.msk [tilespmem:v13+s7+$0x7100 ss:$0x1], $0xffff;
	_ =	sdelay $0x1  }
0x29a: {  	v34 =	vpop (erf)  }
0x29b: {  	v20 =	vpop (erf)  }
0x29c: {  	v21 =	vpop (erf)  }
0x29d: {  	v0 =	vsub.f32 $0.0e+00, v51;
	v52 =	vpop (erf)  }
0x29e: {  	v1 =	vadd.f32 $1.000000000e+00, v52  }
0x29f: {  	v0 =	vmul.f32 $1.442695020e+00, v0  }
0x2a0: {  	(erf) = vrcp.f32 v1  }
0x2a1: {  	(erf) = vpow2.f32 v0;
	_ =	sdelay $0x3  }
0x2a2: {  	v53 =	vld.idx.msk [tilespmem:v13+s7+$0x8790 ss:$0x1], $0xffff;
	_ =	sdelay $0x3  }
0x2a3: {  	v15 =	vpop (erf)  }
0x2a4: {  	v0 =	vsub.f32 $0.0e+00, v53;
	v54 =	vpop (erf)  }
0x2a5: {  	v1 =	vadd.f32 $1.000000000e+00, v54  }
0x2a6: {  	v0 =	vmul.f32 $1.442695020e+00, v0  }
0x2a7: {  	(erf) = vrcp.f32 v1  }
0x2a8: {  	(erf) = vpow2.f32 v0;
	_ =	sdelay $0x4  }
0x2a9: {  	v55 =	vld.idx.msk [tilespmem:v13+s7+$0x9E20 ss:$0x1], $0xffff  }
0x2aa: {  	v56 =	vld.idx.msk [tilespmem:v13+s7+$0xCB40 ss:$0x1], $0xffff  }
0x2ab: {  	v57 =	vld.idx.msk [tilespmem:v13+s7+$0xB4B0 ss:$0x1], $0xffff  }
0x2ac: {  	v31 =	vpop (erf)  }
0x2ad: {  	v16 =	vpop (erf)  }
0x2ae: {  	v16 =	vadd.f32 $1.000000000e+00, v16  }
0x2af: {  	v1 =	vsub.f32 $0.0e+00, v56;
	v0 =	vmul.f32 $1.442695020e+00, v55  }
0x2b0: {  	v2 =	vmul.f32 $1.442695020e+00, v57;
	(erf) = vrcp.f32 v16  }
0x2b1: {  	v58 =	vmul.f32 $1.442695020e+00, v1;
	(erf) = vpow2.f32 v0  }
0x2b2: {  	(erf) = vpow2.f32 v2  }
0x2b3: {  	(erf) = vpow2.f32 v58;
	_ =	sdelay $0x2  }
0x2b4: {  	s11 =	sor.u32 $0x30, s29  }
0x2b5: {  	v59 =	vld.idx.msk [tilespmem:v13+s11+$0x7100 ss:$0x1], $0xffff;
	_ =	sdelay $0x1  }
0x2b6: {  	v40 =	vpop (erf)  }
0x2b7: {  	v32 =	vpop (erf)  }
0x2b8: {  	v28 =	vpop (erf)  }
0x2b9: {  	v0 =	vsub.f32 $0.0e+00, v59;
	v60 =	vpop (erf)  }
0x2ba: {  	v1 =	vadd.f32 $1.000000000e+00, v60  }
0x2bb: {  	v0 =	vmul.f32 $1.442695020e+00, v0  }
0x2bc: {  	(erf) = vrcp.f32 v1  }
0x2bd: {  	(erf) = vpow2.f32 v0;
	_ =	sdelay $0x3  }
0x2be: {  	v61 =	vld.idx.msk [tilespmem:v13+s11+$0x8790 ss:$0x1], $0xffff;
	_ =	sdelay $0x3  }
0x2bf: {  	v16 =	vpop (erf)  }
0x2c0: {  	v0 =	vsub.f32 $0.0e+00, v61;
	v62 =	vpop (erf)  }
0x2c1: {  	v1 =	vadd.f32 $1.000000000e+00, v62  }
0x2c2: {  	v0 =	vmul.f32 $1.442695020e+00, v0  }
0x2c3: {  	(erf) = vrcp.f32 v1  }
0x2c4: {  	(erf) = vpow2.f32 v0;
	_ =	sdelay $0x4  }
0x2c5: {  	v63 =	vld.idx.msk [tilespmem:v13+s11+$0x9E20 ss:$0x1], $0xffff  }
0x2c6: {  	v26 =	vld.idx.msk [tilespmem:v13+s11+$0xCB40 ss:$0x1], $0xffff  }
0x2c7: {  	v27 =	vld.idx.msk [tilespmem:v13+s11+$0xB4B0 ss:$0x1], $0xffff  }
0x2c8: {  	v30 =	vpop (erf)  }
0x2c9: {  	v17 =	vpop (erf)  }
0x2ca: {  	v17 =	vadd.f32 $1.000000000e+00, v17  }
0x2cb: {  	v1 =	vsub.f32 $0.0e+00, v26;
	v0 =	vmul.f32 $1.442695020e+00, v63  }
0x2cc: {  	v2 =	vmul.f32 $1.442695020e+00, v27;
	(erf) = vrcp.f32 v17  }
0x2cd: {  	v29 =	vmul.f32 $1.442695020e+00, v1;
	(erf) = vpow2.f32 v0  }
0x2ce: {  	(erf) = vpow2.f32 v2  }
0x2cf: {  	(erf) = vpow2.f32 v29;
	_ =	sdelay $0x2  }
0x2d0: {  	s13 =	sor.u32 $0x40, s29  }
0x2d1: {  	v35 =	vld.idx.msk [tilespmem:v13+s13+$0x7100 ss:$0x1], $0xffff;
	_ =	sdelay $0x1  }
0x2d2: {  	v39 =	vpop (erf)  }
0x2d3: {  	v27 =	vpop (erf)  }
0x2d4: {  	v26 =	vpop (erf)  }
0x2d5: {  	v0 =	vsub.f32 $0.0e+00, v35;
	v41 =	vpop (erf)  }
0x2d6: {  	v1 =	vadd.f32 $1.000000000e+00, v41  }
0x2d7: {  	v0 =	vmul.f32 $1.442695020e+00, v0  }
0x2d8: {  	(erf) = vrcp.f32 v1  }
0x2d9: {  	(erf) = vpow2.f32 v0;
	_ =	sdelay $0x3  }
0x2da: {  	v42 =	vld.idx.msk [tilespmem:v13+s13+$0x8790 ss:$0x1], $0xffff;
	_ =	sdelay $0x3  }
0x2db: {  	v17 =	vpop (erf)  }
0x2dc: {  	v0 =	vsub.f32 $0.0e+00, v42;
	v43 =	vpop (erf)  }
0x2dd: {  	v1 =	vadd.f32 $1.000000000e+00, v43  }
0x2de: {  	v0 =	vmul.f32 $1.442695020e+00, v0  }
0x2df: {  	(erf) = vrcp.f32 v1  }
0x2e0: {  	(erf) = vpow2.f32 v0;
	_ =	sdelay $0x2  }
0x2e1: {  	s16 =	sadd.s32 s28, s13  }
0x2e2: {  	s17 =	sadd.s32 $0x5A40, s16  }
0x2e3: {  	s1 =	sand.u32 $0xFF80, s17;
	v44 =	vld.idx.msk [tilespmem:v13+s13+$0x9E20 ss:$0x1], $0xffff  }
0x2e4: {  	v45 =	vld.idx.msk [tilespmem:v12+s1+$0x0 ss:$0x1], $0xffff  }
0x2e5: {  	v46 =	vld.idx.msk [tilespmem:v13+s13+$0xB4B0 ss:$0x1], $0xffff  }
0x2e6: {  	v38 =	vpop (erf)  }
0x2e7: {  	v18 =	vpop (erf)  }
0x2e8: {  	v18 =	vadd.f32 $1.000000000e+00, v18  }
0x2e9: {  	v1 =	vsub.f32 $0.0e+00, v45;
	v0 =	vmul.f32 $1.442695020e+00, v44  }
0x2ea: {  	v2 =	vmul.f32 $1.442695020e+00, v46;
	(erf) = vrcp.f32 v18  }
0x2eb: {  	v47 =	vmul.f32 $1.442695020e+00, v1;
	(erf) = vpow2.f32 v0  }
0x2ec: {  	(erf) = vpow2.f32 v2  }
0x2ed: {  	(erf) = vpow2.f32 v47;
	_ =	sdelay $0x2  }
0x2ee: {  	s30 =	sor.u32 $0x50, s29  }
0x2ef: {  	v48 =	vld.idx.msk [tilespmem:v13+s30+$0x7100 ss:$0x1], $0xffff;
	_ =	sdelay $0x1  }
0x2f0: {  	v41 =	vpop (erf)  }
0x2f1: {  	v37 =	vpop (erf)  }
0x2f2: {  	v29 =	vpop (erf)  }
0x2f3: {  	v0 =	vsub.f32 $0.0e+00, v48;
	v49 =	vpop (erf)  }
0x2f4: {  	v1 =	vadd.f32 $1.000000000e+00, v49  }
0x2f5: {  	v0 =	vmul.f32 $1.442695020e+00, v0  }
0x2f6: {  	(erf) = vrcp.f32 v1  }
0x2f7: {  	(erf) = vpow2.f32 v0;
	_ =	sdelay $0x3  }
0x2f8: {  	v50 =	vld.idx.msk [tilespmem:v13+s30+$0x8790 ss:$0x1], $0xffff;
	_ =	sdelay $0x3  }
0x2f9: {  	v18 =	vpop (erf)  }
0x2fa: {  	v0 =	vsub.f32 $0.0e+00, v50;
	v51 =	vpop (erf)  }
0x2fb: {  	v1 =	vadd.f32 $1.000000000e+00, v51  }
0x2fc: {  	v0 =	vmul.f32 $1.442695020e+00, v0  }
0x2fd: {  	(erf) = vrcp.f32 v1  }
0x2fe: {  	(erf) = vpow2.f32 v0;
	_ =	sdelay $0x1  }
0x2ff: {  	s4 =	sadd.s32 s28, s30  }
0x300: {  	s18 =	sadd.s32 $0x5A40, s4  }
0x301: {  	s9 =	sand.u32 $0x30, s4;
	s1 =	sand.u32 $0xFF80, s18  }
0x302: {  	s1 =	sor.u32 s9, s1;
	v52 =	vld.idx.msk [tilespmem:v13+s30+$0x9E20 ss:$0x1], $0xffff  }
0x303: {  	v53 =	vld [tilespmem:s1+$0x7100]  }
0x304: {  	v54 =	vld.idx.msk [tilespmem:v13+s30+$0xB4B0 ss:$0x1], $0xffff  }
0x305: {  	v43 =	vpop (erf)  }
0x306: {  	v19 =	vpop (erf)  }
0x307: {  	v19 =	vadd.f32 $1.000000000e+00, v19  }
0x308: {  	v1 =	vsub.f32 $0.0e+00, v53;
	v0 =	vmul.f32 $1.442695020e+00, v52  }
0x309: {  	v2 =	vmul.f32 $1.442695020e+00, v54;
	(erf) = vrcp.f32 v19  }
0x30a: {  	v55 =	vmul.f32 $1.442695020e+00, v1;
	(erf) = vpow2.f32 v0  }
0x30b: {  	(erf) = vpow2.f32 v2  }
0x30c: {  	(erf) = vpow2.f32 v55;
	_ =	sdelay $0x2  }
0x30d: {  	s1 =	sor.u32 $0x60, s29  }
0x30e: {  	v56 =	vld.idx.msk [tilespmem:v13+s1+$0x7100 ss:$0x1], $0xffff;
	_ =	sdelay $0x1  }
0x30f: {  	v44 =	vpop (erf)  }
0x310: {  	v35 =	vpop (erf)  }
0x311: {  	v36 =	vpop (erf)  }
0x312: {  	v0 =	vsub.f32 $0.0e+00, v56;
	v57 =	vpop (erf)  }
0x313: {  	v1 =	vadd.f32 $1.000000000e+00, v57  }
0x314: {  	v0 =	vmul.f32 $1.442695020e+00, v0  }
0x315: {  	(erf) = vrcp.f32 v1  }
0x316: {  	(erf) = vpow2.f32 v0;
	_ =	sdelay $0x3  }
0x317: {  	v58 =	vld.idx.msk [tilespmem:v13+s1+$0x8790 ss:$0x1], $0xffff;
	_ =	sdelay $0x3  }
0x318: {  	v19 =	vpop (erf)  }
0x319: {  	v0 =	vsub.f32 $0.0e+00, v58;
	v59 =	vpop (erf)  }
0x31a: {  	v1 =	vadd.f32 $1.000000000e+00, v59  }
0x31b: {  	v0 =	vmul.f32 $1.442695020e+00, v0  }
0x31c: {  	(erf) = vrcp.f32 v1  }
0x31d: {  	(erf) = vpow2.f32 v0  }
0x31e: {  	s9 =	sadd.s32 s28, s1;
	v60 =	vmov s0  }
0x31f: {  	s17 =	sadd.s32 $0x5A40, s9;
	v0 =	vbroadcast v60, $0x0  }
0x320: {  	s18 =	sand.u32 $0x30, s9;
	s17 =	sand.u32 $0xFF80, s17;
	v45 =	vld.idx.msk [tilespmem:v13+s1+$0xB4B0 ss:$0x1], $0xffff  }
0x321: {  	s31 =	sadd.s32 $0x2D20, s9;
	s18 =	sor.u32 s18, s17;
	v0 =	vor.u32 v8, v0  }
0x322: {  	s0 =	sand.u32 $0x7F80, s31;
	v62 =	vld [tilespmem:s18+$0x7100];
	v42 =	vshrl.u32 v0, $0x2  }
0x323: {  	v5 =	vmov v4;
	v21 =	vmul.f32 v21, v4;
	v61 =	vld.idx.msk [tilespmem:v12+s0+$0x0 ss:$0x1], $0xffff  }
0x324: {  	v28 =	vmul.f32 v28, v5;
	v26 =	vmul.f32 v26, v5;
	v50 =	vmov s5  }
0x325: {  	s31 =	sadd.s32 s28, s5;
	v45 =	vmul.f32 $1.442695020e+00, v45;
	s5 =	sadd.s32 s28, s7;
	v50 =	vshll.u32 v50, $0x7;
	v46 =	vmulhi.u32 $0x1AF286BD, v42;
	v42 =	vpop (erf)  }
0x326: {  	v48 =	vmov s31;
	v63 =	vmov s5;
	v50 =	vor.u32 v11, v50;
	v47 =	vpop (erf)  }
0x327: {  	v51 =	vmov s16;
	v2 =	vsub.f32 $0.0e+00, v62;
	v47 =	vadd.f32 $1.000000000e+00, v47  }
0x328: {  	v57 =	vbroadcast v48, $0x0;
	v1 =	vmul.f32 $1.442695020e+00, v61;
	v46 =	vshrl.u32 v46, $0x1  }
0x329: {  	s18 =	sor.u32 $0x70, s29;
	v51 =	vbroadcast v51, $0x0;
	v49 =	vmul.u32 $0xFFFFFFB4, v46;
	(erf) = vrcp.f32 v47  }
0x32a: {  	v53 =	vld.idx.msk [tilespmem:v13+s18+$0x7100 ss:$0x1], $0xffff;
	v56 =	vmul.f32 $1.442695020e+00, v2;
	v2 =	vor.u32 v8, v57;
	(erf) = vpow2.f32 v1  }
0x32b: {  	v57 =	vmul.f32 v23, v4;
	v4 =	vld [tilespmem:$0x1FF90];
	v0 =	vadd.s32 v0, v49;
	(erf) = vpow2.f32 v45  }
0x32c: {  	v52 =	vmov s4;
	v0 =	vcvt.s32.f32 v0;
	(erf) = vpow2.f32 v56  }
0x32d: {  	v51 =	vor.u32 v8, v51;
	v52 =	vbroadcast v52, $0x0;
	v58 =	vshrl.u32 v2, $0x2  }
0x32e: {  	v3 =	vld [tilespmem:$0x1FF90];
	v46 =	vcvt.s32.f32 v46;
	v0 =	vadd.f32 v0, v24;
	v24 =	vmulhi.u32 $0x1AF286BD, v58  }
0x32f: {  	v52 =	vor.u32 v8, v52;
	v53 =	vsub.f32 $0.0e+00, v53;
	v48 =	vmov s11  }
0x330: {  	v32 =	vmul.f32 v32, v4;
	v59 =	vmov s29;
	v46 =	vadd.f32 v46, v33  }
0x331: {  	v61 =	vmul.f32 $1.442695020e+00, v53;
	v49 =	vshll.u32 v59, $0x7;
	v47 =	vbroadcast v63, $0x0  }
0x332: {  	v49 =	vor.u32 v11, v49;
	v46 =	vmul.f32 $8.000000000e+00, v46;
	v54 =	vshrl.u32 v24, $0x1;
	v24 =	vpop (erf)  }
0x333: {  	s17 =	sadd.s32 s28, s11;
	v47 =	vor.u32 v8, v47;
	v55 =	vmul.u32 $0xFFFFFFB4, v54;
	v56 =	vmul.f32 v22, v3;
	v22 =	vpop (erf)  }
0x334: {  	v58 =	vor.u32 $0x1, v49;
	v1 =	vmov s17;
	v60 =	vshrl.u32 v47, $0x2;
	v23 =	vpop (erf)  }
0x335: {  	v45 =	vmov s7;
	v2 =	vadd.s32 v2, v55;
	v55 =	vmulhi.u32 $0x1AF286BD, v60;
	v59 =	vpop (erf)  }
0x336: {  	v0 =	vmul.f32 $8.000000000e+00, v0;
	v1 =	vbroadcast v1, $0x0;
	v59 =	vadd.f32 $1.000000000e+00, v59  }
0x337: {  	v54 =	vcvt.s32.f32 v54;
	v3 =	vld [tilespmem:$0x1FF90];
	v45 =	vshll.u32 v45, $0x7;
	v62 =	vshrl.u32 v55, $0x1  }
0x338: {  	v1 =	vor.u32 v8, v1;
	v63 =	vmul.u32 $0xFFFFFFB4, v62;
	(erf) = vrcp.f32 v59  }
0x339: {  	v60 =	vor.u32 $0x2, v49;
	v2 =	vcvt.s32.f32 v2;
	(erf) = vpow2.f32 v61  }
0x33a: {  	v53 =	vcvt.s32.f32 v62;
	v47 =	vadd.s32 v47, v63;
	v59 =	vshrl.u32 v1, $0x2  }
0x33b: {  	[tilespmem:v49+s19+$0x0] =	vst.idx.msk $0xffff, v0;
	v34 =	vadd.f32 v54, v34;
	v47 =	vcvt.s32.f32 v47;
	v54 =	vmulhi.u32 $0x1AF286BD, v59  }
0x33c: {  	[tilespmem:v58+s19+$0x0] =	vst.idx.msk $0xffff, v46;
	v2 =	vadd.f32 v2, v25;
	v25 =	vor.u32 $0x3, v49;
	v61 =	vmul.f32 v20, v3  }
0x33d: {  	v59 =	vld.idx.msk [tilespmem:v13+s18+$0x8790 ss:$0x1], $0xffff;
	v20 =	vadd.f32 v47, v31;
	v31 =	vadd.f32 v53, v40;
	v40 =	vshrl.u32 v54, $0x1  }
0x33e: {  	v33 =	vmov s13;
	v0 =	vor.u32 v11, v45;
	[tilespmem:v60+s19+$0x0] =	vst.idx.msk $0xffff, v56;
	v56 =	vld [tilespmem:$0x1FF90];
	v54 =	vmul.u32 $0xFFFFFFB4, v40  }
0x33f: {  	v55 =	vor.u32 $0x4, v49;
	v34 =	vmul.f32 $8.000000000e+00, v34;
	v62 =	vor.u32 $0x1, v50  }
0x340: {  	v49 =	vor.u32 $0x1, v0;
	v2 =	vmul.f32 $8.000000000e+00, v2;
	v63 =	vor.u32 $0x4, v50  }
0x341: {  	[tilespmem:v25+s19+$0x0] =	vst.idx.msk $0xffff, v57;
	v25 =	vor.u32 $0x2, v0;
	v47 =	vor.u32 $0x2, v50;
	v3 =	vmul.f32 $8.000000000e+00, v20;
	v20 =	vpop (erf)  }
0x342: {  	v40 =	vcvt.s32.f32 v40;
	v1 =	vadd.s32 v1, v54;
	v59 =	vsub.f32 $0.0e+00, v59;
	v54 =	vpop (erf)  }
0x343: {  	v27 =	vmul.f32 v27, v56;
	v53 =	vor.u32 $0x3, v50;
	v54 =	vadd.f32 $1.000000000e+00, v54  }
0x344: {  	v37 =	vmul.f32 v37, v56;
	v39 =	vadd.f32 v40, v39;
	v59 =	vmul.f32 $1.442695020e+00, v59  }
0x345: {  	[tilespmem:v50+s19+$0x0] =	vst.idx.msk $0xffff, v2;
	v1 =	vcvt.s32.f32 v1;
	(erf) = vrcp.f32 v54;
	v54 =	vshrl.u32 v51, $0x2  }
0x346: {  	[tilespmem:v62+s19+$0x0] =	vst.idx.msk $0xffff, v34;
	v54 =	vmulhi.u32 $0x1AF286BD, v54;
	(erf) = vpow2.f32 v59;
	v59 =	vshrl.u32 v52, $0x2  }
0x347: {  	v31 =	vmul.f32 $8.000000000e+00, v31;
	v40 =	vor.u32 $0x4, v0;
	[tilespmem:v47+s19+$0x0] =	vst.idx.msk $0xffff, v61;
	v59 =	vmulhi.u32 $0x1AF286BD, v59  }
0x348: {  	[tilespmem:v53+s19+$0x0] =	vst.idx.msk $0xffff, v21;
	v2 =	vmul.f32 $8.000000000e+00, v39;
	v1 =	vadd.f32 v1, v30;
	v45 =	vshrl.u32 v54, $0x1  }
0x349: {  	[tilespmem:v63+s19+$0x0] =	vst.idx.msk $0xffff, v15;
	v63 =	vshll.u32 v33, $0x7;
	v30 =	vmul.u32 $0xFFFFFFB4, v45;
	v46 =	vshrl.u32 v59, $0x1  }
0x34a: {  	v1 =	vmul.f32 $8.000000000e+00, v1;
	v45 =	vcvt.s32.f32 v45;
	v60 =	vmul.u32 $0xFFFFFFB4, v46  }
0x34b: {  	v57 =	vld.idx.msk [tilespmem:v13+s18+$0xCB40 ss:$0x1], $0xffff;
	v54 =	vcvt.s32.f32 v46;
	v30 =	vadd.s32 v51, v30;
	v51 =	vor.u32 $0x3, v0  }
0x34c: {  	v41 =	vadd.f32 v45, v41;
	v45 =	vor.u32 v11, v63;
	v63 =	vmul.f32 v36, v5  }
0x34d: {  	[tilespmem:v55+s19+$0x0] =	vst.idx.msk $0xffff, v14;
	v14 =	vadd.s32 v52, v60;
	v52 =	vshll.u32 v48, $0x7;
	v30 =	vcvt.s32.f32 v30  }
0x34e: {  	v59 =	vadd.f32 v54, v44;
	v44 =	vmul.f32 v29, v5;
	v50 =	vor.u32 $0x1, v45  }
0x34f: {  	v55 =	vld.idx.msk [tilespmem:v13+s18+$0x9E20 ss:$0x1], $0xffff;
	v53 =	vor.u32 $0x2, v45;
	v34 =	vor.u32 v11, v52;
	v14 =	vcvt.s32.f32 v14  }
0x350: {  	[tilespmem:v0+s19+$0x0] =	vst.idx.msk $0xffff, v3;
	v60 =	vld.idx.msk [tilespmem:v13+s18+$0xB4B0 ss:$0x1], $0xffff;
	v3 =	vmul.f32 $8.000000000e+00, v41;
	v41 =	vmov s9;
	v52 =	vsub.f32 $0.0e+00, v57  }
0x351: {  	v57 =	vor.u32 $0x3, v45;
	v39 =	vor.u32 $0x1, v34;
	v21 =	vor.u32 $0x2, v34;
	v47 =	vpop (erf)  }
0x352: {  	[tilespmem:v49+s19+$0x0] =	vst.idx.msk $0xffff, v31;
	v30 =	vadd.f32 v30, v38;
	v48 =	vor.u32 $0x3, v34;
	v62 =	vor.u32 $0x4, v34;
	v58 =	vpop (erf)  }
0x353: {  	[tilespmem:v25+s19+$0x0] =	vst.idx.msk $0xffff, v32;
	v49 =	vbroadcast v41, $0x0;
	v59 =	vmul.f32 $8.000000000e+00, v59;
	v61 =	vadd.f32 $1.000000000e+00, v58  }
0x354: {  	v14 =	vadd.f32 v14, v43;
	v15 =	vmul.f32 $8.000000000e+00, v30;
	[tilespmem:v51+s19+$0x0] =	vst.idx.msk $0xffff, v28;
	v51 =	vmul.f32 $1.442695020e+00, v55  }
0x355: {  	v31 =	vor.u32 v8, v49;
	v38 =	vmul.f32 $1.442695020e+00, v60;
	(erf) = vrcp.f32 v61;
	[tilespmem:v34+s19+$0x0] =	vst.idx.msk $0xffff, v1  }
0x356: {  	v55 =	vmul.f32 $1.442695020e+00, v52;
	v54 =	vshrl.u32 v31, $0x2;
	[tilespmem:v45+s19+$0x0] =	vst.idx.msk $0xffff, v15;
	(erf) = vpow2.f32 v51  }
0x357: {  	v43 =	vmov s1;
	v1 =	vmulhi.u32 $0x1AF286BD, v54;
	[tilespmem:v39+s19+$0x0] =	vst.idx.msk $0xffff, v2;
	(erf) = vpow2.f32 v38  }
0x358: {  	s31 =	sadd.s32 s28, s18;
	v58 =	vor.u32 $0x4, v45;
	v61 =	vmov s30;
	[tilespmem:v21+s19+$0x0] =	vst.idx.msk $0xffff, v27;
	(erf) = vpow2.f32 v55  }
0x359: {  	v60 =	vmov s31;
	v0 =	vshll.u32 v61, $0x7;
	v1 =	vshrl.u32 v1, $0x1;
	[tilespmem:v48+s19+$0x0] =	vst.idx.msk $0xffff, v26  }
0x35a: {  	v27 =	vbroadcast v60, $0x0;
	v0 =	vor.u32 v11, v0;
	[tilespmem:v62+s19+$0x0] =	vst.idx.msk $0xffff, v17;
	v62 =	vmul.u32 $0xFFFFFFB4, v1  }
0x35b: {  	v52 =	vmov s18;
	v14 =	vmul.f32 $8.000000000e+00, v14;
	[tilespmem:v50+s19+$0x0] =	vst.idx.msk $0xffff, v3;
	v3 =	vor.u32 $0x1, v0  }
0x35c: {  	[tilespmem:v40+s19+$0x0] =	vst.idx.msk $0xffff, v16;
	v39 =	vor.u32 $0x2, v0;
	v27 =	vor.u32 v8, v27;
	v17 =	vadd.s32 v31, v62  }
0x35d: {  	[tilespmem:v53+s19+$0x0] =	vst.idx.msk $0xffff, v37;
	v1 =	vcvt.s32.f32 v1;
	v36 =	vshrl.u32 v27, $0x2;
	v17 =	vcvt.s32.f32 v17  }
0x35e: {  	v40 =	vor.u32 $0x3, v0;
	[tilespmem:v57+s19+$0x0] =	vst.idx.msk $0xffff, v44;
	v45 =	vor.u32 $0x4, v0;
	v28 =	vmulhi.u32 $0x1AF286BD, v36;
	v38 =	vpop (erf)  }
0x35f: {  	[tilespmem:v58+s19+$0x0] =	vst.idx.msk $0xffff, v18;
	v48 =	vadd.f32 v1, v24;
	v42 =	vadd.f32 v17, v42;
	v17 =	vshll.u32 v43, $0x7;
	v41 =	vpop (erf)  }
0x360: {  	v15 =	vmul.f32 v35, v56;
	[tilespmem:v0+s19+$0x0] =	vst.idx.msk $0xffff, v14;
	v46 =	vshrl.u32 v28, $0x1;
	v49 =	vor.u32 v11, v17;
	v44 =	vpop (erf)  }
0x361: {  	[tilespmem:v3+s19+$0x0] =	vst.idx.msk $0xffff, v59;
	v0 =	vmul.f32 $8.000000000e+00, v48;
	v14 =	vmul.u32 $0xFFFFFFB4, v46;
	v3 =	vor.u32 $0x1, v49;
	v50 =	vpop (erf)  }
0x362: {  	[tilespmem:v39+s19+$0x0] =	vst.idx.msk $0xffff, v15;
	v2 =	vmul.f32 $8.000000000e+00, v42;
	v15 =	vor.u32 $0x2, v49;
	v17 =	vadd.f32 $1.000000000e+00, v50  }
0x363: {  	[tilespmem:v40+s19+$0x0] =	vst.idx.msk $0xffff, v63;
	v14 =	vadd.s32 v27, v14;
	v51 =	vor.u32 $0x3, v49;
	v53 =	vor.u32 $0x4, v49  }
0x364: {  	[tilespmem:v45+s19+$0x0] =	vst.idx.msk $0xffff, v19;
	v14 =	vcvt.s32.f32 v14;
	(erf) = vrcp.f32 v17;
	v17 =	vshll.u32 v52, $0x7  }
0x365: {  	v54 =	vmul.f32 v22, v56;
	v55 =	vcvt.s32.f32 v46;
	[tilespmem:v49+s19+$0x0] =	vst.idx.msk $0xffff, v2;
	v17 =	vor.u32 v11, v17  }
0x366: {  	v57 =	vmul.f32 v23, v5;
	[tilespmem:v3+s19+$0x0] =	vst.idx.msk $0xffff, v0;
	v3 =	vadd.f32 v14, v47;
	v14 =	vor.u32 $0x1, v17  }
0x367: {  	v58 =	vadd.f32 v55, v38;
	[tilespmem:v15+s19+$0x0] =	vst.idx.msk $0xffff, v54;
	v59 =	vor.u32 $0x2, v17  }
0x368: {  	[tilespmem:v51+s19+$0x0] =	vst.idx.msk $0xffff, v57;
	v60 =	vmul.f32 $8.000000000e+00, v3;
	v3 =	vor.u32 $0x3, v17  }
0x369: {  	p1 =	por p0, p0;
	v1 =	vmul.f32 $8.000000000e+00, v58;
	v15 =	vor.u32 $0x4, v17;
	[tilespmem:v53+s19+$0x0] =	vst.idx.msk $0xffff, v20  }
.Ltmp3:
0x36a: {  	v61 =	vmul.f32 v41, v56;
	[tilespmem:v17+s19+$0x0] =	vst.idx.msk $0xffff, v60;
	(pc) =	sbr.rel @p1 .LBB2_9-.Ltmp3, $4  }
0x36b: {  	v62 =	vmul.f32 v44, v5;
	[tilespmem:v14+s19+$0x0] =	vst.idx.msk $0xffff, v1  }
0x36c: {  	[tilespmem:v59+s19+$0x0] =	vst.idx.msk $0xffff, v61  }
0x36d: {  	v63 =	vpop (erf);
	[tilespmem:v3+s19+$0x0] =	vst.idx.msk $0xffff, v62  }
0x36e: {  	p0 =	por $0x0, $0x0;
	v4 =	vmov v5;
	s29 =	simm.s32 $0x80;
	[tilespmem:v15+s19+$0x0] =	vst.idx.msk $0xffff, v63  }
0x36f: {  	s0 =	sadd.s32 s8, s28  }
0x370: {  	s31 =	sor.u32 $0x100, s26;
	s0 =	sshll.u32 s0, $0x4  }
0x371: {  	s28 =	simm.s32 $0x0;
	s26 =	smin.u32 s31, $0x1590;
	s0 =	sadd.s32 s3, s0  }
0x372: {  	[hbm4b:s0+s28] =	stream.linear.scatter [tilespmem:s19], [sflag:$0x3], $0x8000, $0x38;
	[tilespmem:$0x1E200] =	vst v63  }
0x373: {  	s0 =	sand.u32 $0x10, s26  }
0x374: {  	s0 =	sor.u32 $0x7100, s0  }
0x375: {  	_ =	swait.ge [sflag:s23], $0x8000;
	v12 =	vmov s0  }
0x376: {  	[sflag:s23] =	ssyncset.done $0x0  }
0x377: {  	p0 =	por $0x1, $0x1;
	v13 =	vmov s26;
	[sflag:s23] =	ssyncadd.s32 $0xFFFF8000  }
.LBB2_11:
0x378: {  	s0 =	sadd.s32 s26, s28  }
0x379: {  	s1 =	sand.u32 $0x3F80, s0  }
0x37a: {  	v0 =	vld.idx.msk [tilespmem:v12+s1+$0x0 ss:$0x1], $0xffff;
	_ =	sdelay $0x4  }
0x37b: {  	v0 =	vsub.f32 $0.0e+00, v0;
	_ =	sdelay $0x1  }
0x37c: {  	v0 =	vmul.f32 $1.442695020e+00, v0;
	_ =	sdelay $0x1  }
0x37d: {  	(erf) = vpow2.f32 v0;
	_ =	sdelay $0x3  }
0x37e: {  	v27 =	vld.idx.msk [tilespmem:v13+s28+$0x8790 ss:$0x1], $0xffff;
	_ =	sdelay $0x4  }
0x37f: {  	v0 =	vsub.f32 $0.0e+00, v27;
	v1 =	vpop (erf)  }
0x380: {  	v1 =	vadd.f32 $1.000000000e+00, v1  }
0x381: {  	v0 =	vmul.f32 $1.442695020e+00, v0  }
0x382: {  	(erf) = vrcp.f32 v1  }
0x383: {  	(erf) = vpow2.f32 v0;
	_ =	sdelay $0x4  }
0x384: {  	v28 =	vld.idx.msk [tilespmem:v13+s28+$0x9E20 ss:$0x1], $0xffff  }
0x385: {  	v29 =	vld.idx.msk [tilespmem:v13+s28+$0xCB40 ss:$0x1], $0xffff  }
0x386: {  	v2 =	vld.idx.msk [tilespmem:v13+s28+$0xB4B0 ss:$0x1], $0xffff  }
0x387: {  	v24 =	vpop (erf)  }
0x388: {  	v3 =	vpop (erf)  }
0x389: {  	v3 =	vadd.f32 $1.000000000e+00, v3  }
0x38a: {  	v1 =	vsub.f32 $0.0e+00, v29;
	v0 =	vmul.f32 $1.442695020e+00, v28  }
0x38b: {  	v2 =	vmul.f32 $1.442695020e+00, v2;
	(erf) = vrcp.f32 v3  }
0x38c: {  	v30 =	vmul.f32 $1.442695020e+00, v1;
	(erf) = vpow2.f32 v0  }
0x38d: {  	(erf) = vpow2.f32 v2  }
0x38e: {  	(erf) = vpow2.f32 v30;
	_ =	sdelay $0x2  }
0x38f: {  	s5 =	sor.u32 $0x10, s28  }
0x390: {  	v31 =	vld.idx.msk [tilespmem:v13+s5+$0x7100 ss:$0x1], $0xffff;
	_ =	sdelay $0x1  }
0x391: {  	v33 =	vpop (erf)  }
0x392: {  	v22 =	vpop (erf)  }
0x393: {  	v23 =	vpop (erf)  }
0x394: {  	v0 =	vsub.f32 $0.0e+00, v31;
	v35 =	vpop (erf)  }
0x395: {  	v1 =	vadd.f32 $1.000000000e+00, v35  }
0x396: {  	v0 =	vmul.f32 $1.442695020e+00, v0  }
0x397: {  	(erf) = vrcp.f32 v1  }
0x398: {  	(erf) = vpow2.f32 v0;
	_ =	sdelay $0x3  }
0x399: {  	v36 =	vld.idx.msk [tilespmem:v13+s5+$0x8790 ss:$0x1], $0xffff;
	_ =	sdelay $0x3  }
0x39a: {  	v14 =	vpop (erf)  }
0x39b: {  	v0 =	vsub.f32 $0.0e+00, v36;
	v37 =	vpop (erf)  }
0x39c: {  	v1 =	vadd.f32 $1.000000000e+00, v37  }
0x39d: {  	v0 =	vmul.f32 $1.442695020e+00, v0  }
0x39e: {  	(erf) = vrcp.f32 v1  }
0x39f: {  	(erf) = vpow2.f32 v0;
	_ =	sdelay $0x4  }
0x3a0: {  	v38 =	vld.idx.msk [tilespmem:v13+s5+$0x9E20 ss:$0x1], $0xffff  }
0x3a1: {  	v39 =	vld.idx.msk [tilespmem:v13+s5+$0xCB40 ss:$0x1], $0xffff  }
0x3a2: {  	v40 =	vld.idx.msk [tilespmem:v13+s5+$0xB4B0 ss:$0x1], $0xffff  }
0x3a3: {  	v25 =	vpop (erf)  }
0x3a4: {  	v3 =	vpop (erf)  }
0x3a5: {  	v3 =	vadd.f32 $1.000000000e+00, v3  }
0x3a6: {  	v1 =	vsub.f32 $0.0e+00, v39;
	v0 =	vmul.f32 $1.442695020e+00, v38  }
0x3a7: {  	v2 =	vmul.f32 $1.442695020e+00, v40;
	(erf) = vrcp.f32 v3  }
0x3a8: {  	v41 =	vmul.f32 $1.442695020e+00, v1;
	(erf) = vpow2.f32 v0  }
0x3a9: {  	(erf) = vpow2.f32 v2  }
0x3aa: {  	(erf) = vpow2.f32 v41;
	_ =	sdelay $0x2  }
0x3ab: {  	s7 =	sor.u32 $0x20, s28  }
0x3ac: {  	v42 =	vld.idx.msk [tilespmem:v13+s7+$0x7100 ss:$0x1], $0xffff;
	_ =	sdelay $0x1  }
0x3ad: {  	v34 =	vpop (erf)  }
0x3ae: {  	v20 =	vpop (erf)  }
0x3af: {  	v21 =	vpop (erf)  }
0x3b0: {  	v0 =	vsub.f32 $0.0e+00, v42;
	v43 =	vpop (erf)  }
0x3b1: {  	v1 =	vadd.f32 $1.000000000e+00, v43  }
0x3b2: {  	v0 =	vmul.f32 $1.442695020e+00, v0  }
0x3b3: {  	(erf) = vrcp.f32 v1  }
0x3b4: {  	(erf) = vpow2.f32 v0;
	_ =	sdelay $0x3  }
0x3b5: {  	v44 =	vld.idx.msk [tilespmem:v13+s7+$0x8790 ss:$0x1], $0xffff;
	_ =	sdelay $0x3  }
0x3b6: {  	v15 =	vpop (erf)  }
0x3b7: {  	v0 =	vsub.f32 $0.0e+00, v44;
	v45 =	vpop (erf)  }
0x3b8: {  	v1 =	vadd.f32 $1.000000000e+00, v45  }
0x3b9: {  	v0 =	vmul.f32 $1.442695020e+00, v0  }
0x3ba: {  	(erf) = vrcp.f32 v1  }
0x3bb: {  	(erf) = vpow2.f32 v0;
	_ =	sdelay $0x4  }
0x3bc: {  	v46 =	vld.idx.msk [tilespmem:v13+s7+$0x9E20 ss:$0x1], $0xffff  }
0x3bd: {  	v47 =	vld.idx.msk [tilespmem:v13+s7+$0xCB40 ss:$0x1], $0xffff  }
0x3be: {  	v48 =	vld.idx.msk [tilespmem:v13+s7+$0xB4B0 ss:$0x1], $0xffff  }
0x3bf: {  	v31 =	vpop (erf)  }
0x3c0: {  	v3 =	vpop (erf)  }
0x3c1: {  	v3 =	vadd.f32 $1.000000000e+00, v3  }
0x3c2: {  	v1 =	vsub.f32 $0.0e+00, v47;
	v0 =	vmul.f32 $1.442695020e+00, v46  }
0x3c3: {  	v2 =	vmul.f32 $1.442695020e+00, v48;
	(erf) = vrcp.f32 v3  }
0x3c4: {  	v49 =	vmul.f32 $1.442695020e+00, v1;
	(erf) = vpow2.f32 v0  }
0x3c5: {  	(erf) = vpow2.f32 v2  }
0x3c6: {  	(erf) = vpow2.f32 v49;
	_ =	sdelay $0x2  }
0x3c7: {  	s11 =	sor.u32 $0x30, s28  }
0x3c8: {  	v50 =	vld.idx.msk [tilespmem:v13+s11+$0x7100 ss:$0x1], $0xffff;
	_ =	sdelay $0x1  }
0x3c9: {  	v40 =	vpop (erf)  }
0x3ca: {  	v32 =	vpop (erf)  }
0x3cb: {  	v28 =	vpop (erf)  }
0x3cc: {  	v0 =	vsub.f32 $0.0e+00, v50;
	v51 =	vpop (erf)  }
0x3cd: {  	v1 =	vadd.f32 $1.000000000e+00, v51  }
0x3ce: {  	v0 =	vmul.f32 $1.442695020e+00, v0  }
0x3cf: {  	(erf) = vrcp.f32 v1  }
0x3d0: {  	(erf) = vpow2.f32 v0;
	_ =	sdelay $0x3  }
0x3d1: {  	v52 =	vld.idx.msk [tilespmem:v13+s11+$0x8790 ss:$0x1], $0xffff;
	_ =	sdelay $0x3  }
0x3d2: {  	v16 =	vpop (erf)  }
0x3d3: {  	v0 =	vsub.f32 $0.0e+00, v52;
	v53 =	vpop (erf)  }
0x3d4: {  	v1 =	vadd.f32 $1.000000000e+00, v53  }
0x3d5: {  	v0 =	vmul.f32 $1.442695020e+00, v0  }
0x3d6: {  	(erf) = vrcp.f32 v1  }
0x3d7: {  	(erf) = vpow2.f32 v0;
	_ =	sdelay $0x4  }
0x3d8: {  	v54 =	vld.idx.msk [tilespmem:v13+s11+$0x9E20 ss:$0x1], $0xffff  }
0x3d9: {  	v55 =	vld.idx.msk [tilespmem:v13+s11+$0xCB40 ss:$0x1], $0xffff  }
0x3da: {  	v57 =	vld.idx.msk [tilespmem:v13+s11+$0xB4B0 ss:$0x1], $0xffff  }
0x3db: {  	v30 =	vpop (erf)  }
0x3dc: {  	v3 =	vpop (erf)  }
0x3dd: {  	v3 =	vadd.f32 $1.000000000e+00, v3  }
0x3de: {  	v1 =	vsub.f32 $0.0e+00, v55;
	v0 =	vmul.f32 $1.442695020e+00, v54  }
0x3df: {  	v2 =	vmul.f32 $1.442695020e+00, v57;
	(erf) = vrcp.f32 v3  }
0x3e0: {  	v58 =	vmul.f32 $1.442695020e+00, v1;
	(erf) = vpow2.f32 v0  }
0x3e1: {  	(erf) = vpow2.f32 v2  }
0x3e2: {  	(erf) = vpow2.f32 v58;
	_ =	sdelay $0x2  }
0x3e3: {  	s13 =	sor.u32 $0x40, s28  }
0x3e4: {  	v59 =	vld.idx.msk [tilespmem:v13+s13+$0x7100 ss:$0x1], $0xffff;
	_ =	sdelay $0x1  }
0x3e5: {  	v39 =	vpop (erf)  }
0x3e6: {  	v27 =	vpop (erf)  }
0x3e7: {  	v26 =	vpop (erf)  }
0x3e8: {  	v0 =	vsub.f32 $0.0e+00, v59;
	v60 =	vpop (erf)  }
0x3e9: {  	v1 =	vadd.f32 $1.000000000e+00, v60  }
0x3ea: {  	v0 =	vmul.f32 $1.442695020e+00, v0  }
0x3eb: {  	(erf) = vrcp.f32 v1  }
0x3ec: {  	(erf) = vpow2.f32 v0;
	_ =	sdelay $0x3  }
0x3ed: {  	v61 =	vld.idx.msk [tilespmem:v13+s13+$0x8790 ss:$0x1], $0xffff;
	_ =	sdelay $0x3  }
0x3ee: {  	v17 =	vpop (erf)  }
0x3ef: {  	v0 =	vsub.f32 $0.0e+00, v61;
	v62 =	vpop (erf)  }
0x3f0: {  	v1 =	vadd.f32 $1.000000000e+00, v62  }
0x3f1: {  	v0 =	vmul.f32 $1.442695020e+00, v0  }
0x3f2: {  	(erf) = vrcp.f32 v1  }
0x3f3: {  	(erf) = vpow2.f32 v0;
	_ =	sdelay $0x2  }
0x3f4: {  	s16 =	sadd.s32 s26, s13  }
0x3f5: {  	s9 =	sadd.s32 $0x5A40, s16  }
0x3f6: {  	v63 =	vld.idx.msk [tilespmem:v13+s13+$0x9E20 ss:$0x1], $0xffff;
	s1 =	sand.u32 $0xFF80, s9  }
0x3f7: {  	v18 =	vld.idx.msk [tilespmem:v12+s1+$0x0 ss:$0x1], $0xffff  }
0x3f8: {  	v19 =	vld.idx.msk [tilespmem:v13+s13+$0xB4B0 ss:$0x1], $0xffff  }
0x3f9: {  	v38 =	vpop (erf)  }
0x3fa: {  	v3 =	vpop (erf)  }
0x3fb: {  	v3 =	vadd.f32 $1.000000000e+00, v3  }
0x3fc: {  	v1 =	vsub.f32 $0.0e+00, v18;
	v0 =	vmul.f32 $1.442695020e+00, v63  }
0x3fd: {  	v2 =	vmul.f32 $1.442695020e+00, v19;
	(erf) = vrcp.f32 v3  }
0x3fe: {  	v29 =	vmul.f32 $1.442695020e+00, v1;
	(erf) = vpow2.f32 v0  }
0x3ff: {  	(erf) = vpow2.f32 v2  }
0x400: {  	(erf) = vpow2.f32 v29;
	_ =	sdelay $0x2  }
0x401: {  	s29 =	sor.u32 $0x50, s28  }
0x402: {  	v35 =	vld.idx.msk [tilespmem:v13+s29+$0x7100 ss:$0x1], $0xffff;
	_ =	sdelay $0x1  }
0x403: {  	v41 =	vpop (erf)  }
0x404: {  	v37 =	vpop (erf)  }
0x405: {  	v29 =	vpop (erf)  }
0x406: {  	v0 =	vsub.f32 $0.0e+00, v35;
	v43 =	vpop (erf)  }
0x407: {  	v1 =	vadd.f32 $1.000000000e+00, v43  }
0x408: {  	v0 =	vmul.f32 $1.442695020e+00, v0  }
0x409: {  	(erf) = vrcp.f32 v1  }
0x40a: {  	(erf) = vpow2.f32 v0;
	_ =	sdelay $0x3  }
0x40b: {  	v44 =	vld.idx.msk [tilespmem:v13+s29+$0x8790 ss:$0x1], $0xffff;
	_ =	sdelay $0x3  }
0x40c: {  	v18 =	vpop (erf)  }
0x40d: {  	v0 =	vsub.f32 $0.0e+00, v44;
	v45 =	vpop (erf)  }
0x40e: {  	v1 =	vadd.f32 $1.000000000e+00, v45  }
0x40f: {  	v0 =	vmul.f32 $1.442695020e+00, v0  }
0x410: {  	(erf) = vrcp.f32 v1  }
0x411: {  	(erf) = vpow2.f32 v0  }
0x412: {  	s4 =	sadd.s32 s26, s29  }
0x413: {  	s17 =	sadd.s32 $0x5A40, s4  }
0x414: {  	s9 =	sand.u32 $0x30, s4;
	s1 =	sand.u32 $0xFF80, s17  }
0x415: {  	s1 =	sor.u32 s9, s1  }
0x416: {  	v47 =	vld [tilespmem:s1+$0x7100]  }
0x417: {  	v46 =	vld.idx.msk [tilespmem:v13+s29+$0x9E20 ss:$0x1], $0xffff  }
0x418: {  	v48 =	vld.idx.msk [tilespmem:v13+s29+$0xB4B0 ss:$0x1], $0xffff  }
0x419: {  	v43 =	vpop (erf)  }
0x41a: {  	v3 =	vpop (erf)  }
0x41b: {  	v3 =	vadd.f32 $1.000000000e+00, v3  }
0x41c: {  	v1 =	vsub.f32 $0.0e+00, v47;
	v0 =	vmul.f32 $1.442695020e+00, v46  }
0x41d: {  	v2 =	vmul.f32 $1.442695020e+00, v48;
	(erf) = vrcp.f32 v3  }
0x41e: {  	v49 =	vmul.f32 $1.442695020e+00, v1;
	(erf) = vpow2.f32 v0  }
0x41f: {  	(erf) = vpow2.f32 v2  }
0x420: {  	(erf) = vpow2.f32 v49;
	_ =	sdelay $0x2  }
0x421: {  	s1 =	sor.u32 $0x60, s28  }
0x422: {  	v50 =	vld.idx.msk [tilespmem:v13+s1+$0x7100 ss:$0x1], $0xffff;
	_ =	sdelay $0x1  }
0x423: {  	v44 =	vpop (erf)  }
0x424: {  	v35 =	vpop (erf)  }
0x425: {  	v36 =	vpop (erf)  }
0x426: {  	v0 =	vsub.f32 $0.0e+00, v50;
	v51 =	vpop (erf)  }
0x427: {  	v1 =	vadd.f32 $1.000000000e+00, v51  }
0x428: {  	v0 =	vmul.f32 $1.442695020e+00, v0  }
0x429: {  	(erf) = vrcp.f32 v1  }
0x42a: {  	(erf) = vpow2.f32 v0;
	_ =	sdelay $0x3  }
0x42b: {  	v52 =	vld.idx.msk [tilespmem:v13+s1+$0x8790 ss:$0x1], $0xffff;
	_ =	sdelay $0x3  }
0x42c: {  	v19 =	vpop (erf)  }
0x42d: {  	v0 =	vsub.f32 $0.0e+00, v52;
	v53 =	vpop (erf)  }
0x42e: {  	s9 =	sadd.s32 s26, s1;
	v1 =	vadd.f32 $1.000000000e+00, v53  }
0x42f: {  	s18 =	sadd.s32 $0x2D20, s9;
	s17 =	sadd.s32 $0x5A40, s9;
	v0 =	vmul.f32 $1.442695020e+00, v0  }
0x430: {  	s17 =	sand.u32 $0xFF80, s17;
	v54 =	vmov s0;
	s0 =	sand.u32 $0x7F80, s18;
	s18 =	sand.u32 $0x30, s9;
	(erf) = vrcp.f32 v1  }
0x431: {  	s30 =	sor.u32 s18, s17;
	(erf) = vpow2.f32 v0  }
0x432: {  	v57 =	vld [tilespmem:s30+$0x7100]  }
0x433: {  	v45 =	vld.idx.msk [tilespmem:v13+s1+$0xB4B0 ss:$0x1], $0xffff  }
0x434: {  	s31 =	sadd.s32 s26, s5;
	v21 =	vmul.f32 v21, v5;
	v28 =	vmul.f32 v28, v5;
	s17 =	sadd.s32 s26, s7  }
0x435: {  	v58 =	vmov s17;
	v26 =	vmul.f32 v26, v5;
	v47 =	vmov s31  }
0x436: {  	v62 =	vmov s28;
	v60 =	vbroadcast v47, $0x0;
	v0 =	vbroadcast v54, $0x0  }
0x437: {  	v55 =	vld.idx.msk [tilespmem:v12+s0+$0x0 ss:$0x1], $0xffff;
	v47 =	vmov s11;
	v50 =	vmov s16;
	v2 =	vsub.f32 $0.0e+00, v57  }
0x438: {  	s30 =	sor.u32 $0x70, s28;
	v45 =	vmul.f32 $1.442695020e+00, v45;
	v50 =	vbroadcast v50, $0x0;
	v0 =	vor.u32 v8, v0  }
0x439: {  	v49 =	vmov s5;
	v59 =	vmul.f32 $1.442695020e+00, v2;
	v52 =	vld.idx.msk [tilespmem:v13+s30+$0x7100 ss:$0x1], $0xffff;
	v3 =	vshrl.u32 v0, $0x2;
	v42 =	vpop (erf)  }
0x43a: {  	v2 =	vor.u32 v8, v60;
	v49 =	vshll.u32 v49, $0x7;
	v3 =	vmulhi.u32 $0x1AF286BD, v3;
	v46 =	vpop (erf)  }
0x43b: {  	v50 =	vor.u32 v8, v50;
	v61 =	vshrl.u32 v2, $0x2;
	v46 =	vadd.f32 $1.000000000e+00, v46  }
0x43c: {  	v49 =	vor.u32 v11, v49;
	v1 =	vmul.f32 $1.442695020e+00, v55;
	v3 =	vshrl.u32 v3, $0x1  }
0x43d: {  	v51 =	vmov s4;
	v48 =	vmul.u32 $0xFFFFFFB4, v3;
	(erf) = vrcp.f32 v46  }
0x43e: {  	v51 =	vbroadcast v51, $0x0;
	v52 =	vsub.f32 $0.0e+00, v52;
	(erf) = vpow2.f32 v1  }
0x43f: {  	v3 =	vcvt.s32.f32 v3;
	v0 =	vadd.s32 v0, v48;
	(erf) = vpow2.f32 v45  }
0x440: {  	v51 =	vor.u32 v8, v51;
	v0 =	vcvt.s32.f32 v0;
	(erf) = vpow2.f32 v59  }
0x441: {  	v60 =	vmul.f32 $1.442695020e+00, v52;
	v55 =	vmul.f32 v22, v56;
	v3 =	vadd.f32 v3, v33  }
0x442: {  	v48 =	vshll.u32 v62, $0x7;
	v0 =	vadd.f32 v0, v24;
	v24 =	vmulhi.u32 $0x1AF286BD, v61  }
0x443: {  	v56 =	vmul.f32 v23, v4;
	v33 =	vmov s13;
	v48 =	vor.u32 v11, v48  }
0x444: {  	s18 =	sadd.s32 s26, s11;
	v3 =	vmul.f32 $8.000000000e+00, v3;
	v57 =	vor.u32 $0x1, v48;
	v46 =	vbroadcast v58, $0x0  }
0x445: {  	v1 =	vmov s18;
	v45 =	vmov s7;
	v53 =	vshrl.u32 v24, $0x1  }
0x446: {  	v0 =	vmul.f32 $8.000000000e+00, v0;
	v46 =	vor.u32 v8, v46;
	v54 =	vmul.u32 $0xFFFFFFB4, v53;
	v24 =	vpop (erf)  }
0x447: {  	v1 =	vbroadcast v1, $0x0;
	v63 =	vshrl.u32 v46, $0x2;
	v53 =	vcvt.s32.f32 v53;
	v22 =	vpop (erf)  }
0x448: {  	v45 =	vshll.u32 v45, $0x7;
	v2 =	vadd.s32 v2, v54;
	v54 =	vmulhi.u32 $0x1AF286BD, v63;
	v23 =	vpop (erf)  }
0x449: {  	v59 =	vor.u32 $0x2, v48;
	v1 =	vor.u32 v8, v1;
	[tilespmem:v48+s20+$0x0] =	vst.idx.msk $0xffff, v0;
	v0 =	vor.u32 v11, v45;
	v58 =	vpop (erf)  }
0x44a: {  	v4 =	vld [tilespmem:$0x1FF90];
	v2 =	vcvt.s32.f32 v2;
	v61 =	vshrl.u32 v54, $0x1;
	v58 =	vadd.f32 $1.000000000e+00, v58  }
0x44b: {  	v34 =	vadd.f32 v53, v34;
	v63 =	vshrl.u32 v1, $0x2;
	v62 =	vmul.u32 $0xFFFFFFB4, v61  }
0x44c: {  	v53 =	vmulhi.u32 $0x1AF286BD, v63;
	v2 =	vadd.f32 v2, v25;
	(erf) = vrcp.f32 v58  }
0x44d: {  	v25 =	vor.u32 $0x3, v48;
	v46 =	vadd.s32 v46, v62;
	(erf) = vpow2.f32 v60  }
0x44e: {  	[tilespmem:v57+s20+$0x0] =	vst.idx.msk $0xffff, v3;
	v52 =	vcvt.s32.f32 v61;
	v61 =	vor.u32 $0x1, v49;
	v46 =	vcvt.s32.f32 v46  }
0x44f: {  	v54 =	vor.u32 $0x4, v48;
	[tilespmem:v59+s20+$0x0] =	vst.idx.msk $0xffff, v55;
	v2 =	vmul.f32 $8.000000000e+00, v2;
	v60 =	vmul.f32 v20, v4  }
0x450: {  	v58 =	vld.idx.msk [tilespmem:v13+s30+$0x8790 ss:$0x1], $0xffff;
	v20 =	vadd.f32 v46, v31;
	v31 =	vadd.f32 v52, v40;
	v40 =	vshrl.u32 v53, $0x1  }
0x451: {  	v34 =	vmul.f32 $8.000000000e+00, v34;
	[tilespmem:v49+s20+$0x0] =	vst.idx.msk $0xffff, v2;
	v46 =	vor.u32 $0x2, v49;
	v53 =	vmul.u32 $0xFFFFFFB4, v40  }
0x452: {  	v48 =	vor.u32 $0x1, v0;
	[tilespmem:v25+s20+$0x0] =	vst.idx.msk $0xffff, v56;
	v56 =	vld [tilespmem:$0x1FF90];
	v52 =	vor.u32 $0x3, v49;
	v40 =	vcvt.s32.f32 v40  }
0x453: {  	v62 =	vor.u32 $0x4, v49;
	[tilespmem:v61+s20+$0x0] =	vst.idx.msk $0xffff, v34;
	v63 =	vmul.f32 $8.000000000e+00, v20;
	v1 =	vadd.s32 v1, v53  }
0x454: {  	[tilespmem:v54+s20+$0x0] =	vst.idx.msk $0xffff, v14;
	v54 =	vshll.u32 v47, $0x7;
	v39 =	vadd.f32 v40, v39;
	v1 =	vcvt.s32.f32 v1  }
0x455: {  	v55 =	vor.u32 v11, v54;
	v31 =	vmul.f32 $8.000000000e+00, v31;
	v58 =	vsub.f32 $0.0e+00, v58;
	[tilespmem:v0+s20+$0x0] =	vst.idx.msk $0xffff, v63;
	v20 =	vpop (erf)  }
0x456: {  	v2 =	vmul.f32 $8.000000000e+00, v39;
	[tilespmem:v46+s20+$0x0] =	vst.idx.msk $0xffff, v60;
	v39 =	vor.u32 $0x1, v55;
	v1 =	vadd.f32 v1, v30;
	v53 =	vpop (erf)  }
0x457: {  	v4 =	vld [tilespmem:$0x1FF90];
	v27 =	vmul.f32 v27, v56;
	[tilespmem:v52+s20+$0x0] =	vst.idx.msk $0xffff, v21;
	v21 =	vor.u32 $0x2, v55;
	v53 =	vadd.f32 $1.000000000e+00, v53  }
0x458: {  	v47 =	vor.u32 $0x3, v55;
	[tilespmem:v48+s20+$0x0] =	vst.idx.msk $0xffff, v31;
	v58 =	vmul.f32 $1.442695020e+00, v58;
	v1 =	vmul.f32 $8.000000000e+00, v1  }
0x459: {  	[tilespmem:v62+s20+$0x0] =	vst.idx.msk $0xffff, v15;
	v62 =	vor.u32 $0x4, v55;
	(erf) = vrcp.f32 v53;
	v53 =	vshrl.u32 v50, $0x2  }
0x45a: {  	[tilespmem:v55+s20+$0x0] =	vst.idx.msk $0xffff, v1;
	v53 =	vmulhi.u32 $0x1AF286BD, v53;
	(erf) = vpow2.f32 v58;
	v58 =	vshrl.u32 v51, $0x2  }
0x45b: {  	v25 =	vor.u32 $0x2, v0;
	v37 =	vmul.f32 v37, v56;
	[tilespmem:v39+s20+$0x0] =	vst.idx.msk $0xffff, v2;
	v58 =	vmulhi.u32 $0x1AF286BD, v58  }
0x45c: {  	v57 =	vld.idx.msk [tilespmem:v13+s30+$0x9E20 ss:$0x1], $0xffff;
	v63 =	vshll.u32 v33, $0x7;
	v32 =	vmul.f32 v32, v4;
	[tilespmem:v21+s20+$0x0] =	vst.idx.msk $0xffff, v27;
	v45 =	vshrl.u32 v53, $0x1  }
0x45d: {  	v60 =	vld.idx.msk [tilespmem:v13+s30+$0xB4B0 ss:$0x1], $0xffff;
	v48 =	vor.u32 v11, v63;
	[tilespmem:v47+s20+$0x0] =	vst.idx.msk $0xffff, v26;
	v3 =	vmul.u32 $0xFFFFFFB4, v45;
	v30 =	vshrl.u32 v58, $0x1  }
0x45e: {  	[tilespmem:v62+s20+$0x0] =	vst.idx.msk $0xffff, v17;
	v62 =	vmul.f32 v36, v5;
	v45 =	vcvt.s32.f32 v45;
	v53 =	vmul.u32 $0xFFFFFFB4, v30  }
0x45f: {  	v30 =	vcvt.s32.f32 v30;
	v3 =	vadd.s32 v50, v3;
	v50 =	vor.u32 $0x3, v0  }
0x460: {  	v58 =	vld.idx.msk [tilespmem:v13+s30+$0xCB40 ss:$0x1], $0xffff;
	v41 =	vadd.f32 v45, v41;
	v45 =	vmul.f32 v29, v5;
	v14 =	vadd.s32 v51, v53  }
0x461: {  	v53 =	vor.u32 $0x4, v0;
	v3 =	vcvt.s32.f32 v3;
	v15 =	vadd.f32 v30, v44  }
0x462: {  	v44 =	vmov s9;
	v51 =	vmul.f32 $1.442695020e+00, v57;
	v30 =	vmul.f32 $1.442695020e+00, v60  }
0x463: {  	v57 =	vor.u32 $0x3, v48;
	v60 =	vmov s29;
	v14 =	vcvt.s32.f32 v14;
	v46 =	vpop (erf)  }
0x464: {  	v41 =	vmul.f32 $8.000000000e+00, v41;
	v49 =	vbroadcast v44, $0x0;
	v3 =	vadd.f32 v3, v38;
	v59 =	vpop (erf)  }
0x465: {  	v0 =	vshll.u32 v60, $0x7;
	v52 =	vsub.f32 $0.0e+00, v58;
	v61 =	vadd.f32 $1.000000000e+00, v59  }
0x466: {  	v58 =	vor.u32 $0x4, v48;
	v15 =	vmul.f32 $8.000000000e+00, v15;
	v0 =	vor.u32 v11, v0  }
0x467: {  	v14 =	vadd.f32 v14, v43;
	v31 =	vor.u32 v8, v49;
	(erf) = vrcp.f32 v61  }
0x468: {  	[tilespmem:v25+s20+$0x0] =	vst.idx.msk $0xffff, v32;
	v54 =	vshrl.u32 v31, $0x2;
	v55 =	vmul.f32 $1.442695020e+00, v52;
	(erf) = vpow2.f32 v51  }
0x469: {  	s31 =	sadd.s32 s26, s30;
	[tilespmem:v50+s20+$0x0] =	vst.idx.msk $0xffff, v28;
	v50 =	vor.u32 $0x1, v48;
	v1 =	vmulhi.u32 $0x1AF286BD, v54;
	(erf) = vpow2.f32 v30  }
0x46a: {  	v59 =	vmov s31;
	[tilespmem:v53+s20+$0x0] =	vst.idx.msk $0xffff, v16;
	v53 =	vor.u32 $0x2, v48;
	(erf) = vpow2.f32 v55  }
0x46b: {  	v3 =	vmul.f32 $8.000000000e+00, v3;
	v26 =	vbroadcast v59, $0x0;
	v1 =	vshrl.u32 v1, $0x1  }
0x46c: {  	v63 =	vor.u32 $0x1, v0;
	v39 =	vor.u32 $0x2, v0;
	v61 =	vmul.u32 $0xFFFFFFB4, v1  }
0x46d: {  	v40 =	vor.u32 $0x3, v0;
	v14 =	vmul.f32 $8.000000000e+00, v14;
	[tilespmem:v48+s20+$0x0] =	vst.idx.msk $0xffff, v3;
	v26 =	vor.u32 v8, v26  }
0x46e: {  	v36 =	vshrl.u32 v26, $0x2;
	v1 =	vcvt.s32.f32 v1;
	[tilespmem:v50+s20+$0x0] =	vst.idx.msk $0xffff, v41;
	v17 =	vadd.s32 v31, v61  }
0x46f: {  	v43 =	vmov s1;
	v29 =	vmulhi.u32 $0x1AF286BD, v36;
	[tilespmem:v53+s20+$0x0] =	vst.idx.msk $0xffff, v37;
	v17 =	vcvt.s32.f32 v17  }
0x470: {  	v3 =	vmul.f32 v35, v56;
	v48 =	vadd.f32 v1, v24;
	[tilespmem:v57+s20+$0x0] =	vst.idx.msk $0xffff, v45;
	v45 =	vor.u32 $0x4, v0;
	v38 =	vpop (erf)  }
0x471: {  	[tilespmem:v0+s20+$0x0] =	vst.idx.msk $0xffff, v14;
	v47 =	vshrl.u32 v29, $0x1;
	v42 =	vadd.f32 v17, v42;
	v17 =	vshll.u32 v43, $0x7;
	v41 =	vpop (erf)  }
0x472: {  	[tilespmem:v63+s20+$0x0] =	vst.idx.msk $0xffff, v15;
	v14 =	vmul.u32 $0xFFFFFFB4, v47;
	v49 =	vor.u32 v11, v17;
	v44 =	vpop (erf)  }
0x473: {  	v52 =	vmov s30;
	[tilespmem:v39+s20+$0x0] =	vst.idx.msk $0xffff, v3;
	v0 =	vmul.f32 $8.000000000e+00, v48;
	v15 =	vor.u32 $0x1, v49;
	v50 =	vpop (erf)  }
0x474: {  	[tilespmem:v40+s20+$0x0] =	vst.idx.msk $0xffff, v62;
	v3 =	vadd.s32 v26, v14;
	v14 =	vor.u32 $0x2, v49;
	v17 =	vadd.f32 $1.000000000e+00, v50  }
0x475: {  	[tilespmem:v58+s20+$0x0] =	vst.idx.msk $0xffff, v18;
	v2 =	vmul.f32 $8.000000000e+00, v42;
	v51 =	vor.u32 $0x3, v49;
	v53 =	vor.u32 $0x4, v49  }
0x476: {  	v3 =	vcvt.s32.f32 v3;
	[tilespmem:v45+s20+$0x0] =	vst.idx.msk $0xffff, v19;
	(erf) = vrcp.f32 v17;
	v17 =	vshll.u32 v52, $0x7  }
0x477: {  	v54 =	vmul.f32 v22, v56;
	v55 =	vcvt.s32.f32 v47;
	[tilespmem:v49+s20+$0x0] =	vst.idx.msk $0xffff, v2;
	v17 =	vor.u32 v11, v17  }
0x478: {  	v57 =	vmul.f32 v23, v5;
	v3 =	vadd.f32 v3, v46;
	[tilespmem:v15+s20+$0x0] =	vst.idx.msk $0xffff, v0;
	v15 =	vor.u32 $0x1, v17  }
0x479: {  	v58 =	vadd.f32 v55, v38;
	[tilespmem:v14+s20+$0x0] =	vst.idx.msk $0xffff, v54;
	v59 =	vor.u32 $0x2, v17  }
0x47a: {  	v60 =	vmul.f32 $8.000000000e+00, v3;
	[tilespmem:v51+s20+$0x0] =	vst.idx.msk $0xffff, v57;
	v3 =	vor.u32 $0x3, v17  }
0x47b: {  	p1 =	por p0, p0;
	v1 =	vmul.f32 $8.000000000e+00, v58;
	[tilespmem:v53+s20+$0x0] =	vst.idx.msk $0xffff, v20;
	v14 =	vor.u32 $0x4, v17  }
.Ltmp4:
0x47c: {  	v61 =	vmul.f32 v41, v56;
	[tilespmem:v17+s20+$0x0] =	vst.idx.msk $0xffff, v60;
	(pc) =	sbr.rel @p1 .LBB2_11-.Ltmp4, $4  }
0x47d: {  	v62 =	vmul.f32 v44, v5;
	[tilespmem:v15+s20+$0x0] =	vst.idx.msk $0xffff, v1  }
0x47e: {  	[tilespmem:v59+s20+$0x0] =	vst.idx.msk $0xffff, v61  }
0x47f: {  	v63 =	vpop (erf);
	[tilespmem:v3+s20+$0x0] =	vst.idx.msk $0xffff, v62  }
0x480: {  	p0 =	por $0x0, $0x0;
	s28 =	simm.s32 $0x80;
	v4 =	vmov v5;
	[tilespmem:v14+s20+$0x0] =	vst.idx.msk $0xffff, v63  }
0x481: {  	s25 =	sadd.s32 $0x1, s25  }
0x482: {  	p0 =	sne.s32 s25, $0xC  }
.Ltmp5:
0x483: {  	_ = 	snop;
	(pc) =	sbr.rel @p0 .LBB2_8-.Ltmp5, $4  }
0x484: {  	s0 =	sadd.s32 s8, s26  }
0x485: {  	s0 =	sshll.u32 s0, $0x4  }
0x486: {  	s0 =	sadd.s32 s3, s0  }
0x487: {  	[hbm4b:s0+s2] =	stream.linear.scatter [tilespmem:s20], [sflag:$0x4], $0x8000, $0x38;
	[tilespmem:$0x1E200] =	vst v63  }
0x488: {  	s25 =	simm.s32 $0x0  }
0x489: {  	s0 =	rddreg [dreg:$0x6];
	s1 =	simm.s32 $0x7100;
	s31 =	simm.s32 $0x1  }
0x48a: {  	[tilespmem:s1], [sflag:$0x2] =	stream.linear.gather [hbm4b:s0+s25], $0x70D0, $0x38;
	[tilespmem:$0x1E200] =	vst v63  }
0x48b: {  	_ =	swait.ge [sflag:s31], $0x70D0  }
0x48c: {  	[sflag:s31] =	ssyncset.done $0x0;
	v5 =	vld [tilespmem:$0x1FFC0]  }
0x48d: {  	v63 =	vld [tilespmem:$0x1FFA0];
	[sflag:s31] =	ssyncadd.s32 $0xFFFF8F30  }
.LBB2_14:
0x48e: {  	_ =	swait.ge [sflag:s22], $0x8000;
	s26 =	sshll.u32 s25, $0x9  }
0x48f: {  	p0 =	por $0x1, $0x1;
	[sflag:s22] =	ssyncset.done $0x0;
	s28 =	smin.u32 s26, $0x1590  }
0x490: {  	s30 =	simm.s32 $0x0;
	[sflag:s22] =	ssyncadd.s32 $0xFFFF8000;
	s29 =	sand.u32 $0x10, s28;
	v12 =	vmov s28  }
.LBB2_15:
0x491: {  	s0 =	sadd.s32 s28, s30  }
0x492: {  	s1 =	sand.u32 $0x3F80, s0  }
0x493: {  	s1 =	sor.u32 s1, s29  }
0x494: {  	v0 =	vld [tilespmem:s1+$0x0];
	_ =	sdelay $0x4  }
0x495: {  	v0 =	vsub.f32 $0.0e+00, v0;
	_ =	sdelay $0x1  }
0x496: {  	v0 =	vmul.f32 $1.442695020e+00, v0;
	_ =	sdelay $0x1  }
0x497: {  	(erf) = vpow2.f32 v0;
	_ =	sdelay $0x3  }
0x498: {  	v25 =	vld.idx.msk [tilespmem:v12+s30+$0x1690 ss:$0x1], $0xffff;
	_ =	sdelay $0x4  }
0x499: {  	v0 =	vsub.f32 $0.0e+00, v25;
	v1 =	vpop (erf)  }
0x49a: {  	v1 =	vadd.f32 $1.000000000e+00, v1  }
0x49b: {  	v0 =	vmul.f32 $1.442695020e+00, v0  }
0x49c: {  	(erf) = vrcp.f32 v1  }
0x49d: {  	(erf) = vpow2.f32 v0;
	_ =	sdelay $0x4  }
0x49e: {  	v26 =	vld.idx.msk [tilespmem:v12+s30+$0x2D20 ss:$0x1], $0xffff  }
0x49f: {  	v27 =	vld.idx.msk [tilespmem:v12+s30+$0x5A40 ss:$0x1], $0xffff  }
0x4a0: {  	v2 =	vld.idx.msk [tilespmem:v12+s30+$0x43B0 ss:$0x1], $0xffff  }
0x4a1: {  	v23 =	vpop (erf)  }
0x4a2: {  	v3 =	vpop (erf)  }
0x4a3: {  	v3 =	vadd.f32 $1.000000000e+00, v3  }
0x4a4: {  	v1 =	vsub.f32 $0.0e+00, v27;
	v0 =	vmul.f32 $1.442695020e+00, v26  }
0x4a5: {  	v2 =	vmul.f32 $1.442695020e+00, v2;
	(erf) = vrcp.f32 v3  }
0x4a6: {  	v28 =	vmul.f32 $1.442695020e+00, v1;
	(erf) = vpow2.f32 v0  }
0x4a7: {  	(erf) = vpow2.f32 v2  }
0x4a8: {  	(erf) = vpow2.f32 v28;
	_ =	sdelay $0x2  }
0x4a9: {  	s5 =	sor.u32 $0x10, s30  }
0x4aa: {  	v29 =	vld.idx.msk [tilespmem:v12+s5+$0x0 ss:$0x1], $0xffff;
	_ =	sdelay $0x1  }
0x4ab: {  	v32 =	vpop (erf)  }
0x4ac: {  	v21 =	vpop (erf)  }
0x4ad: {  	v22 =	vpop (erf)  }
0x4ae: {  	v0 =	vsub.f32 $0.0e+00, v29;
	v36 =	vpop (erf)  }
0x4af: {  	v1 =	vadd.f32 $1.000000000e+00, v36  }
0x4b0: {  	v0 =	vmul.f32 $1.442695020e+00, v0  }
0x4b1: {  	(erf) = vrcp.f32 v1  }
0x4b2: {  	(erf) = vpow2.f32 v0;
	_ =	sdelay $0x3  }
0x4b3: {  	v37 =	vld.idx.msk [tilespmem:v12+s5+$0x1690 ss:$0x1], $0xffff;
	_ =	sdelay $0x3  }
0x4b4: {  	v13 =	vpop (erf)  }
0x4b5: {  	v0 =	vsub.f32 $0.0e+00, v37;
	v38 =	vpop (erf)  }
0x4b6: {  	v1 =	vadd.f32 $1.000000000e+00, v38  }
0x4b7: {  	v0 =	vmul.f32 $1.442695020e+00, v0  }
0x4b8: {  	(erf) = vrcp.f32 v1  }
0x4b9: {  	(erf) = vpow2.f32 v0;
	_ =	sdelay $0x4  }
0x4ba: {  	v39 =	vld.idx.msk [tilespmem:v12+s5+$0x2D20 ss:$0x1], $0xffff  }
0x4bb: {  	v40 =	vld.idx.msk [tilespmem:v12+s5+$0x5A40 ss:$0x1], $0xffff  }
0x4bc: {  	v41 =	vld.idx.msk [tilespmem:v12+s5+$0x43B0 ss:$0x1], $0xffff  }
0x4bd: {  	v24 =	vpop (erf)  }
0x4be: {  	v3 =	vpop (erf)  }
0x4bf: {  	v3 =	vadd.f32 $1.000000000e+00, v3  }
0x4c0: {  	v1 =	vsub.f32 $0.0e+00, v40;
	v0 =	vmul.f32 $1.442695020e+00, v39  }
0x4c1: {  	v2 =	vmul.f32 $1.442695020e+00, v41;
	(erf) = vrcp.f32 v3  }
0x4c2: {  	v42 =	vmul.f32 $1.442695020e+00, v1;
	(erf) = vpow2.f32 v0  }
0x4c3: {  	(erf) = vpow2.f32 v2  }
0x4c4: {  	(erf) = vpow2.f32 v42;
	_ =	sdelay $0x2  }
0x4c5: {  	s7 =	sor.u32 $0x20, s30  }
0x4c6: {  	v43 =	vld.idx.msk [tilespmem:v12+s7+$0x0 ss:$0x1], $0xffff;
	_ =	sdelay $0x1  }
0x4c7: {  	v33 =	vpop (erf)  }
0x4c8: {  	v19 =	vpop (erf)  }
0x4c9: {  	v20 =	vpop (erf)  }
0x4ca: {  	v0 =	vsub.f32 $0.0e+00, v43;
	v44 =	vpop (erf)  }
0x4cb: {  	v1 =	vadd.f32 $1.000000000e+00, v44  }
0x4cc: {  	v0 =	vmul.f32 $1.442695020e+00, v0  }
0x4cd: {  	(erf) = vrcp.f32 v1  }
0x4ce: {  	(erf) = vpow2.f32 v0;
	_ =	sdelay $0x3  }
0x4cf: {  	v45 =	vld.idx.msk [tilespmem:v12+s7+$0x1690 ss:$0x1], $0xffff;
	_ =	sdelay $0x3  }
0x4d0: {  	v14 =	vpop (erf)  }
0x4d1: {  	v0 =	vsub.f32 $0.0e+00, v45;
	v46 =	vpop (erf)  }
0x4d2: {  	v1 =	vadd.f32 $1.000000000e+00, v46  }
0x4d3: {  	v0 =	vmul.f32 $1.442695020e+00, v0  }
0x4d4: {  	(erf) = vrcp.f32 v1  }
0x4d5: {  	(erf) = vpow2.f32 v0;
	_ =	sdelay $0x4  }
0x4d6: {  	v47 =	vld.idx.msk [tilespmem:v12+s7+$0x2D20 ss:$0x1], $0xffff  }
0x4d7: {  	v48 =	vld.idx.msk [tilespmem:v12+s7+$0x5A40 ss:$0x1], $0xffff  }
0x4d8: {  	v49 =	vld.idx.msk [tilespmem:v12+s7+$0x43B0 ss:$0x1], $0xffff  }
0x4d9: {  	v30 =	vpop (erf)  }
0x4da: {  	v3 =	vpop (erf)  }
0x4db: {  	v3 =	vadd.f32 $1.000000000e+00, v3  }
0x4dc: {  	v1 =	vsub.f32 $0.0e+00, v48;
	v0 =	vmul.f32 $1.442695020e+00, v47  }
0x4dd: {  	v2 =	vmul.f32 $1.442695020e+00, v49;
	(erf) = vrcp.f32 v3  }
0x4de: {  	v50 =	vmul.f32 $1.442695020e+00, v1;
	(erf) = vpow2.f32 v0  }
0x4df: {  	(erf) = vpow2.f32 v2  }
0x4e0: {  	(erf) = vpow2.f32 v50;
	_ =	sdelay $0x2  }
0x4e1: {  	s11 =	sor.u32 $0x30, s30  }
0x4e2: {  	v51 =	vld.idx.msk [tilespmem:v12+s11+$0x0 ss:$0x1], $0xffff;
	_ =	sdelay $0x1  }
0x4e3: {  	v39 =	vpop (erf)  }
0x4e4: {  	v31 =	vpop (erf)  }
0x4e5: {  	v27 =	vpop (erf)  }
0x4e6: {  	v0 =	vsub.f32 $0.0e+00, v51;
	v52 =	vpop (erf)  }
0x4e7: {  	v1 =	vadd.f32 $1.000000000e+00, v52  }
0x4e8: {  	v0 =	vmul.f32 $1.442695020e+00, v0  }
0x4e9: {  	(erf) = vrcp.f32 v1  }
0x4ea: {  	(erf) = vpow2.f32 v0;
	_ =	sdelay $0x3  }
0x4eb: {  	v53 =	vld.idx.msk [tilespmem:v12+s11+$0x1690 ss:$0x1], $0xffff;
	_ =	sdelay $0x3  }
0x4ec: {  	v15 =	vpop (erf)  }
0x4ed: {  	v0 =	vsub.f32 $0.0e+00, v53;
	v54 =	vpop (erf)  }
0x4ee: {  	v1 =	vadd.f32 $1.000000000e+00, v54  }
0x4ef: {  	v0 =	vmul.f32 $1.442695020e+00, v0  }
0x4f0: {  	(erf) = vrcp.f32 v1  }
0x4f1: {  	(erf) = vpow2.f32 v0;
	_ =	sdelay $0x4  }
0x4f2: {  	v55 =	vld.idx.msk [tilespmem:v12+s11+$0x2D20 ss:$0x1], $0xffff  }
0x4f3: {  	v56 =	vld.idx.msk [tilespmem:v12+s11+$0x5A40 ss:$0x1], $0xffff  }
0x4f4: {  	v57 =	vld.idx.msk [tilespmem:v12+s11+$0x43B0 ss:$0x1], $0xffff  }
0x4f5: {  	v28 =	vpop (erf)  }
0x4f6: {  	v3 =	vpop (erf)  }
0x4f7: {  	v3 =	vadd.f32 $1.000000000e+00, v3  }
0x4f8: {  	v1 =	vsub.f32 $0.0e+00, v56;
	v0 =	vmul.f32 $1.442695020e+00, v55  }
0x4f9: {  	v2 =	vmul.f32 $1.442695020e+00, v57;
	(erf) = vrcp.f32 v3  }
0x4fa: {  	v58 =	vmul.f32 $1.442695020e+00, v1;
	(erf) = vpow2.f32 v0  }
0x4fb: {  	(erf) = vpow2.f32 v2  }
0x4fc: {  	(erf) = vpow2.f32 v58;
	_ =	sdelay $0x2  }
0x4fd: {  	s13 =	sor.u32 $0x40, s30  }
0x4fe: {  	v59 =	vld.idx.msk [tilespmem:v12+s13+$0x0 ss:$0x1], $0xffff;
	_ =	sdelay $0x1  }
0x4ff: {  	v37 =	vpop (erf)  }
0x500: {  	v26 =	vpop (erf)  }
0x501: {  	v25 =	vpop (erf)  }
0x502: {  	v0 =	vsub.f32 $0.0e+00, v59;
	v60 =	vpop (erf)  }
0x503: {  	v1 =	vadd.f32 $1.000000000e+00, v60  }
0x504: {  	v0 =	vmul.f32 $1.442695020e+00, v0  }
0x505: {  	(erf) = vrcp.f32 v1  }
0x506: {  	(erf) = vpow2.f32 v0;
	_ =	sdelay $0x3  }
0x507: {  	v61 =	vld.idx.msk [tilespmem:v12+s13+$0x1690 ss:$0x1], $0xffff;
	_ =	sdelay $0x3  }
0x508: {  	v16 =	vpop (erf)  }
0x509: {  	v0 =	vsub.f32 $0.0e+00, v61;
	v62 =	vpop (erf)  }
0x50a: {  	v1 =	vadd.f32 $1.000000000e+00, v62  }
0x50b: {  	v0 =	vmul.f32 $1.442695020e+00, v0  }
0x50c: {  	(erf) = vrcp.f32 v1  }
0x50d: {  	(erf) = vpow2.f32 v0;
	_ =	sdelay $0x1  }
0x50e: {  	s16 =	sadd.s32 s28, s13  }
0x50f: {  	s4 =	sadd.s32 $0x5A40, s16  }
0x510: {  	s1 =	sand.u32 $0xFF80, s4  }
0x511: {  	v17 =	vld.idx.msk [tilespmem:v12+s13+$0x2D20 ss:$0x1], $0xffff;
	s1 =	sor.u32 s1, s29  }
0x512: {  	v18 =	vld [tilespmem:s1+$0x0]  }
0x513: {  	v29 =	vld.idx.msk [tilespmem:v12+s13+$0x43B0 ss:$0x1], $0xffff  }
0x514: {  	v38 =	vpop (erf)  }
0x515: {  	v3 =	vpop (erf)  }
0x516: {  	v3 =	vadd.f32 $1.000000000e+00, v3  }
0x517: {  	v1 =	vsub.f32 $0.0e+00, v18;
	v0 =	vmul.f32 $1.442695020e+00, v17  }
0x518: {  	v2 =	vmul.f32 $1.442695020e+00, v29;
	(erf) = vrcp.f32 v3  }
0x519: {  	v34 =	vmul.f32 $1.442695020e+00, v1;
	(erf) = vpow2.f32 v0  }
0x51a: {  	(erf) = vpow2.f32 v2  }
0x51b: {  	(erf) = vpow2.f32 v34;
	_ =	sdelay $0x2  }
0x51c: {  	s31 =	sor.u32 $0x50, s30  }
0x51d: {  	v35 =	vld.idx.msk [tilespmem:v12+s31+$0x0 ss:$0x1], $0xffff;
	_ =	sdelay $0x1  }
0x51e: {  	v40 =	vpop (erf)  }
0x51f: {  	v36 =	vpop (erf)  }
0x520: {  	v29 =	vpop (erf)  }
0x521: {  	v0 =	vsub.f32 $0.0e+00, v35;
	v43 =	vpop (erf)  }
0x522: {  	v1 =	vadd.f32 $1.000000000e+00, v43  }
0x523: {  	v0 =	vmul.f32 $1.442695020e+00, v0  }
0x524: {  	(erf) = vrcp.f32 v1  }
0x525: {  	(erf) = vpow2.f32 v0;
	_ =	sdelay $0x3  }
0x526: {  	v44 =	vld.idx.msk [tilespmem:v12+s31+$0x1690 ss:$0x1], $0xffff;
	_ =	sdelay $0x3  }
0x527: {  	v17 =	vpop (erf)  }
0x528: {  	v0 =	vsub.f32 $0.0e+00, v44;
	v45 =	vpop (erf)  }
0x529: {  	v1 =	vadd.f32 $1.000000000e+00, v45  }
0x52a: {  	v0 =	vmul.f32 $1.442695020e+00, v0  }
0x52b: {  	(erf) = vrcp.f32 v1  }
0x52c: {  	(erf) = vpow2.f32 v0;
	_ =	sdelay $0x1  }
0x52d: {  	s4 =	sadd.s32 s28, s31  }
0x52e: {  	s9 =	sadd.s32 $0x5A40, s4  }
0x52f: {  	s1 =	sand.u32 $0xFF80, s9;
	s9 =	sand.u32 $0x30, s4  }
0x530: {  	s1 =	sor.u32 s9, s1;
	v46 =	vld.idx.msk [tilespmem:v12+s31+$0x2D20 ss:$0x1], $0xffff  }
0x531: {  	v47 =	vld [tilespmem:s1+$0x0]  }
0x532: {  	v48 =	vld.idx.msk [tilespmem:v12+s31+$0x43B0 ss:$0x1], $0xffff  }
0x533: {  	v42 =	vpop (erf)  }
0x534: {  	v3 =	vpop (erf)  }
0x535: {  	v3 =	vadd.f32 $1.000000000e+00, v3  }
0x536: {  	v1 =	vsub.f32 $0.0e+00, v47;
	v0 =	vmul.f32 $1.442695020e+00, v46  }
0x537: {  	v2 =	vmul.f32 $1.442695020e+00, v48;
	(erf) = vrcp.f32 v3  }
0x538: {  	v49 =	vmul.f32 $1.442695020e+00, v1;
	(erf) = vpow2.f32 v0  }
0x539: {  	(erf) = vpow2.f32 v2  }
0x53a: {  	(erf) = vpow2.f32 v49;
	_ =	sdelay $0x2  }
0x53b: {  	s1 =	sor.u32 $0x60, s30  }
0x53c: {  	v50 =	vld.idx.msk [tilespmem:v12+s1+$0x0 ss:$0x1], $0xffff;
	_ =	sdelay $0x1  }
0x53d: {  	v43 =	vpop (erf)  }
0x53e: {  	v34 =	vpop (erf)  }
0x53f: {  	v35 =	vpop (erf)  }
0x540: {  	v0 =	vsub.f32 $0.0e+00, v50;
	v51 =	vpop (erf)  }
0x541: {  	v1 =	vadd.f32 $1.000000000e+00, v51  }
0x542: {  	v0 =	vmul.f32 $1.442695020e+00, v0  }
0x543: {  	(erf) = vrcp.f32 v1  }
0x544: {  	(erf) = vpow2.f32 v0;
	_ =	sdelay $0x3  }
0x545: {  	v52 =	vld.idx.msk [tilespmem:v12+s1+$0x1690 ss:$0x1], $0xffff;
	_ =	sdelay $0x3  }
0x546: {  	v18 =	vpop (erf)  }
0x547: {  	v0 =	vsub.f32 $0.0e+00, v52;
	v53 =	vpop (erf)  }
0x548: {  	v1 =	vadd.f32 $1.000000000e+00, v53  }
0x549: {  	v0 =	vmul.f32 $1.442695020e+00, v0  }
0x54a: {  	(erf) = vrcp.f32 v1  }
0x54b: {  	s9 =	sadd.s32 s28, s1;
	(erf) = vpow2.f32 v0  }
0x54c: {  	s17 =	sadd.s32 $0x2D20, s9  }
0x54d: {  	s18 =	sadd.s32 $0x5A40, s9;
	s17 =	sand.u32 $0x7F80, s17  }
0x54e: {  	v20 =	vmul.f32 v20, v63;
	v31 =	vmul.f32 v31, v5;
	v54 =	vmov s0;
	s0 =	sor.u32 s17, s29;
	s17 =	sand.u32 $0xFF80, s18;
	s18 =	sand.u32 $0x30, s9;
	v44 =	vld.idx.msk [tilespmem:v12+s1+$0x43B0 ss:$0x1], $0xffff  }
0x54f: {  	v27 =	vmul.f32 v27, v63;
	s17 =	sor.u32 s18, s17;
	v26 =	vmul.f32 v26, v5  }
0x550: {  	s18 =	sadd.s32 s28, s5;
	v56 =	vld [tilespmem:s17+$0x0];
	v25 =	vmul.f32 v25, v63;
	v48 =	vmov s5;
	s5 =	sadd.s32 s28, s7;
	v0 =	vbroadcast v54, $0x0  }
0x551: {  	v55 =	vld [tilespmem:s0+$0x0];
	v61 =	vmov s30;
	v57 =	vmov s5;
	v48 =	vshll.u32 v48, $0x7  }
0x552: {  	v48 =	vor.u32 v11, v48;
	v36 =	vmul.f32 v36, v5;
	v0 =	vor.u32 v8, v0  }
0x553: {  	v44 =	vmul.f32 $1.442695020e+00, v44;
	v46 =	vmov s18;
	v3 =	vshrl.u32 v0, $0x2;
	v41 =	vpop (erf)  }
0x554: {  	v59 =	vbroadcast v46, $0x0;
	v46 =	vmov s11;
	v3 =	vmulhi.u32 $0x1AF286BD, v3;
	v45 =	vpop (erf)  }
0x555: {  	s17 =	sor.u32 $0x70, s30;
	v50 =	vmov s4;
	v2 =	vsub.f32 $0.0e+00, v56;
	v45 =	vadd.f32 $1.000000000e+00, v45  }
0x556: {  	v50 =	vbroadcast v50, $0x0;
	v51 =	vld.idx.msk [tilespmem:v12+s17+$0x0 ss:$0x1], $0xffff;
	v1 =	vmul.f32 $1.442695020e+00, v55;
	v3 =	vshrl.u32 v3, $0x1  }
0x557: {  	v49 =	vmov s16;
	v47 =	vmul.u32 $0xFFFFFFB4, v3;
	(erf) = vrcp.f32 v45  }
0x558: {  	v58 =	vmul.f32 $1.442695020e+00, v2;
	v2 =	vor.u32 v8, v59;
	(erf) = vpow2.f32 v1  }
0x559: {  	v49 =	vbroadcast v49, $0x0;
	v0 =	vadd.s32 v0, v47;
	(erf) = vpow2.f32 v44  }
0x55a: {  	v50 =	vor.u32 v8, v50;
	v0 =	vcvt.s32.f32 v0;
	(erf) = vpow2.f32 v58  }
0x55b: {  	v60 =	vshrl.u32 v2, $0x2;
	v51 =	vsub.f32 $0.0e+00, v51;
	v3 =	vcvt.s32.f32 v3  }
0x55c: {  	v49 =	vor.u32 v8, v49;
	v0 =	vadd.f32 v0, v23;
	v23 =	vmulhi.u32 $0x1AF286BD, v60  }
0x55d: {  	v59 =	vmul.f32 $1.442695020e+00, v51;
	v55 =	vmul.f32 v22, v63;
	v3 =	vadd.f32 v3, v32  }
0x55e: {  	v54 =	vmul.f32 v21, v5;
	v32 =	vmov s13;
	v47 =	vshll.u32 v61, $0x7  }
0x55f: {  	v47 =	vor.u32 v11, v47;
	v3 =	vmul.f32 $8.000000000e+00, v3;
	v45 =	vbroadcast v57, $0x0  }
0x560: {  	v56 =	vor.u32 $0x1, v47;
	v44 =	vmov s7;
	v52 =	vshrl.u32 v23, $0x1;
	v23 =	vpop (erf)  }
0x561: {  	s7 =	sadd.s32 s28, s11;
	v0 =	vmul.f32 $8.000000000e+00, v0;
	v45 =	vor.u32 v8, v45;
	v53 =	vmul.u32 $0xFFFFFFB4, v52;
	v21 =	vpop (erf)  }
0x562: {  	v1 =	vmov s7;
	v62 =	vshrl.u32 v45, $0x2;
	v52 =	vcvt.s32.f32 v52;
	v22 =	vpop (erf)  }
0x563: {  	v58 =	vor.u32 $0x2, v47;
	v2 =	vadd.s32 v2, v53;
	v53 =	vmulhi.u32 $0x1AF286BD, v62;
	v57 =	vpop (erf)  }
0x564: {  	v44 =	vshll.u32 v44, $0x7;
	v1 =	vbroadcast v1, $0x0;
	v57 =	vadd.f32 $1.000000000e+00, v57  }
0x565: {  	[tilespmem:v47+s19+$0x0] =	vst.idx.msk $0xffff, v0;
	v0 =	vor.u32 v11, v44;
	v2 =	vcvt.s32.f32 v2;
	v60 =	vshrl.u32 v53, $0x1  }
0x566: {  	v1 =	vor.u32 v8, v1;
	v61 =	vmul.u32 $0xFFFFFFB4, v60;
	(erf) = vrcp.f32 v57  }
0x567: {  	v33 =	vadd.f32 v52, v33;
	v62 =	vshrl.u32 v1, $0x2;
	(erf) = vpow2.f32 v59  }
0x568: {  	v2 =	vadd.f32 v2, v24;
	v51 =	vcvt.s32.f32 v60;
	v45 =	vadd.s32 v45, v61  }
0x569: {  	v24 =	vor.u32 $0x3, v47;
	v52 =	vmulhi.u32 $0x1AF286BD, v62;
	v45 =	vcvt.s32.f32 v45  }
0x56a: {  	[tilespmem:v56+s19+$0x0] =	vst.idx.msk $0xffff, v3;
	v56 =	vor.u32 $0x3, v0;
	v53 =	vor.u32 $0x4, v47;
	v59 =	vmul.f32 v19, v5  }
0x56b: {  	v57 =	vld.idx.msk [tilespmem:v12+s17+$0x1690 ss:$0x1], $0xffff;
	v19 =	vadd.f32 v45, v30;
	v30 =	vadd.f32 v51, v39;
	v39 =	vshrl.u32 v52, $0x1  }
0x56c: {  	v33 =	vmul.f32 $8.000000000e+00, v33;
	v60 =	vor.u32 $0x1, v48;
	v52 =	vmul.u32 $0xFFFFFFB4, v39  }
0x56d: {  	[tilespmem:v58+s19+$0x0] =	vst.idx.msk $0xffff, v54;
	v2 =	vmul.f32 $8.000000000e+00, v2;
	v61 =	vor.u32 $0x4, v48;
	v45 =	vor.u32 $0x2, v48  }
0x56e: {  	[tilespmem:v24+s19+$0x0] =	vst.idx.msk $0xffff, v55;
	v55 =	vor.u32 $0x2, v0;
	v51 =	vor.u32 $0x3, v48;
	v39 =	vcvt.s32.f32 v39  }
0x56f: {  	[tilespmem:v53+s19+$0x0] =	vst.idx.msk $0xffff, v13;
	v53 =	vmul.f32 v29, v63;
	v62 =	vmul.f32 $8.000000000e+00, v19;
	v1 =	vadd.s32 v1, v52;
	v19 =	vpop (erf)  }
0x570: {  	[tilespmem:v48+s19+$0x0] =	vst.idx.msk $0xffff, v2;
	v37 =	vadd.f32 v39, v37;
	v57 =	vsub.f32 $0.0e+00, v57;
	v1 =	vcvt.s32.f32 v1;
	v52 =	vpop (erf)  }
0x571: {  	[tilespmem:v60+s19+$0x0] =	vst.idx.msk $0xffff, v33;
	v30 =	vmul.f32 $8.000000000e+00, v30;
	v39 =	vor.u32 $0x4, v0;
	v52 =	vadd.f32 $1.000000000e+00, v52  }
0x572: {  	v2 =	vmul.f32 $8.000000000e+00, v37;
	[tilespmem:v45+s19+$0x0] =	vst.idx.msk $0xffff, v59;
	v57 =	vmul.f32 $1.442695020e+00, v57;
	v1 =	vadd.f32 v1, v28  }
0x573: {  	[tilespmem:v51+s19+$0x0] =	vst.idx.msk $0xffff, v20;
	v51 =	vshll.u32 v32, $0x7;
	(erf) = vrcp.f32 v52;
	v52 =	vshrl.u32 v49, $0x2  }
0x574: {  	v58 =	vld.idx.msk [tilespmem:v12+s17+$0x2D20 ss:$0x1], $0xffff;
	v52 =	vmulhi.u32 $0x1AF286BD, v52;
	(erf) = vpow2.f32 v57;
	v57 =	vshrl.u32 v50, $0x2  }
0x575: {  	v59 =	vld.idx.msk [tilespmem:v12+s17+$0x5A40 ss:$0x1], $0xffff;
	v32 =	vmov s31;
	v1 =	vmul.f32 $8.000000000e+00, v1;
	v57 =	vmulhi.u32 $0x1AF286BD, v57  }
0x576: {  	[tilespmem:v0+s19+$0x0] =	vst.idx.msk $0xffff, v62;
	v44 =	vshrl.u32 v52, $0x1;
	v52 =	vor.u32 $0x1, v0;
	v0 =	vshll.u32 v32, $0x7  }
0x577: {  	v3 =	vmul.u32 $0xFFFFFFB4, v44;
	v28 =	vshrl.u32 v57, $0x1;
	v57 =	vshll.u32 v46, $0x7  }
0x578: {  	[tilespmem:v61+s19+$0x0] =	vst.idx.msk $0xffff, v14;
	v61 =	vld.idx.msk [tilespmem:v12+s17+$0x43B0 ss:$0x1], $0xffff;
	v44 =	vcvt.s32.f32 v44;
	v0 =	vor.u32 v11, v0;
	v54 =	vmul.u32 $0xFFFFFFB4, v28  }
0x579: {  	v33 =	vor.u32 v11, v57;
	v28 =	vcvt.s32.f32 v28;
	v57 =	vmul.f32 $1.442695020e+00, v58  }
0x57a: {  	v58 =	vsub.f32 $0.0e+00, v59;
	v3 =	vadd.s32 v49, v3;
	v37 =	vor.u32 $0x1, v33  }
0x57b: {  	v20 =	vor.u32 $0x2, v33;
	v46 =	vor.u32 $0x3, v33;
	v40 =	vadd.f32 v44, v40  }
0x57c: {  	v13 =	vadd.s32 v50, v54;
	v3 =	vcvt.s32.f32 v3;
	v14 =	vadd.f32 v28, v43  }
0x57d: {  	v50 =	vor.u32 $0x4, v33;
	v54 =	vor.u32 v11, v51;
	v28 =	vmul.f32 $1.442695020e+00, v61;
	v45 =	vpop (erf)  }
0x57e: {  	v13 =	vcvt.s32.f32 v13;
	v40 =	vmul.f32 $8.000000000e+00, v40;
	[tilespmem:v52+s19+$0x0] =	vst.idx.msk $0xffff, v30;
	v52 =	vmov s9;
	v60 =	vpop (erf)  }
0x57f: {  	v61 =	vor.u32 $0x3, v54;
	[tilespmem:v55+s19+$0x0] =	vst.idx.msk $0xffff, v31;
	v55 =	vbroadcast v52, $0x0;
	v48 =	vadd.f32 $1.000000000e+00, v60  }
0x580: {  	s18 =	sadd.s32 s28, s17;
	v62 =	vor.u32 $0x4, v54;
	v3 =	vadd.f32 v3, v38;
	v14 =	vmul.f32 $8.000000000e+00, v14;
	[tilespmem:v56+s19+$0x0] =	vst.idx.msk $0xffff, v27  }
0x581: {  	v31 =	vmov s18;
	[tilespmem:v33+s19+$0x0] =	vst.idx.msk $0xffff, v1;
	v30 =	vor.u32 v8, v55;
	(erf) = vrcp.f32 v48  }
0x582: {  	[tilespmem:v39+s19+$0x0] =	vst.idx.msk $0xffff, v15;
	v60 =	vmul.f32 $1.442695020e+00, v58;
	v59 =	vshrl.u32 v30, $0x2;
	(erf) = vpow2.f32 v57  }
0x583: {  	v56 =	vor.u32 $0x1, v54;
	[tilespmem:v37+s19+$0x0] =	vst.idx.msk $0xffff, v2;
	v1 =	vmulhi.u32 $0x1AF286BD, v59;
	(erf) = vpow2.f32 v28  }
0x584: {  	v3 =	vmul.f32 $8.000000000e+00, v3;
	v15 =	vor.u32 $0x2, v54;
	[tilespmem:v20+s19+$0x0] =	vst.idx.msk $0xffff, v26;
	(erf) = vpow2.f32 v60  }
0x585: {  	v13 =	vadd.f32 v13, v42;
	[tilespmem:v46+s19+$0x0] =	vst.idx.msk $0xffff, v25;
	v25 =	vbroadcast v31, $0x0;
	v1 =	vshrl.u32 v1, $0x1  }
0x586: {  	v38 =	vor.u32 $0x1, v0;
	v42 =	vor.u32 $0x3, v0;
	[tilespmem:v54+s19+$0x0] =	vst.idx.msk $0xffff, v3;
	v33 =	vmul.u32 $0xFFFFFFB4, v1  }
0x587: {  	v37 =	vmul.f32 v35, v63;
	v13 =	vmul.f32 $8.000000000e+00, v13;
	[tilespmem:v50+s19+$0x0] =	vst.idx.msk $0xffff, v16;
	v25 =	vor.u32 v8, v25  }
0x588: {  	[tilespmem:v56+s19+$0x0] =	vst.idx.msk $0xffff, v40;
	v39 =	vshrl.u32 v25, $0x2;
	v1 =	vcvt.s32.f32 v1;
	v16 =	vadd.s32 v30, v33  }
0x589: {  	[tilespmem:v15+s19+$0x0] =	vst.idx.msk $0xffff, v36;
	v15 =	vor.u32 $0x2, v0;
	v28 =	vmulhi.u32 $0x1AF286BD, v39;
	v16 =	vcvt.s32.f32 v16  }
0x58a: {  	v46 =	vmov s1;
	v48 =	vor.u32 $0x4, v0;
	[tilespmem:v0+s19+$0x0] =	vst.idx.msk $0xffff, v13;
	v50 =	vadd.f32 v1, v23;
	v40 =	vpop (erf)  }
0x58b: {  	[tilespmem:v38+s19+$0x0] =	vst.idx.msk $0xffff, v14;
	v49 =	vshrl.u32 v28, $0x1;
	v44 =	vadd.f32 v16, v41;
	v16 =	vshll.u32 v46, $0x7;
	v43 =	vpop (erf)  }
0x58c: {  	v3 =	vmul.f32 v34, v5;
	[tilespmem:v61+s19+$0x0] =	vst.idx.msk $0xffff, v53;
	v13 =	vmul.u32 $0xFFFFFFB4, v49;
	v51 =	vor.u32 v11, v16;
	v47 =	vpop (erf)  }
0x58d: {  	v53 =	vmov s17;
	[tilespmem:v62+s19+$0x0] =	vst.idx.msk $0xffff, v17;
	v0 =	vmul.f32 $8.000000000e+00, v50;
	v14 =	vor.u32 $0x1, v51;
	v52 =	vpop (erf)  }
0x58e: {  	[tilespmem:v15+s19+$0x0] =	vst.idx.msk $0xffff, v3;
	v3 =	vadd.s32 v25, v13;
	v13 =	vor.u32 $0x2, v51;
	v16 =	vadd.f32 $1.000000000e+00, v52  }
0x58f: {  	[tilespmem:v42+s19+$0x0] =	vst.idx.msk $0xffff, v37;
	v2 =	vmul.f32 $8.000000000e+00, v44;
	v15 =	vor.u32 $0x3, v51;
	v54 =	vor.u32 $0x4, v51  }
0x590: {  	[tilespmem:v48+s19+$0x0] =	vst.idx.msk $0xffff, v18;
	v3 =	vcvt.s32.f32 v3;
	(erf) = vrcp.f32 v16;
	v16 =	vshll.u32 v53, $0x7  }
0x591: {  	v55 =	vmul.f32 v21, v5;
	v56 =	vcvt.s32.f32 v49;
	[tilespmem:v51+s19+$0x0] =	vst.idx.msk $0xffff, v2;
	v16 =	vor.u32 v11, v16  }
0x592: {  	v57 =	vmul.f32 v22, v63;
	v3 =	vadd.f32 v3, v45;
	[tilespmem:v14+s19+$0x0] =	vst.idx.msk $0xffff, v0;
	v14 =	vor.u32 $0x1, v16  }
0x593: {  	v58 =	vadd.f32 v56, v40;
	[tilespmem:v13+s19+$0x0] =	vst.idx.msk $0xffff, v55;
	v59 =	vor.u32 $0x2, v16  }
0x594: {  	v60 =	vmul.f32 $8.000000000e+00, v3;
	[tilespmem:v15+s19+$0x0] =	vst.idx.msk $0xffff, v57;
	v3 =	vor.u32 $0x3, v16  }
0x595: {  	p1 =	por p0, p0;
	v1 =	vmul.f32 $8.000000000e+00, v58;
	v13 =	vor.u32 $0x4, v16;
	[tilespmem:v54+s19+$0x0] =	vst.idx.msk $0xffff, v19  }
.Ltmp6:
0x596: {  	v61 =	vmul.f32 v43, v5;
	[tilespmem:v16+s19+$0x0] =	vst.idx.msk $0xffff, v60;
	(pc) =	sbr.rel @p1 .LBB2_15-.Ltmp6, $4  }
0x597: {  	v15 =	vmul.f32 v47, v63;
	[tilespmem:v14+s19+$0x0] =	vst.idx.msk $0xffff, v1  }
0x598: {  	[tilespmem:v59+s19+$0x0] =	vst.idx.msk $0xffff, v61  }
0x599: {  	v62 =	vpop (erf);
	[tilespmem:v3+s19+$0x0] =	vst.idx.msk $0xffff, v15  }
0x59a: {  	p0 =	por $0x0, $0x0;
	s30 =	simm.s32 $0x80;
	[tilespmem:v13+s19+$0x0] =	vst.idx.msk $0xffff, v62  }
0x59b: {  	s0 =	sadd.s32 s10, s28  }
0x59c: {  	s0 =	sshll.u32 s0, $0x4  }
0x59d: {  	s29 =	simm.s32 $0x0;
	s0 =	sadd.s32 s3, s0  }
0x59e: {  	[hbm4b:s0+s29] =	stream.linear.scatter [tilespmem:s19], [sflag:$0x3], $0x8000, $0x38;
	[tilespmem:$0x1E200] =	vst v63  }
0x59f: {  	s31 =	sor.u32 $0x100, s26;
	_ =	swait.ge [sflag:s23], $0x8000  }
0x5a0: {  	s26 =	smin.u32 s31, $0x1590;
	[sflag:s23] =	ssyncset.done $0x0  }
0x5a1: {  	p0 =	por $0x1, $0x1;
	s28 =	sand.u32 $0x10, s26;
	v12 =	vmov s26;
	[sflag:s23] =	ssyncadd.s32 $0xFFFF8000  }
.LBB2_17:
0x5a2: {  	s0 =	sadd.s32 s26, s29  }
0x5a3: {  	s1 =	sand.u32 $0x3F80, s0  }
0x5a4: {  	s1 =	sor.u32 s1, s28  }
0x5a5: {  	v0 =	vld [tilespmem:s1+$0x0];
	_ =	sdelay $0x4  }
0x5a6: {  	v0 =	vsub.f32 $0.0e+00, v0;
	_ =	sdelay $0x1  }
0x5a7: {  	v0 =	vmul.f32 $1.442695020e+00, v0;
	_ =	sdelay $0x1  }
0x5a8: {  	(erf) = vpow2.f32 v0;
	_ =	sdelay $0x3  }
0x5a9: {  	v25 =	vld.idx.msk [tilespmem:v12+s29+$0x1690 ss:$0x1], $0xffff;
	_ =	sdelay $0x4  }
0x5aa: {  	v0 =	vsub.f32 $0.0e+00, v25;
	v1 =	vpop (erf)  }
0x5ab: {  	v1 =	vadd.f32 $1.000000000e+00, v1  }
0x5ac: {  	v0 =	vmul.f32 $1.442695020e+00, v0  }
0x5ad: {  	(erf) = vrcp.f32 v1  }
0x5ae: {  	(erf) = vpow2.f32 v0;
	_ =	sdelay $0x4  }
0x5af: {  	v26 =	vld.idx.msk [tilespmem:v12+s29+$0x2D20 ss:$0x1], $0xffff  }
0x5b0: {  	v27 =	vld.idx.msk [tilespmem:v12+s29+$0x5A40 ss:$0x1], $0xffff  }
0x5b1: {  	v2 =	vld.idx.msk [tilespmem:v12+s29+$0x43B0 ss:$0x1], $0xffff  }
0x5b2: {  	v23 =	vpop (erf)  }
0x5b3: {  	v3 =	vpop (erf)  }
0x5b4: {  	v3 =	vadd.f32 $1.000000000e+00, v3  }
0x5b5: {  	v1 =	vsub.f32 $0.0e+00, v27;
	v0 =	vmul.f32 $1.442695020e+00, v26  }
0x5b6: {  	v2 =	vmul.f32 $1.442695020e+00, v2;
	(erf) = vrcp.f32 v3  }
0x5b7: {  	v28 =	vmul.f32 $1.442695020e+00, v1;
	(erf) = vpow2.f32 v0  }
0x5b8: {  	(erf) = vpow2.f32 v2  }
0x5b9: {  	(erf) = vpow2.f32 v28;
	_ =	sdelay $0x2  }
0x5ba: {  	s5 =	sor.u32 $0x10, s29  }
0x5bb: {  	v29 =	vld.idx.msk [tilespmem:v12+s5+$0x0 ss:$0x1], $0xffff;
	_ =	sdelay $0x1  }
0x5bc: {  	v32 =	vpop (erf)  }
0x5bd: {  	v21 =	vpop (erf)  }
0x5be: {  	v22 =	vpop (erf)  }
0x5bf: {  	v0 =	vsub.f32 $0.0e+00, v29;
	v36 =	vpop (erf)  }
0x5c0: {  	v1 =	vadd.f32 $1.000000000e+00, v36  }
0x5c1: {  	v0 =	vmul.f32 $1.442695020e+00, v0  }
0x5c2: {  	(erf) = vrcp.f32 v1  }
0x5c3: {  	(erf) = vpow2.f32 v0;
	_ =	sdelay $0x3  }
0x5c4: {  	v37 =	vld.idx.msk [tilespmem:v12+s5+$0x1690 ss:$0x1], $0xffff;
	_ =	sdelay $0x3  }
0x5c5: {  	v13 =	vpop (erf)  }
0x5c6: {  	v0 =	vsub.f32 $0.0e+00, v37;
	v38 =	vpop (erf)  }
0x5c7: {  	v1 =	vadd.f32 $1.000000000e+00, v38  }
0x5c8: {  	v0 =	vmul.f32 $1.442695020e+00, v0  }
0x5c9: {  	(erf) = vrcp.f32 v1  }
0x5ca: {  	(erf) = vpow2.f32 v0;
	_ =	sdelay $0x4  }
0x5cb: {  	v39 =	vld.idx.msk [tilespmem:v12+s5+$0x2D20 ss:$0x1], $0xffff  }
0x5cc: {  	v40 =	vld.idx.msk [tilespmem:v12+s5+$0x5A40 ss:$0x1], $0xffff  }
0x5cd: {  	v41 =	vld.idx.msk [tilespmem:v12+s5+$0x43B0 ss:$0x1], $0xffff  }
0x5ce: {  	v24 =	vpop (erf)  }
0x5cf: {  	v3 =	vpop (erf)  }
0x5d0: {  	v3 =	vadd.f32 $1.000000000e+00, v3  }
0x5d1: {  	v1 =	vsub.f32 $0.0e+00, v40;
	v0 =	vmul.f32 $1.442695020e+00, v39  }
0x5d2: {  	v2 =	vmul.f32 $1.442695020e+00, v41;
	(erf) = vrcp.f32 v3  }
0x5d3: {  	v42 =	vmul.f32 $1.442695020e+00, v1;
	(erf) = vpow2.f32 v0  }
0x5d4: {  	(erf) = vpow2.f32 v2  }
0x5d5: {  	(erf) = vpow2.f32 v42;
	_ =	sdelay $0x2  }
0x5d6: {  	s7 =	sor.u32 $0x20, s29  }
0x5d7: {  	v43 =	vld.idx.msk [tilespmem:v12+s7+$0x0 ss:$0x1], $0xffff;
	_ =	sdelay $0x1  }
0x5d8: {  	v33 =	vpop (erf)  }
0x5d9: {  	v19 =	vpop (erf)  }
0x5da: {  	v20 =	vpop (erf)  }
0x5db: {  	v0 =	vsub.f32 $0.0e+00, v43;
	v44 =	vpop (erf)  }
0x5dc: {  	v1 =	vadd.f32 $1.000000000e+00, v44  }
0x5dd: {  	v0 =	vmul.f32 $1.442695020e+00, v0  }
0x5de: {  	(erf) = vrcp.f32 v1  }
0x5df: {  	(erf) = vpow2.f32 v0;
	_ =	sdelay $0x3  }
0x5e0: {  	v45 =	vld.idx.msk [tilespmem:v12+s7+$0x1690 ss:$0x1], $0xffff;
	_ =	sdelay $0x3  }
0x5e1: {  	v14 =	vpop (erf)  }
0x5e2: {  	v0 =	vsub.f32 $0.0e+00, v45;
	v46 =	vpop (erf)  }
0x5e3: {  	v1 =	vadd.f32 $1.000000000e+00, v46  }
0x5e4: {  	v0 =	vmul.f32 $1.442695020e+00, v0  }
0x5e5: {  	(erf) = vrcp.f32 v1  }
0x5e6: {  	(erf) = vpow2.f32 v0;
	_ =	sdelay $0x4  }
0x5e7: {  	v47 =	vld.idx.msk [tilespmem:v12+s7+$0x2D20 ss:$0x1], $0xffff  }
0x5e8: {  	v48 =	vld.idx.msk [tilespmem:v12+s7+$0x5A40 ss:$0x1], $0xffff  }
0x5e9: {  	v49 =	vld.idx.msk [tilespmem:v12+s7+$0x43B0 ss:$0x1], $0xffff  }
0x5ea: {  	v30 =	vpop (erf)  }
0x5eb: {  	v3 =	vpop (erf)  }
0x5ec: {  	v3 =	vadd.f32 $1.000000000e+00, v3  }
0x5ed: {  	v1 =	vsub.f32 $0.0e+00, v48;
	v0 =	vmul.f32 $1.442695020e+00, v47  }
0x5ee: {  	v2 =	vmul.f32 $1.442695020e+00, v49;
	(erf) = vrcp.f32 v3  }
0x5ef: {  	v50 =	vmul.f32 $1.442695020e+00, v1;
	(erf) = vpow2.f32 v0  }
0x5f0: {  	(erf) = vpow2.f32 v2  }
0x5f1: {  	(erf) = vpow2.f32 v50;
	_ =	sdelay $0x2  }
0x5f2: {  	s11 =	sor.u32 $0x30, s29  }
0x5f3: {  	v51 =	vld.idx.msk [tilespmem:v12+s11+$0x0 ss:$0x1], $0xffff;
	_ =	sdelay $0x1  }
0x5f4: {  	v39 =	vpop (erf)  }
0x5f5: {  	v31 =	vpop (erf)  }
0x5f6: {  	v27 =	vpop (erf)  }
0x5f7: {  	v0 =	vsub.f32 $0.0e+00, v51;
	v52 =	vpop (erf)  }
0x5f8: {  	v1 =	vadd.f32 $1.000000000e+00, v52  }
0x5f9: {  	v0 =	vmul.f32 $1.442695020e+00, v0  }
0x5fa: {  	(erf) = vrcp.f32 v1  }
0x5fb: {  	(erf) = vpow2.f32 v0;
	_ =	sdelay $0x3  }
0x5fc: {  	v53 =	vld.idx.msk [tilespmem:v12+s11+$0x1690 ss:$0x1], $0xffff;
	_ =	sdelay $0x3  }
0x5fd: {  	v15 =	vpop (erf)  }
0x5fe: {  	v0 =	vsub.f32 $0.0e+00, v53;
	v54 =	vpop (erf)  }
0x5ff: {  	v1 =	vadd.f32 $1.000000000e+00, v54  }
0x600: {  	v0 =	vmul.f32 $1.442695020e+00, v0  }
0x601: {  	(erf) = vrcp.f32 v1  }
0x602: {  	(erf) = vpow2.f32 v0;
	_ =	sdelay $0x4  }
0x603: {  	v55 =	vld.idx.msk [tilespmem:v12+s11+$0x2D20 ss:$0x1], $0xffff  }
0x604: {  	v56 =	vld.idx.msk [tilespmem:v12+s11+$0x5A40 ss:$0x1], $0xffff  }
0x605: {  	v57 =	vld.idx.msk [tilespmem:v12+s11+$0x43B0 ss:$0x1], $0xffff  }
0x606: {  	v28 =	vpop (erf)  }
0x607: {  	v3 =	vpop (erf)  }
0x608: {  	v3 =	vadd.f32 $1.000000000e+00, v3  }
0x609: {  	v1 =	vsub.f32 $0.0e+00, v56;
	v0 =	vmul.f32 $1.442695020e+00, v55  }
0x60a: {  	v2 =	vmul.f32 $1.442695020e+00, v57;
	(erf) = vrcp.f32 v3  }
0x60b: {  	v58 =	vmul.f32 $1.442695020e+00, v1;
	(erf) = vpow2.f32 v0  }
0x60c: {  	(erf) = vpow2.f32 v2  }
0x60d: {  	(erf) = vpow2.f32 v58;
	_ =	sdelay $0x2  }
0x60e: {  	s13 =	sor.u32 $0x40, s29  }
0x60f: {  	v59 =	vld.idx.msk [tilespmem:v12+s13+$0x0 ss:$0x1], $0xffff;
	_ =	sdelay $0x1  }
0x610: {  	v37 =	vpop (erf)  }
0x611: {  	v26 =	vpop (erf)  }
0x612: {  	v25 =	vpop (erf)  }
0x613: {  	v0 =	vsub.f32 $0.0e+00, v59;
	v60 =	vpop (erf)  }
0x614: {  	v1 =	vadd.f32 $1.000000000e+00, v60  }
0x615: {  	v0 =	vmul.f32 $1.442695020e+00, v0  }
0x616: {  	(erf) = vrcp.f32 v1  }
0x617: {  	(erf) = vpow2.f32 v0;
	_ =	sdelay $0x3  }
0x618: {  	v61 =	vld.idx.msk [tilespmem:v12+s13+$0x1690 ss:$0x1], $0xffff;
	_ =	sdelay $0x3  }
0x619: {  	v16 =	vpop (erf)  }
0x61a: {  	v0 =	vsub.f32 $0.0e+00, v61;
	v62 =	vpop (erf)  }
0x61b: {  	v1 =	vadd.f32 $1.000000000e+00, v62  }
0x61c: {  	v0 =	vmul.f32 $1.442695020e+00, v0  }
0x61d: {  	(erf) = vrcp.f32 v1  }
0x61e: {  	(erf) = vpow2.f32 v0;
	_ =	sdelay $0x1  }
0x61f: {  	s16 =	sadd.s32 s26, s13  }
0x620: {  	s9 =	sadd.s32 $0x5A40, s16  }
0x621: {  	s1 =	sand.u32 $0xFF80, s9  }
0x622: {  	v17 =	vld.idx.msk [tilespmem:v12+s13+$0x2D20 ss:$0x1], $0xffff;
	s1 =	sor.u32 s1, s28  }
0x623: {  	v18 =	vld [tilespmem:s1+$0x0]  }
0x624: {  	v29 =	vld.idx.msk [tilespmem:v12+s13+$0x43B0 ss:$0x1], $0xffff  }
0x625: {  	v38 =	vpop (erf)  }
0x626: {  	v3 =	vpop (erf)  }
0x627: {  	v3 =	vadd.f32 $1.000000000e+00, v3  }
0x628: {  	v1 =	vsub.f32 $0.0e+00, v18;
	v0 =	vmul.f32 $1.442695020e+00, v17  }
0x629: {  	v2 =	vmul.f32 $1.442695020e+00, v29;
	(erf) = vrcp.f32 v3  }
0x62a: {  	v34 =	vmul.f32 $1.442695020e+00, v1;
	(erf) = vpow2.f32 v0  }
0x62b: {  	(erf) = vpow2.f32 v2  }
0x62c: {  	(erf) = vpow2.f32 v34;
	_ =	sdelay $0x2  }
0x62d: {  	s30 =	sor.u32 $0x50, s29  }
0x62e: {  	v35 =	vld.idx.msk [tilespmem:v12+s30+$0x0 ss:$0x1], $0xffff;
	_ =	sdelay $0x1  }
0x62f: {  	v40 =	vpop (erf)  }
0x630: {  	v36 =	vpop (erf)  }
0x631: {  	v29 =	vpop (erf)  }
0x632: {  	v0 =	vsub.f32 $0.0e+00, v35;
	v43 =	vpop (erf)  }
0x633: {  	v1 =	vadd.f32 $1.000000000e+00, v43  }
0x634: {  	v0 =	vmul.f32 $1.442695020e+00, v0  }
0x635: {  	(erf) = vrcp.f32 v1  }
0x636: {  	(erf) = vpow2.f32 v0;
	_ =	sdelay $0x3  }
0x637: {  	v44 =	vld.idx.msk [tilespmem:v12+s30+$0x1690 ss:$0x1], $0xffff;
	_ =	sdelay $0x3  }
0x638: {  	v17 =	vpop (erf)  }
0x639: {  	v0 =	vsub.f32 $0.0e+00, v44;
	v45 =	vpop (erf)  }
0x63a: {  	v1 =	vadd.f32 $1.000000000e+00, v45  }
0x63b: {  	v0 =	vmul.f32 $1.442695020e+00, v0  }
0x63c: {  	(erf) = vrcp.f32 v1  }
0x63d: {  	(erf) = vpow2.f32 v0;
	_ =	sdelay $0x1  }
0x63e: {  	s4 =	sadd.s32 s26, s30  }
0x63f: {  	s17 =	sadd.s32 $0x5A40, s4  }
0x640: {  	s9 =	sand.u32 $0x30, s4;
	s1 =	sand.u32 $0xFF80, s17  }
0x641: {  	s1 =	sor.u32 s9, s1;
	v46 =	vld.idx.msk [tilespmem:v12+s30+$0x2D20 ss:$0x1], $0xffff  }
0x642: {  	v47 =	vld [tilespmem:s1+$0x0]  }
0x643: {  	v48 =	vld.idx.msk [tilespmem:v12+s30+$0x43B0 ss:$0x1], $0xffff  }
0x644: {  	v42 =	vpop (erf)  }
0x645: {  	v3 =	vpop (erf)  }
0x646: {  	v3 =	vadd.f32 $1.000000000e+00, v3  }
0x647: {  	v1 =	vsub.f32 $0.0e+00, v47;
	v0 =	vmul.f32 $1.442695020e+00, v46  }
0x648: {  	v2 =	vmul.f32 $1.442695020e+00, v48;
	(erf) = vrcp.f32 v3  }
0x649: {  	v49 =	vmul.f32 $1.442695020e+00, v1;
	(erf) = vpow2.f32 v0  }
0x64a: {  	(erf) = vpow2.f32 v2  }
0x64b: {  	(erf) = vpow2.f32 v49;
	_ =	sdelay $0x2  }
0x64c: {  	s1 =	sor.u32 $0x60, s29  }
0x64d: {  	v50 =	vld.idx.msk [tilespmem:v12+s1+$0x0 ss:$0x1], $0xffff;
	_ =	sdelay $0x1  }
0x64e: {  	v43 =	vpop (erf)  }
0x64f: {  	v34 =	vpop (erf)  }
0x650: {  	v35 =	vpop (erf)  }
0x651: {  	v0 =	vsub.f32 $0.0e+00, v50;
	v51 =	vpop (erf)  }
0x652: {  	v1 =	vadd.f32 $1.000000000e+00, v51  }
0x653: {  	v0 =	vmul.f32 $1.442695020e+00, v0  }
0x654: {  	(erf) = vrcp.f32 v1  }
0x655: {  	(erf) = vpow2.f32 v0;
	_ =	sdelay $0x3  }
0x656: {  	v52 =	vld.idx.msk [tilespmem:v12+s1+$0x1690 ss:$0x1], $0xffff;
	_ =	sdelay $0x3  }
0x657: {  	v18 =	vpop (erf)  }
0x658: {  	v0 =	vsub.f32 $0.0e+00, v52;
	v53 =	vpop (erf)  }
0x659: {  	v1 =	vadd.f32 $1.000000000e+00, v53  }
0x65a: {  	v0 =	vmul.f32 $1.442695020e+00, v0  }
0x65b: {  	(erf) = vrcp.f32 v1  }
0x65c: {  	s9 =	sadd.s32 s26, s1;
	(erf) = vpow2.f32 v0  }
0x65d: {  	s17 =	sadd.s32 $0x2D20, s9  }
0x65e: {  	s31 =	sadd.s32 $0x5A40, s9;
	s18 =	sand.u32 $0x7F80, s17  }
0x65f: {  	v20 =	vmul.f32 v20, v63;
	s17 =	sand.u32 $0xFF80, s31;
	v31 =	vmul.f32 v31, v5;
	v54 =	vmov s0;
	s0 =	sor.u32 s18, s28;
	s18 =	sand.u32 $0x30, s9;
	v44 =	vld.idx.msk [tilespmem:v12+s1+$0x43B0 ss:$0x1], $0xffff  }
0x660: {  	v27 =	vmul.f32 v27, v63;
	s18 =	sor.u32 s18, s17;
	v26 =	vmul.f32 v26, v5  }
0x661: {  	s31 =	sadd.s32 s26, s5;
	v56 =	vld [tilespmem:s18+$0x0];
	v25 =	vmul.f32 v25, v63;
	v48 =	vmov s5;
	s5 =	sadd.s32 s26, s7;
	v0 =	vbroadcast v54, $0x0  }
0x662: {  	v55 =	vld [tilespmem:s0+$0x0];
	v61 =	vmov s29;
	v57 =	vmov s5;
	v48 =	vshll.u32 v48, $0x7  }
0x663: {  	v48 =	vor.u32 v11, v48;
	v36 =	vmul.f32 v36, v5;
	v0 =	vor.u32 v8, v0  }
0x664: {  	v44 =	vmul.f32 $1.442695020e+00, v44;
	v46 =	vmov s31;
	v3 =	vshrl.u32 v0, $0x2;
	v41 =	vpop (erf)  }
0x665: {  	v59 =	vbroadcast v46, $0x0;
	v46 =	vmov s11;
	v3 =	vmulhi.u32 $0x1AF286BD, v3;
	v45 =	vpop (erf)  }
0x666: {  	s18 =	sor.u32 $0x70, s29;
	v50 =	vmov s4;
	v2 =	vsub.f32 $0.0e+00, v56;
	v45 =	vadd.f32 $1.000000000e+00, v45  }
0x667: {  	v50 =	vbroadcast v50, $0x0;
	v51 =	vld.idx.msk [tilespmem:v12+s18+$0x0 ss:$0x1], $0xffff;
	v1 =	vmul.f32 $1.442695020e+00, v55;
	v3 =	vshrl.u32 v3, $0x1  }
0x668: {  	v49 =	vmov s16;
	v47 =	vmul.u32 $0xFFFFFFB4, v3;
	(erf) = vrcp.f32 v45  }
0x669: {  	v58 =	vmul.f32 $1.442695020e+00, v2;
	v2 =	vor.u32 v8, v59;
	(erf) = vpow2.f32 v1  }
0x66a: {  	v49 =	vbroadcast v49, $0x0;
	v0 =	vadd.s32 v0, v47;
	(erf) = vpow2.f32 v44  }
0x66b: {  	v50 =	vor.u32 v8, v50;
	v0 =	vcvt.s32.f32 v0;
	(erf) = vpow2.f32 v58  }
0x66c: {  	v60 =	vshrl.u32 v2, $0x2;
	v51 =	vsub.f32 $0.0e+00, v51;
	v3 =	vcvt.s32.f32 v3  }
0x66d: {  	v49 =	vor.u32 v8, v49;
	v0 =	vadd.f32 v0, v23;
	v23 =	vmulhi.u32 $0x1AF286BD, v60  }
0x66e: {  	v59 =	vmul.f32 $1.442695020e+00, v51;
	v55 =	vmul.f32 v22, v63;
	v3 =	vadd.f32 v3, v32  }
0x66f: {  	v54 =	vmul.f32 v21, v5;
	v32 =	vmov s13;
	v47 =	vshll.u32 v61, $0x7  }
0x670: {  	s17 =	sadd.s32 s26, s11;
	v47 =	vor.u32 v11, v47;
	v3 =	vmul.f32 $8.000000000e+00, v3;
	v45 =	vbroadcast v57, $0x0  }
0x671: {  	v56 =	vor.u32 $0x1, v47;
	v1 =	vmov s17;
	v52 =	vshrl.u32 v23, $0x1;
	v23 =	vpop (erf)  }
0x672: {  	v44 =	vmov s7;
	v45 =	vor.u32 v8, v45;
	v53 =	vmul.u32 $0xFFFFFFB4, v52;
	v21 =	vpop (erf)  }
0x673: {  	v0 =	vmul.f32 $8.000000000e+00, v0;
	v1 =	vbroadcast v1, $0x0;
	v62 =	vshrl.u32 v45, $0x2;
	v22 =	vpop (erf)  }
0x674: {  	v52 =	vcvt.s32.f32 v52;
	v2 =	vadd.s32 v2, v53;
	v53 =	vmulhi.u32 $0x1AF286BD, v62;
	v57 =	vpop (erf)  }
0x675: {  	v58 =	vor.u32 $0x2, v47;
	v44 =	vshll.u32 v44, $0x7;
	v57 =	vadd.f32 $1.000000000e+00, v57  }
0x676: {  	v1 =	vor.u32 v8, v1;
	[tilespmem:v47+s20+$0x0] =	vst.idx.msk $0xffff, v0;
	v0 =	vor.u32 v11, v44;
	v60 =	vshrl.u32 v53, $0x1  }
0x677: {  	v2 =	vcvt.s32.f32 v2;
	v61 =	vmul.u32 $0xFFFFFFB4, v60;
	(erf) = vrcp.f32 v57  }
0x678: {  	v33 =	vadd.f32 v52, v33;
	v62 =	vshrl.u32 v1, $0x2;
	(erf) = vpow2.f32 v59  }
0x679: {  	v52 =	vmulhi.u32 $0x1AF286BD, v62;
	v2 =	vadd.f32 v2, v24;
	v45 =	vadd.s32 v45, v61  }
0x67a: {  	v24 =	vor.u32 $0x3, v47;
	v51 =	vcvt.s32.f32 v60;
	v45 =	vcvt.s32.f32 v45  }
0x67b: {  	[tilespmem:v56+s20+$0x0] =	vst.idx.msk $0xffff, v3;
	v56 =	vor.u32 $0x3, v0;
	v53 =	vor.u32 $0x4, v47;
	v59 =	vmul.f32 v19, v5  }
0x67c: {  	v57 =	vld.idx.msk [tilespmem:v12+s18+$0x1690 ss:$0x1], $0xffff;
	v19 =	vadd.f32 v45, v30;
	v30 =	vadd.f32 v51, v39;
	v39 =	vshrl.u32 v52, $0x1  }
0x67d: {  	v33 =	vmul.f32 $8.000000000e+00, v33;
	v60 =	vor.u32 $0x1, v48;
	v52 =	vmul.u32 $0xFFFFFFB4, v39  }
0x67e: {  	[tilespmem:v58+s20+$0x0] =	vst.idx.msk $0xffff, v54;
	v2 =	vmul.f32 $8.000000000e+00, v2;
	v61 =	vor.u32 $0x4, v48;
	v45 =	vor.u32 $0x2, v48  }
0x67f: {  	[tilespmem:v24+s20+$0x0] =	vst.idx.msk $0xffff, v55;
	v55 =	vor.u32 $0x2, v0;
	v51 =	vor.u32 $0x3, v48;
	v39 =	vcvt.s32.f32 v39  }
0x680: {  	[tilespmem:v53+s20+$0x0] =	vst.idx.msk $0xffff, v13;
	v53 =	vmul.f32 v29, v63;
	v62 =	vmul.f32 $8.000000000e+00, v19;
	v1 =	vadd.s32 v1, v52;
	v19 =	vpop (erf)  }
0x681: {  	[tilespmem:v48+s20+$0x0] =	vst.idx.msk $0xffff, v2;
	v37 =	vadd.f32 v39, v37;
	v57 =	vsub.f32 $0.0e+00, v57;
	v1 =	vcvt.s32.f32 v1;
	v52 =	vpop (erf)  }
0x682: {  	[tilespmem:v60+s20+$0x0] =	vst.idx.msk $0xffff, v33;
	v30 =	vmul.f32 $8.000000000e+00, v30;
	v39 =	vor.u32 $0x4, v0;
	v52 =	vadd.f32 $1.000000000e+00, v52  }
0x683: {  	v2 =	vmul.f32 $8.000000000e+00, v37;
	[tilespmem:v45+s20+$0x0] =	vst.idx.msk $0xffff, v59;
	v57 =	vmul.f32 $1.442695020e+00, v57;
	v1 =	vadd.f32 v1, v28  }
0x684: {  	[tilespmem:v51+s20+$0x0] =	vst.idx.msk $0xffff, v20;
	v51 =	vshll.u32 v32, $0x7;
	(erf) = vrcp.f32 v52;
	v52 =	vshrl.u32 v49, $0x2  }
0x685: {  	v58 =	vld.idx.msk [tilespmem:v12+s18+$0x2D20 ss:$0x1], $0xffff;
	v52 =	vmulhi.u32 $0x1AF286BD, v52;
	(erf) = vpow2.f32 v57;
	v57 =	vshrl.u32 v50, $0x2  }
0x686: {  	v59 =	vld.idx.msk [tilespmem:v12+s18+$0x5A40 ss:$0x1], $0xffff;
	v32 =	vmov s30;
	v1 =	vmul.f32 $8.000000000e+00, v1;
	v57 =	vmulhi.u32 $0x1AF286BD, v57  }
0x687: {  	[tilespmem:v0+s20+$0x0] =	vst.idx.msk $0xffff, v62;
	v44 =	vshrl.u32 v52, $0x1;
	v52 =	vor.u32 $0x1, v0;
	v0 =	vshll.u32 v32, $0x7  }
0x688: {  	v3 =	vmul.u32 $0xFFFFFFB4, v44;
	v28 =	vshrl.u32 v57, $0x1;
	v57 =	vshll.u32 v46, $0x7  }
0x689: {  	[tilespmem:v61+s20+$0x0] =	vst.idx.msk $0xffff, v14;
	v61 =	vld.idx.msk [tilespmem:v12+s18+$0x43B0 ss:$0x1], $0xffff;
	v44 =	vcvt.s32.f32 v44;
	v0 =	vor.u32 v11, v0;
	v54 =	vmul.u32 $0xFFFFFFB4, v28  }
0x68a: {  	v33 =	vor.u32 v11, v57;
	v28 =	vcvt.s32.f32 v28;
	v57 =	vmul.f32 $1.442695020e+00, v58  }
0x68b: {  	v58 =	vsub.f32 $0.0e+00, v59;
	v3 =	vadd.s32 v49, v3;
	v37 =	vor.u32 $0x1, v33  }
0x68c: {  	v20 =	vor.u32 $0x2, v33;
	v46 =	vor.u32 $0x3, v33;
	v40 =	vadd.f32 v44, v40  }
0x68d: {  	v13 =	vadd.s32 v50, v54;
	v3 =	vcvt.s32.f32 v3;
	v14 =	vadd.f32 v28, v43  }
0x68e: {  	v50 =	vor.u32 $0x4, v33;
	v54 =	vor.u32 v11, v51;
	v28 =	vmul.f32 $1.442695020e+00, v61;
	v45 =	vpop (erf)  }
0x68f: {  	v13 =	vcvt.s32.f32 v13;
	v40 =	vmul.f32 $8.000000000e+00, v40;
	[tilespmem:v52+s20+$0x0] =	vst.idx.msk $0xffff, v30;
	v52 =	vmov s9;
	v60 =	vpop (erf)  }
0x690: {  	v61 =	vor.u32 $0x3, v54;
	[tilespmem:v55+s20+$0x0] =	vst.idx.msk $0xffff, v31;
	v55 =	vbroadcast v52, $0x0;
	v48 =	vadd.f32 $1.000000000e+00, v60  }
0x691: {  	s31 =	sadd.s32 s26, s18;
	v62 =	vor.u32 $0x4, v54;
	v3 =	vadd.f32 v3, v38;
	v14 =	vmul.f32 $8.000000000e+00, v14;
	[tilespmem:v56+s20+$0x0] =	vst.idx.msk $0xffff, v27  }
0x692: {  	v31 =	vmov s31;
	[tilespmem:v33+s20+$0x0] =	vst.idx.msk $0xffff, v1;
	v30 =	vor.u32 v8, v55;
	(erf) = vrcp.f32 v48  }
0x693: {  	[tilespmem:v39+s20+$0x0] =	vst.idx.msk $0xffff, v15;
	v60 =	vmul.f32 $1.442695020e+00, v58;
	v59 =	vshrl.u32 v30, $0x2;
	(erf) = vpow2.f32 v57  }
0x694: {  	v56 =	vor.u32 $0x1, v54;
	[tilespmem:v37+s20+$0x0] =	vst.idx.msk $0xffff, v2;
	v1 =	vmulhi.u32 $0x1AF286BD, v59;
	(erf) = vpow2.f32 v28  }
0x695: {  	v3 =	vmul.f32 $8.000000000e+00, v3;
	v15 =	vor.u32 $0x2, v54;
	[tilespmem:v20+s20+$0x0] =	vst.idx.msk $0xffff, v26;
	(erf) = vpow2.f32 v60  }
0x696: {  	v13 =	vadd.f32 v13, v42;
	[tilespmem:v46+s20+$0x0] =	vst.idx.msk $0xffff, v25;
	v25 =	vbroadcast v31, $0x0;
	v1 =	vshrl.u32 v1, $0x1  }
0x697: {  	v38 =	vor.u32 $0x1, v0;
	v42 =	vor.u32 $0x3, v0;
	[tilespmem:v54+s20+$0x0] =	vst.idx.msk $0xffff, v3;
	v33 =	vmul.u32 $0xFFFFFFB4, v1  }
0x698: {  	v37 =	vmul.f32 v35, v63;
	v13 =	vmul.f32 $8.000000000e+00, v13;
	[tilespmem:v50+s20+$0x0] =	vst.idx.msk $0xffff, v16;
	v25 =	vor.u32 v8, v25  }
0x699: {  	[tilespmem:v56+s20+$0x0] =	vst.idx.msk $0xffff, v40;
	v39 =	vshrl.u32 v25, $0x2;
	v1 =	vcvt.s32.f32 v1;
	v16 =	vadd.s32 v30, v33  }
0x69a: {  	[tilespmem:v15+s20+$0x0] =	vst.idx.msk $0xffff, v36;
	v15 =	vor.u32 $0x2, v0;
	v28 =	vmulhi.u32 $0x1AF286BD, v39;
	v16 =	vcvt.s32.f32 v16  }
0x69b: {  	v46 =	vmov s1;
	v48 =	vor.u32 $0x4, v0;
	[tilespmem:v0+s20+$0x0] =	vst.idx.msk $0xffff, v13;
	v50 =	vadd.f32 v1, v23;
	v40 =	vpop (erf)  }
0x69c: {  	[tilespmem:v38+s20+$0x0] =	vst.idx.msk $0xffff, v14;
	v49 =	vshrl.u32 v28, $0x1;
	v44 =	vadd.f32 v16, v41;
	v16 =	vshll.u32 v46, $0x7;
	v43 =	vpop (erf)  }
0x69d: {  	v3 =	vmul.f32 v34, v5;
	[tilespmem:v61+s20+$0x0] =	vst.idx.msk $0xffff, v53;
	v13 =	vmul.u32 $0xFFFFFFB4, v49;
	v51 =	vor.u32 v11, v16;
	v47 =	vpop (erf)  }
0x69e: {  	v53 =	vmov s18;
	[tilespmem:v62+s20+$0x0] =	vst.idx.msk $0xffff, v17;
	v0 =	vmul.f32 $8.000000000e+00, v50;
	v14 =	vor.u32 $0x1, v51;
	v52 =	vpop (erf)  }
0x69f: {  	[tilespmem:v15+s20+$0x0] =	vst.idx.msk $0xffff, v3;
	v3 =	vadd.s32 v25, v13;
	v13 =	vor.u32 $0x2, v51;
	v16 =	vadd.f32 $1.000000000e+00, v52  }
0x6a0: {  	[tilespmem:v42+s20+$0x0] =	vst.idx.msk $0xffff, v37;
	v2 =	vmul.f32 $8.000000000e+00, v44;
	v15 =	vor.u32 $0x3, v51;
	v54 =	vor.u32 $0x4, v51  }
0x6a1: {  	[tilespmem:v48+s20+$0x0] =	vst.idx.msk $0xffff, v18;
	v3 =	vcvt.s32.f32 v3;
	(erf) = vrcp.f32 v16;
	v16 =	vshll.u32 v53, $0x7  }
0x6a2: {  	v55 =	vmul.f32 v21, v5;
	v56 =	vcvt.s32.f32 v49;
	[tilespmem:v51+s20+$0x0] =	vst.idx.msk $0xffff, v2;
	v16 =	vor.u32 v11, v16  }
0x6a3: {  	v57 =	vmul.f32 v22, v63;
	v3 =	vadd.f32 v3, v45;
	[tilespmem:v14+s20+$0x0] =	vst.idx.msk $0xffff, v0;
	v14 =	vor.u32 $0x1, v16  }
0x6a4: {  	v58 =	vadd.f32 v56, v40;
	[tilespmem:v13+s20+$0x0] =	vst.idx.msk $0xffff, v55;
	v59 =	vor.u32 $0x2, v16  }
0x6a5: {  	v60 =	vmul.f32 $8.000000000e+00, v3;
	[tilespmem:v15+s20+$0x0] =	vst.idx.msk $0xffff, v57;
	v3 =	vor.u32 $0x3, v16  }
0x6a6: {  	p1 =	por p0, p0;
	v1 =	vmul.f32 $8.000000000e+00, v58;
	v13 =	vor.u32 $0x4, v16;
	[tilespmem:v54+s20+$0x0] =	vst.idx.msk $0xffff, v19  }
.Ltmp7:
0x6a7: {  	v61 =	vmul.f32 v43, v5;
	[tilespmem:v16+s20+$0x0] =	vst.idx.msk $0xffff, v60;
	(pc) =	sbr.rel @p1 .LBB2_17-.Ltmp7, $4  }
0x6a8: {  	v15 =	vmul.f32 v47, v63;
	[tilespmem:v14+s20+$0x0] =	vst.idx.msk $0xffff, v1  }
0x6a9: {  	[tilespmem:v59+s20+$0x0] =	vst.idx.msk $0xffff, v61  }
0x6aa: {  	v62 =	vpop (erf);
	[tilespmem:v3+s20+$0x0] =	vst.idx.msk $0xffff, v15  }
0x6ab: {  	p0 =	por $0x0, $0x0;
	s29 =	simm.s32 $0x80;
	[tilespmem:v13+s20+$0x0] =	vst.idx.msk $0xffff, v62  }
0x6ac: {  	s25 =	sadd.s32 $0x1, s25  }
0x6ad: {  	p0 =	sne.s32 s25, $0xC  }
.Ltmp8:
0x6ae: {  	_ = 	snop;
	(pc) =	sbr.rel @p0 .LBB2_14-.Ltmp8, $4  }
0x6af: {  	s0 =	sadd.s32 s10, s26  }
0x6b0: {  	s0 =	sshll.u32 s0, $0x4  }
0x6b1: {  	s0 =	sadd.s32 s3, s0  }
0x6b2: {  	[hbm4b:s0+s2] =	stream.linear.scatter [tilespmem:s20], [sflag:$0x4], $0x8000, $0x38;
	[tilespmem:$0x1E200] =	vst v63  }
0x6b3: {  	s25 =	simm.s32 $0x0;
	s0 =	rddreg [dreg:$0x7]  }
0x6b4: {  	[tilespmem:s25], [sflag:$0x1] =	stream.linear.gather [hbm4b:s0+s25], $0x70D0, $0x38;
	[tilespmem:$0x1E200] =	vst v63  }
0x6b5: {  	_ =	swait.ge [sflag:s21], $0x70D0  }
0x6b6: {  	[sflag:s21] =	ssyncset.done $0x0  }
0x6b7: {  	[sflag:s21] =	ssyncadd.s32 $0xFFFF8F30  }
.LBB2_20:
0x6b8: {  	s26 =	sshll.u32 s25, $0x9  }
0x6b9: {  	s28 =	smin.u32 s26, $0x1590  }
0x6ba: {  	s0 =	sand.u32 $0x10, s28  }
0x6bb: {  	s0 =	sor.u32 $0x7100, s0  }
0x6bc: {  	_ =	swait.ge [sflag:s22], $0x8000;
	v12 =	vmov s0  }
0x6bd: {  	[sflag:s22] =	ssyncset.done $0x0;
	v6 =	vld [tilespmem:$0x1FFD0]  }
0x6be: {  	p0 =	por $0x1, $0x1;
	s29 =	simm.s32 $0x0;
	v7 =	vld [tilespmem:$0x1FFE0];
	[sflag:s22] =	ssyncadd.s32 $0xFFFF8000;
	v13 =	vmov s28  }
.LBB2_21:
0x6bf: {  	s0 =	sadd.s32 s28, s29  }
0x6c0: {  	s1 =	sand.u32 $0x3F80, s0  }
0x6c1: {  	v0 =	vld.idx.msk [tilespmem:v12+s1+$0x0 ss:$0x1], $0xffff;
	_ =	sdelay $0x4  }
0x6c2: {  	v0 =	vsub.f32 $0.0e+00, v0;
	_ =	sdelay $0x1  }
0x6c3: {  	v0 =	vmul.f32 $1.442695020e+00, v0;
	_ =	sdelay $0x1  }
0x6c4: {  	(erf) = vpow2.f32 v0;
	_ =	sdelay $0x3  }
0x6c5: {  	v27 =	vld.idx.msk [tilespmem:v13+s29+$0x8790 ss:$0x1], $0xffff;
	_ =	sdelay $0x4  }
0x6c6: {  	v0 =	vsub.f32 $0.0e+00, v27;
	v1 =	vpop (erf)  }
0x6c7: {  	v1 =	vadd.f32 $1.000000000e+00, v1  }
0x6c8: {  	v0 =	vmul.f32 $1.442695020e+00, v0  }
0x6c9: {  	(erf) = vrcp.f32 v1  }
0x6ca: {  	(erf) = vpow2.f32 v0;
	_ =	sdelay $0x4  }
0x6cb: {  	v28 =	vld.idx.msk [tilespmem:v13+s29+$0x9E20 ss:$0x1], $0xffff  }
0x6cc: {  	v29 =	vld.idx.msk [tilespmem:v13+s29+$0xCB40 ss:$0x1], $0xffff  }
0x6cd: {  	v2 =	vld.idx.msk [tilespmem:v13+s29+$0xB4B0 ss:$0x1], $0xffff  }
0x6ce: {  	v24 =	vpop (erf)  }
0x6cf: {  	v3 =	vpop (erf)  }
0x6d0: {  	v3 =	vadd.f32 $1.000000000e+00, v3  }
0x6d1: {  	v1 =	vsub.f32 $0.0e+00, v29;
	v0 =	vmul.f32 $1.442695020e+00, v28  }
0x6d2: {  	v2 =	vmul.f32 $1.442695020e+00, v2;
	(erf) = vrcp.f32 v3  }
0x6d3: {  	v30 =	vmul.f32 $1.442695020e+00, v1;
	(erf) = vpow2.f32 v0  }
0x6d4: {  	(erf) = vpow2.f32 v2  }
0x6d5: {  	(erf) = vpow2.f32 v30;
	_ =	sdelay $0x2  }
0x6d6: {  	s5 =	sor.u32 $0x10, s29  }
0x6d7: {  	v31 =	vld.idx.msk [tilespmem:v13+s5+$0x7100 ss:$0x1], $0xffff;
	_ =	sdelay $0x1  }
0x6d8: {  	v33 =	vpop (erf)  }
0x6d9: {  	v22 =	vpop (erf)  }
0x6da: {  	v23 =	vpop (erf)  }
0x6db: {  	v0 =	vsub.f32 $0.0e+00, v31;
	v36 =	vpop (erf)  }
0x6dc: {  	v1 =	vadd.f32 $1.000000000e+00, v36  }
0x6dd: {  	v0 =	vmul.f32 $1.442695020e+00, v0  }
0x6de: {  	(erf) = vrcp.f32 v1  }
0x6df: {  	(erf) = vpow2.f32 v0;
	_ =	sdelay $0x3  }
0x6e0: {  	v37 =	vld.idx.msk [tilespmem:v13+s5+$0x8790 ss:$0x1], $0xffff;
	_ =	sdelay $0x3  }
0x6e1: {  	v14 =	vpop (erf)  }
0x6e2: {  	v0 =	vsub.f32 $0.0e+00, v37;
	v38 =	vpop (erf)  }
0x6e3: {  	v1 =	vadd.f32 $1.000000000e+00, v38  }
0x6e4: {  	v0 =	vmul.f32 $1.442695020e+00, v0  }
0x6e5: {  	(erf) = vrcp.f32 v1  }
0x6e6: {  	(erf) = vpow2.f32 v0;
	_ =	sdelay $0x4  }
0x6e7: {  	v39 =	vld.idx.msk [tilespmem:v13+s5+$0x9E20 ss:$0x1], $0xffff  }
0x6e8: {  	v40 =	vld.idx.msk [tilespmem:v13+s5+$0xCB40 ss:$0x1], $0xffff  }
0x6e9: {  	v41 =	vld.idx.msk [tilespmem:v13+s5+$0xB4B0 ss:$0x1], $0xffff  }
0x6ea: {  	v25 =	vpop (erf)  }
0x6eb: {  	v3 =	vpop (erf)  }
0x6ec: {  	v3 =	vadd.f32 $1.000000000e+00, v3  }
0x6ed: {  	v1 =	vsub.f32 $0.0e+00, v40;
	v0 =	vmul.f32 $1.442695020e+00, v39  }
0x6ee: {  	v2 =	vmul.f32 $1.442695020e+00, v41;
	(erf) = vrcp.f32 v3  }
0x6ef: {  	v42 =	vmul.f32 $1.442695020e+00, v1;
	(erf) = vpow2.f32 v0  }
0x6f0: {  	(erf) = vpow2.f32 v2  }
0x6f1: {  	(erf) = vpow2.f32 v42;
	_ =	sdelay $0x2  }
0x6f2: {  	s7 =	sor.u32 $0x20, s29  }
0x6f3: {  	v43 =	vld.idx.msk [tilespmem:v13+s7+$0x7100 ss:$0x1], $0xffff;
	_ =	sdelay $0x1  }
0x6f4: {  	v34 =	vpop (erf)  }
0x6f5: {  	v20 =	vpop (erf)  }
0x6f6: {  	v21 =	vpop (erf)  }
0x6f7: {  	v0 =	vsub.f32 $0.0e+00, v43;
	v44 =	vpop (erf)  }
0x6f8: {  	v1 =	vadd.f32 $1.000000000e+00, v44  }
0x6f9: {  	v0 =	vmul.f32 $1.442695020e+00, v0  }
0x6fa: {  	(erf) = vrcp.f32 v1  }
0x6fb: {  	(erf) = vpow2.f32 v0;
	_ =	sdelay $0x3  }
0x6fc: {  	v45 =	vld.idx.msk [tilespmem:v13+s7+$0x8790 ss:$0x1], $0xffff;
	_ =	sdelay $0x3  }
0x6fd: {  	v15 =	vpop (erf)  }
0x6fe: {  	v0 =	vsub.f32 $0.0e+00, v45;
	v46 =	vpop (erf)  }
0x6ff: {  	v1 =	vadd.f32 $1.000000000e+00, v46  }
0x700: {  	v0 =	vmul.f32 $1.442695020e+00, v0  }
0x701: {  	(erf) = vrcp.f32 v1  }
0x702: {  	(erf) = vpow2.f32 v0;
	_ =	sdelay $0x4  }
0x703: {  	v47 =	vld.idx.msk [tilespmem:v13+s7+$0x9E20 ss:$0x1], $0xffff  }
0x704: {  	v48 =	vld.idx.msk [tilespmem:v13+s7+$0xCB40 ss:$0x1], $0xffff  }
0x705: {  	v49 =	vld.idx.msk [tilespmem:v13+s7+$0xB4B0 ss:$0x1], $0xffff  }
0x706: {  	v31 =	vpop (erf)  }
0x707: {  	v3 =	vpop (erf)  }
0x708: {  	v3 =	vadd.f32 $1.000000000e+00, v3  }
0x709: {  	v1 =	vsub.f32 $0.0e+00, v48;
	v0 =	vmul.f32 $1.442695020e+00, v47  }
0x70a: {  	v2 =	vmul.f32 $1.442695020e+00, v49;
	(erf) = vrcp.f32 v3  }
0x70b: {  	v50 =	vmul.f32 $1.442695020e+00, v1;
	(erf) = vpow2.f32 v0  }
0x70c: {  	(erf) = vpow2.f32 v2  }
0x70d: {  	(erf) = vpow2.f32 v50;
	_ =	sdelay $0x2  }
0x70e: {  	s11 =	sor.u32 $0x30, s29  }
0x70f: {  	v51 =	vld.idx.msk [tilespmem:v13+s11+$0x7100 ss:$0x1], $0xffff;
	_ =	sdelay $0x1  }
0x710: {  	v40 =	vpop (erf)  }
0x711: {  	v32 =	vpop (erf)  }
0x712: {  	v28 =	vpop (erf)  }
0x713: {  	v0 =	vsub.f32 $0.0e+00, v51;
	v52 =	vpop (erf)  }
0x714: {  	v1 =	vadd.f32 $1.000000000e+00, v52  }
0x715: {  	v0 =	vmul.f32 $1.442695020e+00, v0  }
0x716: {  	(erf) = vrcp.f32 v1  }
0x717: {  	(erf) = vpow2.f32 v0;
	_ =	sdelay $0x3  }
0x718: {  	v53 =	vld.idx.msk [tilespmem:v13+s11+$0x8790 ss:$0x1], $0xffff;
	_ =	sdelay $0x3  }
0x719: {  	v16 =	vpop (erf)  }
0x71a: {  	v0 =	vsub.f32 $0.0e+00, v53;
	v54 =	vpop (erf)  }
0x71b: {  	v1 =	vadd.f32 $1.000000000e+00, v54  }
0x71c: {  	v0 =	vmul.f32 $1.442695020e+00, v0  }
0x71d: {  	(erf) = vrcp.f32 v1  }
0x71e: {  	(erf) = vpow2.f32 v0;
	_ =	sdelay $0x4  }
0x71f: {  	v55 =	vld.idx.msk [tilespmem:v13+s11+$0x9E20 ss:$0x1], $0xffff  }
0x720: {  	v56 =	vld.idx.msk [tilespmem:v13+s11+$0xCB40 ss:$0x1], $0xffff  }
0x721: {  	v57 =	vld.idx.msk [tilespmem:v13+s11+$0xB4B0 ss:$0x1], $0xffff  }
0x722: {  	v30 =	vpop (erf)  }
0x723: {  	v3 =	vpop (erf)  }
0x724: {  	v3 =	vadd.f32 $1.000000000e+00, v3  }
0x725: {  	v1 =	vsub.f32 $0.0e+00, v56;
	v0 =	vmul.f32 $1.442695020e+00, v55  }
0x726: {  	v2 =	vmul.f32 $1.442695020e+00, v57;
	(erf) = vrcp.f32 v3  }
0x727: {  	v58 =	vmul.f32 $1.442695020e+00, v1;
	(erf) = vpow2.f32 v0  }
0x728: {  	(erf) = vpow2.f32 v2  }
0x729: {  	(erf) = vpow2.f32 v58;
	_ =	sdelay $0x2  }
0x72a: {  	s13 =	sor.u32 $0x40, s29  }
0x72b: {  	v59 =	vld.idx.msk [tilespmem:v13+s13+$0x7100 ss:$0x1], $0xffff;
	_ =	sdelay $0x1  }
0x72c: {  	v39 =	vpop (erf)  }
0x72d: {  	v27 =	vpop (erf)  }
0x72e: {  	v26 =	vpop (erf)  }
0x72f: {  	v0 =	vsub.f32 $0.0e+00, v59;
	v60 =	vpop (erf)  }
0x730: {  	v1 =	vadd.f32 $1.000000000e+00, v60  }
0x731: {  	v0 =	vmul.f32 $1.442695020e+00, v0  }
0x732: {  	(erf) = vrcp.f32 v1  }
0x733: {  	(erf) = vpow2.f32 v0;
	_ =	sdelay $0x3  }
0x734: {  	v61 =	vld.idx.msk [tilespmem:v13+s13+$0x8790 ss:$0x1], $0xffff;
	_ =	sdelay $0x3  }
0x735: {  	v17 =	vpop (erf)  }
0x736: {  	v0 =	vsub.f32 $0.0e+00, v61;
	v62 =	vpop (erf)  }
0x737: {  	v1 =	vadd.f32 $1.000000000e+00, v62  }
0x738: {  	v0 =	vmul.f32 $1.442695020e+00, v0  }
0x739: {  	(erf) = vrcp.f32 v1  }
0x73a: {  	(erf) = vpow2.f32 v0;
	_ =	sdelay $0x2  }
0x73b: {  	s16 =	sadd.s32 s28, s13  }
0x73c: {  	s17 =	sadd.s32 $0x5A40, s16  }
0x73d: {  	v63 =	vld.idx.msk [tilespmem:v13+s13+$0x9E20 ss:$0x1], $0xffff;
	s1 =	sand.u32 $0xFF80, s17  }
0x73e: {  	v18 =	vld.idx.msk [tilespmem:v12+s1+$0x0 ss:$0x1], $0xffff  }
0x73f: {  	v19 =	vld.idx.msk [tilespmem:v13+s13+$0xB4B0 ss:$0x1], $0xffff  }
0x740: {  	v38 =	vpop (erf)  }
0x741: {  	v3 =	vpop (erf)  }
0x742: {  	v3 =	vadd.f32 $1.000000000e+00, v3  }
0x743: {  	v1 =	vsub.f32 $0.0e+00, v18;
	v0 =	vmul.f32 $1.442695020e+00, v63  }
0x744: {  	v2 =	vmul.f32 $1.442695020e+00, v19;
	(erf) = vrcp.f32 v3  }
0x745: {  	v29 =	vmul.f32 $1.442695020e+00, v1;
	(erf) = vpow2.f32 v0  }
0x746: {  	(erf) = vpow2.f32 v2  }
0x747: {  	(erf) = vpow2.f32 v29;
	_ =	sdelay $0x2  }
0x748: {  	s30 =	sor.u32 $0x50, s29  }
0x749: {  	v35 =	vld.idx.msk [tilespmem:v13+s30+$0x7100 ss:$0x1], $0xffff;
	_ =	sdelay $0x1  }
0x74a: {  	v41 =	vpop (erf)  }
0x74b: {  	v37 =	vpop (erf)  }
0x74c: {  	v29 =	vpop (erf)  }
0x74d: {  	v0 =	vsub.f32 $0.0e+00, v35;
	v44 =	vpop (erf)  }
0x74e: {  	v1 =	vadd.f32 $1.000000000e+00, v44  }
0x74f: {  	v0 =	vmul.f32 $1.442695020e+00, v0  }
0x750: {  	(erf) = vrcp.f32 v1  }
0x751: {  	(erf) = vpow2.f32 v0;
	_ =	sdelay $0x3  }
0x752: {  	v45 =	vld.idx.msk [tilespmem:v13+s30+$0x8790 ss:$0x1], $0xffff;
	_ =	sdelay $0x3  }
0x753: {  	v18 =	vpop (erf)  }
0x754: {  	v0 =	vsub.f32 $0.0e+00, v45;
	v46 =	vpop (erf)  }
0x755: {  	v1 =	vadd.f32 $1.000000000e+00, v46  }
0x756: {  	v0 =	vmul.f32 $1.442695020e+00, v0  }
0x757: {  	(erf) = vrcp.f32 v1  }
0x758: {  	(erf) = vpow2.f32 v0  }
0x759: {  	s4 =	sadd.s32 s28, s30  }
0x75a: {  	s18 =	sadd.s32 $0x5A40, s4  }
0x75b: {  	s9 =	sand.u32 $0x30, s4;
	s1 =	sand.u32 $0xFF80, s18  }
0x75c: {  	s1 =	sor.u32 s9, s1  }
0x75d: {  	v48 =	vld [tilespmem:s1+$0x7100]  }
0x75e: {  	v47 =	vld.idx.msk [tilespmem:v13+s30+$0x9E20 ss:$0x1], $0xffff  }
0x75f: {  	v49 =	vld.idx.msk [tilespmem:v13+s30+$0xB4B0 ss:$0x1], $0xffff  }
0x760: {  	v43 =	vpop (erf)  }
0x761: {  	v3 =	vpop (erf)  }
0x762: {  	v3 =	vadd.f32 $1.000000000e+00, v3  }
0x763: {  	v1 =	vsub.f32 $0.0e+00, v48;
	v0 =	vmul.f32 $1.442695020e+00, v47  }
0x764: {  	v2 =	vmul.f32 $1.442695020e+00, v49;
	(erf) = vrcp.f32 v3  }
0x765: {  	v50 =	vmul.f32 $1.442695020e+00, v1;
	(erf) = vpow2.f32 v0  }
0x766: {  	(erf) = vpow2.f32 v2  }
0x767: {  	(erf) = vpow2.f32 v50;
	_ =	sdelay $0x2  }
0x768: {  	s1 =	sor.u32 $0x60, s29  }
0x769: {  	v51 =	vld.idx.msk [tilespmem:v13+s1+$0x7100 ss:$0x1], $0xffff;
	_ =	sdelay $0x1  }
0x76a: {  	v44 =	vpop (erf)  }
0x76b: {  	v35 =	vpop (erf)  }
0x76c: {  	v36 =	vpop (erf)  }
0x76d: {  	v0 =	vsub.f32 $0.0e+00, v51;
	v52 =	vpop (erf)  }
0x76e: {  	v1 =	vadd.f32 $1.000000000e+00, v52  }
0x76f: {  	v0 =	vmul.f32 $1.442695020e+00, v0  }
0x770: {  	(erf) = vrcp.f32 v1  }
0x771: {  	(erf) = vpow2.f32 v0;
	_ =	sdelay $0x3  }
0x772: {  	v53 =	vld.idx.msk [tilespmem:v13+s1+$0x8790 ss:$0x1], $0xffff;
	_ =	sdelay $0x3  }
0x773: {  	v19 =	vpop (erf)  }
0x774: {  	v0 =	vsub.f32 $0.0e+00, v53;
	v54 =	vpop (erf)  }
0x775: {  	v1 =	vadd.f32 $1.000000000e+00, v54  }
0x776: {  	v0 =	vmul.f32 $1.442695020e+00, v0  }
0x777: {  	s9 =	sadd.s32 s28, s1;
	(erf) = vrcp.f32 v1  }
0x778: {  	s17 =	sadd.s32 $0x5A40, s9;
	(erf) = vpow2.f32 v0  }
0x779: {  	v21 =	vmul.f32 v21, v7;
	s18 =	sand.u32 $0x30, s9;
	s17 =	sand.u32 $0xFF80, s17;
	v45 =	vld.idx.msk [tilespmem:v13+s1+$0xB4B0 ss:$0x1], $0xffff  }
0x77a: {  	s18 =	sor.u32 s18, s17;
	v32 =	vmul.f32 v32, v6;
	v28 =	vmul.f32 v28, v7  }
0x77b: {  	s31 =	sadd.s32 $0x2D20, s9;
	v57 =	vld [tilespmem:s18+$0x7100];
	v55 =	vmov s0;
	v27 =	vmul.f32 v27, v6;
	v49 =	vmov s5  }
0x77c: {  	s0 =	sand.u32 $0x7F80, s31;
	s31 =	sadd.s32 s28, s5;
	v26 =	vmul.f32 v26, v7;
	v62 =	vmov s29;
	s5 =	sadd.s32 s28, s7;
	v49 =	vshll.u32 v49, $0x7  }
0x77d: {  	v58 =	vmov s5;
	v49 =	vor.u32 v11, v49;
	v0 =	vbroadcast v55, $0x0  }
0x77e: {  	v56 =	vld.idx.msk [tilespmem:v12+s0+$0x0 ss:$0x1], $0xffff;
	v37 =	vmul.f32 v37, v6;
	v45 =	vmul.f32 $1.442695020e+00, v45;
	v47 =	vmov s31  }
0x77f: {  	s18 =	sor.u32 $0x70, s29;
	v60 =	vbroadcast v47, $0x0;
	v47 =	vmov s11;
	v0 =	vor.u32 v8, v0  }
0x780: {  	v51 =	vmov s4;
	v2 =	vsub.f32 $0.0e+00, v57;
	v52 =	vld.idx.msk [tilespmem:v13+s18+$0x7100 ss:$0x1], $0xffff;
	v3 =	vshrl.u32 v0, $0x2;
	v42 =	vpop (erf)  }
0x781: {  	v51 =	vbroadcast v51, $0x0;
	v50 =	vmov s16;
	v3 =	vmulhi.u32 $0x1AF286BD, v3;
	v46 =	vpop (erf)  }
0x782: {  	v59 =	vmul.f32 $1.442695020e+00, v2;
	v2 =	vor.u32 v8, v60;
	v46 =	vadd.f32 $1.000000000e+00, v46  }
0x783: {  	v50 =	vbroadcast v50, $0x0;
	v1 =	vmul.f32 $1.442695020e+00, v56;
	v3 =	vshrl.u32 v3, $0x1  }
0x784: {  	v51 =	vor.u32 v8, v51;
	v48 =	vmul.u32 $0xFFFFFFB4, v3;
	(erf) = vrcp.f32 v46  }
0x785: {  	v61 =	vshrl.u32 v2, $0x2;
	v52 =	vsub.f32 $0.0e+00, v52;
	(erf) = vpow2.f32 v1  }
0x786: {  	v3 =	vcvt.s32.f32 v3;
	v0 =	vadd.s32 v0, v48;
	(erf) = vpow2.f32 v45  }
0x787: {  	v50 =	vor.u32 v8, v50;
	v0 =	vcvt.s32.f32 v0;
	(erf) = vpow2.f32 v59  }
0x788: {  	v60 =	vmul.f32 $1.442695020e+00, v52;
	v56 =	vmul.f32 v23, v7;
	v3 =	vadd.f32 v3, v33  }
0x789: {  	v48 =	vshll.u32 v62, $0x7;
	v0 =	vadd.f32 v0, v24;
	v24 =	vmulhi.u32 $0x1AF286BD, v61  }
0x78a: {  	v55 =	vmul.f32 v22, v6;
	v33 =	vmov s13;
	v48 =	vor.u32 v11, v48  }
0x78b: {  	s17 =	sadd.s32 s28, s11;
	v3 =	vmul.f32 $8.000000000e+00, v3;
	v57 =	vor.u32 $0x1, v48;
	v46 =	vbroadcast v58, $0x0  }
0x78c: {  	v1 =	vmov s17;
	v45 =	vmov s7;
	v53 =	vshrl.u32 v24, $0x1  }
0x78d: {  	v0 =	vmul.f32 $8.000000000e+00, v0;
	v46 =	vor.u32 v8, v46;
	v54 =	vmul.u32 $0xFFFFFFB4, v53;
	v24 =	vpop (erf)  }
0x78e: {  	v1 =	vbroadcast v1, $0x0;
	v63 =	vshrl.u32 v46, $0x2;
	v53 =	vcvt.s32.f32 v53;
	v22 =	vpop (erf)  }
0x78f: {  	v45 =	vshll.u32 v45, $0x7;
	v2 =	vadd.s32 v2, v54;
	v54 =	vmulhi.u32 $0x1AF286BD, v63;
	v23 =	vpop (erf)  }
0x790: {  	v59 =	vor.u32 $0x2, v48;
	v1 =	vor.u32 v8, v1;
	[tilespmem:v48+s19+$0x0] =	vst.idx.msk $0xffff, v0;
	v0 =	vor.u32 v11, v45;
	v58 =	vpop (erf)  }
0x791: {  	v2 =	vcvt.s32.f32 v2;
	v61 =	vshrl.u32 v54, $0x1;
	v58 =	vadd.f32 $1.000000000e+00, v58  }
0x792: {  	v34 =	vadd.f32 v53, v34;
	v63 =	vshrl.u32 v1, $0x2;
	v62 =	vmul.u32 $0xFFFFFFB4, v61  }
0x793: {  	v53 =	vmulhi.u32 $0x1AF286BD, v63;
	v2 =	vadd.f32 v2, v25;
	(erf) = vrcp.f32 v58  }
0x794: {  	v25 =	vor.u32 $0x3, v48;
	v46 =	vadd.s32 v46, v62;
	(erf) = vpow2.f32 v60  }
0x795: {  	[tilespmem:v57+s19+$0x0] =	vst.idx.msk $0xffff, v3;
	v52 =	vcvt.s32.f32 v61;
	v61 =	vor.u32 $0x1, v49;
	v46 =	vcvt.s32.f32 v46  }
0x796: {  	v54 =	vor.u32 $0x4, v48;
	[tilespmem:v59+s19+$0x0] =	vst.idx.msk $0xffff, v55;
	v2 =	vmul.f32 $8.000000000e+00, v2;
	v60 =	vmul.f32 v20, v6  }
0x797: {  	v58 =	vld.idx.msk [tilespmem:v13+s18+$0x8790 ss:$0x1], $0xffff;
	v20 =	vadd.f32 v46, v31;
	v31 =	vadd.f32 v52, v40;
	v40 =	vshrl.u32 v53, $0x1  }
0x798: {  	v34 =	vmul.f32 $8.000000000e+00, v34;
	[tilespmem:v49+s19+$0x0] =	vst.idx.msk $0xffff, v2;
	v46 =	vor.u32 $0x2, v49;
	v53 =	vmul.u32 $0xFFFFFFB4, v40  }
0x799: {  	v48 =	vor.u32 $0x1, v0;
	[tilespmem:v25+s19+$0x0] =	vst.idx.msk $0xffff, v56;
	v52 =	vor.u32 $0x3, v49;
	v40 =	vcvt.s32.f32 v40  }
0x79a: {  	v55 =	vshll.u32 v47, $0x7;
	[tilespmem:v61+s19+$0x0] =	vst.idx.msk $0xffff, v34;
	v63 =	vmul.f32 $8.000000000e+00, v20;
	v1 =	vadd.s32 v1, v53  }
0x79b: {  	v62 =	vor.u32 $0x4, v49;
	[tilespmem:v54+s19+$0x0] =	vst.idx.msk $0xffff, v14;
	v39 =	vadd.f32 v40, v39;
	v1 =	vcvt.s32.f32 v1  }
0x79c: {  	v56 =	vor.u32 v11, v55;
	v31 =	vmul.f32 $8.000000000e+00, v31;
	v58 =	vsub.f32 $0.0e+00, v58;
	[tilespmem:v0+s19+$0x0] =	vst.idx.msk $0xffff, v63;
	v20 =	vpop (erf)  }
0x79d: {  	v2 =	vmul.f32 $8.000000000e+00, v39;
	[tilespmem:v46+s19+$0x0] =	vst.idx.msk $0xffff, v60;
	v39 =	vor.u32 $0x1, v56;
	v1 =	vadd.f32 v1, v30;
	v53 =	vpop (erf)  }
0x79e: {  	v57 =	vld.idx.msk [tilespmem:v13+s18+$0x9E20 ss:$0x1], $0xffff;
	v25 =	vor.u32 $0x2, v0;
	[tilespmem:v52+s19+$0x0] =	vst.idx.msk $0xffff, v21;
	v21 =	vor.u32 $0x2, v56;
	v53 =	vadd.f32 $1.000000000e+00, v53  }
0x79f: {  	v47 =	vor.u32 $0x3, v56;
	[tilespmem:v48+s19+$0x0] =	vst.idx.msk $0xffff, v31;
	v58 =	vmul.f32 $1.442695020e+00, v58;
	v1 =	vmul.f32 $8.000000000e+00, v1  }
0x7a0: {  	[tilespmem:v62+s19+$0x0] =	vst.idx.msk $0xffff, v15;
	v62 =	vor.u32 $0x4, v56;
	(erf) = vrcp.f32 v53;
	v53 =	vshrl.u32 v50, $0x2  }
0x7a1: {  	[tilespmem:v56+s19+$0x0] =	vst.idx.msk $0xffff, v1;
	v53 =	vmulhi.u32 $0x1AF286BD, v53;
	(erf) = vpow2.f32 v58;
	v58 =	vshrl.u32 v51, $0x2  }
0x7a2: {  	v54 =	vor.u32 $0x4, v0;
	v63 =	vshll.u32 v33, $0x7;
	[tilespmem:v39+s19+$0x0] =	vst.idx.msk $0xffff, v2;
	v58 =	vmulhi.u32 $0x1AF286BD, v58  }
0x7a3: {  	v48 =	vor.u32 v11, v63;
	v52 =	vmul.f32 $1.442695020e+00, v57;
	[tilespmem:v21+s19+$0x0] =	vst.idx.msk $0xffff, v27;
	v45 =	vshrl.u32 v53, $0x1  }
0x7a4: {  	v60 =	vld.idx.msk [tilespmem:v13+s18+$0xB4B0 ss:$0x1], $0xffff;
	v57 =	vor.u32 $0x3, v48;
	[tilespmem:v47+s19+$0x0] =	vst.idx.msk $0xffff, v26;
	v3 =	vmul.u32 $0xFFFFFFB4, v45;
	v58 =	vshrl.u32 v58, $0x1  }
0x7a5: {  	[tilespmem:v62+s19+$0x0] =	vst.idx.msk $0xffff, v17;
	v62 =	vmul.f32 v36, v7;
	v45 =	vcvt.s32.f32 v45;
	v59 =	vmul.u32 $0xFFFFFFB4, v58  }
0x7a6: {  	v53 =	vor.u32 $0x3, v0;
	v30 =	vcvt.s32.f32 v58;
	v3 =	vadd.s32 v50, v3  }
0x7a7: {  	v58 =	vld.idx.msk [tilespmem:v13+s18+$0xCB40 ss:$0x1], $0xffff;
	v41 =	vadd.f32 v45, v41;
	v45 =	vmul.f32 v29, v7;
	v14 =	vadd.s32 v51, v59  }
0x7a8: {  	v3 =	vcvt.s32.f32 v3;
	v15 =	vadd.f32 v30, v44;
	v44 =	vmov s9  }
0x7a9: {  	v51 =	vor.u32 $0x1, v48;
	v30 =	vmul.f32 $1.442695020e+00, v60;
	v14 =	vcvt.s32.f32 v14;
	v46 =	vpop (erf)  }
0x7aa: {  	[tilespmem:v25+s19+$0x0] =	vst.idx.msk $0xffff, v32;
	v60 =	vmov s30;
	v41 =	vmul.f32 $8.000000000e+00, v41;
	v49 =	vbroadcast v44, $0x0;
	v59 =	vpop (erf)  }
0x7ab: {  	[tilespmem:v53+s19+$0x0] =	vst.idx.msk $0xffff, v28;
	v0 =	vshll.u32 v60, $0x7;
	v44 =	vmov s1;
	v61 =	vadd.f32 $1.000000000e+00, v59  }
0x7ac: {  	v3 =	vadd.f32 v3, v38;
	[tilespmem:v54+s19+$0x0] =	vst.idx.msk $0xffff, v16;
	v54 =	vor.u32 $0x2, v48;
	v53 =	vsub.f32 $0.0e+00, v58  }
0x7ad: {  	v15 =	vmul.f32 $8.000000000e+00, v15;
	v31 =	vor.u32 v8, v49;
	(erf) = vrcp.f32 v61  }
0x7ae: {  	v55 =	vshrl.u32 v31, $0x2;
	v56 =	vmul.f32 $1.442695020e+00, v53;
	(erf) = vpow2.f32 v52  }
0x7af: {  	s31 =	sadd.s32 s28, s18;
	v0 =	vor.u32 v11, v0;
	v1 =	vmulhi.u32 $0x1AF286BD, v55;
	(erf) = vpow2.f32 v30  }
0x7b0: {  	v14 =	vadd.f32 v14, v43;
	v59 =	vmov s31;
	(erf) = vpow2.f32 v56  }
0x7b1: {  	v3 =	vmul.f32 $8.000000000e+00, v3;
	v26 =	vbroadcast v59, $0x0;
	v1 =	vshrl.u32 v1, $0x1  }
0x7b2: {  	v58 =	vor.u32 $0x4, v48;
	v63 =	vor.u32 $0x1, v0;
	v61 =	vmul.u32 $0xFFFFFFB4, v1  }
0x7b3: {  	v39 =	vor.u32 $0x2, v0;
	v14 =	vmul.f32 $8.000000000e+00, v14;
	[tilespmem:v48+s19+$0x0] =	vst.idx.msk $0xffff, v3;
	v26 =	vor.u32 v8, v26  }
0x7b4: {  	[tilespmem:v51+s19+$0x0] =	vst.idx.msk $0xffff, v41;
	v36 =	vshrl.u32 v26, $0x2;
	v1 =	vcvt.s32.f32 v1;
	v17 =	vadd.s32 v31, v61  }
0x7b5: {  	v40 =	vor.u32 $0x3, v0;
	[tilespmem:v0+s19+$0x0] =	vst.idx.msk $0xffff, v14;
	v29 =	vmulhi.u32 $0x1AF286BD, v36;
	v17 =	vcvt.s32.f32 v17  }
0x7b6: {  	v47 =	vor.u32 $0x4, v0;
	v3 =	vmul.f32 v35, v6;
	[tilespmem:v54+s19+$0x0] =	vst.idx.msk $0xffff, v37;
	v49 =	vadd.f32 v1, v24;
	v38 =	vpop (erf)  }
0x7b7: {  	[tilespmem:v63+s19+$0x0] =	vst.idx.msk $0xffff, v15;
	v48 =	vshrl.u32 v29, $0x1;
	v43 =	vadd.f32 v17, v42;
	v17 =	vshll.u32 v44, $0x7;
	v41 =	vpop (erf)  }
0x7b8: {  	[tilespmem:v57+s19+$0x0] =	vst.idx.msk $0xffff, v45;
	v14 =	vmul.u32 $0xFFFFFFB4, v48;
	v50 =	vor.u32 v11, v17;
	v45 =	vpop (erf)  }
0x7b9: {  	v53 =	vmov s18;
	[tilespmem:v39+s19+$0x0] =	vst.idx.msk $0xffff, v3;
	v0 =	vmul.f32 $8.000000000e+00, v49;
	v15 =	vor.u32 $0x1, v50;
	v51 =	vpop (erf)  }
0x7ba: {  	[tilespmem:v58+s19+$0x0] =	vst.idx.msk $0xffff, v18;
	v3 =	vadd.s32 v26, v14;
	v14 =	vor.u32 $0x2, v50;
	v17 =	vadd.f32 $1.000000000e+00, v51  }
0x7bb: {  	[tilespmem:v40+s19+$0x0] =	vst.idx.msk $0xffff, v62;
	v2 =	vmul.f32 $8.000000000e+00, v43;
	v52 =	vor.u32 $0x3, v50;
	v54 =	vor.u32 $0x4, v50  }
0x7bc: {  	[tilespmem:v47+s19+$0x0] =	vst.idx.msk $0xffff, v19;
	v3 =	vcvt.s32.f32 v3;
	(erf) = vrcp.f32 v17;
	v17 =	vshll.u32 v53, $0x7  }
0x7bd: {  	v55 =	vmul.f32 v22, v6;
	v56 =	vcvt.s32.f32 v48;
	[tilespmem:v50+s19+$0x0] =	vst.idx.msk $0xffff, v2;
	v17 =	vor.u32 v11, v17  }
0x7be: {  	v57 =	vmul.f32 v23, v7;
	v3 =	vadd.f32 v3, v46;
	[tilespmem:v15+s19+$0x0] =	vst.idx.msk $0xffff, v0;
	v15 =	vor.u32 $0x1, v17  }
0x7bf: {  	v58 =	vadd.f32 v56, v38;
	[tilespmem:v14+s19+$0x0] =	vst.idx.msk $0xffff, v55;
	v59 =	vor.u32 $0x2, v17  }
0x7c0: {  	v60 =	vmul.f32 $8.000000000e+00, v3;
	[tilespmem:v52+s19+$0x0] =	vst.idx.msk $0xffff, v57;
	v3 =	vor.u32 $0x3, v17  }
0x7c1: {  	p1 =	por p0, p0;
	v1 =	vmul.f32 $8.000000000e+00, v58;
	[tilespmem:v54+s19+$0x0] =	vst.idx.msk $0xffff, v20;
	v14 =	vor.u32 $0x4, v17  }
.Ltmp9:
0x7c2: {  	v61 =	vmul.f32 v41, v6;
	[tilespmem:v17+s19+$0x0] =	vst.idx.msk $0xffff, v60;
	(pc) =	sbr.rel @p1 .LBB2_21-.Ltmp9, $4  }
0x7c3: {  	v62 =	vmul.f32 v45, v7;
	[tilespmem:v15+s19+$0x0] =	vst.idx.msk $0xffff, v1  }
0x7c4: {  	[tilespmem:v59+s19+$0x0] =	vst.idx.msk $0xffff, v61  }
0x7c5: {  	v63 =	vpop (erf);
	[tilespmem:v3+s19+$0x0] =	vst.idx.msk $0xffff, v62  }
0x7c6: {  	p0 =	por $0x0, $0x0;
	s29 =	simm.s32 $0x80;
	[tilespmem:v14+s19+$0x0] =	vst.idx.msk $0xffff, v63  }
0x7c7: {  	s0 =	sadd.s32 s12, s28  }
0x7c8: {  	s31 =	sor.u32 $0x100, s26;
	s0 =	sshll.u32 s0, $0x4  }
0x7c9: {  	s28 =	simm.s32 $0x0;
	s26 =	smin.u32 s31, $0x1590;
	s0 =	sadd.s32 s3, s0  }
0x7ca: {  	[hbm4b:s0+s28] =	stream.linear.scatter [tilespmem:s19], [sflag:$0x3], $0x8000, $0x38;
	[tilespmem:$0x1E200] =	vst v63  }
0x7cb: {  	s0 =	sand.u32 $0x10, s26  }
0x7cc: {  	s0 =	sor.u32 $0x7100, s0  }
0x7cd: {  	_ =	swait.ge [sflag:s23], $0x8000;
	v12 =	vmov s0  }
0x7ce: {  	[sflag:s23] =	ssyncset.done $0x0  }
0x7cf: {  	p0 =	por $0x1, $0x1;
	v13 =	vmov s26;
	[sflag:s23] =	ssyncadd.s32 $0xFFFF8000  }
.LBB2_23:
0x7d0: {  	s0 =	sadd.s32 s26, s28  }
0x7d1: {  	s1 =	sand.u32 $0x3F80, s0  }
0x7d2: {  	v0 =	vld.idx.msk [tilespmem:v12+s1+$0x0 ss:$0x1], $0xffff;
	_ =	sdelay $0x4  }
0x7d3: {  	v0 =	vsub.f32 $0.0e+00, v0;
	_ =	sdelay $0x1  }
0x7d4: {  	v0 =	vmul.f32 $1.442695020e+00, v0;
	_ =	sdelay $0x1  }
0x7d5: {  	(erf) = vpow2.f32 v0;
	_ =	sdelay $0x3  }
0x7d6: {  	v27 =	vld.idx.msk [tilespmem:v13+s28+$0x8790 ss:$0x1], $0xffff;
	_ =	sdelay $0x4  }
0x7d7: {  	v0 =	vsub.f32 $0.0e+00, v27;
	v1 =	vpop (erf)  }
0x7d8: {  	v1 =	vadd.f32 $1.000000000e+00, v1  }
0x7d9: {  	v0 =	vmul.f32 $1.442695020e+00, v0  }
0x7da: {  	(erf) = vrcp.f32 v1  }
0x7db: {  	(erf) = vpow2.f32 v0;
	_ =	sdelay $0x4  }
0x7dc: {  	v28 =	vld.idx.msk [tilespmem:v13+s28+$0x9E20 ss:$0x1], $0xffff  }
0x7dd: {  	v29 =	vld.idx.msk [tilespmem:v13+s28+$0xCB40 ss:$0x1], $0xffff  }
0x7de: {  	v2 =	vld.idx.msk [tilespmem:v13+s28+$0xB4B0 ss:$0x1], $0xffff  }
0x7df: {  	v24 =	vpop (erf)  }
0x7e0: {  	v3 =	vpop (erf)  }
0x7e1: {  	v3 =	vadd.f32 $1.000000000e+00, v3  }
0x7e2: {  	v1 =	vsub.f32 $0.0e+00, v29;
	v0 =	vmul.f32 $1.442695020e+00, v28  }
0x7e3: {  	v2 =	vmul.f32 $1.442695020e+00, v2;
	(erf) = vrcp.f32 v3  }
0x7e4: {  	v30 =	vmul.f32 $1.442695020e+00, v1;
	(erf) = vpow2.f32 v0  }
0x7e5: {  	(erf) = vpow2.f32 v2  }
0x7e6: {  	(erf) = vpow2.f32 v30;
	_ =	sdelay $0x2  }
0x7e7: {  	s5 =	sor.u32 $0x10, s28  }
0x7e8: {  	v31 =	vld.idx.msk [tilespmem:v13+s5+$0x7100 ss:$0x1], $0xffff;
	_ =	sdelay $0x1  }
0x7e9: {  	v33 =	vpop (erf)  }
0x7ea: {  	v22 =	vpop (erf)  }
0x7eb: {  	v23 =	vpop (erf)  }
0x7ec: {  	v0 =	vsub.f32 $0.0e+00, v31;
	v36 =	vpop (erf)  }
0x7ed: {  	v1 =	vadd.f32 $1.000000000e+00, v36  }
0x7ee: {  	v0 =	vmul.f32 $1.442695020e+00, v0  }
0x7ef: {  	(erf) = vrcp.f32 v1  }
0x7f0: {  	(erf) = vpow2.f32 v0;
	_ =	sdelay $0x3  }
0x7f1: {  	v37 =	vld.idx.msk [tilespmem:v13+s5+$0x8790 ss:$0x1], $0xffff;
	_ =	sdelay $0x3  }
0x7f2: {  	v14 =	vpop (erf)  }
0x7f3: {  	v0 =	vsub.f32 $0.0e+00, v37;
	v38 =	vpop (erf)  }
0x7f4: {  	v1 =	vadd.f32 $1.000000000e+00, v38  }
0x7f5: {  	v0 =	vmul.f32 $1.442695020e+00, v0  }
0x7f6: {  	(erf) = vrcp.f32 v1  }
0x7f7: {  	(erf) = vpow2.f32 v0;
	_ =	sdelay $0x4  }
0x7f8: {  	v39 =	vld.idx.msk [tilespmem:v13+s5+$0x9E20 ss:$0x1], $0xffff  }
0x7f9: {  	v40 =	vld.idx.msk [tilespmem:v13+s5+$0xCB40 ss:$0x1], $0xffff  }
0x7fa: {  	v41 =	vld.idx.msk [tilespmem:v13+s5+$0xB4B0 ss:$0x1], $0xffff  }
0x7fb: {  	v25 =	vpop (erf)  }
0x7fc: {  	v3 =	vpop (erf)  }
0x7fd: {  	v3 =	vadd.f32 $1.000000000e+00, v3  }
0x7fe: {  	v1 =	vsub.f32 $0.0e+00, v40;
	v0 =	vmul.f32 $1.442695020e+00, v39  }
0x7ff: {  	v2 =	vmul.f32 $1.442695020e+00, v41;
	(erf) = vrcp.f32 v3  }
0x800: {  	v42 =	vmul.f32 $1.442695020e+00, v1;
	(erf) = vpow2.f32 v0  }
0x801: {  	(erf) = vpow2.f32 v2  }
0x802: {  	(erf) = vpow2.f32 v42;
	_ =	sdelay $0x2  }
0x803: {  	s7 =	sor.u32 $0x20, s28  }
0x804: {  	v43 =	vld.idx.msk [tilespmem:v13+s7+$0x7100 ss:$0x1], $0xffff;
	_ =	sdelay $0x1  }
0x805: {  	v34 =	vpop (erf)  }
0x806: {  	v20 =	vpop (erf)  }
0x807: {  	v21 =	vpop (erf)  }
0x808: {  	v0 =	vsub.f32 $0.0e+00, v43;
	v44 =	vpop (erf)  }
0x809: {  	v1 =	vadd.f32 $1.000000000e+00, v44  }
0x80a: {  	v0 =	vmul.f32 $1.442695020e+00, v0  }
0x80b: {  	(erf) = vrcp.f32 v1  }
0x80c: {  	(erf) = vpow2.f32 v0;
	_ =	sdelay $0x3  }
0x80d: {  	v45 =	vld.idx.msk [tilespmem:v13+s7+$0x8790 ss:$0x1], $0xffff;
	_ =	sdelay $0x3  }
0x80e: {  	v15 =	vpop (erf)  }
0x80f: {  	v0 =	vsub.f32 $0.0e+00, v45;
	v46 =	vpop (erf)  }
0x810: {  	v1 =	vadd.f32 $1.000000000e+00, v46  }
0x811: {  	v0 =	vmul.f32 $1.442695020e+00, v0  }
0x812: {  	(erf) = vrcp.f32 v1  }
0x813: {  	(erf) = vpow2.f32 v0;
	_ =	sdelay $0x4  }
0x814: {  	v47 =	vld.idx.msk [tilespmem:v13+s7+$0x9E20 ss:$0x1], $0xffff  }
0x815: {  	v48 =	vld.idx.msk [tilespmem:v13+s7+$0xCB40 ss:$0x1], $0xffff  }
0x816: {  	v49 =	vld.idx.msk [tilespmem:v13+s7+$0xB4B0 ss:$0x1], $0xffff  }
0x817: {  	v31 =	vpop (erf)  }
0x818: {  	v3 =	vpop (erf)  }
0x819: {  	v3 =	vadd.f32 $1.000000000e+00, v3  }
0x81a: {  	v1 =	vsub.f32 $0.0e+00, v48;
	v0 =	vmul.f32 $1.442695020e+00, v47  }
0x81b: {  	v2 =	vmul.f32 $1.442695020e+00, v49;
	(erf) = vrcp.f32 v3  }
0x81c: {  	v50 =	vmul.f32 $1.442695020e+00, v1;
	(erf) = vpow2.f32 v0  }
0x81d: {  	(erf) = vpow2.f32 v2  }
0x81e: {  	(erf) = vpow2.f32 v50;
	_ =	sdelay $0x2  }
0x81f: {  	s11 =	sor.u32 $0x30, s28  }
0x820: {  	v51 =	vld.idx.msk [tilespmem:v13+s11+$0x7100 ss:$0x1], $0xffff;
	_ =	sdelay $0x1  }
0x821: {  	v40 =	vpop (erf)  }
0x822: {  	v32 =	vpop (erf)  }
0x823: {  	v28 =	vpop (erf)  }
0x824: {  	v0 =	vsub.f32 $0.0e+00, v51;
	v52 =	vpop (erf)  }
0x825: {  	v1 =	vadd.f32 $1.000000000e+00, v52  }
0x826: {  	v0 =	vmul.f32 $1.442695020e+00, v0  }
0x827: {  	(erf) = vrcp.f32 v1  }
0x828: {  	(erf) = vpow2.f32 v0;
	_ =	sdelay $0x3  }
0x829: {  	v53 =	vld.idx.msk [tilespmem:v13+s11+$0x8790 ss:$0x1], $0xffff;
	_ =	sdelay $0x3  }
0x82a: {  	v16 =	vpop (erf)  }
0x82b: {  	v0 =	vsub.f32 $0.0e+00, v53;
	v54 =	vpop (erf)  }
0x82c: {  	v1 =	vadd.f32 $1.000000000e+00, v54  }
0x82d: {  	v0 =	vmul.f32 $1.442695020e+00, v0  }
0x82e: {  	(erf) = vrcp.f32 v1  }
0x82f: {  	(erf) = vpow2.f32 v0;
	_ =	sdelay $0x4  }
0x830: {  	v55 =	vld.idx.msk [tilespmem:v13+s11+$0x9E20 ss:$0x1], $0xffff  }
0x831: {  	v56 =	vld.idx.msk [tilespmem:v13+s11+$0xCB40 ss:$0x1], $0xffff  }
0x832: {  	v57 =	vld.idx.msk [tilespmem:v13+s11+$0xB4B0 ss:$0x1], $0xffff  }
0x833: {  	v30 =	vpop (erf)  }
0x834: {  	v3 =	vpop (erf)  }
0x835: {  	v3 =	vadd.f32 $1.000000000e+00, v3  }
0x836: {  	v1 =	vsub.f32 $0.0e+00, v56;
	v0 =	vmul.f32 $1.442695020e+00, v55  }
0x837: {  	v2 =	vmul.f32 $1.442695020e+00, v57;
	(erf) = vrcp.f32 v3  }
0x838: {  	v58 =	vmul.f32 $1.442695020e+00, v1;
	(erf) = vpow2.f32 v0  }
0x839: {  	(erf) = vpow2.f32 v2  }
0x83a: {  	(erf) = vpow2.f32 v58;
	_ =	sdelay $0x2  }
0x83b: {  	s13 =	sor.u32 $0x40, s28  }
0x83c: {  	v59 =	vld.idx.msk [tilespmem:v13+s13+$0x7100 ss:$0x1], $0xffff;
	_ =	sdelay $0x1  }
0x83d: {  	v39 =	vpop (erf)  }
0x83e: {  	v27 =	vpop (erf)  }
0x83f: {  	v26 =	vpop (erf)  }
0x840: {  	v0 =	vsub.f32 $0.0e+00, v59;
	v60 =	vpop (erf)  }
0x841: {  	v1 =	vadd.f32 $1.000000000e+00, v60  }
0x842: {  	v0 =	vmul.f32 $1.442695020e+00, v0  }
0x843: {  	(erf) = vrcp.f32 v1  }
0x844: {  	(erf) = vpow2.f32 v0;
	_ =	sdelay $0x3  }
0x845: {  	v61 =	vld.idx.msk [tilespmem:v13+s13+$0x8790 ss:$0x1], $0xffff;
	_ =	sdelay $0x3  }
0x846: {  	v17 =	vpop (erf)  }
0x847: {  	v0 =	vsub.f32 $0.0e+00, v61;
	v62 =	vpop (erf)  }
0x848: {  	v1 =	vadd.f32 $1.000000000e+00, v62  }
0x849: {  	v0 =	vmul.f32 $1.442695020e+00, v0  }
0x84a: {  	(erf) = vrcp.f32 v1  }
0x84b: {  	(erf) = vpow2.f32 v0;
	_ =	sdelay $0x2  }
0x84c: {  	s16 =	sadd.s32 s26, s13  }
0x84d: {  	s9 =	sadd.s32 $0x5A40, s16  }
0x84e: {  	v63 =	vld.idx.msk [tilespmem:v13+s13+$0x9E20 ss:$0x1], $0xffff;
	s1 =	sand.u32 $0xFF80, s9  }
0x84f: {  	v18 =	vld.idx.msk [tilespmem:v12+s1+$0x0 ss:$0x1], $0xffff  }
0x850: {  	v19 =	vld.idx.msk [tilespmem:v13+s13+$0xB4B0 ss:$0x1], $0xffff  }
0x851: {  	v38 =	vpop (erf)  }
0x852: {  	v3 =	vpop (erf)  }
0x853: {  	v3 =	vadd.f32 $1.000000000e+00, v3  }
0x854: {  	v1 =	vsub.f32 $0.0e+00, v18;
	v0 =	vmul.f32 $1.442695020e+00, v63  }
0x855: {  	v2 =	vmul.f32 $1.442695020e+00, v19;
	(erf) = vrcp.f32 v3  }
0x856: {  	v29 =	vmul.f32 $1.442695020e+00, v1;
	(erf) = vpow2.f32 v0  }
0x857: {  	(erf) = vpow2.f32 v2  }
0x858: {  	(erf) = vpow2.f32 v29;
	_ =	sdelay $0x2  }
0x859: {  	s29 =	sor.u32 $0x50, s28  }
0x85a: {  	v35 =	vld.idx.msk [tilespmem:v13+s29+$0x7100 ss:$0x1], $0xffff;
	_ =	sdelay $0x1  }
0x85b: {  	v41 =	vpop (erf)  }
0x85c: {  	v37 =	vpop (erf)  }
0x85d: {  	v29 =	vpop (erf)  }
0x85e: {  	v0 =	vsub.f32 $0.0e+00, v35;
	v44 =	vpop (erf)  }
0x85f: {  	v1 =	vadd.f32 $1.000000000e+00, v44  }
0x860: {  	v0 =	vmul.f32 $1.442695020e+00, v0  }
0x861: {  	(erf) = vrcp.f32 v1  }
0x862: {  	(erf) = vpow2.f32 v0;
	_ =	sdelay $0x3  }
0x863: {  	v45 =	vld.idx.msk [tilespmem:v13+s29+$0x8790 ss:$0x1], $0xffff;
	_ =	sdelay $0x3  }
0x864: {  	v18 =	vpop (erf)  }
0x865: {  	v0 =	vsub.f32 $0.0e+00, v45;
	v46 =	vpop (erf)  }
0x866: {  	v1 =	vadd.f32 $1.000000000e+00, v46  }
0x867: {  	v0 =	vmul.f32 $1.442695020e+00, v0  }
0x868: {  	(erf) = vrcp.f32 v1  }
0x869: {  	(erf) = vpow2.f32 v0  }
0x86a: {  	s4 =	sadd.s32 s26, s29  }
0x86b: {  	s17 =	sadd.s32 $0x5A40, s4  }
0x86c: {  	s9 =	sand.u32 $0x30, s4;
	s1 =	sand.u32 $0xFF80, s17  }
0x86d: {  	s1 =	sor.u32 s9, s1  }
0x86e: {  	v48 =	vld [tilespmem:s1+$0x7100]  }
0x86f: {  	v47 =	vld.idx.msk [tilespmem:v13+s29+$0x9E20 ss:$0x1], $0xffff  }
0x870: {  	v49 =	vld.idx.msk [tilespmem:v13+s29+$0xB4B0 ss:$0x1], $0xffff  }
0x871: {  	v43 =	vpop (erf)  }
0x872: {  	v3 =	vpop (erf)  }
0x873: {  	v3 =	vadd.f32 $1.000000000e+00, v3  }
0x874: {  	v1 =	vsub.f32 $0.0e+00, v48;
	v0 =	vmul.f32 $1.442695020e+00, v47  }
0x875: {  	v2 =	vmul.f32 $1.442695020e+00, v49;
	(erf) = vrcp.f32 v3  }
0x876: {  	v50 =	vmul.f32 $1.442695020e+00, v1;
	(erf) = vpow2.f32 v0  }
0x877: {  	(erf) = vpow2.f32 v2  }
0x878: {  	(erf) = vpow2.f32 v50;
	_ =	sdelay $0x2  }
0x879: {  	s1 =	sor.u32 $0x60, s28  }
0x87a: {  	v51 =	vld.idx.msk [tilespmem:v13+s1+$0x7100 ss:$0x1], $0xffff;
	_ =	sdelay $0x1  }
0x87b: {  	v44 =	vpop (erf)  }
0x87c: {  	v35 =	vpop (erf)  }
0x87d: {  	v36 =	vpop (erf)  }
0x87e: {  	v0 =	vsub.f32 $0.0e+00, v51;
	v52 =	vpop (erf)  }
0x87f: {  	v1 =	vadd.f32 $1.000000000e+00, v52  }
0x880: {  	v0 =	vmul.f32 $1.442695020e+00, v0  }
0x881: {  	(erf) = vrcp.f32 v1  }
0x882: {  	(erf) = vpow2.f32 v0;
	_ =	sdelay $0x3  }
0x883: {  	v53 =	vld.idx.msk [tilespmem:v13+s1+$0x8790 ss:$0x1], $0xffff;
	_ =	sdelay $0x3  }
0x884: {  	v19 =	vpop (erf)  }
0x885: {  	v0 =	vsub.f32 $0.0e+00, v53;
	v54 =	vpop (erf)  }
0x886: {  	v1 =	vadd.f32 $1.000000000e+00, v54  }
0x887: {  	v0 =	vmul.f32 $1.442695020e+00, v0  }
0x888: {  	s9 =	sadd.s32 s26, s1;
	(erf) = vrcp.f32 v1  }
0x889: {  	s18 =	sadd.s32 $0x2D20, s9;
	s17 =	sadd.s32 $0x5A40, s9;
	(erf) = vpow2.f32 v0  }
0x88a: {  	s17 =	sand.u32 $0xFF80, s17;
	v55 =	vmov s0;
	s0 =	sand.u32 $0x7F80, s18;
	s18 =	sand.u32 $0x30, s9;
	v45 =	vld.idx.msk [tilespmem:v13+s1+$0xB4B0 ss:$0x1], $0xffff  }
0x88b: {  	v21 =	vmul.f32 v21, v7;
	v32 =	vmul.f32 v32, v6;
	s30 =	sor.u32 s18, s17;
	s17 =	sadd.s32 s26, s7  }
0x88c: {  	v28 =	vmul.f32 v28, v7;
	v57 =	vld [tilespmem:s30+$0x7100];
	v58 =	vmov s17;
	v49 =	vmov s5  }
0x88d: {  	v27 =	vmul.f32 v27, v6;
	v26 =	vmul.f32 v26, v7;
	v49 =	vshll.u32 v49, $0x7  }
0x88e: {  	s31 =	sadd.s32 s26, s5;
	v62 =	vmov s28;
	v49 =	vor.u32 v11, v49;
	v0 =	vbroadcast v55, $0x0  }
0x88f: {  	v56 =	vld.idx.msk [tilespmem:v12+s0+$0x0 ss:$0x1], $0xffff;
	v37 =	vmul.f32 v37, v6;
	v45 =	vmul.f32 $1.442695020e+00, v45;
	v47 =	vmov s31  }
0x890: {  	s30 =	sor.u32 $0x70, s28;
	v60 =	vbroadcast v47, $0x0;
	v47 =	vmov s11;
	v0 =	vor.u32 v8, v0  }
0x891: {  	v51 =	vmov s4;
	v2 =	vsub.f32 $0.0e+00, v57;
	v52 =	vld.idx.msk [tilespmem:v13+s30+$0x7100 ss:$0x1], $0xffff;
	v3 =	vshrl.u32 v0, $0x2;
	v42 =	vpop (erf)  }
0x892: {  	v51 =	vbroadcast v51, $0x0;
	v50 =	vmov s16;
	v3 =	vmulhi.u32 $0x1AF286BD, v3;
	v46 =	vpop (erf)  }
0x893: {  	v59 =	vmul.f32 $1.442695020e+00, v2;
	v2 =	vor.u32 v8, v60;
	v46 =	vadd.f32 $1.000000000e+00, v46  }
0x894: {  	v50 =	vbroadcast v50, $0x0;
	v1 =	vmul.f32 $1.442695020e+00, v56;
	v3 =	vshrl.u32 v3, $0x1  }
0x895: {  	v51 =	vor.u32 v8, v51;
	v48 =	vmul.u32 $0xFFFFFFB4, v3;
	(erf) = vrcp.f32 v46  }
0x896: {  	v61 =	vshrl.u32 v2, $0x2;
	v52 =	vsub.f32 $0.0e+00, v52;
	(erf) = vpow2.f32 v1  }
0x897: {  	v3 =	vcvt.s32.f32 v3;
	v0 =	vadd.s32 v0, v48;
	(erf) = vpow2.f32 v45  }
0x898: {  	v50 =	vor.u32 v8, v50;
	v0 =	vcvt.s32.f32 v0;
	(erf) = vpow2.f32 v59  }
0x899: {  	v60 =	vmul.f32 $1.442695020e+00, v52;
	v56 =	vmul.f32 v23, v7;
	v3 =	vadd.f32 v3, v33  }
0x89a: {  	v48 =	vshll.u32 v62, $0x7;
	v0 =	vadd.f32 v0, v24;
	v24 =	vmulhi.u32 $0x1AF286BD, v61  }
0x89b: {  	v55 =	vmul.f32 v22, v6;
	v33 =	vmov s13;
	v48 =	vor.u32 v11, v48  }
0x89c: {  	s18 =	sadd.s32 s26, s11;
	v3 =	vmul.f32 $8.000000000e+00, v3;
	v57 =	vor.u32 $0x1, v48;
	v46 =	vbroadcast v58, $0x0  }
0x89d: {  	v1 =	vmov s18;
	v45 =	vmov s7;
	v53 =	vshrl.u32 v24, $0x1  }
0x89e: {  	v0 =	vmul.f32 $8.000000000e+00, v0;
	v46 =	vor.u32 v8, v46;
	v54 =	vmul.u32 $0xFFFFFFB4, v53;
	v24 =	vpop (erf)  }
0x89f: {  	v1 =	vbroadcast v1, $0x0;
	v63 =	vshrl.u32 v46, $0x2;
	v53 =	vcvt.s32.f32 v53;
	v22 =	vpop (erf)  }
0x8a0: {  	v45 =	vshll.u32 v45, $0x7;
	v2 =	vadd.s32 v2, v54;
	v54 =	vmulhi.u32 $0x1AF286BD, v63;
	v23 =	vpop (erf)  }
0x8a1: {  	v59 =	vor.u32 $0x2, v48;
	v1 =	vor.u32 v8, v1;
	[tilespmem:v48+s20+$0x0] =	vst.idx.msk $0xffff, v0;
	v0 =	vor.u32 v11, v45;
	v58 =	vpop (erf)  }
0x8a2: {  	v2 =	vcvt.s32.f32 v2;
	v61 =	vshrl.u32 v54, $0x1;
	v58 =	vadd.f32 $1.000000000e+00, v58  }
0x8a3: {  	v34 =	vadd.f32 v53, v34;
	v63 =	vshrl.u32 v1, $0x2;
	v62 =	vmul.u32 $0xFFFFFFB4, v61  }
0x8a4: {  	v53 =	vmulhi.u32 $0x1AF286BD, v63;
	v2 =	vadd.f32 v2, v25;
	(erf) = vrcp.f32 v58  }
0x8a5: {  	v25 =	vor.u32 $0x3, v48;
	v46 =	vadd.s32 v46, v62;
	(erf) = vpow2.f32 v60  }
0x8a6: {  	[tilespmem:v57+s20+$0x0] =	vst.idx.msk $0xffff, v3;
	v52 =	vcvt.s32.f32 v61;
	v61 =	vor.u32 $0x1, v49;
	v46 =	vcvt.s32.f32 v46  }
0x8a7: {  	v54 =	vor.u32 $0x4, v48;
	[tilespmem:v59+s20+$0x0] =	vst.idx.msk $0xffff, v55;
	v2 =	vmul.f32 $8.000000000e+00, v2;
	v60 =	vmul.f32 v20, v6  }
0x8a8: {  	v58 =	vld.idx.msk [tilespmem:v13+s30+$0x8790 ss:$0x1], $0xffff;
	v20 =	vadd.f32 v46, v31;
	v31 =	vadd.f32 v52, v40;
	v40 =	vshrl.u32 v53, $0x1  }
0x8a9: {  	v34 =	vmul.f32 $8.000000000e+00, v34;
	[tilespmem:v49+s20+$0x0] =	vst.idx.msk $0xffff, v2;
	v46 =	vor.u32 $0x2, v49;
	v53 =	vmul.u32 $0xFFFFFFB4, v40  }
0x8aa: {  	v48 =	vor.u32 $0x1, v0;
	[tilespmem:v25+s20+$0x0] =	vst.idx.msk $0xffff, v56;
	v52 =	vor.u32 $0x3, v49;
	v40 =	vcvt.s32.f32 v40  }
0x8ab: {  	v55 =	vshll.u32 v47, $0x7;
	[tilespmem:v61+s20+$0x0] =	vst.idx.msk $0xffff, v34;
	v63 =	vmul.f32 $8.000000000e+00, v20;
	v1 =	vadd.s32 v1, v53  }
0x8ac: {  	v62 =	vor.u32 $0x4, v49;
	[tilespmem:v54+s20+$0x0] =	vst.idx.msk $0xffff, v14;
	v39 =	vadd.f32 v40, v39;
	v1 =	vcvt.s32.f32 v1  }
0x8ad: {  	v56 =	vor.u32 v11, v55;
	v31 =	vmul.f32 $8.000000000e+00, v31;
	v58 =	vsub.f32 $0.0e+00, v58;
	[tilespmem:v0+s20+$0x0] =	vst.idx.msk $0xffff, v63;
	v20 =	vpop (erf)  }
0x8ae: {  	v2 =	vmul.f32 $8.000000000e+00, v39;
	[tilespmem:v46+s20+$0x0] =	vst.idx.msk $0xffff, v60;
	v39 =	vor.u32 $0x1, v56;
	v1 =	vadd.f32 v1, v30;
	v53 =	vpop (erf)  }
0x8af: {  	v57 =	vld.idx.msk [tilespmem:v13+s30+$0x9E20 ss:$0x1], $0xffff;
	v25 =	vor.u32 $0x2, v0;
	[tilespmem:v52+s20+$0x0] =	vst.idx.msk $0xffff, v21;
	v21 =	vor.u32 $0x2, v56;
	v53 =	vadd.f32 $1.000000000e+00, v53  }
0x8b0: {  	v47 =	vor.u32 $0x3, v56;
	[tilespmem:v48+s20+$0x0] =	vst.idx.msk $0xffff, v31;
	v58 =	vmul.f32 $1.442695020e+00, v58;
	v1 =	vmul.f32 $8.000000000e+00, v1  }
0x8b1: {  	[tilespmem:v62+s20+$0x0] =	vst.idx.msk $0xffff, v15;
	v62 =	vor.u32 $0x4, v56;
	(erf) = vrcp.f32 v53;
	v53 =	vshrl.u32 v50, $0x2  }
0x8b2: {  	[tilespmem:v56+s20+$0x0] =	vst.idx.msk $0xffff, v1;
	v53 =	vmulhi.u32 $0x1AF286BD, v53;
	(erf) = vpow2.f32 v58;
	v58 =	vshrl.u32 v51, $0x2  }
0x8b3: {  	v54 =	vor.u32 $0x4, v0;
	v63 =	vshll.u32 v33, $0x7;
	[tilespmem:v39+s20+$0x0] =	vst.idx.msk $0xffff, v2;
	v58 =	vmulhi.u32 $0x1AF286BD, v58  }
0x8b4: {  	v48 =	vor.u32 v11, v63;
	v52 =	vmul.f32 $1.442695020e+00, v57;
	[tilespmem:v21+s20+$0x0] =	vst.idx.msk $0xffff, v27;
	v45 =	vshrl.u32 v53, $0x1  }
0x8b5: {  	v60 =	vld.idx.msk [tilespmem:v13+s30+$0xB4B0 ss:$0x1], $0xffff;
	v57 =	vor.u32 $0x3, v48;
	[tilespmem:v47+s20+$0x0] =	vst.idx.msk $0xffff, v26;
	v3 =	vmul.u32 $0xFFFFFFB4, v45;
	v58 =	vshrl.u32 v58, $0x1  }
0x8b6: {  	[tilespmem:v62+s20+$0x0] =	vst.idx.msk $0xffff, v17;
	v62 =	vmul.f32 v36, v7;
	v45 =	vcvt.s32.f32 v45;
	v59 =	vmul.u32 $0xFFFFFFB4, v58  }
0x8b7: {  	v53 =	vor.u32 $0x3, v0;
	v30 =	vcvt.s32.f32 v58;
	v3 =	vadd.s32 v50, v3  }
0x8b8: {  	v58 =	vld.idx.msk [tilespmem:v13+s30+$0xCB40 ss:$0x1], $0xffff;
	v41 =	vadd.f32 v45, v41;
	v45 =	vmul.f32 v29, v7;
	v14 =	vadd.s32 v51, v59  }
0x8b9: {  	v3 =	vcvt.s32.f32 v3;
	v15 =	vadd.f32 v30, v44;
	v44 =	vmov s9  }
0x8ba: {  	v51 =	vor.u32 $0x1, v48;
	v30 =	vmul.f32 $1.442695020e+00, v60;
	v14 =	vcvt.s32.f32 v14;
	v46 =	vpop (erf)  }
0x8bb: {  	[tilespmem:v25+s20+$0x0] =	vst.idx.msk $0xffff, v32;
	v60 =	vmov s29;
	v41 =	vmul.f32 $8.000000000e+00, v41;
	v49 =	vbroadcast v44, $0x0;
	v59 =	vpop (erf)  }
0x8bc: {  	[tilespmem:v53+s20+$0x0] =	vst.idx.msk $0xffff, v28;
	v0 =	vshll.u32 v60, $0x7;
	v44 =	vmov s1;
	v61 =	vadd.f32 $1.000000000e+00, v59  }
0x8bd: {  	v3 =	vadd.f32 v3, v38;
	[tilespmem:v54+s20+$0x0] =	vst.idx.msk $0xffff, v16;
	v54 =	vor.u32 $0x2, v48;
	v53 =	vsub.f32 $0.0e+00, v58  }
0x8be: {  	v15 =	vmul.f32 $8.000000000e+00, v15;
	v31 =	vor.u32 v8, v49;
	(erf) = vrcp.f32 v61  }
0x8bf: {  	v55 =	vshrl.u32 v31, $0x2;
	v56 =	vmul.f32 $1.442695020e+00, v53;
	(erf) = vpow2.f32 v52  }
0x8c0: {  	s31 =	sadd.s32 s26, s30;
	v0 =	vor.u32 v11, v0;
	v1 =	vmulhi.u32 $0x1AF286BD, v55;
	(erf) = vpow2.f32 v30  }
0x8c1: {  	v14 =	vadd.f32 v14, v43;
	v59 =	vmov s31;
	(erf) = vpow2.f32 v56  }
0x8c2: {  	v3 =	vmul.f32 $8.000000000e+00, v3;
	v26 =	vbroadcast v59, $0x0;
	v1 =	vshrl.u32 v1, $0x1  }
0x8c3: {  	v58 =	vor.u32 $0x4, v48;
	v63 =	vor.u32 $0x1, v0;
	v61 =	vmul.u32 $0xFFFFFFB4, v1  }
0x8c4: {  	v39 =	vor.u32 $0x2, v0;
	v14 =	vmul.f32 $8.000000000e+00, v14;
	[tilespmem:v48+s20+$0x0] =	vst.idx.msk $0xffff, v3;
	v26 =	vor.u32 v8, v26  }
0x8c5: {  	[tilespmem:v51+s20+$0x0] =	vst.idx.msk $0xffff, v41;
	v36 =	vshrl.u32 v26, $0x2;
	v1 =	vcvt.s32.f32 v1;
	v17 =	vadd.s32 v31, v61  }
0x8c6: {  	v40 =	vor.u32 $0x3, v0;
	[tilespmem:v0+s20+$0x0] =	vst.idx.msk $0xffff, v14;
	v29 =	vmulhi.u32 $0x1AF286BD, v36;
	v17 =	vcvt.s32.f32 v17  }
0x8c7: {  	v47 =	vor.u32 $0x4, v0;
	v3 =	vmul.f32 v35, v6;
	[tilespmem:v54+s20+$0x0] =	vst.idx.msk $0xffff, v37;
	v49 =	vadd.f32 v1, v24;
	v38 =	vpop (erf)  }
0x8c8: {  	[tilespmem:v63+s20+$0x0] =	vst.idx.msk $0xffff, v15;
	v48 =	vshrl.u32 v29, $0x1;
	v43 =	vadd.f32 v17, v42;
	v17 =	vshll.u32 v44, $0x7;
	v41 =	vpop (erf)  }
0x8c9: {  	[tilespmem:v57+s20+$0x0] =	vst.idx.msk $0xffff, v45;
	v14 =	vmul.u32 $0xFFFFFFB4, v48;
	v50 =	vor.u32 v11, v17;
	v45 =	vpop (erf)  }
0x8ca: {  	v53 =	vmov s30;
	[tilespmem:v39+s20+$0x0] =	vst.idx.msk $0xffff, v3;
	v0 =	vmul.f32 $8.000000000e+00, v49;
	v15 =	vor.u32 $0x1, v50;
	v51 =	vpop (erf)  }
0x8cb: {  	[tilespmem:v58+s20+$0x0] =	vst.idx.msk $0xffff, v18;
	v3 =	vadd.s32 v26, v14;
	v14 =	vor.u32 $0x2, v50;
	v17 =	vadd.f32 $1.000000000e+00, v51  }
0x8cc: {  	[tilespmem:v40+s20+$0x0] =	vst.idx.msk $0xffff, v62;
	v2 =	vmul.f32 $8.000000000e+00, v43;
	v52 =	vor.u32 $0x3, v50;
	v54 =	vor.u32 $0x4, v50  }
0x8cd: {  	[tilespmem:v47+s20+$0x0] =	vst.idx.msk $0xffff, v19;
	v3 =	vcvt.s32.f32 v3;
	(erf) = vrcp.f32 v17;
	v17 =	vshll.u32 v53, $0x7  }
0x8ce: {  	v55 =	vmul.f32 v22, v6;
	v56 =	vcvt.s32.f32 v48;
	[tilespmem:v50+s20+$0x0] =	vst.idx.msk $0xffff, v2;
	v17 =	vor.u32 v11, v17  }
0x8cf: {  	v57 =	vmul.f32 v23, v7;
	v3 =	vadd.f32 v3, v46;
	[tilespmem:v15+s20+$0x0] =	vst.idx.msk $0xffff, v0;
	v15 =	vor.u32 $0x1, v17  }
0x8d0: {  	v58 =	vadd.f32 v56, v38;
	[tilespmem:v14+s20+$0x0] =	vst.idx.msk $0xffff, v55;
	v59 =	vor.u32 $0x2, v17  }
0x8d1: {  	v60 =	vmul.f32 $8.000000000e+00, v3;
	[tilespmem:v52+s20+$0x0] =	vst.idx.msk $0xffff, v57;
	v3 =	vor.u32 $0x3, v17  }
0x8d2: {  	p1 =	por p0, p0;
	v1 =	vmul.f32 $8.000000000e+00, v58;
	[tilespmem:v54+s20+$0x0] =	vst.idx.msk $0xffff, v20;
	v14 =	vor.u32 $0x4, v17  }
.Ltmp10:
0x8d3: {  	v61 =	vmul.f32 v41, v6;
	[tilespmem:v17+s20+$0x0] =	vst.idx.msk $0xffff, v60;
	(pc) =	sbr.rel @p1 .LBB2_23-.Ltmp10, $4  }
0x8d4: {  	v62 =	vmul.f32 v45, v7;
	[tilespmem:v15+s20+$0x0] =	vst.idx.msk $0xffff, v1  }
0x8d5: {  	[tilespmem:v59+s20+$0x0] =	vst.idx.msk $0xffff, v61  }
0x8d6: {  	v63 =	vpop (erf);
	[tilespmem:v3+s20+$0x0] =	vst.idx.msk $0xffff, v62  }
0x8d7: {  	p0 =	por $0x0, $0x0;
	s28 =	simm.s32 $0x80;
	[tilespmem:v14+s20+$0x0] =	vst.idx.msk $0xffff, v63  }
0x8d8: {  	s25 =	sadd.s32 $0x1, s25  }
0x8d9: {  	p0 =	sne.s32 s25, $0xC  }
.Ltmp11:
0x8da: {  	_ = 	snop;
	(pc) =	sbr.rel @p0 .LBB2_20-.Ltmp11, $4  }
0x8db: {  	s0 =	sadd.s32 s12, s26  }
0x8dc: {  	s0 =	sshll.u32 s0, $0x4  }
0x8dd: {  	s0 =	sadd.s32 s3, s0  }
0x8de: {  	[hbm4b:s0+s2] =	stream.linear.scatter [tilespmem:s20], [sflag:$0x4], $0x8000, $0x38;
	[tilespmem:$0x1E200] =	vst v63  }
0x8df: {  	s25 =	simm.s32 $0x0  }
0x8e0: {  	s0 =	rddreg [dreg:$0x8];
	s1 =	simm.s32 $0x7100;
	s31 =	simm.s32 $0x1  }
0x8e1: {  	[tilespmem:s1], [sflag:$0x2] =	stream.linear.gather [hbm4b:s0+s25], $0x70D0, $0x38;
	[tilespmem:$0x1E200] =	vst v63  }
0x8e2: {  	_ =	swait.ge [sflag:s31], $0x70D0  }
0x8e3: {  	[sflag:s31] =	ssyncset.done $0x0;
	v7 =	vld [tilespmem:$0x1FFF0]  }
0x8e4: {  	v63 =	vld [tilespmem:$0x1FFB0];
	[sflag:s31] =	ssyncadd.s32 $0xFFFF8F30  }
.LBB2_26:
0x8e5: {  	_ =	swait.ge [sflag:s22], $0x8000;
	s26 =	sshll.u32 s25, $0x9  }
0x8e6: {  	p0 =	por $0x1, $0x1;
	[sflag:s22] =	ssyncset.done $0x0;
	s28 =	smin.u32 s26, $0x1590  }
0x8e7: {  	s30 =	simm.s32 $0x0;
	[sflag:s22] =	ssyncadd.s32 $0xFFFF8000;
	s29 =	sand.u32 $0x10, s28;
	v12 =	vmov s28  }
.LBB2_27:
0x8e8: {  	s0 =	sadd.s32 s28, s30  }
0x8e9: {  	s1 =	sand.u32 $0x3F80, s0  }
0x8ea: {  	s1 =	sor.u32 s1, s29  }
0x8eb: {  	v0 =	vld [tilespmem:s1+$0x0];
	_ =	sdelay $0x4  }
0x8ec: {  	v0 =	vsub.f32 $0.0e+00, v0;
	_ =	sdelay $0x1  }
0x8ed: {  	v0 =	vmul.f32 $1.442695020e+00, v0;
	_ =	sdelay $0x1  }
0x8ee: {  	(erf) = vpow2.f32 v0;
	_ =	sdelay $0x3  }
0x8ef: {  	v25 =	vld.idx.msk [tilespmem:v12+s30+$0x1690 ss:$0x1], $0xffff;
	_ =	sdelay $0x4  }
0x8f0: {  	v0 =	vsub.f32 $0.0e+00, v25;
	v1 =	vpop (erf)  }
0x8f1: {  	v1 =	vadd.f32 $1.000000000e+00, v1  }
0x8f2: {  	v0 =	vmul.f32 $1.442695020e+00, v0  }
0x8f3: {  	(erf) = vrcp.f32 v1  }
0x8f4: {  	(erf) = vpow2.f32 v0;
	_ =	sdelay $0x4  }
0x8f5: {  	v26 =	vld.idx.msk [tilespmem:v12+s30+$0x2D20 ss:$0x1], $0xffff  }
0x8f6: {  	v27 =	vld.idx.msk [tilespmem:v12+s30+$0x5A40 ss:$0x1], $0xffff  }
0x8f7: {  	v2 =	vld.idx.msk [tilespmem:v12+s30+$0x43B0 ss:$0x1], $0xffff  }
0x8f8: {  	v23 =	vpop (erf)  }
0x8f9: {  	v3 =	vpop (erf)  }
0x8fa: {  	v3 =	vadd.f32 $1.000000000e+00, v3  }
0x8fb: {  	v1 =	vsub.f32 $0.0e+00, v27;
	v0 =	vmul.f32 $1.442695020e+00, v26  }
0x8fc: {  	v2 =	vmul.f32 $1.442695020e+00, v2;
	(erf) = vrcp.f32 v3  }
0x8fd: {  	v28 =	vmul.f32 $1.442695020e+00, v1;
	(erf) = vpow2.f32 v0  }
0x8fe: {  	(erf) = vpow2.f32 v2  }
0x8ff: {  	(erf) = vpow2.f32 v28;
	_ =	sdelay $0x2  }
0x900: {  	s5 =	sor.u32 $0x10, s30  }
0x901: {  	v29 =	vld.idx.msk [tilespmem:v12+s5+$0x0 ss:$0x1], $0xffff;
	_ =	sdelay $0x1  }
0x902: {  	v32 =	vpop (erf)  }
0x903: {  	v21 =	vpop (erf)  }
0x904: {  	v22 =	vpop (erf)  }
0x905: {  	v0 =	vsub.f32 $0.0e+00, v29;
	v36 =	vpop (erf)  }
0x906: {  	v1 =	vadd.f32 $1.000000000e+00, v36  }
0x907: {  	v0 =	vmul.f32 $1.442695020e+00, v0  }
0x908: {  	(erf) = vrcp.f32 v1  }
0x909: {  	(erf) = vpow2.f32 v0;
	_ =	sdelay $0x3  }
0x90a: {  	v37 =	vld.idx.msk [tilespmem:v12+s5+$0x1690 ss:$0x1], $0xffff;
	_ =	sdelay $0x3  }
0x90b: {  	v13 =	vpop (erf)  }
0x90c: {  	v0 =	vsub.f32 $0.0e+00, v37;
	v38 =	vpop (erf)  }
0x90d: {  	v1 =	vadd.f32 $1.000000000e+00, v38  }
0x90e: {  	v0 =	vmul.f32 $1.442695020e+00, v0  }
0x90f: {  	(erf) = vrcp.f32 v1  }
0x910: {  	(erf) = vpow2.f32 v0;
	_ =	sdelay $0x4  }
0x911: {  	v39 =	vld.idx.msk [tilespmem:v12+s5+$0x2D20 ss:$0x1], $0xffff  }
0x912: {  	v40 =	vld.idx.msk [tilespmem:v12+s5+$0x5A40 ss:$0x1], $0xffff  }
0x913: {  	v41 =	vld.idx.msk [tilespmem:v12+s5+$0x43B0 ss:$0x1], $0xffff  }
0x914: {  	v24 =	vpop (erf)  }
0x915: {  	v3 =	vpop (erf)  }
0x916: {  	v3 =	vadd.f32 $1.000000000e+00, v3  }
0x917: {  	v1 =	vsub.f32 $0.0e+00, v40;
	v0 =	vmul.f32 $1.442695020e+00, v39  }
0x918: {  	v2 =	vmul.f32 $1.442695020e+00, v41;
	(erf) = vrcp.f32 v3  }
0x919: {  	v42 =	vmul.f32 $1.442695020e+00, v1;
	(erf) = vpow2.f32 v0  }
0x91a: {  	(erf) = vpow2.f32 v2  }
0x91b: {  	(erf) = vpow2.f32 v42;
	_ =	sdelay $0x2  }
0x91c: {  	s7 =	sor.u32 $0x20, s30  }
0x91d: {  	v43 =	vld.idx.msk [tilespmem:v12+s7+$0x0 ss:$0x1], $0xffff;
	_ =	sdelay $0x1  }
0x91e: {  	v33 =	vpop (erf)  }
0x91f: {  	v19 =	vpop (erf)  }
0x920: {  	v20 =	vpop (erf)  }
0x921: {  	v0 =	vsub.f32 $0.0e+00, v43;
	v44 =	vpop (erf)  }
0x922: {  	v1 =	vadd.f32 $1.000000000e+00, v44  }
0x923: {  	v0 =	vmul.f32 $1.442695020e+00, v0  }
0x924: {  	(erf) = vrcp.f32 v1  }
0x925: {  	(erf) = vpow2.f32 v0;
	_ =	sdelay $0x3  }
0x926: {  	v45 =	vld.idx.msk [tilespmem:v12+s7+$0x1690 ss:$0x1], $0xffff;
	_ =	sdelay $0x3  }
0x927: {  	v14 =	vpop (erf)  }
0x928: {  	v0 =	vsub.f32 $0.0e+00, v45;
	v46 =	vpop (erf)  }
0x929: {  	v1 =	vadd.f32 $1.000000000e+00, v46  }
0x92a: {  	v0 =	vmul.f32 $1.442695020e+00, v0  }
0x92b: {  	(erf) = vrcp.f32 v1  }
0x92c: {  	(erf) = vpow2.f32 v0;
	_ =	sdelay $0x4  }
0x92d: {  	v47 =	vld.idx.msk [tilespmem:v12+s7+$0x2D20 ss:$0x1], $0xffff  }
0x92e: {  	v48 =	vld.idx.msk [tilespmem:v12+s7+$0x5A40 ss:$0x1], $0xffff  }
0x92f: {  	v49 =	vld.idx.msk [tilespmem:v12+s7+$0x43B0 ss:$0x1], $0xffff  }
0x930: {  	v30 =	vpop (erf)  }
0x931: {  	v3 =	vpop (erf)  }
0x932: {  	v3 =	vadd.f32 $1.000000000e+00, v3  }
0x933: {  	v1 =	vsub.f32 $0.0e+00, v48;
	v0 =	vmul.f32 $1.442695020e+00, v47  }
0x934: {  	v2 =	vmul.f32 $1.442695020e+00, v49;
	(erf) = vrcp.f32 v3  }
0x935: {  	v50 =	vmul.f32 $1.442695020e+00, v1;
	(erf) = vpow2.f32 v0  }
0x936: {  	(erf) = vpow2.f32 v2  }
0x937: {  	(erf) = vpow2.f32 v50;
	_ =	sdelay $0x2  }
0x938: {  	s11 =	sor.u32 $0x30, s30  }
0x939: {  	v51 =	vld.idx.msk [tilespmem:v12+s11+$0x0 ss:$0x1], $0xffff;
	_ =	sdelay $0x1  }
0x93a: {  	v39 =	vpop (erf)  }
0x93b: {  	v31 =	vpop (erf)  }
0x93c: {  	v27 =	vpop (erf)  }
0x93d: {  	v0 =	vsub.f32 $0.0e+00, v51;
	v52 =	vpop (erf)  }
0x93e: {  	v1 =	vadd.f32 $1.000000000e+00, v52  }
0x93f: {  	v0 =	vmul.f32 $1.442695020e+00, v0  }
0x940: {  	(erf) = vrcp.f32 v1  }
0x941: {  	(erf) = vpow2.f32 v0;
	_ =	sdelay $0x3  }
0x942: {  	v53 =	vld.idx.msk [tilespmem:v12+s11+$0x1690 ss:$0x1], $0xffff;
	_ =	sdelay $0x3  }
0x943: {  	v15 =	vpop (erf)  }
0x944: {  	v0 =	vsub.f32 $0.0e+00, v53;
	v54 =	vpop (erf)  }
0x945: {  	v1 =	vadd.f32 $1.000000000e+00, v54  }
0x946: {  	v0 =	vmul.f32 $1.442695020e+00, v0  }
0x947: {  	(erf) = vrcp.f32 v1  }
0x948: {  	(erf) = vpow2.f32 v0;
	_ =	sdelay $0x4  }
0x949: {  	v55 =	vld.idx.msk [tilespmem:v12+s11+$0x2D20 ss:$0x1], $0xffff  }
0x94a: {  	v56 =	vld.idx.msk [tilespmem:v12+s11+$0x5A40 ss:$0x1], $0xffff  }
0x94b: {  	v57 =	vld.idx.msk [tilespmem:v12+s11+$0x43B0 ss:$0x1], $0xffff  }
0x94c: {  	v28 =	vpop (erf)  }
0x94d: {  	v3 =	vpop (erf)  }
0x94e: {  	v3 =	vadd.f32 $1.000000000e+00, v3  }
0x94f: {  	v1 =	vsub.f32 $0.0e+00, v56;
	v0 =	vmul.f32 $1.442695020e+00, v55  }
0x950: {  	v2 =	vmul.f32 $1.442695020e+00, v57;
	(erf) = vrcp.f32 v3  }
0x951: {  	v58 =	vmul.f32 $1.442695020e+00, v1;
	(erf) = vpow2.f32 v0  }
0x952: {  	(erf) = vpow2.f32 v2  }
0x953: {  	(erf) = vpow2.f32 v58;
	_ =	sdelay $0x2  }
0x954: {  	s13 =	sor.u32 $0x40, s30  }
0x955: {  	v59 =	vld.idx.msk [tilespmem:v12+s13+$0x0 ss:$0x1], $0xffff;
	_ =	sdelay $0x1  }
0x956: {  	v37 =	vpop (erf)  }
0x957: {  	v26 =	vpop (erf)  }
0x958: {  	v25 =	vpop (erf)  }
0x959: {  	v0 =	vsub.f32 $0.0e+00, v59;
	v60 =	vpop (erf)  }
0x95a: {  	v1 =	vadd.f32 $1.000000000e+00, v60  }
0x95b: {  	v0 =	vmul.f32 $1.442695020e+00, v0  }
0x95c: {  	(erf) = vrcp.f32 v1  }
0x95d: {  	(erf) = vpow2.f32 v0;
	_ =	sdelay $0x3  }
0x95e: {  	v61 =	vld.idx.msk [tilespmem:v12+s13+$0x1690 ss:$0x1], $0xffff;
	_ =	sdelay $0x3  }
0x95f: {  	v16 =	vpop (erf)  }
0x960: {  	v0 =	vsub.f32 $0.0e+00, v61;
	v62 =	vpop (erf)  }
0x961: {  	v1 =	vadd.f32 $1.000000000e+00, v62  }
0x962: {  	v0 =	vmul.f32 $1.442695020e+00, v0  }
0x963: {  	(erf) = vrcp.f32 v1  }
0x964: {  	(erf) = vpow2.f32 v0;
	_ =	sdelay $0x1  }
0x965: {  	s16 =	sadd.s32 s28, s13  }
0x966: {  	s4 =	sadd.s32 $0x5A40, s16  }
0x967: {  	s1 =	sand.u32 $0xFF80, s4  }
0x968: {  	v17 =	vld.idx.msk [tilespmem:v12+s13+$0x2D20 ss:$0x1], $0xffff;
	s1 =	sor.u32 s1, s29  }
0x969: {  	v18 =	vld [tilespmem:s1+$0x0]  }
0x96a: {  	v29 =	vld.idx.msk [tilespmem:v12+s13+$0x43B0 ss:$0x1], $0xffff  }
0x96b: {  	v38 =	vpop (erf)  }
0x96c: {  	v3 =	vpop (erf)  }
0x96d: {  	v3 =	vadd.f32 $1.000000000e+00, v3  }
0x96e: {  	v1 =	vsub.f32 $0.0e+00, v18;
	v0 =	vmul.f32 $1.442695020e+00, v17  }
0x96f: {  	v2 =	vmul.f32 $1.442695020e+00, v29;
	(erf) = vrcp.f32 v3  }
0x970: {  	v34 =	vmul.f32 $1.442695020e+00, v1;
	(erf) = vpow2.f32 v0  }
0x971: {  	(erf) = vpow2.f32 v2  }
0x972: {  	(erf) = vpow2.f32 v34;
	_ =	sdelay $0x2  }
0x973: {  	s31 =	sor.u32 $0x50, s30  }
0x974: {  	v35 =	vld.idx.msk [tilespmem:v12+s31+$0x0 ss:$0x1], $0xffff;
	_ =	sdelay $0x1  }
0x975: {  	v40 =	vpop (erf)  }
0x976: {  	v36 =	vpop (erf)  }
0x977: {  	v29 =	vpop (erf)  }
0x978: {  	v0 =	vsub.f32 $0.0e+00, v35;
	v43 =	vpop (erf)  }
0x979: {  	v1 =	vadd.f32 $1.000000000e+00, v43  }
0x97a: {  	v0 =	vmul.f32 $1.442695020e+00, v0  }
0x97b: {  	(erf) = vrcp.f32 v1  }
0x97c: {  	(erf) = vpow2.f32 v0;
	_ =	sdelay $0x3  }
0x97d: {  	v44 =	vld.idx.msk [tilespmem:v12+s31+$0x1690 ss:$0x1], $0xffff;
	_ =	sdelay $0x3  }
0x97e: {  	v17 =	vpop (erf)  }
0x97f: {  	v0 =	vsub.f32 $0.0e+00, v44;
	v45 =	vpop (erf)  }
0x980: {  	v1 =	vadd.f32 $1.000000000e+00, v45  }
0x981: {  	v0 =	vmul.f32 $1.442695020e+00, v0  }
0x982: {  	(erf) = vrcp.f32 v1  }
0x983: {  	(erf) = vpow2.f32 v0;
	_ =	sdelay $0x1  }
0x984: {  	s4 =	sadd.s32 s28, s31  }
0x985: {  	s9 =	sadd.s32 $0x5A40, s4  }
0x986: {  	s1 =	sand.u32 $0xFF80, s9;
	s9 =	sand.u32 $0x30, s4  }
0x987: {  	s1 =	sor.u32 s9, s1;
	v46 =	vld.idx.msk [tilespmem:v12+s31+$0x2D20 ss:$0x1], $0xffff  }
0x988: {  	v47 =	vld [tilespmem:s1+$0x0]  }
0x989: {  	v48 =	vld.idx.msk [tilespmem:v12+s31+$0x43B0 ss:$0x1], $0xffff  }
0x98a: {  	v42 =	vpop (erf)  }
0x98b: {  	v3 =	vpop (erf)  }
0x98c: {  	v3 =	vadd.f32 $1.000000000e+00, v3  }
0x98d: {  	v1 =	vsub.f32 $0.0e+00, v47;
	v0 =	vmul.f32 $1.442695020e+00, v46  }
0x98e: {  	v2 =	vmul.f32 $1.442695020e+00, v48;
	(erf) = vrcp.f32 v3  }
0x98f: {  	v49 =	vmul.f32 $1.442695020e+00, v1;
	(erf) = vpow2.f32 v0  }
0x990: {  	(erf) = vpow2.f32 v2  }
0x991: {  	(erf) = vpow2.f32 v49;
	_ =	sdelay $0x2  }
0x992: {  	s1 =	sor.u32 $0x60, s30  }
0x993: {  	v50 =	vld.idx.msk [tilespmem:v12+s1+$0x0 ss:$0x1], $0xffff;
	_ =	sdelay $0x1  }
0x994: {  	v43 =	vpop (erf)  }
0x995: {  	v34 =	vpop (erf)  }
0x996: {  	v35 =	vpop (erf)  }
0x997: {  	v0 =	vsub.f32 $0.0e+00, v50;
	v51 =	vpop (erf)  }
0x998: {  	v1 =	vadd.f32 $1.000000000e+00, v51  }
0x999: {  	v0 =	vmul.f32 $1.442695020e+00, v0  }
0x99a: {  	(erf) = vrcp.f32 v1  }
0x99b: {  	(erf) = vpow2.f32 v0;
	_ =	sdelay $0x3  }
0x99c: {  	v52 =	vld.idx.msk [tilespmem:v12+s1+$0x1690 ss:$0x1], $0xffff;
	_ =	sdelay $0x3  }
0x99d: {  	v18 =	vpop (erf)  }
0x99e: {  	v0 =	vsub.f32 $0.0e+00, v52;
	v53 =	vpop (erf)  }
0x99f: {  	v1 =	vadd.f32 $1.000000000e+00, v53  }
0x9a0: {  	v0 =	vmul.f32 $1.442695020e+00, v0  }
0x9a1: {  	(erf) = vrcp.f32 v1  }
0x9a2: {  	s9 =	sadd.s32 s28, s1;
	(erf) = vpow2.f32 v0  }
0x9a3: {  	s17 =	sadd.s32 $0x2D20, s9  }
0x9a4: {  	s18 =	sadd.s32 $0x5A40, s9;
	s17 =	sand.u32 $0x7F80, s17  }
0x9a5: {  	v20 =	vmul.f32 v20, v63;
	v31 =	vmul.f32 v31, v7;
	v54 =	vmov s0;
	s0 =	sor.u32 s17, s29;
	s17 =	sand.u32 $0xFF80, s18;
	s18 =	sand.u32 $0x30, s9;
	v44 =	vld.idx.msk [tilespmem:v12+s1+$0x43B0 ss:$0x1], $0xffff  }
0x9a6: {  	v27 =	vmul.f32 v27, v63;
	s17 =	sor.u32 s18, s17;
	v26 =	vmul.f32 v26, v7  }
0x9a7: {  	s18 =	sadd.s32 s28, s5;
	v56 =	vld [tilespmem:s17+$0x0];
	v25 =	vmul.f32 v25, v63;
	v48 =	vmov s5;
	s5 =	sadd.s32 s28, s7;
	v0 =	vbroadcast v54, $0x0  }
0x9a8: {  	v55 =	vld [tilespmem:s0+$0x0];
	v61 =	vmov s30;
	v57 =	vmov s5;
	v48 =	vshll.u32 v48, $0x7  }
0x9a9: {  	v48 =	vor.u32 v11, v48;
	v36 =	vmul.f32 v36, v7;
	v0 =	vor.u32 v8, v0  }
0x9aa: {  	v44 =	vmul.f32 $1.442695020e+00, v44;
	v46 =	vmov s18;
	v3 =	vshrl.u32 v0, $0x2;
	v41 =	vpop (erf)  }
0x9ab: {  	v59 =	vbroadcast v46, $0x0;
	v46 =	vmov s11;
	v3 =	vmulhi.u32 $0x1AF286BD, v3;
	v45 =	vpop (erf)  }
0x9ac: {  	s17 =	sor.u32 $0x70, s30;
	v50 =	vmov s4;
	v2 =	vsub.f32 $0.0e+00, v56;
	v45 =	vadd.f32 $1.000000000e+00, v45  }
0x9ad: {  	v50 =	vbroadcast v50, $0x0;
	v51 =	vld.idx.msk [tilespmem:v12+s17+$0x0 ss:$0x1], $0xffff;
	v1 =	vmul.f32 $1.442695020e+00, v55;
	v3 =	vshrl.u32 v3, $0x1  }
0x9ae: {  	v49 =	vmov s16;
	v47 =	vmul.u32 $0xFFFFFFB4, v3;
	(erf) = vrcp.f32 v45  }
0x9af: {  	v58 =	vmul.f32 $1.442695020e+00, v2;
	v2 =	vor.u32 v8, v59;
	(erf) = vpow2.f32 v1  }
0x9b0: {  	v49 =	vbroadcast v49, $0x0;
	v0 =	vadd.s32 v0, v47;
	(erf) = vpow2.f32 v44  }
0x9b1: {  	v50 =	vor.u32 v8, v50;
	v0 =	vcvt.s32.f32 v0;
	(erf) = vpow2.f32 v58  }
0x9b2: {  	v60 =	vshrl.u32 v2, $0x2;
	v51 =	vsub.f32 $0.0e+00, v51;
	v3 =	vcvt.s32.f32 v3  }
0x9b3: {  	v49 =	vor.u32 v8, v49;
	v0 =	vadd.f32 v0, v23;
	v23 =	vmulhi.u32 $0x1AF286BD, v60  }
0x9b4: {  	v59 =	vmul.f32 $1.442695020e+00, v51;
	v55 =	vmul.f32 v22, v63;
	v3 =	vadd.f32 v3, v32  }
0x9b5: {  	v54 =	vmul.f32 v21, v7;
	v32 =	vmov s13;
	v47 =	vshll.u32 v61, $0x7  }
0x9b6: {  	v47 =	vor.u32 v11, v47;
	v3 =	vmul.f32 $8.000000000e+00, v3;
	v45 =	vbroadcast v57, $0x0  }
0x9b7: {  	v56 =	vor.u32 $0x1, v47;
	v44 =	vmov s7;
	v52 =	vshrl.u32 v23, $0x1;
	v23 =	vpop (erf)  }
0x9b8: {  	s7 =	sadd.s32 s28, s11;
	v0 =	vmul.f32 $8.000000000e+00, v0;
	v45 =	vor.u32 v8, v45;
	v53 =	vmul.u32 $0xFFFFFFB4, v52;
	v21 =	vpop (erf)  }
0x9b9: {  	v1 =	vmov s7;
	v62 =	vshrl.u32 v45, $0x2;
	v52 =	vcvt.s32.f32 v52;
	v22 =	vpop (erf)  }
0x9ba: {  	v58 =	vor.u32 $0x2, v47;
	v2 =	vadd.s32 v2, v53;
	v53 =	vmulhi.u32 $0x1AF286BD, v62;
	v57 =	vpop (erf)  }
0x9bb: {  	v44 =	vshll.u32 v44, $0x7;
	v1 =	vbroadcast v1, $0x0;
	v57 =	vadd.f32 $1.000000000e+00, v57  }
0x9bc: {  	[tilespmem:v47+s19+$0x0] =	vst.idx.msk $0xffff, v0;
	v0 =	vor.u32 v11, v44;
	v2 =	vcvt.s32.f32 v2;
	v60 =	vshrl.u32 v53, $0x1  }
0x9bd: {  	v1 =	vor.u32 v8, v1;
	v61 =	vmul.u32 $0xFFFFFFB4, v60;
	(erf) = vrcp.f32 v57  }
0x9be: {  	v33 =	vadd.f32 v52, v33;
	v62 =	vshrl.u32 v1, $0x2;
	(erf) = vpow2.f32 v59  }
0x9bf: {  	v2 =	vadd.f32 v2, v24;
	v51 =	vcvt.s32.f32 v60;
	v45 =	vadd.s32 v45, v61  }
0x9c0: {  	v24 =	vor.u32 $0x3, v47;
	v52 =	vmulhi.u32 $0x1AF286BD, v62;
	v45 =	vcvt.s32.f32 v45  }
0x9c1: {  	[tilespmem:v56+s19+$0x0] =	vst.idx.msk $0xffff, v3;
	v56 =	vor.u32 $0x3, v0;
	v53 =	vor.u32 $0x4, v47;
	v59 =	vmul.f32 v19, v7  }
0x9c2: {  	v57 =	vld.idx.msk [tilespmem:v12+s17+$0x1690 ss:$0x1], $0xffff;
	v19 =	vadd.f32 v45, v30;
	v30 =	vadd.f32 v51, v39;
	v39 =	vshrl.u32 v52, $0x1  }
0x9c3: {  	v33 =	vmul.f32 $8.000000000e+00, v33;
	v60 =	vor.u32 $0x1, v48;
	v52 =	vmul.u32 $0xFFFFFFB4, v39  }
0x9c4: {  	[tilespmem:v58+s19+$0x0] =	vst.idx.msk $0xffff, v54;
	v2 =	vmul.f32 $8.000000000e+00, v2;
	v61 =	vor.u32 $0x4, v48;
	v45 =	vor.u32 $0x2, v48  }
0x9c5: {  	[tilespmem:v24+s19+$0x0] =	vst.idx.msk $0xffff, v55;
	v55 =	vor.u32 $0x2, v0;
	v51 =	vor.u32 $0x3, v48;
	v39 =	vcvt.s32.f32 v39  }
0x9c6: {  	[tilespmem:v53+s19+$0x0] =	vst.idx.msk $0xffff, v13;
	v53 =	vmul.f32 v29, v63;
	v62 =	vmul.f32 $8.000000000e+00, v19;
	v1 =	vadd.s32 v1, v52;
	v19 =	vpop (erf)  }
0x9c7: {  	[tilespmem:v48+s19+$0x0] =	vst.idx.msk $0xffff, v2;
	v37 =	vadd.f32 v39, v37;
	v57 =	vsub.f32 $0.0e+00, v57;
	v1 =	vcvt.s32.f32 v1;
	v52 =	vpop (erf)  }
0x9c8: {  	[tilespmem:v60+s19+$0x0] =	vst.idx.msk $0xffff, v33;
	v30 =	vmul.f32 $8.000000000e+00, v30;
	v39 =	vor.u32 $0x4, v0;
	v52 =	vadd.f32 $1.000000000e+00, v52  }
0x9c9: {  	v2 =	vmul.f32 $8.000000000e+00, v37;
	[tilespmem:v45+s19+$0x0] =	vst.idx.msk $0xffff, v59;
	v57 =	vmul.f32 $1.442695020e+00, v57;
	v1 =	vadd.f32 v1, v28  }
0x9ca: {  	[tilespmem:v51+s19+$0x0] =	vst.idx.msk $0xffff, v20;
	v51 =	vshll.u32 v32, $0x7;
	(erf) = vrcp.f32 v52;
	v52 =	vshrl.u32 v49, $0x2  }
0x9cb: {  	v58 =	vld.idx.msk [tilespmem:v12+s17+$0x2D20 ss:$0x1], $0xffff;
	v52 =	vmulhi.u32 $0x1AF286BD, v52;
	(erf) = vpow2.f32 v57;
	v57 =	vshrl.u32 v50, $0x2  }
0x9cc: {  	v59 =	vld.idx.msk [tilespmem:v12+s17+$0x5A40 ss:$0x1], $0xffff;
	v32 =	vmov s31;
	v1 =	vmul.f32 $8.000000000e+00, v1;
	v57 =	vmulhi.u32 $0x1AF286BD, v57  }
0x9cd: {  	[tilespmem:v0+s19+$0x0] =	vst.idx.msk $0xffff, v62;
	v44 =	vshrl.u32 v52, $0x1;
	v52 =	vor.u32 $0x1, v0;
	v0 =	vshll.u32 v32, $0x7  }
0x9ce: {  	v3 =	vmul.u32 $0xFFFFFFB4, v44;
	v28 =	vshrl.u32 v57, $0x1;
	v57 =	vshll.u32 v46, $0x7  }
0x9cf: {  	[tilespmem:v61+s19+$0x0] =	vst.idx.msk $0xffff, v14;
	v61 =	vld.idx.msk [tilespmem:v12+s17+$0x43B0 ss:$0x1], $0xffff;
	v44 =	vcvt.s32.f32 v44;
	v0 =	vor.u32 v11, v0;
	v54 =	vmul.u32 $0xFFFFFFB4, v28  }
0x9d0: {  	v33 =	vor.u32 v11, v57;
	v28 =	vcvt.s32.f32 v28;
	v57 =	vmul.f32 $1.442695020e+00, v58  }
0x9d1: {  	v58 =	vsub.f32 $0.0e+00, v59;
	v3 =	vadd.s32 v49, v3;
	v37 =	vor.u32 $0x1, v33  }
0x9d2: {  	v20 =	vor.u32 $0x2, v33;
	v46 =	vor.u32 $0x3, v33;
	v40 =	vadd.f32 v44, v40  }
0x9d3: {  	v13 =	vadd.s32 v50, v54;
	v3 =	vcvt.s32.f32 v3;
	v14 =	vadd.f32 v28, v43  }
0x9d4: {  	v50 =	vor.u32 $0x4, v33;
	v54 =	vor.u32 v11, v51;
	v28 =	vmul.f32 $1.442695020e+00, v61;
	v45 =	vpop (erf)  }
0x9d5: {  	v13 =	vcvt.s32.f32 v13;
	v40 =	vmul.f32 $8.000000000e+00, v40;
	[tilespmem:v52+s19+$0x0] =	vst.idx.msk $0xffff, v30;
	v52 =	vmov s9;
	v60 =	vpop (erf)  }
0x9d6: {  	v61 =	vor.u32 $0x3, v54;
	[tilespmem:v55+s19+$0x0] =	vst.idx.msk $0xffff, v31;
	v55 =	vbroadcast v52, $0x0;
	v48 =	vadd.f32 $1.000000000e+00, v60  }
0x9d7: {  	s18 =	sadd.s32 s28, s17;
	v62 =	vor.u32 $0x4, v54;
	v3 =	vadd.f32 v3, v38;
	v14 =	vmul.f32 $8.000000000e+00, v14;
	[tilespmem:v56+s19+$0x0] =	vst.idx.msk $0xffff, v27  }
0x9d8: {  	v31 =	vmov s18;
	[tilespmem:v33+s19+$0x0] =	vst.idx.msk $0xffff, v1;
	v30 =	vor.u32 v8, v55;
	(erf) = vrcp.f32 v48  }
0x9d9: {  	[tilespmem:v39+s19+$0x0] =	vst.idx.msk $0xffff, v15;
	v60 =	vmul.f32 $1.442695020e+00, v58;
	v59 =	vshrl.u32 v30, $0x2;
	(erf) = vpow2.f32 v57  }
0x9da: {  	v56 =	vor.u32 $0x1, v54;
	[tilespmem:v37+s19+$0x0] =	vst.idx.msk $0xffff, v2;
	v1 =	vmulhi.u32 $0x1AF286BD, v59;
	(erf) = vpow2.f32 v28  }
0x9db: {  	v3 =	vmul.f32 $8.000000000e+00, v3;
	v15 =	vor.u32 $0x2, v54;
	[tilespmem:v20+s19+$0x0] =	vst.idx.msk $0xffff, v26;
	(erf) = vpow2.f32 v60  }
0x9dc: {  	v13 =	vadd.f32 v13, v42;
	[tilespmem:v46+s19+$0x0] =	vst.idx.msk $0xffff, v25;
	v25 =	vbroadcast v31, $0x0;
	v1 =	vshrl.u32 v1, $0x1  }
0x9dd: {  	v38 =	vor.u32 $0x1, v0;
	v42 =	vor.u32 $0x3, v0;
	[tilespmem:v54+s19+$0x0] =	vst.idx.msk $0xffff, v3;
	v33 =	vmul.u32 $0xFFFFFFB4, v1  }
0x9de: {  	v37 =	vmul.f32 v35, v63;
	v13 =	vmul.f32 $8.000000000e+00, v13;
	[tilespmem:v50+s19+$0x0] =	vst.idx.msk $0xffff, v16;
	v25 =	vor.u32 v8, v25  }
0x9df: {  	[tilespmem:v56+s19+$0x0] =	vst.idx.msk $0xffff, v40;
	v39 =	vshrl.u32 v25, $0x2;
	v1 =	vcvt.s32.f32 v1;
	v16 =	vadd.s32 v30, v33  }
0x9e0: {  	[tilespmem:v15+s19+$0x0] =	vst.idx.msk $0xffff, v36;
	v15 =	vor.u32 $0x2, v0;
	v28 =	vmulhi.u32 $0x1AF286BD, v39;
	v16 =	vcvt.s32.f32 v16  }
0x9e1: {  	v46 =	vmov s1;
	v48 =	vor.u32 $0x4, v0;
	[tilespmem:v0+s19+$0x0] =	vst.idx.msk $0xffff, v13;
	v50 =	vadd.f32 v1, v23;
	v40 =	vpop (erf)  }
0x9e2: {  	[tilespmem:v38+s19+$0x0] =	vst.idx.msk $0xffff, v14;
	v49 =	vshrl.u32 v28, $0x1;
	v44 =	vadd.f32 v16, v41;
	v16 =	vshll.u32 v46, $0x7;
	v43 =	vpop (erf)  }
0x9e3: {  	v3 =	vmul.f32 v34, v7;
	[tilespmem:v61+s19+$0x0] =	vst.idx.msk $0xffff, v53;
	v13 =	vmul.u32 $0xFFFFFFB4, v49;
	v51 =	vor.u32 v11, v16;
	v47 =	vpop (erf)  }
0x9e4: {  	v53 =	vmov s17;
	[tilespmem:v62+s19+$0x0] =	vst.idx.msk $0xffff, v17;
	v0 =	vmul.f32 $8.000000000e+00, v50;
	v14 =	vor.u32 $0x1, v51;
	v52 =	vpop (erf)  }
0x9e5: {  	[tilespmem:v15+s19+$0x0] =	vst.idx.msk $0xffff, v3;
	v3 =	vadd.s32 v25, v13;
	v13 =	vor.u32 $0x2, v51;
	v16 =	vadd.f32 $1.000000000e+00, v52  }
0x9e6: {  	[tilespmem:v42+s19+$0x0] =	vst.idx.msk $0xffff, v37;
	v2 =	vmul.f32 $8.000000000e+00, v44;
	v15 =	vor.u32 $0x3, v51;
	v54 =	vor.u32 $0x4, v51  }
0x9e7: {  	[tilespmem:v48+s19+$0x0] =	vst.idx.msk $0xffff, v18;
	v3 =	vcvt.s32.f32 v3;
	(erf) = vrcp.f32 v16;
	v16 =	vshll.u32 v53, $0x7  }
0x9e8: {  	v55 =	vmul.f32 v21, v7;
	v56 =	vcvt.s32.f32 v49;
	[tilespmem:v51+s19+$0x0] =	vst.idx.msk $0xffff, v2;
	v16 =	vor.u32 v11, v16  }
0x9e9: {  	v57 =	vmul.f32 v22, v63;
	v3 =	vadd.f32 v3, v45;
	[tilespmem:v14+s19+$0x0] =	vst.idx.msk $0xffff, v0;
	v14 =	vor.u32 $0x1, v16  }
0x9ea: {  	v58 =	vadd.f32 v56, v40;
	[tilespmem:v13+s19+$0x0] =	vst.idx.msk $0xffff, v55;
	v59 =	vor.u32 $0x2, v16  }
0x9eb: {  	v60 =	vmul.f32 $8.000000000e+00, v3;
	[tilespmem:v15+s19+$0x0] =	vst.idx.msk $0xffff, v57;
	v3 =	vor.u32 $0x3, v16  }
0x9ec: {  	p1 =	por p0, p0;
	v1 =	vmul.f32 $8.000000000e+00, v58;
	v13 =	vor.u32 $0x4, v16;
	[tilespmem:v54+s19+$0x0] =	vst.idx.msk $0xffff, v19  }
.Ltmp12:
0x9ed: {  	v61 =	vmul.f32 v43, v7;
	[tilespmem:v16+s19+$0x0] =	vst.idx.msk $0xffff, v60;
	(pc) =	sbr.rel @p1 .LBB2_27-.Ltmp12, $4  }
0x9ee: {  	v15 =	vmul.f32 v47, v63;
	[tilespmem:v14+s19+$0x0] =	vst.idx.msk $0xffff, v1  }
0x9ef: {  	[tilespmem:v59+s19+$0x0] =	vst.idx.msk $0xffff, v61  }
0x9f0: {  	v62 =	vpop (erf);
	[tilespmem:v3+s19+$0x0] =	vst.idx.msk $0xffff, v15  }
0x9f1: {  	p0 =	por $0x0, $0x0;
	s30 =	simm.s32 $0x80;
	[tilespmem:v13+s19+$0x0] =	vst.idx.msk $0xffff, v62  }
0x9f2: {  	s0 =	sadd.s32 s14, s28  }
0x9f3: {  	s0 =	sshll.u32 s0, $0x4  }
0x9f4: {  	s29 =	simm.s32 $0x0;
	s0 =	sadd.s32 s3, s0  }
0x9f5: {  	[hbm4b:s0+s29] =	stream.linear.scatter [tilespmem:s19], [sflag:$0x3], $0x8000, $0x38;
	[tilespmem:$0x1E200] =	vst v63  }
0x9f6: {  	s31 =	sor.u32 $0x100, s26;
	_ =	swait.ge [sflag:s23], $0x8000  }
0x9f7: {  	s26 =	smin.u32 s31, $0x1590;
	[sflag:s23] =	ssyncset.done $0x0  }
0x9f8: {  	p0 =	por $0x1, $0x1;
	s28 =	sand.u32 $0x10, s26;
	v12 =	vmov s26;
	[sflag:s23] =	ssyncadd.s32 $0xFFFF8000  }
.LBB2_29:
0x9f9: {  	s0 =	sadd.s32 s26, s29  }
0x9fa: {  	s1 =	sand.u32 $0x3F80, s0  }
0x9fb: {  	s1 =	sor.u32 s1, s28  }
0x9fc: {  	v0 =	vld [tilespmem:s1+$0x0];
	_ =	sdelay $0x4  }
0x9fd: {  	v0 =	vsub.f32 $0.0e+00, v0;
	_ =	sdelay $0x1  }
0x9fe: {  	v0 =	vmul.f32 $1.442695020e+00, v0;
	_ =	sdelay $0x1  }
0x9ff: {  	(erf) = vpow2.f32 v0;
	_ =	sdelay $0x3  }
0xa00: {  	v25 =	vld.idx.msk [tilespmem:v12+s29+$0x1690 ss:$0x1], $0xffff;
	_ =	sdelay $0x4  }
0xa01: {  	v0 =	vsub.f32 $0.0e+00, v25;
	v1 =	vpop (erf)  }
0xa02: {  	v1 =	vadd.f32 $1.000000000e+00, v1  }
0xa03: {  	v0 =	vmul.f32 $1.442695020e+00, v0  }
0xa04: {  	(erf) = vrcp.f32 v1  }
0xa05: {  	(erf) = vpow2.f32 v0;
	_ =	sdelay $0x4  }
0xa06: {  	v26 =	vld.idx.msk [tilespmem:v12+s29+$0x2D20 ss:$0x1], $0xffff  }
0xa07: {  	v27 =	vld.idx.msk [tilespmem:v12+s29+$0x5A40 ss:$0x1], $0xffff  }
0xa08: {  	v2 =	vld.idx.msk [tilespmem:v12+s29+$0x43B0 ss:$0x1], $0xffff  }
0xa09: {  	v23 =	vpop (erf)  }
0xa0a: {  	v3 =	vpop (erf)  }
0xa0b: {  	v3 =	vadd.f32 $1.000000000e+00, v3  }
0xa0c: {  	v1 =	vsub.f32 $0.0e+00, v27;
	v0 =	vmul.f32 $1.442695020e+00, v26  }
0xa0d: {  	v2 =	vmul.f32 $1.442695020e+00, v2;
	(erf) = vrcp.f32 v3  }
0xa0e: {  	v28 =	vmul.f32 $1.442695020e+00, v1;
	(erf) = vpow2.f32 v0  }
0xa0f: {  	(erf) = vpow2.f32 v2  }
0xa10: {  	(erf) = vpow2.f32 v28;
	_ =	sdelay $0x2  }
0xa11: {  	s5 =	sor.u32 $0x10, s29  }
0xa12: {  	v29 =	vld.idx.msk [tilespmem:v12+s5+$0x0 ss:$0x1], $0xffff;
	_ =	sdelay $0x1  }
0xa13: {  	v32 =	vpop (erf)  }
0xa14: {  	v21 =	vpop (erf)  }
0xa15: {  	v22 =	vpop (erf)  }
0xa16: {  	v0 =	vsub.f32 $0.0e+00, v29;
	v36 =	vpop (erf)  }
0xa17: {  	v1 =	vadd.f32 $1.000000000e+00, v36  }
0xa18: {  	v0 =	vmul.f32 $1.442695020e+00, v0  }
0xa19: {  	(erf) = vrcp.f32 v1  }
0xa1a: {  	(erf) = vpow2.f32 v0;
	_ =	sdelay $0x3  }
0xa1b: {  	v37 =	vld.idx.msk [tilespmem:v12+s5+$0x1690 ss:$0x1], $0xffff;
	_ =	sdelay $0x3  }
0xa1c: {  	v13 =	vpop (erf)  }
0xa1d: {  	v0 =	vsub.f32 $0.0e+00, v37;
	v38 =	vpop (erf)  }
0xa1e: {  	v1 =	vadd.f32 $1.000000000e+00, v38  }
0xa1f: {  	v0 =	vmul.f32 $1.442695020e+00, v0  }
0xa20: {  	(erf) = vrcp.f32 v1  }
0xa21: {  	(erf) = vpow2.f32 v0;
	_ =	sdelay $0x4  }
0xa22: {  	v39 =	vld.idx.msk [tilespmem:v12+s5+$0x2D20 ss:$0x1], $0xffff  }
0xa23: {  	v40 =	vld.idx.msk [tilespmem:v12+s5+$0x5A40 ss:$0x1], $0xffff  }
0xa24: {  	v41 =	vld.idx.msk [tilespmem:v12+s5+$0x43B0 ss:$0x1], $0xffff  }
0xa25: {  	v24 =	vpop (erf)  }
0xa26: {  	v3 =	vpop (erf)  }
0xa27: {  	v3 =	vadd.f32 $1.000000000e+00, v3  }
0xa28: {  	v1 =	vsub.f32 $0.0e+00, v40;
	v0 =	vmul.f32 $1.442695020e+00, v39  }
0xa29: {  	v2 =	vmul.f32 $1.442695020e+00, v41;
	(erf) = vrcp.f32 v3  }
0xa2a: {  	v42 =	vmul.f32 $1.442695020e+00, v1;
	(erf) = vpow2.f32 v0  }
0xa2b: {  	(erf) = vpow2.f32 v2  }
0xa2c: {  	(erf) = vpow2.f32 v42;
	_ =	sdelay $0x2  }
0xa2d: {  	s7 =	sor.u32 $0x20, s29  }
0xa2e: {  	v43 =	vld.idx.msk [tilespmem:v12+s7+$0x0 ss:$0x1], $0xffff;
	_ =	sdelay $0x1  }
0xa2f: {  	v33 =	vpop (erf)  }
0xa30: {  	v19 =	vpop (erf)  }
0xa31: {  	v20 =	vpop (erf)  }
0xa32: {  	v0 =	vsub.f32 $0.0e+00, v43;
	v44 =	vpop (erf)  }
0xa33: {  	v1 =	vadd.f32 $1.000000000e+00, v44  }
0xa34: {  	v0 =	vmul.f32 $1.442695020e+00, v0  }
0xa35: {  	(erf) = vrcp.f32 v1  }
0xa36: {  	(erf) = vpow2.f32 v0;
	_ =	sdelay $0x3  }
0xa37: {  	v45 =	vld.idx.msk [tilespmem:v12+s7+$0x1690 ss:$0x1], $0xffff;
	_ =	sdelay $0x3  }
0xa38: {  	v14 =	vpop (erf)  }
0xa39: {  	v0 =	vsub.f32 $0.0e+00, v45;
	v46 =	vpop (erf)  }
0xa3a: {  	v1 =	vadd.f32 $1.000000000e+00, v46  }
0xa3b: {  	v0 =	vmul.f32 $1.442695020e+00, v0  }
0xa3c: {  	(erf) = vrcp.f32 v1  }
0xa3d: {  	(erf) = vpow2.f32 v0;
	_ =	sdelay $0x4  }
0xa3e: {  	v47 =	vld.idx.msk [tilespmem:v12+s7+$0x2D20 ss:$0x1], $0xffff  }
0xa3f: {  	v48 =	vld.idx.msk [tilespmem:v12+s7+$0x5A40 ss:$0x1], $0xffff  }
0xa40: {  	v49 =	vld.idx.msk [tilespmem:v12+s7+$0x43B0 ss:$0x1], $0xffff  }
0xa41: {  	v30 =	vpop (erf)  }
0xa42: {  	v3 =	vpop (erf)  }
0xa43: {  	v3 =	vadd.f32 $1.000000000e+00, v3  }
0xa44: {  	v1 =	vsub.f32 $0.0e+00, v48;
	v0 =	vmul.f32 $1.442695020e+00, v47  }
0xa45: {  	v2 =	vmul.f32 $1.442695020e+00, v49;
	(erf) = vrcp.f32 v3  }
0xa46: {  	v50 =	vmul.f32 $1.442695020e+00, v1;
	(erf) = vpow2.f32 v0  }
0xa47: {  	(erf) = vpow2.f32 v2  }
0xa48: {  	(erf) = vpow2.f32 v50;
	_ =	sdelay $0x2  }
0xa49: {  	s11 =	sor.u32 $0x30, s29  }
0xa4a: {  	v51 =	vld.idx.msk [tilespmem:v12+s11+$0x0 ss:$0x1], $0xffff;
	_ =	sdelay $0x1  }
0xa4b: {  	v39 =	vpop (erf)  }
0xa4c: {  	v31 =	vpop (erf)  }
0xa4d: {  	v27 =	vpop (erf)  }
0xa4e: {  	v0 =	vsub.f32 $0.0e+00, v51;
	v52 =	vpop (erf)  }
0xa4f: {  	v1 =	vadd.f32 $1.000000000e+00, v52  }
0xa50: {  	v0 =	vmul.f32 $1.442695020e+00, v0  }
0xa51: {  	(erf) = vrcp.f32 v1  }
0xa52: {  	(erf) = vpow2.f32 v0;
	_ =	sdelay $0x3  }
0xa53: {  	v53 =	vld.idx.msk [tilespmem:v12+s11+$0x1690 ss:$0x1], $0xffff;
	_ =	sdelay $0x3  }
0xa54: {  	v15 =	vpop (erf)  }
0xa55: {  	v0 =	vsub.f32 $0.0e+00, v53;
	v54 =	vpop (erf)  }
0xa56: {  	v1 =	vadd.f32 $1.000000000e+00, v54  }
0xa57: {  	v0 =	vmul.f32 $1.442695020e+00, v0  }
0xa58: {  	(erf) = vrcp.f32 v1  }
0xa59: {  	(erf) = vpow2.f32 v0;
	_ =	sdelay $0x4  }
0xa5a: {  	v55 =	vld.idx.msk [tilespmem:v12+s11+$0x2D20 ss:$0x1], $0xffff  }
0xa5b: {  	v56 =	vld.idx.msk [tilespmem:v12+s11+$0x5A40 ss:$0x1], $0xffff  }
0xa5c: {  	v57 =	vld.idx.msk [tilespmem:v12+s11+$0x43B0 ss:$0x1], $0xffff  }
0xa5d: {  	v28 =	vpop (erf)  }
0xa5e: {  	v3 =	vpop (erf)  }
0xa5f: {  	v3 =	vadd.f32 $1.000000000e+00, v3  }
0xa60: {  	v1 =	vsub.f32 $0.0e+00, v56;
	v0 =	vmul.f32 $1.442695020e+00, v55  }
0xa61: {  	v2 =	vmul.f32 $1.442695020e+00, v57;
	(erf) = vrcp.f32 v3  }
0xa62: {  	v58 =	vmul.f32 $1.442695020e+00, v1;
	(erf) = vpow2.f32 v0  }
0xa63: {  	(erf) = vpow2.f32 v2  }
0xa64: {  	(erf) = vpow2.f32 v58;
	_ =	sdelay $0x2  }
0xa65: {  	s13 =	sor.u32 $0x40, s29  }
0xa66: {  	v59 =	vld.idx.msk [tilespmem:v12+s13+$0x0 ss:$0x1], $0xffff;
	_ =	sdelay $0x1  }
0xa67: {  	v37 =	vpop (erf)  }
0xa68: {  	v26 =	vpop (erf)  }
0xa69: {  	v25 =	vpop (erf)  }
0xa6a: {  	v0 =	vsub.f32 $0.0e+00, v59;
	v60 =	vpop (erf)  }
0xa6b: {  	v1 =	vadd.f32 $1.000000000e+00, v60  }
0xa6c: {  	v0 =	vmul.f32 $1.442695020e+00, v0  }
0xa6d: {  	(erf) = vrcp.f32 v1  }
0xa6e: {  	(erf) = vpow2.f32 v0;
	_ =	sdelay $0x3  }
0xa6f: {  	v61 =	vld.idx.msk [tilespmem:v12+s13+$0x1690 ss:$0x1], $0xffff;
	_ =	sdelay $0x3  }
0xa70: {  	v16 =	vpop (erf)  }
0xa71: {  	v0 =	vsub.f32 $0.0e+00, v61;
	v62 =	vpop (erf)  }
0xa72: {  	v1 =	vadd.f32 $1.000000000e+00, v62  }
0xa73: {  	v0 =	vmul.f32 $1.442695020e+00, v0  }
0xa74: {  	(erf) = vrcp.f32 v1  }
0xa75: {  	(erf) = vpow2.f32 v0;
	_ =	sdelay $0x1  }
0xa76: {  	s16 =	sadd.s32 s26, s13  }
0xa77: {  	s9 =	sadd.s32 $0x5A40, s16  }
0xa78: {  	s1 =	sand.u32 $0xFF80, s9  }
0xa79: {  	v17 =	vld.idx.msk [tilespmem:v12+s13+$0x2D20 ss:$0x1], $0xffff;
	s1 =	sor.u32 s1, s28  }
0xa7a: {  	v18 =	vld [tilespmem:s1+$0x0]  }
0xa7b: {  	v29 =	vld.idx.msk [tilespmem:v12+s13+$0x43B0 ss:$0x1], $0xffff  }
0xa7c: {  	v38 =	vpop (erf)  }
0xa7d: {  	v3 =	vpop (erf)  }
0xa7e: {  	v3 =	vadd.f32 $1.000000000e+00, v3  }
0xa7f: {  	v1 =	vsub.f32 $0.0e+00, v18;
	v0 =	vmul.f32 $1.442695020e+00, v17  }
0xa80: {  	v2 =	vmul.f32 $1.442695020e+00, v29;
	(erf) = vrcp.f32 v3  }
0xa81: {  	v34 =	vmul.f32 $1.442695020e+00, v1;
	(erf) = vpow2.f32 v0  }
0xa82: {  	(erf) = vpow2.f32 v2  }
0xa83: {  	(erf) = vpow2.f32 v34;
	_ =	sdelay $0x2  }
0xa84: {  	s30 =	sor.u32 $0x50, s29  }
0xa85: {  	v35 =	vld.idx.msk [tilespmem:v12+s30+$0x0 ss:$0x1], $0xffff;
	_ =	sdelay $0x1  }
0xa86: {  	v40 =	vpop (erf)  }
0xa87: {  	v36 =	vpop (erf)  }
0xa88: {  	v29 =	vpop (erf)  }
0xa89: {  	v0 =	vsub.f32 $0.0e+00, v35;
	v43 =	vpop (erf)  }
0xa8a: {  	v1 =	vadd.f32 $1.000000000e+00, v43  }
0xa8b: {  	v0 =	vmul.f32 $1.442695020e+00, v0  }
0xa8c: {  	(erf) = vrcp.f32 v1  }
0xa8d: {  	(erf) = vpow2.f32 v0;
	_ =	sdelay $0x3  }
0xa8e: {  	v44 =	vld.idx.msk [tilespmem:v12+s30+$0x1690 ss:$0x1], $0xffff;
	_ =	sdelay $0x3  }
0xa8f: {  	v17 =	vpop (erf)  }
0xa90: {  	v0 =	vsub.f32 $0.0e+00, v44;
	v45 =	vpop (erf)  }
0xa91: {  	v1 =	vadd.f32 $1.000000000e+00, v45  }
0xa92: {  	v0 =	vmul.f32 $1.442695020e+00, v0  }
0xa93: {  	(erf) = vrcp.f32 v1  }
0xa94: {  	(erf) = vpow2.f32 v0;
	_ =	sdelay $0x1  }
0xa95: {  	s4 =	sadd.s32 s26, s30  }
0xa96: {  	s17 =	sadd.s32 $0x5A40, s4  }
0xa97: {  	s9 =	sand.u32 $0x30, s4;
	s1 =	sand.u32 $0xFF80, s17  }
0xa98: {  	s1 =	sor.u32 s9, s1;
	v46 =	vld.idx.msk [tilespmem:v12+s30+$0x2D20 ss:$0x1], $0xffff  }
0xa99: {  	v47 =	vld [tilespmem:s1+$0x0]  }
0xa9a: {  	v48 =	vld.idx.msk [tilespmem:v12+s30+$0x43B0 ss:$0x1], $0xffff  }
0xa9b: {  	v42 =	vpop (erf)  }
0xa9c: {  	v3 =	vpop (erf)  }
0xa9d: {  	v3 =	vadd.f32 $1.000000000e+00, v3  }
0xa9e: {  	v1 =	vsub.f32 $0.0e+00, v47;
	v0 =	vmul.f32 $1.442695020e+00, v46  }
0xa9f: {  	v2 =	vmul.f32 $1.442695020e+00, v48;
	(erf) = vrcp.f32 v3  }
0xaa0: {  	v49 =	vmul.f32 $1.442695020e+00, v1;
	(erf) = vpow2.f32 v0  }
0xaa1: {  	(erf) = vpow2.f32 v2  }
0xaa2: {  	(erf) = vpow2.f32 v49;
	_ =	sdelay $0x2  }
0xaa3: {  	s1 =	sor.u32 $0x60, s29  }
0xaa4: {  	v50 =	vld.idx.msk [tilespmem:v12+s1+$0x0 ss:$0x1], $0xffff;
	_ =	sdelay $0x1  }
0xaa5: {  	v43 =	vpop (erf)  }
0xaa6: {  	v34 =	vpop (erf)  }
0xaa7: {  	v35 =	vpop (erf)  }
0xaa8: {  	v0 =	vsub.f32 $0.0e+00, v50;
	v51 =	vpop (erf)  }
0xaa9: {  	v1 =	vadd.f32 $1.000000000e+00, v51  }
0xaaa: {  	v0 =	vmul.f32 $1.442695020e+00, v0  }
0xaab: {  	(erf) = vrcp.f32 v1  }
0xaac: {  	(erf) = vpow2.f32 v0;
	_ =	sdelay $0x3  }
0xaad: {  	v52 =	vld.idx.msk [tilespmem:v12+s1+$0x1690 ss:$0x1], $0xffff;
	_ =	sdelay $0x3  }
0xaae: {  	v18 =	vpop (erf)  }
0xaaf: {  	v0 =	vsub.f32 $0.0e+00, v52;
	v53 =	vpop (erf)  }
0xab0: {  	v1 =	vadd.f32 $1.000000000e+00, v53  }
0xab1: {  	v0 =	vmul.f32 $1.442695020e+00, v0  }
0xab2: {  	(erf) = vrcp.f32 v1  }
0xab3: {  	s9 =	sadd.s32 s26, s1;
	(erf) = vpow2.f32 v0  }
0xab4: {  	s17 =	sadd.s32 $0x2D20, s9  }
0xab5: {  	s31 =	sadd.s32 $0x5A40, s9;
	s18 =	sand.u32 $0x7F80, s17  }
0xab6: {  	v20 =	vmul.f32 v20, v63;
	s17 =	sand.u32 $0xFF80, s31;
	v31 =	vmul.f32 v31, v7;
	v54 =	vmov s0;
	s0 =	sor.u32 s18, s28;
	s18 =	sand.u32 $0x30, s9;
	v44 =	vld.idx.msk [tilespmem:v12+s1+$0x43B0 ss:$0x1], $0xffff  }
0xab7: {  	v27 =	vmul.f32 v27, v63;
	s18 =	sor.u32 s18, s17;
	v26 =	vmul.f32 v26, v7  }
0xab8: {  	s31 =	sadd.s32 s26, s5;
	v56 =	vld [tilespmem:s18+$0x0];
	v25 =	vmul.f32 v25, v63;
	v48 =	vmov s5;
	s5 =	sadd.s32 s26, s7;
	v0 =	vbroadcast v54, $0x0  }
0xab9: {  	v55 =	vld [tilespmem:s0+$0x0];
	v61 =	vmov s29;
	v57 =	vmov s5;
	v48 =	vshll.u32 v48, $0x7  }
0xaba: {  	v48 =	vor.u32 v11, v48;
	v36 =	vmul.f32 v36, v7;
	v0 =	vor.u32 v8, v0  }
0xabb: {  	v44 =	vmul.f32 $1.442695020e+00, v44;
	v46 =	vmov s31;
	v3 =	vshrl.u32 v0, $0x2;
	v41 =	vpop (erf)  }
0xabc: {  	v59 =	vbroadcast v46, $0x0;
	v46 =	vmov s11;
	v3 =	vmulhi.u32 $0x1AF286BD, v3;
	v45 =	vpop (erf)  }
0xabd: {  	s18 =	sor.u32 $0x70, s29;
	v50 =	vmov s4;
	v2 =	vsub.f32 $0.0e+00, v56;
	v45 =	vadd.f32 $1.000000000e+00, v45  }
0xabe: {  	v50 =	vbroadcast v50, $0x0;
	v51 =	vld.idx.msk [tilespmem:v12+s18+$0x0 ss:$0x1], $0xffff;
	v1 =	vmul.f32 $1.442695020e+00, v55;
	v3 =	vshrl.u32 v3, $0x1  }
0xabf: {  	v49 =	vmov s16;
	v47 =	vmul.u32 $0xFFFFFFB4, v3;
	(erf) = vrcp.f32 v45  }
0xac0: {  	v58 =	vmul.f32 $1.442695020e+00, v2;
	v2 =	vor.u32 v8, v59;
	(erf) = vpow2.f32 v1  }
0xac1: {  	v49 =	vbroadcast v49, $0x0;
	v0 =	vadd.s32 v0, v47;
	(erf) = vpow2.f32 v44  }
0xac2: {  	v50 =	vor.u32 v8, v50;
	v0 =	vcvt.s32.f32 v0;
	(erf) = vpow2.f32 v58  }
0xac3: {  	v60 =	vshrl.u32 v2, $0x2;
	v51 =	vsub.f32 $0.0e+00, v51;
	v3 =	vcvt.s32.f32 v3  }
0xac4: {  	v49 =	vor.u32 v8, v49;
	v0 =	vadd.f32 v0, v23;
	v23 =	vmulhi.u32 $0x1AF286BD, v60  }
0xac5: {  	v59 =	vmul.f32 $1.442695020e+00, v51;
	v55 =	vmul.f32 v22, v63;
	v3 =	vadd.f32 v3, v32  }
0xac6: {  	v54 =	vmul.f32 v21, v7;
	v32 =	vmov s13;
	v47 =	vshll.u32 v61, $0x7  }
0xac7: {  	s17 =	sadd.s32 s26, s11;
	v47 =	vor.u32 v11, v47;
	v3 =	vmul.f32 $8.000000000e+00, v3;
	v45 =	vbroadcast v57, $0x0  }
0xac8: {  	v56 =	vor.u32 $0x1, v47;
	v1 =	vmov s17;
	v52 =	vshrl.u32 v23, $0x1;
	v23 =	vpop (erf)  }
0xac9: {  	v44 =	vmov s7;
	v45 =	vor.u32 v8, v45;
	v53 =	vmul.u32 $0xFFFFFFB4, v52;
	v21 =	vpop (erf)  }
0xaca: {  	v0 =	vmul.f32 $8.000000000e+00, v0;
	v1 =	vbroadcast v1, $0x0;
	v62 =	vshrl.u32 v45, $0x2;
	v22 =	vpop (erf)  }
0xacb: {  	v52 =	vcvt.s32.f32 v52;
	v2 =	vadd.s32 v2, v53;
	v53 =	vmulhi.u32 $0x1AF286BD, v62;
	v57 =	vpop (erf)  }
0xacc: {  	v58 =	vor.u32 $0x2, v47;
	v44 =	vshll.u32 v44, $0x7;
	v57 =	vadd.f32 $1.000000000e+00, v57  }
0xacd: {  	v1 =	vor.u32 v8, v1;
	[tilespmem:v47+s20+$0x0] =	vst.idx.msk $0xffff, v0;
	v0 =	vor.u32 v11, v44;
	v60 =	vshrl.u32 v53, $0x1  }
0xace: {  	v2 =	vcvt.s32.f32 v2;
	v61 =	vmul.u32 $0xFFFFFFB4, v60;
	(erf) = vrcp.f32 v57  }
0xacf: {  	v33 =	vadd.f32 v52, v33;
	v62 =	vshrl.u32 v1, $0x2;
	(erf) = vpow2.f32 v59  }
0xad0: {  	v52 =	vmulhi.u32 $0x1AF286BD, v62;
	v2 =	vadd.f32 v2, v24;
	v45 =	vadd.s32 v45, v61  }
0xad1: {  	v24 =	vor.u32 $0x3, v47;
	v51 =	vcvt.s32.f32 v60;
	v45 =	vcvt.s32.f32 v45  }
0xad2: {  	[tilespmem:v56+s20+$0x0] =	vst.idx.msk $0xffff, v3;
	v56 =	vor.u32 $0x3, v0;
	v53 =	vor.u32 $0x4, v47;
	v59 =	vmul.f32 v19, v7  }
0xad3: {  	v57 =	vld.idx.msk [tilespmem:v12+s18+$0x1690 ss:$0x1], $0xffff;
	v19 =	vadd.f32 v45, v30;
	v30 =	vadd.f32 v51, v39;
	v39 =	vshrl.u32 v52, $0x1  }
0xad4: {  	v33 =	vmul.f32 $8.000000000e+00, v33;
	v60 =	vor.u32 $0x1, v48;
	v52 =	vmul.u32 $0xFFFFFFB4, v39  }
0xad5: {  	[tilespmem:v58+s20+$0x0] =	vst.idx.msk $0xffff, v54;
	v2 =	vmul.f32 $8.000000000e+00, v2;
	v61 =	vor.u32 $0x4, v48;
	v45 =	vor.u32 $0x2, v48  }
0xad6: {  	[tilespmem:v24+s20+$0x0] =	vst.idx.msk $0xffff, v55;
	v55 =	vor.u32 $0x2, v0;
	v51 =	vor.u32 $0x3, v48;
	v39 =	vcvt.s32.f32 v39  }
0xad7: {  	[tilespmem:v53+s20+$0x0] =	vst.idx.msk $0xffff, v13;
	v53 =	vmul.f32 v29, v63;
	v62 =	vmul.f32 $8.000000000e+00, v19;
	v1 =	vadd.s32 v1, v52;
	v19 =	vpop (erf)  }
0xad8: {  	[tilespmem:v48+s20+$0x0] =	vst.idx.msk $0xffff, v2;
	v37 =	vadd.f32 v39, v37;
	v57 =	vsub.f32 $0.0e+00, v57;
	v1 =	vcvt.s32.f32 v1;
	v52 =	vpop (erf)  }
0xad9: {  	[tilespmem:v60+s20+$0x0] =	vst.idx.msk $0xffff, v33;
	v30 =	vmul.f32 $8.000000000e+00, v30;
	v39 =	vor.u32 $0x4, v0;
	v52 =	vadd.f32 $1.000000000e+00, v52  }
0xada: {  	v2 =	vmul.f32 $8.000000000e+00, v37;
	[tilespmem:v45+s20+$0x0] =	vst.idx.msk $0xffff, v59;
	v57 =	vmul.f32 $1.442695020e+00, v57;
	v1 =	vadd.f32 v1, v28  }
0xadb: {  	[tilespmem:v51+s20+$0x0] =	vst.idx.msk $0xffff, v20;
	v51 =	vshll.u32 v32, $0x7;
	(erf) = vrcp.f32 v52;
	v52 =	vshrl.u32 v49, $0x2  }
0xadc: {  	v58 =	vld.idx.msk [tilespmem:v12+s18+$0x2D20 ss:$0x1], $0xffff;
	v52 =	vmulhi.u32 $0x1AF286BD, v52;
	(erf) = vpow2.f32 v57;
	v57 =	vshrl.u32 v50, $0x2  }
0xadd: {  	v59 =	vld.idx.msk [tilespmem:v12+s18+$0x5A40 ss:$0x1], $0xffff;
	v32 =	vmov s30;
	v1 =	vmul.f32 $8.000000000e+00, v1;
	v57 =	vmulhi.u32 $0x1AF286BD, v57  }
0xade: {  	[tilespmem:v0+s20+$0x0] =	vst.idx.msk $0xffff, v62;
	v44 =	vshrl.u32 v52, $0x1;
	v52 =	vor.u32 $0x1, v0;
	v0 =	vshll.u32 v32, $0x7  }
0xadf: {  	v3 =	vmul.u32 $0xFFFFFFB4, v44;
	v28 =	vshrl.u32 v57, $0x1;
	v57 =	vshll.u32 v46, $0x7  }
0xae0: {  	[tilespmem:v61+s20+$0x0] =	vst.idx.msk $0xffff, v14;
	v61 =	vld.idx.msk [tilespmem:v12+s18+$0x43B0 ss:$0x1], $0xffff;
	v44 =	vcvt.s32.f32 v44;
	v0 =	vor.u32 v11, v0;
	v54 =	vmul.u32 $0xFFFFFFB4, v28  }
0xae1: {  	v33 =	vor.u32 v11, v57;
	v28 =	vcvt.s32.f32 v28;
	v57 =	vmul.f32 $1.442695020e+00, v58  }
0xae2: {  	v58 =	vsub.f32 $0.0e+00, v59;
	v3 =	vadd.s32 v49, v3;
	v37 =	vor.u32 $0x1, v33  }
0xae3: {  	v20 =	vor.u32 $0x2, v33;
	v46 =	vor.u32 $0x3, v33;
	v40 =	vadd.f32 v44, v40  }
0xae4: {  	v13 =	vadd.s32 v50, v54;
	v3 =	vcvt.s32.f32 v3;
	v14 =	vadd.f32 v28, v43  }
0xae5: {  	v50 =	vor.u32 $0x4, v33;
	v54 =	vor.u32 v11, v51;
	v28 =	vmul.f32 $1.442695020e+00, v61;
	v45 =	vpop (erf)  }
0xae6: {  	v13 =	vcvt.s32.f32 v13;
	v40 =	vmul.f32 $8.000000000e+00, v40;
	[tilespmem:v52+s20+$0x0] =	vst.idx.msk $0xffff, v30;
	v52 =	vmov s9;
	v60 =	vpop (erf)  }
0xae7: {  	v61 =	vor.u32 $0x3, v54;
	[tilespmem:v55+s20+$0x0] =	vst.idx.msk $0xffff, v31;
	v55 =	vbroadcast v52, $0x0;
	v48 =	vadd.f32 $1.000000000e+00, v60  }
0xae8: {  	s31 =	sadd.s32 s26, s18;
	v62 =	vor.u32 $0x4, v54;
	v3 =	vadd.f32 v3, v38;
	v14 =	vmul.f32 $8.000000000e+00, v14;
	[tilespmem:v56+s20+$0x0] =	vst.idx.msk $0xffff, v27  }
0xae9: {  	v31 =	vmov s31;
	[tilespmem:v33+s20+$0x0] =	vst.idx.msk $0xffff, v1;
	v30 =	vor.u32 v8, v55;
	(erf) = vrcp.f32 v48  }
0xaea: {  	[tilespmem:v39+s20+$0x0] =	vst.idx.msk $0xffff, v15;
	v60 =	vmul.f32 $1.442695020e+00, v58;
	v59 =	vshrl.u32 v30, $0x2;
	(erf) = vpow2.f32 v57  }
0xaeb: {  	v56 =	vor.u32 $0x1, v54;
	[tilespmem:v37+s20+$0x0] =	vst.idx.msk $0xffff, v2;
	v1 =	vmulhi.u32 $0x1AF286BD, v59;
	(erf) = vpow2.f32 v28  }
0xaec: {  	v3 =	vmul.f32 $8.000000000e+00, v3;
	v15 =	vor.u32 $0x2, v54;
	[tilespmem:v20+s20+$0x0] =	vst.idx.msk $0xffff, v26;
	(erf) = vpow2.f32 v60  }
0xaed: {  	v13 =	vadd.f32 v13, v42;
	[tilespmem:v46+s20+$0x0] =	vst.idx.msk $0xffff, v25;
	v25 =	vbroadcast v31, $0x0;
	v1 =	vshrl.u32 v1, $0x1  }
0xaee: {  	v38 =	vor.u32 $0x1, v0;
	v42 =	vor.u32 $0x3, v0;
	[tilespmem:v54+s20+$0x0] =	vst.idx.msk $0xffff, v3;
	v33 =	vmul.u32 $0xFFFFFFB4, v1  }
0xaef: {  	v37 =	vmul.f32 v35, v63;
	v13 =	vmul.f32 $8.000000000e+00, v13;
	[tilespmem:v50+s20+$0x0] =	vst.idx.msk $0xffff, v16;
	v25 =	vor.u32 v8, v25  }
0xaf0: {  	[tilespmem:v56+s20+$0x0] =	vst.idx.msk $0xffff, v40;
	v39 =	vshrl.u32 v25, $0x2;
	v1 =	vcvt.s32.f32 v1;
	v16 =	vadd.s32 v30, v33  }
0xaf1: {  	[tilespmem:v15+s20+$0x0] =	vst.idx.msk $0xffff, v36;
	v15 =	vor.u32 $0x2, v0;
	v28 =	vmulhi.u32 $0x1AF286BD, v39;
	v16 =	vcvt.s32.f32 v16  }
0xaf2: {  	v46 =	vmov s1;
	v48 =	vor.u32 $0x4, v0;
	[tilespmem:v0+s20+$0x0] =	vst.idx.msk $0xffff, v13;
	v50 =	vadd.f32 v1, v23;
	v40 =	vpop (erf)  }
0xaf3: {  	[tilespmem:v38+s20+$0x0] =	vst.idx.msk $0xffff, v14;
	v49 =	vshrl.u32 v28, $0x1;
	v44 =	vadd.f32 v16, v41;
	v16 =	vshll.u32 v46, $0x7;
	v43 =	vpop (erf)  }
0xaf4: {  	v3 =	vmul.f32 v34, v7;
	[tilespmem:v61+s20+$0x0] =	vst.idx.msk $0xffff, v53;
	v13 =	vmul.u32 $0xFFFFFFB4, v49;
	v51 =	vor.u32 v11, v16;
	v47 =	vpop (erf)  }
0xaf5: {  	v53 =	vmov s18;
	[tilespmem:v62+s20+$0x0] =	vst.idx.msk $0xffff, v17;
	v0 =	vmul.f32 $8.000000000e+00, v50;
	v14 =	vor.u32 $0x1, v51;
	v52 =	vpop (erf)  }
0xaf6: {  	[tilespmem:v15+s20+$0x0] =	vst.idx.msk $0xffff, v3;
	v3 =	vadd.s32 v25, v13;
	v13 =	vor.u32 $0x2, v51;
	v16 =	vadd.f32 $1.000000000e+00, v52  }
0xaf7: {  	[tilespmem:v42+s20+$0x0] =	vst.idx.msk $0xffff, v37;
	v2 =	vmul.f32 $8.000000000e+00, v44;
	v15 =	vor.u32 $0x3, v51;
	v54 =	vor.u32 $0x4, v51  }
0xaf8: {  	[tilespmem:v48+s20+$0x0] =	vst.idx.msk $0xffff, v18;
	v3 =	vcvt.s32.f32 v3;
	(erf) = vrcp.f32 v16;
	v16 =	vshll.u32 v53, $0x7  }
0xaf9: {  	v55 =	vmul.f32 v21, v7;
	v56 =	vcvt.s32.f32 v49;
	[tilespmem:v51+s20+$0x0] =	vst.idx.msk $0xffff, v2;
	v16 =	vor.u32 v11, v16  }
0xafa: {  	v57 =	vmul.f32 v22, v63;
	v3 =	vadd.f32 v3, v45;
	[tilespmem:v14+s20+$0x0] =	vst.idx.msk $0xffff, v0;
	v14 =	vor.u32 $0x1, v16  }
0xafb: {  	v58 =	vadd.f32 v56, v40;
	[tilespmem:v13+s20+$0x0] =	vst.idx.msk $0xffff, v55;
	v59 =	vor.u32 $0x2, v16  }
0xafc: {  	v60 =	vmul.f32 $8.000000000e+00, v3;
	[tilespmem:v15+s20+$0x0] =	vst.idx.msk $0xffff, v57;
	v3 =	vor.u32 $0x3, v16  }
0xafd: {  	p1 =	por p0, p0;
	v1 =	vmul.f32 $8.000000000e+00, v58;
	v13 =	vor.u32 $0x4, v16;
	[tilespmem:v54+s20+$0x0] =	vst.idx.msk $0xffff, v19  }
.Ltmp13:
0xafe: {  	v61 =	vmul.f32 v43, v7;
	[tilespmem:v16+s20+$0x0] =	vst.idx.msk $0xffff, v60;
	(pc) =	sbr.rel @p1 .LBB2_29-.Ltmp13, $4  }
0xaff: {  	v15 =	vmul.f32 v47, v63;
	[tilespmem:v14+s20+$0x0] =	vst.idx.msk $0xffff, v1  }
0xb00: {  	[tilespmem:v59+s20+$0x0] =	vst.idx.msk $0xffff, v61  }
0xb01: {  	v62 =	vpop (erf);
	[tilespmem:v3+s20+$0x0] =	vst.idx.msk $0xffff, v15  }
0xb02: {  	p0 =	por $0x0, $0x0;
	s29 =	simm.s32 $0x80;
	[tilespmem:v13+s20+$0x0] =	vst.idx.msk $0xffff, v62  }
0xb03: {  	s25 =	sadd.s32 $0x1, s25  }
0xb04: {  	p0 =	sne.s32 s25, $0xC  }
.Ltmp14:
0xb05: {  	_ = 	snop;
	(pc) =	sbr.rel @p0 .LBB2_26-.Ltmp14, $4  }
0xb06: {  	s0 =	sadd.s32 s14, s26  }
0xb07: {  	s0 =	sshll.u32 s0, $0x4  }
0xb08: {  	s0 =	sadd.s32 s3, s0  }
0xb09: {  	[hbm4b:s0+s2] =	stream.linear.scatter [tilespmem:s20], [sflag:$0x4], $0x8000, $0x38;
	[tilespmem:$0x1E200] =	vst v63  }
0xb0a: {  	_ =	swait.ge [sflag:s21], $0x70D0  }
0xb0b: {  	[sflag:s21] =	ssyncset.done $0x0  }
0xb0c: {  	s25 =	simm.s32 $0x0;
	[sflag:s21] =	ssyncadd.s32 $0xFFFF8F30  }
.LBB2_32:
0xb0d: {  	s26 =	sshll.u32 s25, $0x9  }
0xb0e: {  	s28 =	smin.u32 s26, $0x1590  }
0xb0f: {  	s0 =	sand.u32 $0x10, s28  }
0xb10: {  	s0 =	sor.u32 $0x7100, s0  }
0xb11: {  	_ =	swait.ge [sflag:s22], $0x8000;
	v12 =	vmov s0  }
0xb12: {  	[sflag:s22] =	ssyncset.done $0x0  }
0xb13: {  	p0 =	por $0x1, $0x1;
	s29 =	simm.s32 $0x0;
	[sflag:s22] =	ssyncadd.s32 $0xFFFF8000;
	v13 =	vmov s28  }
.LBB2_33:
0xb14: {  	s0 =	sadd.s32 s28, s29  }
0xb15: {  	s1 =	sand.u32 $0x3F80, s0  }
0xb16: {  	v0 =	vld.idx.msk [tilespmem:v12+s1+$0x0 ss:$0x1], $0xffff;
	_ =	sdelay $0x4  }
0xb17: {  	v0 =	vsub.f32 $0.0e+00, v0;
	_ =	sdelay $0x1  }
0xb18: {  	v0 =	vmul.f32 $1.442695020e+00, v0;
	_ =	sdelay $0x1  }
0xb19: {  	(erf) = vpow2.f32 v0;
	_ =	sdelay $0x3  }
0xb1a: {  	v27 =	vld.idx.msk [tilespmem:v13+s29+$0x8790 ss:$0x1], $0xffff;
	_ =	sdelay $0x4  }
0xb1b: {  	v0 =	vsub.f32 $0.0e+00, v27;
	v1 =	vpop (erf)  }
0xb1c: {  	v1 =	vadd.f32 $1.000000000e+00, v1  }
0xb1d: {  	v0 =	vmul.f32 $1.442695020e+00, v0  }
0xb1e: {  	(erf) = vrcp.f32 v1  }
0xb1f: {  	(erf) = vpow2.f32 v0;
	_ =	sdelay $0x4  }
0xb20: {  	v28 =	vld.idx.msk [tilespmem:v13+s29+$0x9E20 ss:$0x1], $0xffff  }
0xb21: {  	v29 =	vld.idx.msk [tilespmem:v13+s29+$0xCB40 ss:$0x1], $0xffff  }
0xb22: {  	v2 =	vld.idx.msk [tilespmem:v13+s29+$0xB4B0 ss:$0x1], $0xffff  }
0xb23: {  	v24 =	vpop (erf)  }
0xb24: {  	v3 =	vpop (erf)  }
0xb25: {  	v3 =	vadd.f32 $1.000000000e+00, v3  }
0xb26: {  	v1 =	vsub.f32 $0.0e+00, v29;
	v0 =	vmul.f32 $1.442695020e+00, v28  }
0xb27: {  	v2 =	vmul.f32 $1.442695020e+00, v2;
	(erf) = vrcp.f32 v3  }
0xb28: {  	v30 =	vmul.f32 $1.442695020e+00, v1;
	(erf) = vpow2.f32 v0  }
0xb29: {  	(erf) = vpow2.f32 v2  }
0xb2a: {  	(erf) = vpow2.f32 v30;
	_ =	sdelay $0x2  }
0xb2b: {  	s5 =	sor.u32 $0x10, s29  }
0xb2c: {  	v31 =	vld.idx.msk [tilespmem:v13+s5+$0x7100 ss:$0x1], $0xffff;
	_ =	sdelay $0x1  }
0xb2d: {  	v33 =	vpop (erf)  }
0xb2e: {  	v22 =	vpop (erf)  }
0xb2f: {  	v23 =	vpop (erf)  }
0xb30: {  	v0 =	vsub.f32 $0.0e+00, v31;
	v36 =	vpop (erf)  }
0xb31: {  	v1 =	vadd.f32 $1.000000000e+00, v36  }
0xb32: {  	v0 =	vmul.f32 $1.442695020e+00, v0  }
0xb33: {  	(erf) = vrcp.f32 v1  }
0xb34: {  	(erf) = vpow2.f32 v0;
	_ =	sdelay $0x3  }
0xb35: {  	v37 =	vld.idx.msk [tilespmem:v13+s5+$0x8790 ss:$0x1], $0xffff;
	_ =	sdelay $0x3  }
0xb36: {  	v14 =	vpop (erf)  }
0xb37: {  	v0 =	vsub.f32 $0.0e+00, v37;
	v38 =	vpop (erf)  }
0xb38: {  	v1 =	vadd.f32 $1.000000000e+00, v38  }
0xb39: {  	v0 =	vmul.f32 $1.442695020e+00, v0  }
0xb3a: {  	(erf) = vrcp.f32 v1  }
0xb3b: {  	(erf) = vpow2.f32 v0;
	_ =	sdelay $0x4  }
0xb3c: {  	v39 =	vld.idx.msk [tilespmem:v13+s5+$0x9E20 ss:$0x1], $0xffff  }
0xb3d: {  	v40 =	vld.idx.msk [tilespmem:v13+s5+$0xCB40 ss:$0x1], $0xffff  }
0xb3e: {  	v41 =	vld.idx.msk [tilespmem:v13+s5+$0xB4B0 ss:$0x1], $0xffff  }
0xb3f: {  	v25 =	vpop (erf)  }
0xb40: {  	v3 =	vpop (erf)  }
0xb41: {  	v3 =	vadd.f32 $1.000000000e+00, v3  }
0xb42: {  	v1 =	vsub.f32 $0.0e+00, v40;
	v0 =	vmul.f32 $1.442695020e+00, v39  }
0xb43: {  	v2 =	vmul.f32 $1.442695020e+00, v41;
	(erf) = vrcp.f32 v3  }
0xb44: {  	v42 =	vmul.f32 $1.442695020e+00, v1;
	(erf) = vpow2.f32 v0  }
0xb45: {  	(erf) = vpow2.f32 v2  }
0xb46: {  	(erf) = vpow2.f32 v42;
	_ =	sdelay $0x2  }
0xb47: {  	s7 =	sor.u32 $0x20, s29  }
0xb48: {  	v43 =	vld.idx.msk [tilespmem:v13+s7+$0x7100 ss:$0x1], $0xffff;
	_ =	sdelay $0x1  }
0xb49: {  	v34 =	vpop (erf)  }
0xb4a: {  	v20 =	vpop (erf)  }
0xb4b: {  	v21 =	vpop (erf)  }
0xb4c: {  	v0 =	vsub.f32 $0.0e+00, v43;
	v44 =	vpop (erf)  }
0xb4d: {  	v1 =	vadd.f32 $1.000000000e+00, v44  }
0xb4e: {  	v0 =	vmul.f32 $1.442695020e+00, v0  }
0xb4f: {  	(erf) = vrcp.f32 v1  }
0xb50: {  	(erf) = vpow2.f32 v0;
	_ =	sdelay $0x3  }
0xb51: {  	v45 =	vld.idx.msk [tilespmem:v13+s7+$0x8790 ss:$0x1], $0xffff;
	_ =	sdelay $0x3  }
0xb52: {  	v15 =	vpop (erf)  }
0xb53: {  	v0 =	vsub.f32 $0.0e+00, v45;
	v46 =	vpop (erf)  }
0xb54: {  	v1 =	vadd.f32 $1.000000000e+00, v46  }
0xb55: {  	v0 =	vmul.f32 $1.442695020e+00, v0  }
0xb56: {  	(erf) = vrcp.f32 v1  }
0xb57: {  	(erf) = vpow2.f32 v0;
	_ =	sdelay $0x4  }
0xb58: {  	v47 =	vld.idx.msk [tilespmem:v13+s7+$0x9E20 ss:$0x1], $0xffff  }
0xb59: {  	v48 =	vld.idx.msk [tilespmem:v13+s7+$0xCB40 ss:$0x1], $0xffff  }
0xb5a: {  	v49 =	vld.idx.msk [tilespmem:v13+s7+$0xB4B0 ss:$0x1], $0xffff  }
0xb5b: {  	v31 =	vpop (erf)  }
0xb5c: {  	v3 =	vpop (erf)  }
0xb5d: {  	v3 =	vadd.f32 $1.000000000e+00, v3  }
0xb5e: {  	v1 =	vsub.f32 $0.0e+00, v48;
	v0 =	vmul.f32 $1.442695020e+00, v47  }
0xb5f: {  	v2 =	vmul.f32 $1.442695020e+00, v49;
	(erf) = vrcp.f32 v3  }
0xb60: {  	v50 =	vmul.f32 $1.442695020e+00, v1;
	(erf) = vpow2.f32 v0  }
0xb61: {  	(erf) = vpow2.f32 v2  }
0xb62: {  	(erf) = vpow2.f32 v50;
	_ =	sdelay $0x2  }
0xb63: {  	s11 =	sor.u32 $0x30, s29  }
0xb64: {  	v51 =	vld.idx.msk [tilespmem:v13+s11+$0x7100 ss:$0x1], $0xffff;
	_ =	sdelay $0x1  }
0xb65: {  	v40 =	vpop (erf)  }
0xb66: {  	v32 =	vpop (erf)  }
0xb67: {  	v28 =	vpop (erf)  }
0xb68: {  	v0 =	vsub.f32 $0.0e+00, v51;
	v52 =	vpop (erf)  }
0xb69: {  	v1 =	vadd.f32 $1.000000000e+00, v52  }
0xb6a: {  	v0 =	vmul.f32 $1.442695020e+00, v0  }
0xb6b: {  	(erf) = vrcp.f32 v1  }
0xb6c: {  	(erf) = vpow2.f32 v0;
	_ =	sdelay $0x3  }
0xb6d: {  	v53 =	vld.idx.msk [tilespmem:v13+s11+$0x8790 ss:$0x1], $0xffff;
	_ =	sdelay $0x3  }
0xb6e: {  	v16 =	vpop (erf)  }
0xb6f: {  	v0 =	vsub.f32 $0.0e+00, v53;
	v54 =	vpop (erf)  }
0xb70: {  	v1 =	vadd.f32 $1.000000000e+00, v54  }
0xb71: {  	v0 =	vmul.f32 $1.442695020e+00, v0  }
0xb72: {  	(erf) = vrcp.f32 v1  }
0xb73: {  	(erf) = vpow2.f32 v0;
	_ =	sdelay $0x4  }
0xb74: {  	v55 =	vld.idx.msk [tilespmem:v13+s11+$0x9E20 ss:$0x1], $0xffff  }
0xb75: {  	v56 =	vld.idx.msk [tilespmem:v13+s11+$0xCB40 ss:$0x1], $0xffff  }
0xb76: {  	v57 =	vld.idx.msk [tilespmem:v13+s11+$0xB4B0 ss:$0x1], $0xffff  }
0xb77: {  	v30 =	vpop (erf)  }
0xb78: {  	v3 =	vpop (erf)  }
0xb79: {  	v3 =	vadd.f32 $1.000000000e+00, v3  }
0xb7a: {  	v1 =	vsub.f32 $0.0e+00, v56;
	v0 =	vmul.f32 $1.442695020e+00, v55  }
0xb7b: {  	v2 =	vmul.f32 $1.442695020e+00, v57;
	(erf) = vrcp.f32 v3  }
0xb7c: {  	v58 =	vmul.f32 $1.442695020e+00, v1;
	(erf) = vpow2.f32 v0  }
0xb7d: {  	(erf) = vpow2.f32 v2  }
0xb7e: {  	(erf) = vpow2.f32 v58;
	_ =	sdelay $0x2  }
0xb7f: {  	s13 =	sor.u32 $0x40, s29  }
0xb80: {  	v59 =	vld.idx.msk [tilespmem:v13+s13+$0x7100 ss:$0x1], $0xffff;
	_ =	sdelay $0x1  }
0xb81: {  	v39 =	vpop (erf)  }
0xb82: {  	v27 =	vpop (erf)  }
0xb83: {  	v26 =	vpop (erf)  }
0xb84: {  	v0 =	vsub.f32 $0.0e+00, v59;
	v60 =	vpop (erf)  }
0xb85: {  	v1 =	vadd.f32 $1.000000000e+00, v60  }
0xb86: {  	v0 =	vmul.f32 $1.442695020e+00, v0  }
0xb87: {  	(erf) = vrcp.f32 v1  }
0xb88: {  	(erf) = vpow2.f32 v0;
	_ =	sdelay $0x3  }
0xb89: {  	v61 =	vld.idx.msk [tilespmem:v13+s13+$0x8790 ss:$0x1], $0xffff;
	_ =	sdelay $0x3  }
0xb8a: {  	v17 =	vpop (erf)  }
0xb8b: {  	v0 =	vsub.f32 $0.0e+00, v61;
	v62 =	vpop (erf)  }
0xb8c: {  	v1 =	vadd.f32 $1.000000000e+00, v62  }
0xb8d: {  	v0 =	vmul.f32 $1.442695020e+00, v0  }
0xb8e: {  	(erf) = vrcp.f32 v1  }
0xb8f: {  	(erf) = vpow2.f32 v0;
	_ =	sdelay $0x2  }
0xb90: {  	s16 =	sadd.s32 s28, s13  }
0xb91: {  	s17 =	sadd.s32 $0x5A40, s16  }
0xb92: {  	v63 =	vld.idx.msk [tilespmem:v13+s13+$0x9E20 ss:$0x1], $0xffff;
	s1 =	sand.u32 $0xFF80, s17  }
0xb93: {  	v18 =	vld.idx.msk [tilespmem:v12+s1+$0x0 ss:$0x1], $0xffff  }
0xb94: {  	v19 =	vld.idx.msk [tilespmem:v13+s13+$0xB4B0 ss:$0x1], $0xffff  }
0xb95: {  	v38 =	vpop (erf)  }
0xb96: {  	v3 =	vpop (erf)  }
0xb97: {  	v3 =	vadd.f32 $1.000000000e+00, v3  }
0xb98: {  	v1 =	vsub.f32 $0.0e+00, v18;
	v0 =	vmul.f32 $1.442695020e+00, v63  }
0xb99: {  	v2 =	vmul.f32 $1.442695020e+00, v19;
	(erf) = vrcp.f32 v3  }
0xb9a: {  	v29 =	vmul.f32 $1.442695020e+00, v1;
	(erf) = vpow2.f32 v0  }
0xb9b: {  	(erf) = vpow2.f32 v2  }
0xb9c: {  	(erf) = vpow2.f32 v29;
	_ =	sdelay $0x2  }
0xb9d: {  	s30 =	sor.u32 $0x50, s29  }
0xb9e: {  	v35 =	vld.idx.msk [tilespmem:v13+s30+$0x7100 ss:$0x1], $0xffff;
	_ =	sdelay $0x1  }
0xb9f: {  	v41 =	vpop (erf)  }
0xba0: {  	v37 =	vpop (erf)  }
0xba1: {  	v29 =	vpop (erf)  }
0xba2: {  	v0 =	vsub.f32 $0.0e+00, v35;
	v44 =	vpop (erf)  }
0xba3: {  	v1 =	vadd.f32 $1.000000000e+00, v44  }
0xba4: {  	v0 =	vmul.f32 $1.442695020e+00, v0  }
0xba5: {  	(erf) = vrcp.f32 v1  }
0xba6: {  	(erf) = vpow2.f32 v0;
	_ =	sdelay $0x3  }
0xba7: {  	v45 =	vld.idx.msk [tilespmem:v13+s30+$0x8790 ss:$0x1], $0xffff;
	_ =	sdelay $0x3  }
0xba8: {  	v18 =	vpop (erf)  }
0xba9: {  	v0 =	vsub.f32 $0.0e+00, v45;
	v46 =	vpop (erf)  }
0xbaa: {  	v1 =	vadd.f32 $1.000000000e+00, v46  }
0xbab: {  	v0 =	vmul.f32 $1.442695020e+00, v0  }
0xbac: {  	(erf) = vrcp.f32 v1  }
0xbad: {  	(erf) = vpow2.f32 v0  }
0xbae: {  	s4 =	sadd.s32 s28, s30  }
0xbaf: {  	s18 =	sadd.s32 $0x5A40, s4  }
0xbb0: {  	s9 =	sand.u32 $0x30, s4;
	s1 =	sand.u32 $0xFF80, s18  }
0xbb1: {  	s1 =	sor.u32 s9, s1  }
0xbb2: {  	v48 =	vld [tilespmem:s1+$0x7100]  }
0xbb3: {  	v47 =	vld.idx.msk [tilespmem:v13+s30+$0x9E20 ss:$0x1], $0xffff  }
0xbb4: {  	v49 =	vld.idx.msk [tilespmem:v13+s30+$0xB4B0 ss:$0x1], $0xffff  }
0xbb5: {  	v43 =	vpop (erf)  }
0xbb6: {  	v3 =	vpop (erf)  }
0xbb7: {  	v3 =	vadd.f32 $1.000000000e+00, v3  }
0xbb8: {  	v1 =	vsub.f32 $0.0e+00, v48;
	v0 =	vmul.f32 $1.442695020e+00, v47  }
0xbb9: {  	v2 =	vmul.f32 $1.442695020e+00, v49;
	(erf) = vrcp.f32 v3  }
0xbba: {  	v50 =	vmul.f32 $1.442695020e+00, v1;
	(erf) = vpow2.f32 v0  }
0xbbb: {  	(erf) = vpow2.f32 v2  }
0xbbc: {  	(erf) = vpow2.f32 v50;
	_ =	sdelay $0x2  }
0xbbd: {  	s1 =	sor.u32 $0x60, s29  }
0xbbe: {  	v51 =	vld.idx.msk [tilespmem:v13+s1+$0x7100 ss:$0x1], $0xffff;
	_ =	sdelay $0x1  }
0xbbf: {  	v44 =	vpop (erf)  }
0xbc0: {  	v35 =	vpop (erf)  }
0xbc1: {  	v36 =	vpop (erf)  }
0xbc2: {  	v0 =	vsub.f32 $0.0e+00, v51;
	v52 =	vpop (erf)  }
0xbc3: {  	v1 =	vadd.f32 $1.000000000e+00, v52  }
0xbc4: {  	v0 =	vmul.f32 $1.442695020e+00, v0  }
0xbc5: {  	(erf) = vrcp.f32 v1  }
0xbc6: {  	(erf) = vpow2.f32 v0;
	_ =	sdelay $0x3  }
0xbc7: {  	v53 =	vld.idx.msk [tilespmem:v13+s1+$0x8790 ss:$0x1], $0xffff;
	_ =	sdelay $0x3  }
0xbc8: {  	v19 =	vpop (erf)  }
0xbc9: {  	v0 =	vsub.f32 $0.0e+00, v53;
	v54 =	vpop (erf)  }
0xbca: {  	v1 =	vadd.f32 $1.000000000e+00, v54  }
0xbcb: {  	v0 =	vmul.f32 $1.442695020e+00, v0  }
0xbcc: {  	s9 =	sadd.s32 s28, s1;
	(erf) = vrcp.f32 v1  }
0xbcd: {  	s17 =	sadd.s32 $0x5A40, s9;
	(erf) = vpow2.f32 v0  }
0xbce: {  	v21 =	vmul.f32 v21, v10;
	s18 =	sand.u32 $0x30, s9;
	s17 =	sand.u32 $0xFF80, s17;
	v45 =	vld.idx.msk [tilespmem:v13+s1+$0xB4B0 ss:$0x1], $0xffff  }
0xbcf: {  	s18 =	sor.u32 s18, s17;
	v32 =	vmul.f32 v32, v9;
	v28 =	vmul.f32 v28, v10  }
0xbd0: {  	s31 =	sadd.s32 $0x2D20, s9;
	v57 =	vld [tilespmem:s18+$0x7100];
	v55 =	vmov s0;
	v27 =	vmul.f32 v27, v9;
	v49 =	vmov s5  }
0xbd1: {  	s0 =	sand.u32 $0x7F80, s31;
	s31 =	sadd.s32 s28, s5;
	v26 =	vmul.f32 v26, v10;
	v62 =	vmov s29;
	s5 =	sadd.s32 s28, s7;
	v49 =	vshll.u32 v49, $0x7  }
0xbd2: {  	v58 =	vmov s5;
	v49 =	vor.u32 v11, v49;
	v0 =	vbroadcast v55, $0x0  }
0xbd3: {  	v56 =	vld.idx.msk [tilespmem:v12+s0+$0x0 ss:$0x1], $0xffff;
	v37 =	vmul.f32 v37, v9;
	v45 =	vmul.f32 $1.442695020e+00, v45;
	v47 =	vmov s31  }
0xbd4: {  	s18 =	sor.u32 $0x70, s29;
	v60 =	vbroadcast v47, $0x0;
	v47 =	vmov s11;
	v0 =	vor.u32 v8, v0  }
0xbd5: {  	v51 =	vmov s4;
	v2 =	vsub.f32 $0.0e+00, v57;
	v52 =	vld.idx.msk [tilespmem:v13+s18+$0x7100 ss:$0x1], $0xffff;
	v3 =	vshrl.u32 v0, $0x2;
	v42 =	vpop (erf)  }
0xbd6: {  	v51 =	vbroadcast v51, $0x0;
	v50 =	vmov s16;
	v3 =	vmulhi.u32 $0x1AF286BD, v3;
	v46 =	vpop (erf)  }
0xbd7: {  	v59 =	vmul.f32 $1.442695020e+00, v2;
	v2 =	vor.u32 v8, v60;
	v46 =	vadd.f32 $1.000000000e+00, v46  }
0xbd8: {  	v50 =	vbroadcast v50, $0x0;
	v1 =	vmul.f32 $1.442695020e+00, v56;
	v3 =	vshrl.u32 v3, $0x1  }
0xbd9: {  	v51 =	vor.u32 v8, v51;
	v48 =	vmul.u32 $0xFFFFFFB4, v3;
	(erf) = vrcp.f32 v46  }
0xbda: {  	v61 =	vshrl.u32 v2, $0x2;
	v52 =	vsub.f32 $0.0e+00, v52;
	(erf) = vpow2.f32 v1  }
0xbdb: {  	v3 =	vcvt.s32.f32 v3;
	v0 =	vadd.s32 v0, v48;
	(erf) = vpow2.f32 v45  }
0xbdc: {  	v50 =	vor.u32 v8, v50;
	v0 =	vcvt.s32.f32 v0;
	(erf) = vpow2.f32 v59  }
0xbdd: {  	v60 =	vmul.f32 $1.442695020e+00, v52;
	v56 =	vmul.f32 v23, v10;
	v3 =	vadd.f32 v3, v33  }
0xbde: {  	v48 =	vshll.u32 v62, $0x7;
	v0 =	vadd.f32 v0, v24;
	v24 =	vmulhi.u32 $0x1AF286BD, v61  }
0xbdf: {  	v55 =	vmul.f32 v22, v9;
	v33 =	vmov s13;
	v48 =	vor.u32 v11, v48  }
0xbe0: {  	s17 =	sadd.s32 s28, s11;
	v3 =	vmul.f32 $8.000000000e+00, v3;
	v57 =	vor.u32 $0x1, v48;
	v46 =	vbroadcast v58, $0x0  }
0xbe1: {  	v1 =	vmov s17;
	v45 =	vmov s7;
	v53 =	vshrl.u32 v24, $0x1  }
0xbe2: {  	v0 =	vmul.f32 $8.000000000e+00, v0;
	v46 =	vor.u32 v8, v46;
	v54 =	vmul.u32 $0xFFFFFFB4, v53;
	v24 =	vpop (erf)  }
0xbe3: {  	v1 =	vbroadcast v1, $0x0;
	v63 =	vshrl.u32 v46, $0x2;
	v53 =	vcvt.s32.f32 v53;
	v22 =	vpop (erf)  }
0xbe4: {  	v45 =	vshll.u32 v45, $0x7;
	v2 =	vadd.s32 v2, v54;
	v54 =	vmulhi.u32 $0x1AF286BD, v63;
	v23 =	vpop (erf)  }
0xbe5: {  	v59 =	vor.u32 $0x2, v48;
	v1 =	vor.u32 v8, v1;
	[tilespmem:v48+s19+$0x0] =	vst.idx.msk $0xffff, v0;
	v0 =	vor.u32 v11, v45;
	v58 =	vpop (erf)  }
0xbe6: {  	v2 =	vcvt.s32.f32 v2;
	v61 =	vshrl.u32 v54, $0x1;
	v58 =	vadd.f32 $1.000000000e+00, v58  }
0xbe7: {  	v34 =	vadd.f32 v53, v34;
	v63 =	vshrl.u32 v1, $0x2;
	v62 =	vmul.u32 $0xFFFFFFB4, v61  }
0xbe8: {  	v53 =	vmulhi.u32 $0x1AF286BD, v63;
	v2 =	vadd.f32 v2, v25;
	(erf) = vrcp.f32 v58  }
0xbe9: {  	v25 =	vor.u32 $0x3, v48;
	v46 =	vadd.s32 v46, v62;
	(erf) = vpow2.f32 v60  }
0xbea: {  	[tilespmem:v57+s19+$0x0] =	vst.idx.msk $0xffff, v3;
	v52 =	vcvt.s32.f32 v61;
	v61 =	vor.u32 $0x1, v49;
	v46 =	vcvt.s32.f32 v46  }
0xbeb: {  	v54 =	vor.u32 $0x4, v48;
	[tilespmem:v59+s19+$0x0] =	vst.idx.msk $0xffff, v55;
	v2 =	vmul.f32 $8.000000000e+00, v2;
	v60 =	vmul.f32 v20, v9  }
0xbec: {  	v58 =	vld.idx.msk [tilespmem:v13+s18+$0x8790 ss:$0x1], $0xffff;
	v20 =	vadd.f32 v46, v31;
	v31 =	vadd.f32 v52, v40;
	v40 =	vshrl.u32 v53, $0x1  }
0xbed: {  	v34 =	vmul.f32 $8.000000000e+00, v34;
	[tilespmem:v49+s19+$0x0] =	vst.idx.msk $0xffff, v2;
	v46 =	vor.u32 $0x2, v49;
	v53 =	vmul.u32 $0xFFFFFFB4, v40  }
0xbee: {  	v48 =	vor.u32 $0x1, v0;
	[tilespmem:v25+s19+$0x0] =	vst.idx.msk $0xffff, v56;
	v52 =	vor.u32 $0x3, v49;
	v40 =	vcvt.s32.f32 v40  }
0xbef: {  	v55 =	vshll.u32 v47, $0x7;
	[tilespmem:v61+s19+$0x0] =	vst.idx.msk $0xffff, v34;
	v63 =	vmul.f32 $8.000000000e+00, v20;
	v1 =	vadd.s32 v1, v53  }
0xbf0: {  	v62 =	vor.u32 $0x4, v49;
	[tilespmem:v54+s19+$0x0] =	vst.idx.msk $0xffff, v14;
	v39 =	vadd.f32 v40, v39;
	v1 =	vcvt.s32.f32 v1  }
0xbf1: {  	v56 =	vor.u32 v11, v55;
	v31 =	vmul.f32 $8.000000000e+00, v31;
	v58 =	vsub.f32 $0.0e+00, v58;
	[tilespmem:v0+s19+$0x0] =	vst.idx.msk $0xffff, v63;
	v20 =	vpop (erf)  }
0xbf2: {  	v2 =	vmul.f32 $8.000000000e+00, v39;
	[tilespmem:v46+s19+$0x0] =	vst.idx.msk $0xffff, v60;
	v39 =	vor.u32 $0x1, v56;
	v1 =	vadd.f32 v1, v30;
	v53 =	vpop (erf)  }
0xbf3: {  	v57 =	vld.idx.msk [tilespmem:v13+s18+$0x9E20 ss:$0x1], $0xffff;
	v25 =	vor.u32 $0x2, v0;
	[tilespmem:v52+s19+$0x0] =	vst.idx.msk $0xffff, v21;
	v21 =	vor.u32 $0x2, v56;
	v53 =	vadd.f32 $1.000000000e+00, v53  }
0xbf4: {  	v47 =	vor.u32 $0x3, v56;
	[tilespmem:v48+s19+$0x0] =	vst.idx.msk $0xffff, v31;
	v58 =	vmul.f32 $1.442695020e+00, v58;
	v1 =	vmul.f32 $8.000000000e+00, v1  }
0xbf5: {  	[tilespmem:v62+s19+$0x0] =	vst.idx.msk $0xffff, v15;
	v62 =	vor.u32 $0x4, v56;
	(erf) = vrcp.f32 v53;
	v53 =	vshrl.u32 v50, $0x2  }
0xbf6: {  	[tilespmem:v56+s19+$0x0] =	vst.idx.msk $0xffff, v1;
	v53 =	vmulhi.u32 $0x1AF286BD, v53;
	(erf) = vpow2.f32 v58;
	v58 =	vshrl.u32 v51, $0x2  }
0xbf7: {  	v54 =	vor.u32 $0x4, v0;
	v63 =	vshll.u32 v33, $0x7;
	[tilespmem:v39+s19+$0x0] =	vst.idx.msk $0xffff, v2;
	v58 =	vmulhi.u32 $0x1AF286BD, v58  }
0xbf8: {  	v48 =	vor.u32 v11, v63;
	v52 =	vmul.f32 $1.442695020e+00, v57;
	[tilespmem:v21+s19+$0x0] =	vst.idx.msk $0xffff, v27;
	v45 =	vshrl.u32 v53, $0x1  }
0xbf9: {  	v60 =	vld.idx.msk [tilespmem:v13+s18+$0xB4B0 ss:$0x1], $0xffff;
	v57 =	vor.u32 $0x3, v48;
	[tilespmem:v47+s19+$0x0] =	vst.idx.msk $0xffff, v26;
	v3 =	vmul.u32 $0xFFFFFFB4, v45;
	v58 =	vshrl.u32 v58, $0x1  }
0xbfa: {  	[tilespmem:v62+s19+$0x0] =	vst.idx.msk $0xffff, v17;
	v62 =	vmul.f32 v36, v10;
	v45 =	vcvt.s32.f32 v45;
	v59 =	vmul.u32 $0xFFFFFFB4, v58  }
0xbfb: {  	v53 =	vor.u32 $0x3, v0;
	v30 =	vcvt.s32.f32 v58;
	v3 =	vadd.s32 v50, v3  }
0xbfc: {  	v58 =	vld.idx.msk [tilespmem:v13+s18+$0xCB40 ss:$0x1], $0xffff;
	v41 =	vadd.f32 v45, v41;
	v45 =	vmul.f32 v29, v10;
	v14 =	vadd.s32 v51, v59  }
0xbfd: {  	v3 =	vcvt.s32.f32 v3;
	v15 =	vadd.f32 v30, v44;
	v44 =	vmov s9  }
0xbfe: {  	v51 =	vor.u32 $0x1, v48;
	v30 =	vmul.f32 $1.442695020e+00, v60;
	v14 =	vcvt.s32.f32 v14;
	v46 =	vpop (erf)  }
0xbff: {  	[tilespmem:v25+s19+$0x0] =	vst.idx.msk $0xffff, v32;
	v60 =	vmov s30;
	v41 =	vmul.f32 $8.000000000e+00, v41;
	v49 =	vbroadcast v44, $0x0;
	v59 =	vpop (erf)  }
0xc00: {  	[tilespmem:v53+s19+$0x0] =	vst.idx.msk $0xffff, v28;
	v0 =	vshll.u32 v60, $0x7;
	v44 =	vmov s1;
	v61 =	vadd.f32 $1.000000000e+00, v59  }
0xc01: {  	v3 =	vadd.f32 v3, v38;
	[tilespmem:v54+s19+$0x0] =	vst.idx.msk $0xffff, v16;
	v54 =	vor.u32 $0x2, v48;
	v53 =	vsub.f32 $0.0e+00, v58  }
0xc02: {  	v15 =	vmul.f32 $8.000000000e+00, v15;
	v31 =	vor.u32 v8, v49;
	(erf) = vrcp.f32 v61  }
0xc03: {  	v55 =	vshrl.u32 v31, $0x2;
	v56 =	vmul.f32 $1.442695020e+00, v53;
	(erf) = vpow2.f32 v52  }
0xc04: {  	s31 =	sadd.s32 s28, s18;
	v0 =	vor.u32 v11, v0;
	v1 =	vmulhi.u32 $0x1AF286BD, v55;
	(erf) = vpow2.f32 v30  }
0xc05: {  	v14 =	vadd.f32 v14, v43;
	v59 =	vmov s31;
	(erf) = vpow2.f32 v56  }
0xc06: {  	v3 =	vmul.f32 $8.000000000e+00, v3;
	v26 =	vbroadcast v59, $0x0;
	v1 =	vshrl.u32 v1, $0x1  }
0xc07: {  	v58 =	vor.u32 $0x4, v48;
	v63 =	vor.u32 $0x1, v0;
	v61 =	vmul.u32 $0xFFFFFFB4, v1  }
0xc08: {  	v39 =	vor.u32 $0x2, v0;
	v14 =	vmul.f32 $8.000000000e+00, v14;
	[tilespmem:v48+s19+$0x0] =	vst.idx.msk $0xffff, v3;
	v26 =	vor.u32 v8, v26  }
0xc09: {  	[tilespmem:v51+s19+$0x0] =	vst.idx.msk $0xffff, v41;
	v36 =	vshrl.u32 v26, $0x2;
	v1 =	vcvt.s32.f32 v1;
	v17 =	vadd.s32 v31, v61  }
0xc0a: {  	v40 =	vor.u32 $0x3, v0;
	[tilespmem:v0+s19+$0x0] =	vst.idx.msk $0xffff, v14;
	v29 =	vmulhi.u32 $0x1AF286BD, v36;
	v17 =	vcvt.s32.f32 v17  }
0xc0b: {  	v47 =	vor.u32 $0x4, v0;
	v3 =	vmul.f32 v35, v9;
	[tilespmem:v54+s19+$0x0] =	vst.idx.msk $0xffff, v37;
	v49 =	vadd.f32 v1, v24;
	v38 =	vpop (erf)  }
0xc0c: {  	[tilespmem:v63+s19+$0x0] =	vst.idx.msk $0xffff, v15;
	v48 =	vshrl.u32 v29, $0x1;
	v43 =	vadd.f32 v17, v42;
	v17 =	vshll.u32 v44, $0x7;
	v41 =	vpop (erf)  }
0xc0d: {  	[tilespmem:v57+s19+$0x0] =	vst.idx.msk $0xffff, v45;
	v14 =	vmul.u32 $0xFFFFFFB4, v48;
	v50 =	vor.u32 v11, v17;
	v45 =	vpop (erf)  }
0xc0e: {  	v53 =	vmov s18;
	[tilespmem:v39+s19+$0x0] =	vst.idx.msk $0xffff, v3;
	v0 =	vmul.f32 $8.000000000e+00, v49;
	v15 =	vor.u32 $0x1, v50;
	v51 =	vpop (erf)  }
0xc0f: {  	[tilespmem:v58+s19+$0x0] =	vst.idx.msk $0xffff, v18;
	v3 =	vadd.s32 v26, v14;
	v14 =	vor.u32 $0x2, v50;
	v17 =	vadd.f32 $1.000000000e+00, v51  }
0xc10: {  	[tilespmem:v40+s19+$0x0] =	vst.idx.msk $0xffff, v62;
	v2 =	vmul.f32 $8.000000000e+00, v43;
	v52 =	vor.u32 $0x3, v50;
	v54 =	vor.u32 $0x4, v50  }
0xc11: {  	[tilespmem:v47+s19+$0x0] =	vst.idx.msk $0xffff, v19;
	v3 =	vcvt.s32.f32 v3;
	(erf) = vrcp.f32 v17;
	v17 =	vshll.u32 v53, $0x7  }
0xc12: {  	v55 =	vmul.f32 v22, v9;
	v56 =	vcvt.s32.f32 v48;
	[tilespmem:v50+s19+$0x0] =	vst.idx.msk $0xffff, v2;
	v17 =	vor.u32 v11, v17  }
0xc13: {  	v57 =	vmul.f32 v23, v10;
	v3 =	vadd.f32 v3, v46;
	[tilespmem:v15+s19+$0x0] =	vst.idx.msk $0xffff, v0;
	v15 =	vor.u32 $0x1, v17  }
0xc14: {  	v58 =	vadd.f32 v56, v38;
	[tilespmem:v14+s19+$0x0] =	vst.idx.msk $0xffff, v55;
	v59 =	vor.u32 $0x2, v17  }
0xc15: {  	v60 =	vmul.f32 $8.000000000e+00, v3;
	[tilespmem:v52+s19+$0x0] =	vst.idx.msk $0xffff, v57;
	v3 =	vor.u32 $0x3, v17  }
0xc16: {  	p1 =	por p0, p0;
	v1 =	vmul.f32 $8.000000000e+00, v58;
	[tilespmem:v54+s19+$0x0] =	vst.idx.msk $0xffff, v20;
	v14 =	vor.u32 $0x4, v17  }
.Ltmp15:
0xc17: {  	v61 =	vmul.f32 v41, v9;
	[tilespmem:v17+s19+$0x0] =	vst.idx.msk $0xffff, v60;
	(pc) =	sbr.rel @p1 .LBB2_33-.Ltmp15, $4  }
0xc18: {  	v62 =	vmul.f32 v45, v10;
	[tilespmem:v15+s19+$0x0] =	vst.idx.msk $0xffff, v1  }
0xc19: {  	[tilespmem:v59+s19+$0x0] =	vst.idx.msk $0xffff, v61  }
0xc1a: {  	v63 =	vpop (erf);
	[tilespmem:v3+s19+$0x0] =	vst.idx.msk $0xffff, v62  }
0xc1b: {  	p0 =	por $0x0, $0x0;
	s29 =	simm.s32 $0x80;
	[tilespmem:v14+s19+$0x0] =	vst.idx.msk $0xffff, v63  }
0xc1c: {  	s0 =	sadd.s32 s15, s28  }
0xc1d: {  	s31 =	sor.u32 $0x100, s26;
	s0 =	sshll.u32 s0, $0x4  }
0xc1e: {  	s28 =	simm.s32 $0x0;
	s26 =	smin.u32 s31, $0x1590;
	s0 =	sadd.s32 s3, s0  }
0xc1f: {  	[hbm4b:s0+s28] =	stream.linear.scatter [tilespmem:s19], [sflag:$0x3], $0x8000, $0x38;
	[tilespmem:$0x1E200] =	vst v63  }
0xc20: {  	s0 =	sand.u32 $0x10, s26  }
0xc21: {  	s0 =	sor.u32 $0x7100, s0  }
0xc22: {  	_ =	swait.ge [sflag:s23], $0x8000;
	v12 =	vmov s0  }
0xc23: {  	[sflag:s23] =	ssyncset.done $0x0  }
0xc24: {  	p0 =	por $0x1, $0x1;
	v13 =	vmov s26;
	[sflag:s23] =	ssyncadd.s32 $0xFFFF8000  }
.LBB2_35:
0xc25: {  	s0 =	sadd.s32 s26, s28  }
0xc26: {  	s1 =	sand.u32 $0x3F80, s0  }
0xc27: {  	v0 =	vld.idx.msk [tilespmem:v12+s1+$0x0 ss:$0x1], $0xffff;
	_ =	sdelay $0x4  }
0xc28: {  	v0 =	vsub.f32 $0.0e+00, v0;
	_ =	sdelay $0x1  }
0xc29: {  	v0 =	vmul.f32 $1.442695020e+00, v0;
	_ =	sdelay $0x1  }
0xc2a: {  	(erf) = vpow2.f32 v0;
	_ =	sdelay $0x3  }
0xc2b: {  	v27 =	vld.idx.msk [tilespmem:v13+s28+$0x8790 ss:$0x1], $0xffff;
	_ =	sdelay $0x4  }
0xc2c: {  	v0 =	vsub.f32 $0.0e+00, v27;
	v1 =	vpop (erf)  }
0xc2d: {  	v1 =	vadd.f32 $1.000000000e+00, v1  }
0xc2e: {  	v0 =	vmul.f32 $1.442695020e+00, v0  }
0xc2f: {  	(erf) = vrcp.f32 v1  }
0xc30: {  	(erf) = vpow2.f32 v0;
	_ =	sdelay $0x4  }
0xc31: {  	v28 =	vld.idx.msk [tilespmem:v13+s28+$0x9E20 ss:$0x1], $0xffff  }
0xc32: {  	v29 =	vld.idx.msk [tilespmem:v13+s28+$0xCB40 ss:$0x1], $0xffff  }
0xc33: {  	v2 =	vld.idx.msk [tilespmem:v13+s28+$0xB4B0 ss:$0x1], $0xffff  }
0xc34: {  	v24 =	vpop (erf)  }
0xc35: {  	v3 =	vpop (erf)  }
0xc36: {  	v3 =	vadd.f32 $1.000000000e+00, v3  }
0xc37: {  	v1 =	vsub.f32 $0.0e+00, v29;
	v0 =	vmul.f32 $1.442695020e+00, v28  }
0xc38: {  	v2 =	vmul.f32 $1.442695020e+00, v2;
	(erf) = vrcp.f32 v3  }
0xc39: {  	v30 =	vmul.f32 $1.442695020e+00, v1;
	(erf) = vpow2.f32 v0  }
0xc3a: {  	(erf) = vpow2.f32 v2  }
0xc3b: {  	(erf) = vpow2.f32 v30;
	_ =	sdelay $0x2  }
0xc3c: {  	s5 =	sor.u32 $0x10, s28  }
0xc3d: {  	v31 =	vld.idx.msk [tilespmem:v13+s5+$0x7100 ss:$0x1], $0xffff;
	_ =	sdelay $0x1  }
0xc3e: {  	v33 =	vpop (erf)  }
0xc3f: {  	v22 =	vpop (erf)  }
0xc40: {  	v23 =	vpop (erf)  }
0xc41: {  	v0 =	vsub.f32 $0.0e+00, v31;
	v36 =	vpop (erf)  }
0xc42: {  	v1 =	vadd.f32 $1.000000000e+00, v36  }
0xc43: {  	v0 =	vmul.f32 $1.442695020e+00, v0  }
0xc44: {  	(erf) = vrcp.f32 v1  }
0xc45: {  	(erf) = vpow2.f32 v0;
	_ =	sdelay $0x3  }
0xc46: {  	v37 =	vld.idx.msk [tilespmem:v13+s5+$0x8790 ss:$0x1], $0xffff;
	_ =	sdelay $0x3  }
0xc47: {  	v14 =	vpop (erf)  }
0xc48: {  	v0 =	vsub.f32 $0.0e+00, v37;
	v38 =	vpop (erf)  }
0xc49: {  	v1 =	vadd.f32 $1.000000000e+00, v38  }
0xc4a: {  	v0 =	vmul.f32 $1.442695020e+00, v0  }
0xc4b: {  	(erf) = vrcp.f32 v1  }
0xc4c: {  	(erf) = vpow2.f32 v0;
	_ =	sdelay $0x4  }
0xc4d: {  	v39 =	vld.idx.msk [tilespmem:v13+s5+$0x9E20 ss:$0x1], $0xffff  }
0xc4e: {  	v40 =	vld.idx.msk [tilespmem:v13+s5+$0xCB40 ss:$0x1], $0xffff  }
0xc4f: {  	v41 =	vld.idx.msk [tilespmem:v13+s5+$0xB4B0 ss:$0x1], $0xffff  }
0xc50: {  	v25 =	vpop (erf)  }
0xc51: {  	v3 =	vpop (erf)  }
0xc52: {  	v3 =	vadd.f32 $1.000000000e+00, v3  }
0xc53: {  	v1 =	vsub.f32 $0.0e+00, v40;
	v0 =	vmul.f32 $1.442695020e+00, v39  }
0xc54: {  	v2 =	vmul.f32 $1.442695020e+00, v41;
	(erf) = vrcp.f32 v3  }
0xc55: {  	v42 =	vmul.f32 $1.442695020e+00, v1;
	(erf) = vpow2.f32 v0  }
0xc56: {  	(erf) = vpow2.f32 v2  }
0xc57: {  	(erf) = vpow2.f32 v42;
	_ =	sdelay $0x2  }
0xc58: {  	s7 =	sor.u32 $0x20, s28  }
0xc59: {  	v43 =	vld.idx.msk [tilespmem:v13+s7+$0x7100 ss:$0x1], $0xffff;
	_ =	sdelay $0x1  }
0xc5a: {  	v34 =	vpop (erf)  }
0xc5b: {  	v20 =	vpop (erf)  }
0xc5c: {  	v21 =	vpop (erf)  }
0xc5d: {  	v0 =	vsub.f32 $0.0e+00, v43;
	v44 =	vpop (erf)  }
0xc5e: {  	v1 =	vadd.f32 $1.000000000e+00, v44  }
0xc5f: {  	v0 =	vmul.f32 $1.442695020e+00, v0  }
0xc60: {  	(erf) = vrcp.f32 v1  }
0xc61: {  	(erf) = vpow2.f32 v0;
	_ =	sdelay $0x3  }
0xc62: {  	v45 =	vld.idx.msk [tilespmem:v13+s7+$0x8790 ss:$0x1], $0xffff;
	_ =	sdelay $0x3  }
0xc63: {  	v15 =	vpop (erf)  }
0xc64: {  	v0 =	vsub.f32 $0.0e+00, v45;
	v46 =	vpop (erf)  }
0xc65: {  	v1 =	vadd.f32 $1.000000000e+00, v46  }
0xc66: {  	v0 =	vmul.f32 $1.442695020e+00, v0  }
0xc67: {  	(erf) = vrcp.f32 v1  }
0xc68: {  	(erf) = vpow2.f32 v0;
	_ =	sdelay $0x4  }
0xc69: {  	v47 =	vld.idx.msk [tilespmem:v13+s7+$0x9E20 ss:$0x1], $0xffff  }
0xc6a: {  	v48 =	vld.idx.msk [tilespmem:v13+s7+$0xCB40 ss:$0x1], $0xffff  }
0xc6b: {  	v49 =	vld.idx.msk [tilespmem:v13+s7+$0xB4B0 ss:$0x1], $0xffff  }
0xc6c: {  	v31 =	vpop (erf)  }
0xc6d: {  	v3 =	vpop (erf)  }
0xc6e: {  	v3 =	vadd.f32 $1.000000000e+00, v3  }
0xc6f: {  	v1 =	vsub.f32 $0.0e+00, v48;
	v0 =	vmul.f32 $1.442695020e+00, v47  }
0xc70: {  	v2 =	vmul.f32 $1.442695020e+00, v49;
	(erf) = vrcp.f32 v3  }
0xc71: {  	v50 =	vmul.f32 $1.442695020e+00, v1;
	(erf) = vpow2.f32 v0  }
0xc72: {  	(erf) = vpow2.f32 v2  }
0xc73: {  	(erf) = vpow2.f32 v50;
	_ =	sdelay $0x2  }
0xc74: {  	s11 =	sor.u32 $0x30, s28  }
0xc75: {  	v51 =	vld.idx.msk [tilespmem:v13+s11+$0x7100 ss:$0x1], $0xffff;
	_ =	sdelay $0x1  }
0xc76: {  	v40 =	vpop (erf)  }
0xc77: {  	v32 =	vpop (erf)  }
0xc78: {  	v28 =	vpop (erf)  }
0xc79: {  	v0 =	vsub.f32 $0.0e+00, v51;
	v52 =	vpop (erf)  }
0xc7a: {  	v1 =	vadd.f32 $1.000000000e+00, v52  }
0xc7b: {  	v0 =	vmul.f32 $1.442695020e+00, v0  }
0xc7c: {  	(erf) = vrcp.f32 v1  }
0xc7d: {  	(erf) = vpow2.f32 v0;
	_ =	sdelay $0x3  }
0xc7e: {  	v53 =	vld.idx.msk [tilespmem:v13+s11+$0x8790 ss:$0x1], $0xffff;
	_ =	sdelay $0x3  }
0xc7f: {  	v16 =	vpop (erf)  }
0xc80: {  	v0 =	vsub.f32 $0.0e+00, v53;
	v54 =	vpop (erf)  }
0xc81: {  	v1 =	vadd.f32 $1.000000000e+00, v54  }
0xc82: {  	v0 =	vmul.f32 $1.442695020e+00, v0  }
0xc83: {  	(erf) = vrcp.f32 v1  }
0xc84: {  	(erf) = vpow2.f32 v0;
	_ =	sdelay $0x4  }
0xc85: {  	v55 =	vld.idx.msk [tilespmem:v13+s11+$0x9E20 ss:$0x1], $0xffff  }
0xc86: {  	v56 =	vld.idx.msk [tilespmem:v13+s11+$0xCB40 ss:$0x1], $0xffff  }
0xc87: {  	v57 =	vld.idx.msk [tilespmem:v13+s11+$0xB4B0 ss:$0x1], $0xffff  }
0xc88: {  	v30 =	vpop (erf)  }
0xc89: {  	v3 =	vpop (erf)  }
0xc8a: {  	v3 =	vadd.f32 $1.000000000e+00, v3  }
0xc8b: {  	v1 =	vsub.f32 $0.0e+00, v56;
	v0 =	vmul.f32 $1.442695020e+00, v55  }
0xc8c: {  	v2 =	vmul.f32 $1.442695020e+00, v57;
	(erf) = vrcp.f32 v3  }
0xc8d: {  	v58 =	vmul.f32 $1.442695020e+00, v1;
	(erf) = vpow2.f32 v0  }
0xc8e: {  	(erf) = vpow2.f32 v2  }
0xc8f: {  	(erf) = vpow2.f32 v58;
	_ =	sdelay $0x2  }
0xc90: {  	s13 =	sor.u32 $0x40, s28  }
0xc91: {  	v59 =	vld.idx.msk [tilespmem:v13+s13+$0x7100 ss:$0x1], $0xffff;
	_ =	sdelay $0x1  }
0xc92: {  	v39 =	vpop (erf)  }
0xc93: {  	v27 =	vpop (erf)  }
0xc94: {  	v26 =	vpop (erf)  }
0xc95: {  	v0 =	vsub.f32 $0.0e+00, v59;
	v60 =	vpop (erf)  }
0xc96: {  	v1 =	vadd.f32 $1.000000000e+00, v60  }
0xc97: {  	v0 =	vmul.f32 $1.442695020e+00, v0  }
0xc98: {  	(erf) = vrcp.f32 v1  }
0xc99: {  	(erf) = vpow2.f32 v0;
	_ =	sdelay $0x3  }
0xc9a: {  	v61 =	vld.idx.msk [tilespmem:v13+s13+$0x8790 ss:$0x1], $0xffff;
	_ =	sdelay $0x3  }
0xc9b: {  	v17 =	vpop (erf)  }
0xc9c: {  	v0 =	vsub.f32 $0.0e+00, v61;
	v62 =	vpop (erf)  }
0xc9d: {  	v1 =	vadd.f32 $1.000000000e+00, v62  }
0xc9e: {  	v0 =	vmul.f32 $1.442695020e+00, v0  }
0xc9f: {  	(erf) = vrcp.f32 v1  }
0xca0: {  	(erf) = vpow2.f32 v0;
	_ =	sdelay $0x2  }
0xca1: {  	s16 =	sadd.s32 s26, s13  }
0xca2: {  	s9 =	sadd.s32 $0x5A40, s16  }
0xca3: {  	v63 =	vld.idx.msk [tilespmem:v13+s13+$0x9E20 ss:$0x1], $0xffff;
	s1 =	sand.u32 $0xFF80, s9  }
0xca4: {  	v18 =	vld.idx.msk [tilespmem:v12+s1+$0x0 ss:$0x1], $0xffff  }
0xca5: {  	v19 =	vld.idx.msk [tilespmem:v13+s13+$0xB4B0 ss:$0x1], $0xffff  }
0xca6: {  	v38 =	vpop (erf)  }
0xca7: {  	v3 =	vpop (erf)  }
0xca8: {  	v3 =	vadd.f32 $1.000000000e+00, v3  }
0xca9: {  	v1 =	vsub.f32 $0.0e+00, v18;
	v0 =	vmul.f32 $1.442695020e+00, v63  }
0xcaa: {  	v2 =	vmul.f32 $1.442695020e+00, v19;
	(erf) = vrcp.f32 v3  }
0xcab: {  	v29 =	vmul.f32 $1.442695020e+00, v1;
	(erf) = vpow2.f32 v0  }
0xcac: {  	(erf) = vpow2.f32 v2  }
0xcad: {  	(erf) = vpow2.f32 v29;
	_ =	sdelay $0x2  }
0xcae: {  	s29 =	sor.u32 $0x50, s28  }
0xcaf: {  	v35 =	vld.idx.msk [tilespmem:v13+s29+$0x7100 ss:$0x1], $0xffff;
	_ =	sdelay $0x1  }
0xcb0: {  	v41 =	vpop (erf)  }
0xcb1: {  	v37 =	vpop (erf)  }
0xcb2: {  	v29 =	vpop (erf)  }
0xcb3: {  	v0 =	vsub.f32 $0.0e+00, v35;
	v44 =	vpop (erf)  }
0xcb4: {  	v1 =	vadd.f32 $1.000000000e+00, v44  }
0xcb5: {  	v0 =	vmul.f32 $1.442695020e+00, v0  }
0xcb6: {  	(erf) = vrcp.f32 v1  }
0xcb7: {  	(erf) = vpow2.f32 v0;
	_ =	sdelay $0x3  }
0xcb8: {  	v45 =	vld.idx.msk [tilespmem:v13+s29+$0x8790 ss:$0x1], $0xffff;
	_ =	sdelay $0x3  }
0xcb9: {  	v18 =	vpop (erf)  }
0xcba: {  	v0 =	vsub.f32 $0.0e+00, v45;
	v46 =	vpop (erf)  }
0xcbb: {  	v1 =	vadd.f32 $1.000000000e+00, v46  }
0xcbc: {  	v0 =	vmul.f32 $1.442695020e+00, v0  }
0xcbd: {  	(erf) = vrcp.f32 v1  }
0xcbe: {  	(erf) = vpow2.f32 v0  }
0xcbf: {  	s4 =	sadd.s32 s26, s29  }
0xcc0: {  	s17 =	sadd.s32 $0x5A40, s4  }
0xcc1: {  	s9 =	sand.u32 $0x30, s4;
	s1 =	sand.u32 $0xFF80, s17  }
0xcc2: {  	s1 =	sor.u32 s9, s1  }
0xcc3: {  	v48 =	vld [tilespmem:s1+$0x7100]  }
0xcc4: {  	v47 =	vld.idx.msk [tilespmem:v13+s29+$0x9E20 ss:$0x1], $0xffff  }
0xcc5: {  	v49 =	vld.idx.msk [tilespmem:v13+s29+$0xB4B0 ss:$0x1], $0xffff  }
0xcc6: {  	v43 =	vpop (erf)  }
0xcc7: {  	v3 =	vpop (erf)  }
0xcc8: {  	v3 =	vadd.f32 $1.000000000e+00, v3  }
0xcc9: {  	v1 =	vsub.f32 $0.0e+00, v48;
	v0 =	vmul.f32 $1.442695020e+00, v47  }
0xcca: {  	v2 =	vmul.f32 $1.442695020e+00, v49;
	(erf) = vrcp.f32 v3  }
0xccb: {  	v50 =	vmul.f32 $1.442695020e+00, v1;
	(erf) = vpow2.f32 v0  }
0xccc: {  	(erf) = vpow2.f32 v2  }
0xccd: {  	(erf) = vpow2.f32 v50;
	_ =	sdelay $0x2  }
0xcce: {  	s1 =	sor.u32 $0x60, s28  }
0xccf: {  	v51 =	vld.idx.msk [tilespmem:v13+s1+$0x7100 ss:$0x1], $0xffff;
	_ =	sdelay $0x1  }
0xcd0: {  	v44 =	vpop (erf)  }
0xcd1: {  	v35 =	vpop (erf)  }
0xcd2: {  	v36 =	vpop (erf)  }
0xcd3: {  	v0 =	vsub.f32 $0.0e+00, v51;
	v52 =	vpop (erf)  }
0xcd4: {  	v1 =	vadd.f32 $1.000000000e+00, v52  }
0xcd5: {  	v0 =	vmul.f32 $1.442695020e+00, v0  }
0xcd6: {  	(erf) = vrcp.f32 v1  }
0xcd7: {  	(erf) = vpow2.f32 v0;
	_ =	sdelay $0x3  }
0xcd8: {  	v53 =	vld.idx.msk [tilespmem:v13+s1+$0x8790 ss:$0x1], $0xffff;
	_ =	sdelay $0x3  }
0xcd9: {  	v19 =	vpop (erf)  }
0xcda: {  	v0 =	vsub.f32 $0.0e+00, v53;
	v54 =	vpop (erf)  }
0xcdb: {  	v1 =	vadd.f32 $1.000000000e+00, v54  }
0xcdc: {  	v0 =	vmul.f32 $1.442695020e+00, v0  }
0xcdd: {  	s9 =	sadd.s32 s26, s1;
	(erf) = vrcp.f32 v1  }
0xcde: {  	s18 =	sadd.s32 $0x2D20, s9;
	s17 =	sadd.s32 $0x5A40, s9;
	(erf) = vpow2.f32 v0  }
0xcdf: {  	s17 =	sand.u32 $0xFF80, s17;
	v55 =	vmov s0;
	s0 =	sand.u32 $0x7F80, s18;
	s18 =	sand.u32 $0x30, s9;
	v45 =	vld.idx.msk [tilespmem:v13+s1+$0xB4B0 ss:$0x1], $0xffff  }
0xce0: {  	v21 =	vmul.f32 v21, v10;
	v32 =	vmul.f32 v32, v9;
	s30 =	sor.u32 s18, s17;
	s17 =	sadd.s32 s26, s7  }
0xce1: {  	v28 =	vmul.f32 v28, v10;
	v57 =	vld [tilespmem:s30+$0x7100];
	v58 =	vmov s17;
	v49 =	vmov s5  }
0xce2: {  	v27 =	vmul.f32 v27, v9;
	v26 =	vmul.f32 v26, v10;
	v49 =	vshll.u32 v49, $0x7  }
0xce3: {  	s31 =	sadd.s32 s26, s5;
	v62 =	vmov s28;
	v49 =	vor.u32 v11, v49;
	v0 =	vbroadcast v55, $0x0  }
0xce4: {  	v56 =	vld.idx.msk [tilespmem:v12+s0+$0x0 ss:$0x1], $0xffff;
	v37 =	vmul.f32 v37, v9;
	v45 =	vmul.f32 $1.442695020e+00, v45;
	v47 =	vmov s31  }
0xce5: {  	s30 =	sor.u32 $0x70, s28;
	v60 =	vbroadcast v47, $0x0;
	v47 =	vmov s11;
	v0 =	vor.u32 v8, v0  }
0xce6: {  	v51 =	vmov s4;
	v2 =	vsub.f32 $0.0e+00, v57;
	v52 =	vld.idx.msk [tilespmem:v13+s30+$0x7100 ss:$0x1], $0xffff;
	v3 =	vshrl.u32 v0, $0x2;
	v42 =	vpop (erf)  }
0xce7: {  	v51 =	vbroadcast v51, $0x0;
	v50 =	vmov s16;
	v3 =	vmulhi.u32 $0x1AF286BD, v3;
	v46 =	vpop (erf)  }
0xce8: {  	v59 =	vmul.f32 $1.442695020e+00, v2;
	v2 =	vor.u32 v8, v60;
	v46 =	vadd.f32 $1.000000000e+00, v46  }
0xce9: {  	v50 =	vbroadcast v50, $0x0;
	v1 =	vmul.f32 $1.442695020e+00, v56;
	v3 =	vshrl.u32 v3, $0x1  }
0xcea: {  	v51 =	vor.u32 v8, v51;
	v48 =	vmul.u32 $0xFFFFFFB4, v3;
	(erf) = vrcp.f32 v46  }
0xceb: {  	v61 =	vshrl.u32 v2, $0x2;
	v52 =	vsub.f32 $0.0e+00, v52;
	(erf) = vpow2.f32 v1  }
0xcec: {  	v3 =	vcvt.s32.f32 v3;
	v0 =	vadd.s32 v0, v48;
	(erf) = vpow2.f32 v45  }
0xced: {  	v50 =	vor.u32 v8, v50;
	v0 =	vcvt.s32.f32 v0;
	(erf) = vpow2.f32 v59  }
0xcee: {  	v60 =	vmul.f32 $1.442695020e+00, v52;
	v56 =	vmul.f32 v23, v10;
	v3 =	vadd.f32 v3, v33  }
0xcef: {  	v48 =	vshll.u32 v62, $0x7;
	v0 =	vadd.f32 v0, v24;
	v24 =	vmulhi.u32 $0x1AF286BD, v61  }
0xcf0: {  	v55 =	vmul.f32 v22, v9;
	v33 =	vmov s13;
	v48 =	vor.u32 v11, v48  }
0xcf1: {  	s18 =	sadd.s32 s26, s11;
	v3 =	vmul.f32 $8.000000000e+00, v3;
	v57 =	vor.u32 $0x1, v48;
	v46 =	vbroadcast v58, $0x0  }
0xcf2: {  	v1 =	vmov s18;
	v45 =	vmov s7;
	v53 =	vshrl.u32 v24, $0x1  }
0xcf3: {  	v0 =	vmul.f32 $8.000000000e+00, v0;
	v46 =	vor.u32 v8, v46;
	v54 =	vmul.u32 $0xFFFFFFB4, v53;
	v24 =	vpop (erf)  }
0xcf4: {  	v1 =	vbroadcast v1, $0x0;
	v63 =	vshrl.u32 v46, $0x2;
	v53 =	vcvt.s32.f32 v53;
	v22 =	vpop (erf)  }
0xcf5: {  	v45 =	vshll.u32 v45, $0x7;
	v2 =	vadd.s32 v2, v54;
	v54 =	vmulhi.u32 $0x1AF286BD, v63;
	v23 =	vpop (erf)  }
0xcf6: {  	v59 =	vor.u32 $0x2, v48;
	v1 =	vor.u32 v8, v1;
	[tilespmem:v48+s20+$0x0] =	vst.idx.msk $0xffff, v0;
	v0 =	vor.u32 v11, v45;
	v58 =	vpop (erf)  }
0xcf7: {  	v2 =	vcvt.s32.f32 v2;
	v61 =	vshrl.u32 v54, $0x1;
	v58 =	vadd.f32 $1.000000000e+00, v58  }
0xcf8: {  	v34 =	vadd.f32 v53, v34;
	v63 =	vshrl.u32 v1, $0x2;
	v62 =	vmul.u32 $0xFFFFFFB4, v61  }
0xcf9: {  	v53 =	vmulhi.u32 $0x1AF286BD, v63;
	v2 =	vadd.f32 v2, v25;
	(erf) = vrcp.f32 v58  }
0xcfa: {  	v25 =	vor.u32 $0x3, v48;
	v46 =	vadd.s32 v46, v62;
	(erf) = vpow2.f32 v60  }
0xcfb: {  	[tilespmem:v57+s20+$0x0] =	vst.idx.msk $0xffff, v3;
	v52 =	vcvt.s32.f32 v61;
	v61 =	vor.u32 $0x1, v49;
	v46 =	vcvt.s32.f32 v46  }
0xcfc: {  	v54 =	vor.u32 $0x4, v48;
	[tilespmem:v59+s20+$0x0] =	vst.idx.msk $0xffff, v55;
	v2 =	vmul.f32 $8.000000000e+00, v2;
	v60 =	vmul.f32 v20, v9  }
0xcfd: {  	v58 =	vld.idx.msk [tilespmem:v13+s30+$0x8790 ss:$0x1], $0xffff;
	v20 =	vadd.f32 v46, v31;
	v31 =	vadd.f32 v52, v40;
	v40 =	vshrl.u32 v53, $0x1  }
0xcfe: {  	v34 =	vmul.f32 $8.000000000e+00, v34;
	[tilespmem:v49+s20+$0x0] =	vst.idx.msk $0xffff, v2;
	v46 =	vor.u32 $0x2, v49;
	v53 =	vmul.u32 $0xFFFFFFB4, v40  }
0xcff: {  	v48 =	vor.u32 $0x1, v0;
	[tilespmem:v25+s20+$0x0] =	vst.idx.msk $0xffff, v56;
	v52 =	vor.u32 $0x3, v49;
	v40 =	vcvt.s32.f32 v40  }
0xd00: {  	v55 =	vshll.u32 v47, $0x7;
	[tilespmem:v61+s20+$0x0] =	vst.idx.msk $0xffff, v34;
	v63 =	vmul.f32 $8.000000000e+00, v20;
	v1 =	vadd.s32 v1, v53  }
0xd01: {  	v62 =	vor.u32 $0x4, v49;
	[tilespmem:v54+s20+$0x0] =	vst.idx.msk $0xffff, v14;
	v39 =	vadd.f32 v40, v39;
	v1 =	vcvt.s32.f32 v1  }
0xd02: {  	v56 =	vor.u32 v11, v55;
	v31 =	vmul.f32 $8.000000000e+00, v31;
	v58 =	vsub.f32 $0.0e+00, v58;
	[tilespmem:v0+s20+$0x0] =	vst.idx.msk $0xffff, v63;
	v20 =	vpop (erf)  }
0xd03: {  	v2 =	vmul.f32 $8.000000000e+00, v39;
	[tilespmem:v46+s20+$0x0] =	vst.idx.msk $0xffff, v60;
	v39 =	vor.u32 $0x1, v56;
	v1 =	vadd.f32 v1, v30;
	v53 =	vpop (erf)  }
0xd04: {  	v57 =	vld.idx.msk [tilespmem:v13+s30+$0x9E20 ss:$0x1], $0xffff;
	v25 =	vor.u32 $0x2, v0;
	[tilespmem:v52+s20+$0x0] =	vst.idx.msk $0xffff, v21;
	v21 =	vor.u32 $0x2, v56;
	v53 =	vadd.f32 $1.000000000e+00, v53  }
0xd05: {  	v47 =	vor.u32 $0x3, v56;
	[tilespmem:v48+s20+$0x0] =	vst.idx.msk $0xffff, v31;
	v58 =	vmul.f32 $1.442695020e+00, v58;
	v1 =	vmul.f32 $8.000000000e+00, v1  }
0xd06: {  	[tilespmem:v62+s20+$0x0] =	vst.idx.msk $0xffff, v15;
	v62 =	vor.u32 $0x4, v56;
	(erf) = vrcp.f32 v53;
	v53 =	vshrl.u32 v50, $0x2  }
0xd07: {  	[tilespmem:v56+s20+$0x0] =	vst.idx.msk $0xffff, v1;
	v53 =	vmulhi.u32 $0x1AF286BD, v53;
	(erf) = vpow2.f32 v58;
	v58 =	vshrl.u32 v51, $0x2  }
0xd08: {  	v54 =	vor.u32 $0x4, v0;
	v63 =	vshll.u32 v33, $0x7;
	[tilespmem:v39+s20+$0x0] =	vst.idx.msk $0xffff, v2;
	v58 =	vmulhi.u32 $0x1AF286BD, v58  }
0xd09: {  	v48 =	vor.u32 v11, v63;
	v52 =	vmul.f32 $1.442695020e+00, v57;
	[tilespmem:v21+s20+$0x0] =	vst.idx.msk $0xffff, v27;
	v45 =	vshrl.u32 v53, $0x1  }
0xd0a: {  	v60 =	vld.idx.msk [tilespmem:v13+s30+$0xB4B0 ss:$0x1], $0xffff;
	v57 =	vor.u32 $0x3, v48;
	[tilespmem:v47+s20+$0x0] =	vst.idx.msk $0xffff, v26;
	v3 =	vmul.u32 $0xFFFFFFB4, v45;
	v58 =	vshrl.u32 v58, $0x1  }
0xd0b: {  	[tilespmem:v62+s20+$0x0] =	vst.idx.msk $0xffff, v17;
	v62 =	vmul.f32 v36, v10;
	v45 =	vcvt.s32.f32 v45;
	v59 =	vmul.u32 $0xFFFFFFB4, v58  }
0xd0c: {  	v53 =	vor.u32 $0x3, v0;
	v30 =	vcvt.s32.f32 v58;
	v3 =	vadd.s32 v50, v3  }
0xd0d: {  	v58 =	vld.idx.msk [tilespmem:v13+s30+$0xCB40 ss:$0x1], $0xffff;
	v41 =	vadd.f32 v45, v41;
	v45 =	vmul.f32 v29, v10;
	v14 =	vadd.s32 v51, v59  }
0xd0e: {  	v3 =	vcvt.s32.f32 v3;
	v15 =	vadd.f32 v30, v44;
	v44 =	vmov s9  }
0xd0f: {  	v51 =	vor.u32 $0x1, v48;
	v30 =	vmul.f32 $1.442695020e+00, v60;
	v14 =	vcvt.s32.f32 v14;
	v46 =	vpop (erf)  }
0xd10: {  	[tilespmem:v25+s20+$0x0] =	vst.idx.msk $0xffff, v32;
	v60 =	vmov s29;
	v41 =	vmul.f32 $8.000000000e+00, v41;
	v49 =	vbroadcast v44, $0x0;
	v59 =	vpop (erf)  }
0xd11: {  	[tilespmem:v53+s20+$0x0] =	vst.idx.msk $0xffff, v28;
	v0 =	vshll.u32 v60, $0x7;
	v44 =	vmov s1;
	v61 =	vadd.f32 $1.000000000e+00, v59  }
0xd12: {  	v3 =	vadd.f32 v3, v38;
	[tilespmem:v54+s20+$0x0] =	vst.idx.msk $0xffff, v16;
	v54 =	vor.u32 $0x2, v48;
	v53 =	vsub.f32 $0.0e+00, v58  }
0xd13: {  	v15 =	vmul.f32 $8.000000000e+00, v15;
	v31 =	vor.u32 v8, v49;
	(erf) = vrcp.f32 v61  }
0xd14: {  	v55 =	vshrl.u32 v31, $0x2;
	v56 =	vmul.f32 $1.442695020e+00, v53;
	(erf) = vpow2.f32 v52  }
0xd15: {  	s31 =	sadd.s32 s26, s30;
	v0 =	vor.u32 v11, v0;
	v1 =	vmulhi.u32 $0x1AF286BD, v55;
	(erf) = vpow2.f32 v30  }
0xd16: {  	v14 =	vadd.f32 v14, v43;
	v59 =	vmov s31;
	(erf) = vpow2.f32 v56  }
0xd17: {  	v3 =	vmul.f32 $8.000000000e+00, v3;
	v26 =	vbroadcast v59, $0x0;
	v1 =	vshrl.u32 v1, $0x1  }
0xd18: {  	v58 =	vor.u32 $0x4, v48;
	v63 =	vor.u32 $0x1, v0;
	v61 =	vmul.u32 $0xFFFFFFB4, v1  }
0xd19: {  	v39 =	vor.u32 $0x2, v0;
	v14 =	vmul.f32 $8.000000000e+00, v14;
	[tilespmem:v48+s20+$0x0] =	vst.idx.msk $0xffff, v3;
	v26 =	vor.u32 v8, v26  }
0xd1a: {  	[tilespmem:v51+s20+$0x0] =	vst.idx.msk $0xffff, v41;
	v36 =	vshrl.u32 v26, $0x2;
	v1 =	vcvt.s32.f32 v1;
	v17 =	vadd.s32 v31, v61  }
0xd1b: {  	v40 =	vor.u32 $0x3, v0;
	[tilespmem:v0+s20+$0x0] =	vst.idx.msk $0xffff, v14;
	v29 =	vmulhi.u32 $0x1AF286BD, v36;
	v17 =	vcvt.s32.f32 v17  }
0xd1c: {  	v47 =	vor.u32 $0x4, v0;
	v3 =	vmul.f32 v35, v9;
	[tilespmem:v54+s20+$0x0] =	vst.idx.msk $0xffff, v37;
	v49 =	vadd.f32 v1, v24;
	v38 =	vpop (erf)  }
0xd1d: {  	[tilespmem:v63+s20+$0x0] =	vst.idx.msk $0xffff, v15;
	v48 =	vshrl.u32 v29, $0x1;
	v43 =	vadd.f32 v17, v42;
	v17 =	vshll.u32 v44, $0x7;
	v41 =	vpop (erf)  }
0xd1e: {  	[tilespmem:v57+s20+$0x0] =	vst.idx.msk $0xffff, v45;
	v14 =	vmul.u32 $0xFFFFFFB4, v48;
	v50 =	vor.u32 v11, v17;
	v45 =	vpop (erf)  }
0xd1f: {  	v53 =	vmov s30;
	[tilespmem:v39+s20+$0x0] =	vst.idx.msk $0xffff, v3;
	v0 =	vmul.f32 $8.000000000e+00, v49;
	v15 =	vor.u32 $0x1, v50;
	v51 =	vpop (erf)  }
0xd20: {  	[tilespmem:v58+s20+$0x0] =	vst.idx.msk $0xffff, v18;
	v3 =	vadd.s32 v26, v14;
	v14 =	vor.u32 $0x2, v50;
	v17 =	vadd.f32 $1.000000000e+00, v51  }
0xd21: {  	[tilespmem:v40+s20+$0x0] =	vst.idx.msk $0xffff, v62;
	v2 =	vmul.f32 $8.000000000e+00, v43;
	v52 =	vor.u32 $0x3, v50;
	v54 =	vor.u32 $0x4, v50  }
0xd22: {  	[tilespmem:v47+s20+$0x0] =	vst.idx.msk $0xffff, v19;
	v3 =	vcvt.s32.f32 v3;
	(erf) = vrcp.f32 v17;
	v17 =	vshll.u32 v53, $0x7  }
0xd23: {  	v55 =	vmul.f32 v22, v9;
	v56 =	vcvt.s32.f32 v48;
	[tilespmem:v50+s20+$0x0] =	vst.idx.msk $0xffff, v2;
	v17 =	vor.u32 v11, v17  }
0xd24: {  	v57 =	vmul.f32 v23, v10;
	v3 =	vadd.f32 v3, v46;
	[tilespmem:v15+s20+$0x0] =	vst.idx.msk $0xffff, v0;
	v15 =	vor.u32 $0x1, v17  }
0xd25: {  	v58 =	vadd.f32 v56, v38;
	[tilespmem:v14+s20+$0x0] =	vst.idx.msk $0xffff, v55;
	v59 =	vor.u32 $0x2, v17  }
0xd26: {  	v60 =	vmul.f32 $8.000000000e+00, v3;
	[tilespmem:v52+s20+$0x0] =	vst.idx.msk $0xffff, v57;
	v3 =	vor.u32 $0x3, v17  }
0xd27: {  	p1 =	por p0, p0;
	v1 =	vmul.f32 $8.000000000e+00, v58;
	[tilespmem:v54+s20+$0x0] =	vst.idx.msk $0xffff, v20;
	v14 =	vor.u32 $0x4, v17  }
.Ltmp16:
0xd28: {  	v61 =	vmul.f32 v41, v9;
	[tilespmem:v17+s20+$0x0] =	vst.idx.msk $0xffff, v60;
	(pc) =	sbr.rel @p1 .LBB2_35-.Ltmp16, $4  }
0xd29: {  	v62 =	vmul.f32 v45, v10;
	[tilespmem:v15+s20+$0x0] =	vst.idx.msk $0xffff, v1  }
0xd2a: {  	[tilespmem:v59+s20+$0x0] =	vst.idx.msk $0xffff, v61  }
0xd2b: {  	v63 =	vpop (erf);
	[tilespmem:v3+s20+$0x0] =	vst.idx.msk $0xffff, v62  }
0xd2c: {  	p0 =	por $0x0, $0x0;
	s28 =	simm.s32 $0x80;
	[tilespmem:v14+s20+$0x0] =	vst.idx.msk $0xffff, v63  }
0xd2d: {  	s25 =	sadd.s32 $0x1, s25  }
0xd2e: {  	p0 =	sne.s32 s25, $0xC  }
.Ltmp17:
0xd2f: {  	_ = 	snop;
	(pc) =	sbr.rel @p0 .LBB2_32-.Ltmp17, $4  }
0xd30: {  	s0 =	sadd.s32 s15, s26  }
0xd31: {  	s0 =	sshll.u32 s0, $0x4  }
0xd32: {  	s0 =	sadd.s32 s3, s0  }
0xd33: {  	[hbm4b:s0+s2] =	stream.linear.scatter [tilespmem:s20], [sflag:$0x4], $0x8000, $0x38;
	[tilespmem:$0x1E200] =	vst v63  }
0xd34: {  	_ =	swait.ge [sflag:s22], $0x8000  }
0xd35: {  	[sflag:s22] =	ssyncset.done $0x0  }
0xd36: {  	[sflag:s22] =	ssyncadd.s32 $0xFFFF8000  }
0xd37: {  	_ =	swait.ge [sflag:s23], $0x8000  }
0xd38: {  	s24 =	sadd.s32 $0x1, s24;
	s0 =	rddreg [dreg:$0x9]  }
0xd39: {  	p0 =	sne.s32 s24, s0  }
.Ltmp18:
0xd3a: {  	_ = 	snop;
	(pc) =	sbr.rel @p0 .LBB2_1-.Ltmp18, $3  }
0xd3b: {  	_ =	sdelay $0x1  }
0xd3c: {  	[sflag:s23] =	ssyncset.done $0x0  }
0xd3d: {  	[sflag:s23] =	ssyncadd.s32 $0xFFFF8000  }
0xd3e: {  	_ =	sfence.sel $0x180000  }
0xd3f: {  	[bflag:$0x0] =	sbarrier.arrive $0xFFFF  }
0xd40: {  	_ =	strace $0x90000047  }
0xd41: {  	s0 =	stileid.u32;
	[bflag:$0x2] =	sbarrier.arrive $0xFFFF  }
0xd42: {  	p0 =	sne.s32 s0, $0x0;
	s0 =	rddreg [dreg:$0x2]  }
0xd43: {  	s0 =	sadd.s32 @!p0 $0x100000, s0  }
0xd44: {  	[sflag:s0] =	ssyncadd.tile.s32 @!p0 $0x1;
	_ =	shalt  }
.Lfunc_end2:
_tile_overlayer_lowered:
.L_overlay_start_2:
0xd45: {  	(tag) =	ssettag $0x2  }
0xd46: {  	s0 =	rddreg [dreg:$0x0];
	s2 =	stileid.u32  }
0xd47: {  	s1 =	rddreg [dreg:$0x1];
	p0 =	sne.s32 s2, $0x0  }
0xd48: {  	s3 =	rddreg [dreg:$0x2];
	[bflag:$0x3] =	sbarrier.arrive $0xFFFF;
	s2 =	simm.s32 @!p0 $0x1C05  }
0xd49: {  	[timem:s3], [sflag:s2] =	dma.local @!p0 [hbm:s0], s1  }
0xd4a: {  	s0 =	simm.s32 @!p0 $0x5  }
0xd4b: {  	_ =	swait.ge @!p0 [sflag:s0], s1  }
0xd4c: {  	s1 =	ssub.s32 @!p0 $0x0, s1;
	[sflag:s0] =	ssyncset.done @!p0 $0x0  }
0xd4d: {  	[sflag:s0] =	ssyncadd.s32 @!p0 s1  }
0xd4e: {  	[bflag:$0x3] =	sbarrier.arrive $0xFFFF  }
0xd4f: {  	_ =	shalt  }

</sc_bundles>
